<compile_context>
chip_gen: v7x
topology: tpu7x:2x2x1
jax: 0.10.2.dev20260603
libtpu: 0.0.44.dev20260713+nightly
codegen_flags: <defaults>
</compile_context>

<pallas_src>
import functools

import numpy as np
import jax
import jax.numpy as jnp
from jax import lax
from jax.experimental import pallas as pl
from jax.experimental.pallas import tpu as pltpu
from jax.experimental.pallas import tpu_sc as plsc

_NC = 2
_NS = 16


def _posenc_np(seq_len, d_model):
    position = np.arange(seq_len, dtype=np.float32)[:, None]
    div_term = np.exp(
        np.arange(0, d_model, 2, dtype=np.float32) * (-np.log(10000.0) / d_model)
    )
    pe = np.zeros((seq_len, d_model), dtype=np.float32)
    pe[:, 0::2] = np.sin(position * div_term)
    pe[:, 1::2] = np.cos(position * div_term)
    return pe


@functools.lru_cache(maxsize=None)
def _make_sc_gather(B, N, M, D):
    NBG, NMG = 8, 4
    assert B % NBG == 0 and M % NMG == 0 and D % 16 == 0
    BPW = B // NBG
    MS = M // NMG
    CS = MS // 2
    CSP = 128
    NCH = BPW * 2
    NG = CSP // 16
    JD = D // 16

    mesh = plsc.VectorSubcoreMesh(core_axis_name="c", subcore_axis_name="s")

    @functools.partial(
        pl.kernel,
        out_type=jax.ShapeDtypeStruct((B * M, D), jnp.float32),
        mesh=mesh,
        compiler_params=pltpu.CompilerParams(use_tc_tiling_on_sc=False,
                                             needs_layout_passes=False),
        scratch_types=[
            pltpu.VMEM((2, CSP + 8), jnp.float32),
            pltpu.VMEM((2, CSP + 8), jnp.float32),
            pltpu.VMEM((2, 128), jnp.int32),
            pltpu.VMEM((2, 128), jnp.int32),
            pltpu.VMEM((CSP, D), jnp.float32),
            pltpu.VMEM((CSP, D), jnp.float32),
            pltpu.VMEM((CSP, D), jnp.float32),
            pltpu.VMEM((CSP, D), jnp.float32),
            pltpu.SemaphoreType.DMA,
            pltpu.SemaphoreType.DMA,
            pltpu.SemaphoreType.DMA,
            pltpu.SemaphoreType.DMA,
            pltpu.SemaphoreType.DMA,
            pltpu.SemaphoreType.DMA,
            pltpu.SemaphoreType.DMA,
            pltpu.SemaphoreType.DMA,
        ],
    )
    def kern(cities, state, out,
             state_v0, state_v1, idx_v0, idx_v1,
             rows0_v0, rows0_v1, rows1_v0, rows1_v1,
             st_s0, st_s1, g0_s0, g0_s1, g1_s0, g1_s1, o_s0, o_s1):
        state_v = [state_v0, state_v1]
        idx_v = [idx_v0, idx_v1]
        rows0_v = [rows0_v0, rows0_v1]
        rows1_v = [rows1_v0, rows1_v1]
        st_s = [st_s0, st_s1]
        g0_s = [g0_s0, g0_s1]
        g1_s = [g1_s0, g1_s1]
        o_s = [o_s0, o_s1]

        cid = lax.axis_index("c")
        sid = lax.axis_index("s")
        wid = sid * _NC + cid
        bg = wid // NMG
        mg = wid % NMG
        b_lo = bg * BPW
        m_lo = mg * MS

        lane = lax.iota(jnp.int32, 16)

        def chunk_base(c):
            b = b_lo + c // 2
            return b * M + m_lo + (c % 2) * CS, b

        def fire_state(c, k):
            abase, _ = chunk_base(c)
            a0 = (abase // 8) * 8
            pltpu.async_copy(state.at[:, pl.ds(a0, CSP + 8)],
                             state_v[k], st_s[k])

        def wait_state(k):
            pltpu.make_async_copy(state.at[:, pl.ds(0, CSP + 8)],
                                  state_v[k], st_s[k]).wait()

        def build_idx(c, k):
            abase, b = chunk_base(c)
            shift = abase % 8
            uni = jnp.full((16,), True)
            first0 = first1 = None
            for g in range(NG):
                sl = pl.ds(shift + g * 16, 16)
                f0 = state_v[k][0, sl]
                f1 = state_v[k][1, sl]
                i0 = jnp.clip(f0.astype(jnp.int32), 0, N - 1) + b * N
                i1 = jnp.clip(f1.astype(jnp.int32), 0, N - 1) + b * N
                if g == 0:
                    first0 = i0[0]
                    first1 = i1[0]
                tail = (g * 16 + lane) >= CS
                uni = uni & (((i0 == jnp.full((16,), first0))
                              & (i1 == jnp.full((16,), first1))) | tail)
                slo = pl.ds(g * 16, 16)
                idx_v[k][0, slo] = i0
                idx_v[k][1, slo] = i1
            return jnp.all(uni), first0, first1

        def fire_gathers(k, uni, row0, row1):
            @pl.when(uni)
            def _():
                pltpu.async_copy(cities.at[pl.ds(row0, 1)],
                                 rows0_v[k].at[pl.ds(0, 1)], g0_s[k])
                pltpu.async_copy(cities.at[pl.ds(row1, 1)],
                                 rows1_v[k].at[pl.ds(0, 1)], g1_s[k])

            @pl.when(jnp.logical_not(uni))
            def _():
                pltpu.async_copy(cities.at[idx_v[k].at[0]], rows0_v[k], g0_s[k])
                pltpu.async_copy(cities.at[idx_v[k].at[1]], rows1_v[k], g1_s[k])

        def wait_combine(k, uni):
            @pl.when(uni)
            def _():
                pltpu.make_async_copy(cities.at[pl.ds(0, 1)],
                                      rows0_v[k].at[pl.ds(0, 1)], g0_s[k]).wait()
                pltpu.make_async_copy(cities.at[pl.ds(0, 1)],
                                      rows1_v[k].at[pl.ds(0, 1)], g1_s[k]).wait()
                r0 = rows0_v[k]
                r1 = rows1_v[k]
                s = [r0[0, pl.ds(j * 16, 16)] + r1[0, pl.ds(j * 16, 16)]
                     for j in range(JD)]

                @plsc.parallel_loop(0, CS, unroll=4)
                def comb(a):
                    for j in range(JD):
                        r0[a, pl.ds(j * 16, 16)] = s[j]

            @pl.when(jnp.logical_not(uni))
            def _():
                pltpu.make_async_copy(cities.at[idx_v[k].at[0]], rows0_v[k],
                                      g0_s[k]).wait()
                pltpu.make_async_copy(cities.at[idx_v[k].at[1]], rows1_v[k],
                                      g1_s[k]).wait()
                r0 = rows0_v[k]
                r1 = rows1_v[k]

                @plsc.parallel_loop(0, CS, unroll=4)
                def comb(a):
                    for j in range(JD):
                        sl = pl.ds(j * 16, 16)
                        r0[a, sl] = r0[a, sl] + r1[a, sl]

        def fire_out(c, k):
            abase, _ = chunk_base(c)
            pltpu.async_copy(rows0_v[k].at[pl.ds(0, CS)],
                             out.at[pl.ds(abase, CS)], o_s[k])

        def wait_out(k):
            pltpu.make_async_copy(rows0_v[k].at[pl.ds(0, CS)],
                                  out.at[pl.ds(0, CS)], o_s[k]).wait()

        fire_state(0, 0)
        fire_state(1, 1)
        wait_state(0)
        u0, a0, b0 = build_idx(0, 0)
        fire_gathers(0, u0, a0, b0)

        def t_body(t, carry):
            fl = [carry[0], carry[1]]
            for k in (0, 1):
                c = 2 * t + k
                j = k ^ 1
                wait_state(j)
                uj, raj, rbj = build_idx(c + 1, j)
                fire_state(c + 2, k)

                @pl.when(c >= 1)
                def _():
                    wait_out(j)
                fire_gathers(j, uj, raj, rbj)

                wait_combine(k, fl[k])
                fire_out(c, k)
                fl[j] = uj
            return (fl[0], fl[1])

        carry = lax.fori_loop(0, NCH // 2 - 1, t_body,
                              (u0, jnp.full((), False)))

        wait_state(1)
        ut, rat, rbt = build_idx(NCH - 1, 1)
        wait_out(1)
        fire_gathers(1, ut, rat, rbt)
        wait_combine(0, carry[0])
        fire_out(NCH - 2, 0)
        wait_combine(1, ut)
        fire_out(NCH - 1, 1)
        wait_out(0)
        wait_out(1)

    return kern


@functools.lru_cache(maxsize=None)
def _make_tc_combine(B, M, D):
    BB = 16
    grid = (B // BB,)

    def body(g_ref, s_ref, gr_ref, bps_ref, w_ref, pe_ref, o_ref):
        lin = lax.dot_general(s_ref[...], w_ref[...],
                              (((1,), (0,)), ((), ())),
                              preferred_element_type=jnp.float32)
        o_ref[...] = (g_ref[...] + lin + pe_ref[...][None]
                      + gr_ref[...] + bps_ref[...][None])

    return pl.pallas_call(
        body,
        grid=grid,
        in_specs=[
            pl.BlockSpec((BB, M, D), lambda b: (b, 0, 0)),
            pl.BlockSpec((BB, 8, M), lambda b: (b, 0, 0)),
            pl.BlockSpec((BB, 1, D), lambda b: (b, 0, 0)),
            pl.BlockSpec((1, D), lambda b: (0, 0)),
            pl.BlockSpec((8, D), lambda b: (0, 0)),
            pl.BlockSpec((M, D), lambda b: (0, 0)),
        ],
        out_specs=pl.BlockSpec((BB, M, D), lambda b: (b, 0, 0)),
        out_shape=jax.ShapeDtypeStruct((B, M, D), jnp.float32),
    )


def kernel(cities_embed, graph_embed, agent_state, W_dc, W_nc, W_ps, b_ps):
    B, N, D = cities_embed.shape
    M = agent_state.shape[1]
    cities = cities_embed.reshape(B * N, D)
    state01 = jnp.pad(agent_state[:, :, :2].reshape(B * M, 2).T,
                      ((0, 0), (0, 8)))

    gsum = _make_sc_gather(B, N, M, D)(cities, state01)

    w8 = jnp.concatenate(
        [W_dc, W_nc, W_ps, jnp.zeros((D, 2), jnp.float32)], axis=1).T
    pe = jnp.asarray(_posenc_np(M, D))
    s8t = agent_state[:, :, 2:10].transpose(0, 2, 1)
    out = _make_tc_combine(B, M, D)(
        gsum.reshape(B, M, D), s8t, graph_embed,
        b_ps.reshape(1, D), w8, pe)
    return out

# --- scband reference (transcript-rebuilt; emitter-appended) ---
"""Pipeline reference for scband-agent-embedding-62311385530399 (READ-ONLY COPY).

The authoritative reference and input builder live on the scoring server;
editing this copy changes nothing except your own understanding.
"""

import jax, jax.numpy as jnp
import numpy as np

def _pos_enc(seq_len, d_model):
    position = np.arange(seq_len, dtype=np.float32)[:, None]
    div_term = np.exp(np.arange(0, d_model, 2, dtype=np.float32) * (-np.log(10000.0) / d_model))
    pe = np.zeros((seq_len, d_model), dtype=np.float32)
    pe[:, 0::2] = np.sin(position * div_term)
    pe[:, 1::2] = np.cos(position * div_term)
    return jnp.asarray(pe)

def setup_inputs(seed: int = 0):
    key = jax.random.key(seed)
    k1, k2, k3, k4, k5, k6, k7 = jax.random.split(key, 7)
    B, N, M, D = 256, 1000, 1000, 128
    return {
        'cities_embed': jax.random.normal(k1, (B, N, D), dtype=jnp.float32),
        'graph_embed': jax.random.normal(k2, (B, 1, D), dtype=jnp.float32),
        'agent_state': jax.random.uniform(k3, (B, M, 14), dtype=jnp.float32),
        'W_dc': jax.random.normal(k4, (D, 2), dtype=jnp.float32) * 0.05,
        'W_nc': jax.random.normal(k5, (D, 3), dtype=jnp.float32) * 0.05,
        'W_ps': jax.random.normal(k6, (D, 1), dtype=jnp.float32) * 0.05,
        'b_ps': jax.random.normal(k7, (D,), dtype=jnp.float32) * 0.05,
    }

def reference(cities_embed, graph_embed, agent_state, W_dc, W_nc, W_ps, b_ps):
    B, M, _ = agent_state.shape
    D = cities_embed.shape[-1]
    idx = jax.lax.stop_gradient(agent_state[:, :, :2]).astype(jnp.int32)
    depot_pos = cities_embed[jnp.arange(B)[:, None, None], idx, :]
    depot_pos_embed = depot_pos[:, :, 0, :] + depot_pos[:, :, 1, :]
    distance_cost_embed = agent_state[:, :, 2:4] @ W_dc.T
    next_cost_embed = agent_state[:, :, 4:7] @ W_nc.T
    problem_scale_embed = agent_state[:, :, 7:8] @ W_ps.T + b_ps
    pe = _pos_enc(M, D)[None, :, :]
    agent_embed = graph_embed + depot_pos_embed + distance_cost_embed + next_cost_embed + problem_scale_embed + pe
    return agent_embed

if __name__ == "__main__":
    import jax
    _d = setup_inputs()
    print(jax.jit(kernel)(*tuple(_d.values())))

</pallas_src>

<mosaic_0001>
#map = affine_map<(d0, d1) -> (0, 0)>
module attributes {stable_mosaic.version = 14 : i64} {
  func.func @kern(%arg0: i32, %arg1: i32, %arg2: memref<256000x128xf32, #tpu.memory_space<hbm>>, %arg3: memref<2x256008xf32, #tpu.memory_space<hbm>>, %arg4: memref<256000x128xf32, #tpu.memory_space<hbm>>, %arg5: memref<2x136xf32, #tpu.memory_space<vmem>>, %arg6: memref<2x136xf32, #tpu.memory_space<vmem>>, %arg7: memref<2x128xi32, #tpu.memory_space<vmem>>, %arg8: memref<2x128xi32, #tpu.memory_space<vmem>>, %arg9: memref<128x128xf32, #tpu.memory_space<vmem>>, %arg10: memref<128x128xf32, #tpu.memory_space<vmem>>, %arg11: memref<128x128xf32, #tpu.memory_space<vmem>>, %arg12: memref<128x128xf32, #tpu.memory_space<vmem>>, %arg13: memref<!tpu.dma_semaphore, #tpu.memory_space<semaphore_mem>>, %arg14: memref<!tpu.dma_semaphore, #tpu.memory_space<semaphore_mem>>, %arg15: memref<!tpu.dma_semaphore, #tpu.memory_space<semaphore_mem>>, %arg16: memref<!tpu.dma_semaphore, #tpu.memory_space<semaphore_mem>>, %arg17: memref<!tpu.dma_semaphore, #tpu.memory_space<semaphore_mem>>, %arg18: memref<!tpu.dma_semaphore, #tpu.memory_space<semaphore_mem>>, %arg19: memref<!tpu.dma_semaphore, #tpu.memory_space<semaphore_mem>>, %arg20: memref<!tpu.dma_semaphore, #tpu.memory_space<semaphore_mem>>) attributes {dimension_semantics = [#tpu.dimension_semantics<core_parallel>, #tpu.dimension_semantics<subcore_parallel>], iteration_bounds = array<i64: 2, 16>, scalar_prefetch = 0 : i64, scratch_operands = 16 : i64, tpu.core_type = #tpu.core_type<sc_vector_subcore>, window_params = [{transform_indices = #map}, {transform_indices = #map}, {transform_indices = #map}]} {
    %mul3A = arith.constant 2 : i32
    %mul3A_0 = arith.muli %arg1, %mul3A : i32
    %add3A = arith.addi %mul3A_0, %arg0 : i32
    %jit3A = arith.constant 4 : i32
    %div3A = arith.divsi %add3A, %jit3A : i32
    %sign3A = arith.constant 0 : i32
    %sign3A_1 = arith.cmpi sgt, %add3A, %sign3A : i32
    %sign3A_2 = arith.extui %sign3A_1 : i1 to i32
    %sign3A_3 = arith.constant 0 : i32
    %sign3A_4 = arith.cmpi slt, %add3A, %sign3A_3 : i32
    %sign3A_5 = arith.extui %sign3A_4 : i1 to i32
    %sign3A_6 = arith.subi %sign3A_2, %sign3A_5 : i32
    %sign3A_7 = arith.constant 0 : i32
    %sign3A_8 = arith.cmpi sgt, %jit3A, %sign3A_7 : i32
    %sign3A_9 = arith.extui %sign3A_8 : i1 to i32
    %sign3A_10 = arith.constant 0 : i32
    %sign3A_11 = arith.cmpi slt, %jit3A, %sign3A_10 : i32
    %sign3A_12 = arith.extui %sign3A_11 : i1 to i32
    %sign3A_13 = arith.subi %sign3A_9, %sign3A_12 : i32
    %ne3A = arith.cmpi ne, %sign3A_6, %sign3A_13 : i32
    %rem3A = arith.remsi %add3A, %jit3A : i32
    %ne3A_14 = arith.constant 0 : i32
    %ne3A_15 = arith.cmpi ne, %rem3A, %ne3A_14 : i32
    %and3A = arith.andi %ne3A, %ne3A_15 : i1
    %sub3A = arith.constant 1 : i32
    %sub3A_16 = arith.subi %div3A, %sub3A : i32
    %select_n3A = arith.select %and3A, %sub3A_16, %div3A : i32
    %jit3A_17 = arith.constant 4 : i32
    %eq3A = arith.constant 0 : i32
    %eq3A_18 = arith.cmpi eq, %jit3A_17, %eq3A : i32
    %jit3A_19 = arith.constant 1 : i32
    %select_n3A_20 = arith.select %eq3A_18, %jit3A_19, %jit3A_17 : i32
    %rem3A_21 = arith.remsi %add3A, %select_n3A_20 : i32
    %ne3A_22 = arith.constant 0 : i32
    %ne3A_23 = arith.cmpi ne, %rem3A_21, %ne3A_22 : i32
    %lt3A = arith.constant 0 : i32
    %lt3A_24 = arith.cmpi slt, %rem3A_21, %lt3A : i32
    %lt3A_25 = arith.constant 0 : i32
    %lt3A_26 = arith.cmpi slt, %select_n3A_20, %lt3A_25 : i32
    %ne3A_27 = arith.xori %lt3A_24, %lt3A_26 : i1
    %and3A_28 = arith.andi %ne3A_27, %ne3A_23 : i1
    %add3A_29 = arith.addi %rem3A_21, %select_n3A_20 : i32
    %select_n3A_30 = arith.select %and3A_28, %add3A_29, %rem3A_21 : i32
    %mul3A_31 = arith.constant 32 : i32
    %mul3A_32 = arith.muli %select_n3A, %mul3A_31 : i32
    %mul3A_33 = arith.constant 250 : i32
    %mul3A_34 = arith.muli %select_n3A_30, %mul3A_33 : i32
    %iota3A = tpu.iota {dimensions = array<i32: 0>} : vector<16xi32>
    %add3A_35 = arith.constant 0 : i32
    %add3A_36 = arith.addi %mul3A_32, %add3A_35 : i32
    %mul3A_37 = arith.constant 1000 : i32
    %mul3A_38 = arith.muli %add3A_36, %mul3A_37 : i32
    %add3A_39 = arith.addi %mul3A_38, %mul3A_34 : i32
    %add3A_40 = arith.constant 0 : i32
    %add3A_41 = arith.addi %add3A_39, %add3A_40 : i32
    %jit3A_42 = arith.constant 8 : i32
    %div3A_43 = arith.divsi %add3A_41, %jit3A_42 : i32
    %sign3A_44 = arith.constant 0 : i32
    %sign3A_45 = arith.cmpi sgt, %add3A_41, %sign3A_44 : i32
    %sign3A_46 = arith.extui %sign3A_45 : i1 to i32
    %sign3A_47 = arith.constant 0 : i32
    %sign3A_48 = arith.cmpi slt, %add3A_41, %sign3A_47 : i32
    %sign3A_49 = arith.extui %sign3A_48 : i1 to i32
    %sign3A_50 = arith.subi %sign3A_46, %sign3A_49 : i32
    %sign3A_51 = arith.constant 0 : i32
    %sign3A_52 = arith.cmpi sgt, %jit3A_42, %sign3A_51 : i32
    %sign3A_53 = arith.extui %sign3A_52 : i1 to i32
    %sign3A_54 = arith.constant 0 : i32
    %sign3A_55 = arith.cmpi slt, %jit3A_42, %sign3A_54 : i32
    %sign3A_56 = arith.extui %sign3A_55 : i1 to i32
    %sign3A_57 = arith.subi %sign3A_53, %sign3A_56 : i32
    %ne3A_58 = arith.cmpi ne, %sign3A_50, %sign3A_57 : i32
    %rem3A_59 = arith.remsi %add3A_41, %jit3A_42 : i32
    %ne3A_60 = arith.constant 0 : i32
    %ne3A_61 = arith.cmpi ne, %rem3A_59, %ne3A_60 : i32
    %and3A_62 = arith.andi %ne3A_58, %ne3A_61 : i1
    %sub3A_63 = arith.constant 1 : i32
    %sub3A_64 = arith.subi %div3A_43, %sub3A_63 : i32
    %select_n3A_65 = arith.select %and3A_62, %sub3A_64, %div3A_43 : i32
    %mul3A_66 = arith.constant 8 : i32
    %mul3A_67 = arith.muli %select_n3A_65, %mul3A_66 : i32
    %dma_start3A = arith.constant 0 : i32
    %dma_start3A_68 = tpu.memref_slice %arg3[%dma_start3A, %mul3A_67] : memref<2x256008xf32, #tpu.memory_space<hbm>> -> memref<2x136xf32, #tpu.memory_space<hbm>>
    %dma_start3A_69 = arith.constant 0 : i32
    %dma_start3A_70 = tpu.memref_slice %arg3[%dma_start3A_69, %mul3A_67] : memref<2x256008xf32, #tpu.memory_space<hbm>> -> memref<2x136xf32, #tpu.memory_space<hbm>>
    tpu.enqueue_dma source(%dma_start3A_70 : memref<2x136xf32, #tpu.memory_space<hbm>>) target(%arg5 : memref<2x136xf32, #tpu.memory_space<vmem>>) target_semaphore(%arg13 : memref<!tpu.dma_semaphore, #tpu.memory_space<semaphore_mem>>)
    %add3A_71 = arith.constant 0 : i32
    %add3A_72 = arith.addi %mul3A_32, %add3A_71 : i32
    %mul3A_73 = arith.constant 1000 : i32
    %mul3A_74 = arith.muli %add3A_72, %mul3A_73 : i32
    %add3A_75 = arith.addi %mul3A_74, %mul3A_34 : i32
    %add3A_76 = arith.constant 125 : i32
    %add3A_77 = arith.addi %add3A_75, %add3A_76 : i32
    %jit3A_78 = arith.constant 8 : i32
    %div3A_79 = arith.divsi %add3A_77, %jit3A_78 : i32
    %sign3A_80 = arith.constant 0 : i32
    %sign3A_81 = arith.cmpi sgt, %add3A_77, %sign3A_80 : i32
    %sign3A_82 = arith.extui %sign3A_81 : i1 to i32
    %sign3A_83 = arith.constant 0 : i32
    %sign3A_84 = arith.cmpi slt, %add3A_77, %sign3A_83 : i32
    %sign3A_85 = arith.extui %sign3A_84 : i1 to i32
    %sign3A_86 = arith.subi %sign3A_82, %sign3A_85 : i32
    %sign3A_87 = arith.constant 0 : i32
    %sign3A_88 = arith.cmpi sgt, %jit3A_78, %sign3A_87 : i32
    %sign3A_89 = arith.extui %sign3A_88 : i1 to i32
    %sign3A_90 = arith.constant 0 : i32
    %sign3A_91 = arith.cmpi slt, %jit3A_78, %sign3A_90 : i32
    %sign3A_92 = arith.extui %sign3A_91 : i1 to i32
    %sign3A_93 = arith.subi %sign3A_89, %sign3A_92 : i32
    %ne3A_94 = arith.cmpi ne, %sign3A_86, %sign3A_93 : i32
    %rem3A_95 = arith.remsi %add3A_77, %jit3A_78 : i32
    %ne3A_96 = arith.constant 0 : i32
    %ne3A_97 = arith.cmpi ne, %rem3A_95, %ne3A_96 : i32
    %and3A_98 = arith.andi %ne3A_94, %ne3A_97 : i1
    %sub3A_99 = arith.constant 1 : i32
    %sub3A_100 = arith.subi %div3A_79, %sub3A_99 : i32
    %select_n3A_101 = arith.select %and3A_98, %sub3A_100, %div3A_79 : i32
    %mul3A_102 = arith.constant 8 : i32
    %mul3A_103 = arith.muli %select_n3A_101, %mul3A_102 : i32
    %dma_start3A_104 = arith.constant 0 : i32
    %dma_start3A_105 = tpu.memref_slice %arg3[%dma_start3A_104, %mul3A_103] : memref<2x256008xf32, #tpu.memory_space<hbm>> -> memref<2x136xf32, #tpu.memory_space<hbm>>
    %dma_start3A_106 = arith.constant 0 : i32
    %dma_start3A_107 = tpu.memref_slice %arg3[%dma_start3A_106, %mul3A_103] : memref<2x256008xf32, #tpu.memory_space<hbm>> -> memref<2x136xf32, #tpu.memory_space<hbm>>
    tpu.enqueue_dma source(%dma_start3A_107 : memref<2x136xf32, #tpu.memory_space<hbm>>) target(%arg6 : memref<2x136xf32, #tpu.memory_space<vmem>>) target_semaphore(%arg14 : memref<!tpu.dma_semaphore, #tpu.memory_space<semaphore_mem>>)
    %dma_wait3A = arith.constant 0 : i32
    %dma_wait3A_108 = arith.constant 0 : i32
    %dma_wait3A_109 = tpu.memref_slice %arg3[%dma_wait3A, %dma_wait3A_108] : memref<2x256008xf32, #tpu.memory_space<hbm>> -> memref<2x136xf32, #tpu.memory_space<hbm>>
    %dma_wait3A_110 = arith.constant 0 : i32
    %dma_wait3A_111 = arith.constant 0 : i32
    %dma_wait3A_112 = tpu.memref_slice %arg3[%dma_wait3A_110, %dma_wait3A_111] : memref<2x256008xf32, #tpu.memory_space<hbm>> -> memref<2x136xf32, #tpu.memory_space<hbm>>
    tpu.wait_dma2 semaphore(%arg13 : memref<!tpu.dma_semaphore, #tpu.memory_space<semaphore_mem>>) src(%dma_wait3A_112 : memref<2x136xf32, #tpu.memory_space<hbm>>) dst(%arg5 : memref<2x136xf32, #tpu.memory_space<vmem>>)
    %add3A_113 = arith.constant 0 : i32
    %add3A_114 = arith.addi %mul3A_32, %add3A_113 : i32
    %mul3A_115 = arith.constant 1000 : i32
    %mul3A_116 = arith.muli %add3A_114, %mul3A_115 : i32
    %add3A_117 = arith.addi %mul3A_116, %mul3A_34 : i32
    %add3A_118 = arith.constant 0 : i32
    %add3A_119 = arith.addi %add3A_117, %add3A_118 : i32
    %jit3A_120 = arith.constant 8 : i32
    %eq3A_121 = arith.constant 0 : i32
    %eq3A_122 = arith.cmpi eq, %jit3A_120, %eq3A_121 : i32
    %jit3A_123 = arith.constant 1 : i32
    %select_n3A_124 = arith.select %eq3A_122, %jit3A_123, %jit3A_120 : i32
    %rem3A_125 = arith.remsi %add3A_119, %select_n3A_124 : i32
    %ne3A_126 = arith.constant 0 : i32
    %ne3A_127 = arith.cmpi ne, %rem3A_125, %ne3A_126 : i32
    %lt3A_128 = arith.constant 0 : i32
    %lt3A_129 = arith.cmpi slt, %rem3A_125, %lt3A_128 : i32
    %lt3A_130 = arith.constant 0 : i32
    %lt3A_131 = arith.cmpi slt, %select_n3A_124, %lt3A_130 : i32
    %ne3A_132 = arith.xori %lt3A_129, %lt3A_131 : i1
    %and3A_133 = arith.andi %ne3A_132, %ne3A_127 : i1
    %add3A_134 = arith.addi %rem3A_125, %select_n3A_124 : i32
    %select_n3A_135 = arith.select %and3A_133, %add3A_134, %rem3A_125 : i32
    %broadcast_in_dim3A = arith.constant true
    %broadcast_in_dim3A_136 = vector.broadcast %broadcast_in_dim3A : i1 to vector<16xi1>
    %add3A_137 = arith.constant 0 : i32
    %add3A_138 = arith.addi %select_n3A_135, %add3A_137 : i32
    %get3A = arith.constant 0 : i32
    %get3A_139 = arith.index_cast %get3A : i32 to index
    %get3A_140 = arith.index_cast %add3A_138 : i32 to index
    %get3A_141 = tpu.vector_load %arg5[%get3A_139, %get3A_140] {strides = array<i32>} : memref<2x136xf32, #tpu.memory_space<vmem>>, vector<16xf32>,
    %get3A_142 = arith.constant 1 : i32
    %get3A_143 = arith.index_cast %get3A_142 : i32 to index
    %get3A_144 = arith.index_cast %add3A_138 : i32 to index
    %get3A_145 = tpu.vector_load %arg5[%get3A_143, %get3A_144] {strides = array<i32>} : memref<2x136xf32, #tpu.memory_space<vmem>>, vector<16xf32>,
    %convert_element_type3A = arith.fptosi %get3A_141 : vector<16xf32> to vector<16xi32>
    %jit3A_146 = arith.constant 0 : i32
    %jit3A_147 = arith.constant 999 : i32
    %max3A = vector.broadcast %jit3A_146 : i32 to vector<16xi32>
    %max3A_148 = arith.maxsi %max3A, %convert_element_type3A : vector<16xi32>
    %min3A = vector.broadcast %jit3A_147 : i32 to vector<16xi32>
    %min3A_149 = arith.minsi %min3A, %max3A_148 : vector<16xi32>
    %mul3A_150 = arith.constant 1000 : i32
    %mul3A_151 = arith.muli %add3A_114, %mul3A_150 : i32
    %add3A_152 = vector.broadcast %mul3A_151 : i32 to vector<16xi32>
    %add3A_153 = arith.addi %min3A_149, %add3A_152 : vector<16xi32>
    %convert_element_type3A_154 = arith.fptosi %get3A_145 : vector<16xf32> to vector<16xi32>
    %jit3A_155 = arith.constant 0 : i32
    %jit3A_156 = arith.constant 999 : i32
    %max3A_157 = vector.broadcast %jit3A_155 : i32 to vector<16xi32>
    %max3A_158 = arith.maxsi %max3A_157, %convert_element_type3A_154 : vector<16xi32>
    %min3A_159 = vector.broadcast %jit3A_156 : i32 to vector<16xi32>
    %min3A_160 = arith.minsi %min3A_159, %max3A_158 : vector<16xi32>
    %mul3A_161 = arith.constant 1000 : i32
    %mul3A_162 = arith.muli %add3A_114, %mul3A_161 : i32
    %add3A_163 = vector.broadcast %mul3A_162 : i32 to vector<16xi32>
    %add3A_164 = arith.addi %min3A_160, %add3A_163 : vector<16xi32>
    %slice3A = vector.extract_strided_slice %add3A_153 {offsets = [0], sizes = [1], strides = [1]} : vector<16xi32> to vector<1xi32>
    %squeeze3A = vector.extract %slice3A[0] : i32 from vector<1xi32>
    %slice3A_165 = vector.extract_strided_slice %add3A_164 {offsets = [0], sizes = [1], strides = [1]} : vector<16xi32> to vector<1xi32>
    %squeeze3A_166 = vector.extract %slice3A_165[0] : i32 from vector<1xi32>
    %add3A_167 = arith.constant 0 : i32
    %add3A_168 = vector.broadcast %add3A_167 : i32 to vector<16xi32>
    %add3A_169 = arith.addi %add3A_168, %iota3A : vector<16xi32>
    %ge3A = arith.constant 125 : i32
    %ge3A_170 = vector.broadcast %ge3A : i32 to vector<16xi32>
    %ge3A_171 = arith.cmpi sge, %add3A_169, %ge3A_170 : vector<16xi32>
    %broadcast_in_dim3A_172 = vector.broadcast %squeeze3A : i32 to vector<16xi32>
    %eq3A_173 = arith.cmpi eq, %add3A_153, %broadcast_in_dim3A_172 : vector<16xi32>
    %broadcast_in_dim3A_174 = vector.broadcast %squeeze3A_166 : i32 to vector<16xi32>
    %eq3A_175 = arith.cmpi eq, %add3A_164, %broadcast_in_dim3A_174 : vector<16xi32>
    %and3A_176 = arith.andi %eq3A_173, %eq3A_175 : vector<16xi1>
    %or3A = arith.ori %and3A_176, %ge3A_171 : vector<16xi1>
    %and3A_177 = arith.andi %broadcast_in_dim3A_136, %or3A : vector<16xi1>
    %swap3A = arith.constant 0 : i32
    %swap3A_178 = arith.index_cast %swap3A : i32 to index
    %swap3A_179 = arith.constant 0 : index
    %swap3A_180 = tpu.vector_load %arg7[%swap3A_178, %swap3A_179] {strides = array<i32>} : memref<2x128xi32, #tpu.memory_space<vmem>>, vector<16xi32>,
    tpu.vector_store %arg7[%swap3A_178, %swap3A_179], %add3A_153 {strides = array<i32>} : memref<2x128xi32, #tpu.memory_space<vmem>>, vector<16xi32>,
    %swap3A_181 = arith.constant 1 : i32
    %swap3A_182 = arith.index_cast %swap3A_181 : i32 to index
    %swap3A_183 = arith.constant 0 : index
    %swap3A_184 = tpu.vector_load %arg7[%swap3A_182, %swap3A_183] {strides = array<i32>} : memref<2x128xi32, #tpu.memory_space<vmem>>, vector<16xi32>,
    tpu.vector_store %arg7[%swap3A_182, %swap3A_183], %add3A_164 {strides = array<i32>} : memref<2x128xi32, #tpu.memory_space<vmem>>, vector<16xi32>,
    %add3A_185 = arith.constant 16 : i32
    %add3A_186 = arith.addi %select_n3A_135, %add3A_185 : i32
    %get3A_187 = arith.constant 0 : i32
    %get3A_188 = arith.index_cast %get3A_187 : i32 to index
    %get3A_189 = arith.index_cast %add3A_186 : i32 to index
    %get3A_190 = tpu.vector_load %arg5[%get3A_188, %get3A_189] {strides = array<i32>} : memref<2x136xf32, #tpu.memory_space<vmem>>, vector<16xf32>,
    %get3A_191 = arith.constant 1 : i32
    %get3A_192 = arith.index_cast %get3A_191 : i32 to index
    %get3A_193 = arith.index_cast %add3A_186 : i32 to index
    %get3A_194 = tpu.vector_load %arg5[%get3A_192, %get3A_193] {strides = array<i32>} : memref<2x136xf32, #tpu.memory_space<vmem>>, vector<16xf32>,
    %convert_element_type3A_195 = arith.fptosi %get3A_190 : vector<16xf32> to vector<16xi32>
    %jit3A_196 = arith.constant 0 : i32
    %jit3A_197 = arith.constant 999 : i32
    %max3A_198 = vector.broadcast %jit3A_196 : i32 to vector<16xi32>
    %max3A_199 = arith.maxsi %max3A_198, %convert_element_type3A_195 : vector<16xi32>
    %min3A_200 = vector.broadcast %jit3A_197 : i32 to vector<16xi32>
    %min3A_201 = arith.minsi %min3A_200, %max3A_199 : vector<16xi32>
    %mul3A_202 = arith.constant 1000 : i32
    %mul3A_203 = arith.muli %add3A_114, %mul3A_202 : i32
    %add3A_204 = vector.broadcast %mul3A_203 : i32 to vector<16xi32>
    %add3A_205 = arith.addi %min3A_201, %add3A_204 : vector<16xi32>
    %convert_element_type3A_206 = arith.fptosi %get3A_194 : vector<16xf32> to vector<16xi32>
    %jit3A_207 = arith.constant 0 : i32
    %jit3A_208 = arith.constant 999 : i32
    %max3A_209 = vector.broadcast %jit3A_207 : i32 to vector<16xi32>
    %max3A_210 = arith.maxsi %max3A_209, %convert_element_type3A_206 : vector<16xi32>
    %min3A_211 = vector.broadcast %jit3A_208 : i32 to vector<16xi32>
    %min3A_212 = arith.minsi %min3A_211, %max3A_210 : vector<16xi32>
    %mul3A_213 = arith.constant 1000 : i32
    %mul3A_214 = arith.muli %add3A_114, %mul3A_213 : i32
    %add3A_215 = vector.broadcast %mul3A_214 : i32 to vector<16xi32>
    %add3A_216 = arith.addi %min3A_212, %add3A_215 : vector<16xi32>
    %add3A_217 = arith.constant 16 : i32
    %add3A_218 = vector.broadcast %add3A_217 : i32 to vector<16xi32>
    %add3A_219 = arith.addi %add3A_218, %iota3A : vector<16xi32>
    %ge3A_220 = arith.constant 125 : i32
    %ge3A_221 = vector.broadcast %ge3A_220 : i32 to vector<16xi32>
    %ge3A_222 = arith.cmpi sge, %add3A_219, %ge3A_221 : vector<16xi32>
    %broadcast_in_dim3A_223 = vector.broadcast %squeeze3A : i32 to vector<16xi32>
    %eq3A_224 = arith.cmpi eq, %add3A_205, %broadcast_in_dim3A_223 : vector<16xi32>
    %broadcast_in_dim3A_225 = vector.broadcast %squeeze3A_166 : i32 to vector<16xi32>
    %eq3A_226 = arith.cmpi eq, %add3A_216, %broadcast_in_dim3A_225 : vector<16xi32>
    %and3A_227 = arith.andi %eq3A_224, %eq3A_226 : vector<16xi1>
    %or3A_228 = arith.ori %and3A_227, %ge3A_222 : vector<16xi1>
    %and3A_229 = arith.andi %and3A_177, %or3A_228 : vector<16xi1>
    %swap3A_230 = arith.constant 0 : i32
    %swap3A_231 = arith.index_cast %swap3A_230 : i32 to index
    %swap3A_232 = arith.constant 16 : index
    %swap3A_233 = tpu.vector_load %arg7[%swap3A_231, %swap3A_232] {strides = array<i32>} : memref<2x128xi32, #tpu.memory_space<vmem>>, vector<16xi32>,
    tpu.vector_store %arg7[%swap3A_231, %swap3A_232], %add3A_205 {strides = array<i32>} : memref<2x128xi32, #tpu.memory_space<vmem>>, vector<16xi32>,
    %swap3A_234 = arith.constant 1 : i32
    %swap3A_235 = arith.index_cast %swap3A_234 : i32 to index
    %swap3A_236 = arith.constant 16 : index
    %swap3A_237 = tpu.vector_load %arg7[%swap3A_235, %swap3A_236] {strides = array<i32>} : memref<2x128xi32, #tpu.memory_space<vmem>>, vector<16xi32>,
    tpu.vector_store %arg7[%swap3A_235, %swap3A_236], %add3A_216 {strides = array<i32>} : memref<2x128xi32, #tpu.memory_space<vmem>>, vector<16xi32>,
    %add3A_238 = arith.constant 32 : i32
    %add3A_239 = arith.addi %select_n3A_135, %add3A_238 : i32
    %get3A_240 = arith.constant 0 : i32
    %get3A_241 = arith.index_cast %get3A_240 : i32 to index
    %get3A_242 = arith.index_cast %add3A_239 : i32 to index
    %get3A_243 = tpu.vector_load %arg5[%get3A_241, %get3A_242] {strides = array<i32>} : memref<2x136xf32, #tpu.memory_space<vmem>>, vector<16xf32>,
    %get3A_244 = arith.constant 1 : i32
    %get3A_245 = arith.index_cast %get3A_244 : i32 to index
    %get3A_246 = arith.index_cast %add3A_239 : i32 to index
    %get3A_247 = tpu.vector_load %arg5[%get3A_245, %get3A_246] {strides = array<i32>} : memref<2x136xf32, #tpu.memory_space<vmem>>, vector<16xf32>,
    %convert_element_type3A_248 = arith.fptosi %get3A_243 : vector<16xf32> to vector<16xi32>
    %jit3A_249 = arith.constant 0 : i32
    %jit3A_250 = arith.constant 999 : i32
    %max3A_251 = vector.broadcast %jit3A_249 : i32 to vector<16xi32>
    %max3A_252 = arith.maxsi %max3A_251, %convert_element_type3A_248 : vector<16xi32>
    %min3A_253 = vector.broadcast %jit3A_250 : i32 to vector<16xi32>
    %min3A_254 = arith.minsi %min3A_253, %max3A_252 : vector<16xi32>
    %mul3A_255 = arith.constant 1000 : i32
    %mul3A_256 = arith.muli %add3A_114, %mul3A_255 : i32
    %add3A_257 = vector.broadcast %mul3A_256 : i32 to vector<16xi32>
    %add3A_258 = arith.addi %min3A_254, %add3A_257 : vector<16xi32>
    %convert_element_type3A_259 = arith.fptosi %get3A_247 : vector<16xf32> to vector<16xi32>
    %jit3A_260 = arith.constant 0 : i32
    %jit3A_261 = arith.constant 999 : i32
    %max3A_262 = vector.broadcast %jit3A_260 : i32 to vector<16xi32>
    %max3A_263 = arith.maxsi %max3A_262, %convert_element_type3A_259 : vector<16xi32>
    %min3A_264 = vector.broadcast %jit3A_261 : i32 to vector<16xi32>
    %min3A_265 = arith.minsi %min3A_264, %max3A_263 : vector<16xi32>
    %mul3A_266 = arith.constant 1000 : i32
    %mul3A_267 = arith.muli %add3A_114, %mul3A_266 : i32
    %add3A_268 = vector.broadcast %mul3A_267 : i32 to vector<16xi32>
    %add3A_269 = arith.addi %min3A_265, %add3A_268 : vector<16xi32>
    %add3A_270 = arith.constant 32 : i32
    %add3A_271 = vector.broadcast %add3A_270 : i32 to vector<16xi32>
    %add3A_272 = arith.addi %add3A_271, %iota3A : vector<16xi32>
    %ge3A_273 = arith.constant 125 : i32
    %ge3A_274 = vector.broadcast %ge3A_273 : i32 to vector<16xi32>
    %ge3A_275 = arith.cmpi sge, %add3A_272, %ge3A_274 : vector<16xi32>
    %broadcast_in_dim3A_276 = vector.broadcast %squeeze3A : i32 to vector<16xi32>
    %eq3A_277 = arith.cmpi eq, %add3A_258, %broadcast_in_dim3A_276 : vector<16xi32>
    %broadcast_in_dim3A_278 = vector.broadcast %squeeze3A_166 : i32 to vector<16xi32>
    %eq3A_279 = arith.cmpi eq, %add3A_269, %broadcast_in_dim3A_278 : vector<16xi32>
    %and3A_280 = arith.andi %eq3A_277, %eq3A_279 : vector<16xi1>
    %or3A_281 = arith.ori %and3A_280, %ge3A_275 : vector<16xi1>
    %and3A_282 = arith.andi %and3A_229, %or3A_281 : vector<16xi1>
    %swap3A_283 = arith.constant 0 : i32
    %swap3A_284 = arith.index_cast %swap3A_283 : i32 to index
    %swap3A_285 = arith.constant 32 : index
    %swap3A_286 = tpu.vector_load %arg7[%swap3A_284, %swap3A_285] {strides = array<i32>} : memref<2x128xi32, #tpu.memory_space<vmem>>, vector<16xi32>,
    tpu.vector_store %arg7[%swap3A_284, %swap3A_285], %add3A_258 {strides = array<i32>} : memref<2x128xi32, #tpu.memory_space<vmem>>, vector<16xi32>,
    %swap3A_287 = arith.constant 1 : i32
    %swap3A_288 = arith.index_cast %swap3A_287 : i32 to index
    %swap3A_289 = arith.constant 32 : index
    %swap3A_290 = tpu.vector_load %arg7[%swap3A_288, %swap3A_289] {strides = array<i32>} : memref<2x128xi32, #tpu.memory_space<vmem>>, vector<16xi32>,
    tpu.vector_store %arg7[%swap3A_288, %swap3A_289], %add3A_269 {strides = array<i32>} : memref<2x128xi32, #tpu.memory_space<vmem>>, vector<16xi32>,
    %add3A_291 = arith.constant 48 : i32
    %add3A_292 = arith.addi %select_n3A_135, %add3A_291 : i32
    %get3A_293 = arith.constant 0 : i32
    %get3A_294 = arith.index_cast %get3A_293 : i32 to index
    %get3A_295 = arith.index_cast %add3A_292 : i32 to index
    %get3A_296 = tpu.vector_load %arg5[%get3A_294, %get3A_295] {strides = array<i32>} : memref<2x136xf32, #tpu.memory_space<vmem>>, vector<16xf32>,
    %get3A_297 = arith.constant 1 : i32
    %get3A_298 = arith.index_cast %get3A_297 : i32 to index
    %get3A_299 = arith.index_cast %add3A_292 : i32 to index
    %get3A_300 = tpu.vector_load %arg5[%get3A_298, %get3A_299] {strides = array<i32>} : memref<2x136xf32, #tpu.memory_space<vmem>>, vector<16xf32>,
    %convert_element_type3A_301 = arith.fptosi %get3A_296 : vector<16xf32> to vector<16xi32>
    %jit3A_302 = arith.constant 0 : i32
    %jit3A_303 = arith.constant 999 : i32
    %max3A_304 = vector.broadcast %jit3A_302 : i32 to vector<16xi32>
    %max3A_305 = arith.maxsi %max3A_304, %convert_element_type3A_301 : vector<16xi32>
    %min3A_306 = vector.broadcast %jit3A_303 : i32 to vector<16xi32>
    %min3A_307 = arith.minsi %min3A_306, %max3A_305 : vector<16xi32>
    %mul3A_308 = arith.constant 1000 : i32
    %mul3A_309 = arith.muli %add3A_114, %mul3A_308 : i32
    %add3A_310 = vector.broadcast %mul3A_309 : i32 to vector<16xi32>
    %add3A_311 = arith.addi %min3A_307, %add3A_310 : vector<16xi32>
    %convert_element_type3A_312 = arith.fptosi %get3A_300 : vector<16xf32> to vector<16xi32>
    %jit3A_313 = arith.constant 0 : i32
    %jit3A_314 = arith.constant 999 : i32
    %max3A_315 = vector.broadcast %jit3A_313 : i32 to vector<16xi32>
    %max3A_316 = arith.maxsi %max3A_315, %convert_element_type3A_312 : vector<16xi32>
    %min3A_317 = vector.broadcast %jit3A_314 : i32 to vector<16xi32>
    %min3A_318 = arith.minsi %min3A_317, %max3A_316 : vector<16xi32>
    %mul3A_319 = arith.constant 1000 : i32
    %mul3A_320 = arith.muli %add3A_114, %mul3A_319 : i32
    %add3A_321 = vector.broadcast %mul3A_320 : i32 to vector<16xi32>
    %add3A_322 = arith.addi %min3A_318, %add3A_321 : vector<16xi32>
    %add3A_323 = arith.constant 48 : i32
    %add3A_324 = vector.broadcast %add3A_323 : i32 to vector<16xi32>
    %add3A_325 = arith.addi %add3A_324, %iota3A : vector<16xi32>
    %ge3A_326 = arith.constant 125 : i32
    %ge3A_327 = vector.broadcast %ge3A_326 : i32 to vector<16xi32>
    %ge3A_328 = arith.cmpi sge, %add3A_325, %ge3A_327 : vector<16xi32>
    %broadcast_in_dim3A_329 = vector.broadcast %squeeze3A : i32 to vector<16xi32>
    %eq3A_330 = arith.cmpi eq, %add3A_311, %broadcast_in_dim3A_329 : vector<16xi32>
    %broadcast_in_dim3A_331 = vector.broadcast %squeeze3A_166 : i32 to vector<16xi32>
    %eq3A_332 = arith.cmpi eq, %add3A_322, %broadcast_in_dim3A_331 : vector<16xi32>
    %and3A_333 = arith.andi %eq3A_330, %eq3A_332 : vector<16xi1>
    %or3A_334 = arith.ori %and3A_333, %ge3A_328 : vector<16xi1>
    %and3A_335 = arith.andi %and3A_282, %or3A_334 : vector<16xi1>
    %swap3A_336 = arith.constant 0 : i32
    %swap3A_337 = arith.index_cast %swap3A_336 : i32 to index
    %swap3A_338 = arith.constant 48 : index
    %swap3A_339 = tpu.vector_load %arg7[%swap3A_337, %swap3A_338] {strides = array<i32>} : memref<2x128xi32, #tpu.memory_space<vmem>>, vector<16xi32>,
    tpu.vector_store %arg7[%swap3A_337, %swap3A_338], %add3A_311 {strides = array<i32>} : memref<2x128xi32, #tpu.memory_space<vmem>>, vector<16xi32>,
    %swap3A_340 = arith.constant 1 : i32
    %swap3A_341 = arith.index_cast %swap3A_340 : i32 to index
    %swap3A_342 = arith.constant 48 : index
    %swap3A_343 = tpu.vector_load %arg7[%swap3A_341, %swap3A_342] {strides = array<i32>} : memref<2x128xi32, #tpu.memory_space<vmem>>, vector<16xi32>,
    tpu.vector_store %arg7[%swap3A_341, %swap3A_342], %add3A_322 {strides = array<i32>} : memref<2x128xi32, #tpu.memory_space<vmem>>, vector<16xi32>,
    %add3A_344 = arith.constant 64 : i32
    %add3A_345 = arith.addi %select_n3A_135, %add3A_344 : i32
    %get3A_346 = arith.constant 0 : i32
    %get3A_347 = arith.index_cast %get3A_346 : i32 to index
    %get3A_348 = arith.index_cast %add3A_345 : i32 to index
    %get3A_349 = tpu.vector_load %arg5[%get3A_347, %get3A_348] {strides = array<i32>} : memref<2x136xf32, #tpu.memory_space<vmem>>, vector<16xf32>,
    %get3A_350 = arith.constant 1 : i32
    %get3A_351 = arith.index_cast %get3A_350 : i32 to index
    %get3A_352 = arith.index_cast %add3A_345 : i32 to index
    %get3A_353 = tpu.vector_load %arg5[%get3A_351, %get3A_352] {strides = array<i32>} : memref<2x136xf32, #tpu.memory_space<vmem>>, vector<16xf32>,
    %convert_element_type3A_354 = arith.fptosi %get3A_349 : vector<16xf32> to vector<16xi32>
    %jit3A_355 = arith.constant 0 : i32
    %jit3A_356 = arith.constant 999 : i32
    %max3A_357 = vector.broadcast %jit3A_355 : i32 to vector<16xi32>
    %max3A_358 = arith.maxsi %max3A_357, %convert_element_type3A_354 : vector<16xi32>
    %min3A_359 = vector.broadcast %jit3A_356 : i32 to vector<16xi32>
    %min3A_360 = arith.minsi %min3A_359, %max3A_358 : vector<16xi32>
    %mul3A_361 = arith.constant 1000 : i32
    %mul3A_362 = arith.muli %add3A_114, %mul3A_361 : i32
    %add3A_363 = vector.broadcast %mul3A_362 : i32 to vector<16xi32>
    %add3A_364 = arith.addi %min3A_360, %add3A_363 : vector<16xi32>
    %convert_element_type3A_365 = arith.fptosi %get3A_353 : vector<16xf32> to vector<16xi32>
    %jit3A_366 = arith.constant 0 : i32
    %jit3A_367 = arith.constant 999 : i32
    %max3A_368 = vector.broadcast %jit3A_366 : i32 to vector<16xi32>
    %max3A_369 = arith.maxsi %max3A_368, %convert_element_type3A_365 : vector<16xi32>
    %min3A_370 = vector.broadcast %jit3A_367 : i32 to vector<16xi32>
    %min3A_371 = arith.minsi %min3A_370, %max3A_369 : vector<16xi32>
    %mul3A_372 = arith.constant 1000 : i32
    %mul3A_373 = arith.muli %add3A_114, %mul3A_372 : i32
    %add3A_374 = vector.broadcast %mul3A_373 : i32 to vector<16xi32>
    %add3A_375 = arith.addi %min3A_371, %add3A_374 : vector<16xi32>
    %add3A_376 = arith.constant 64 : i32
    %add3A_377 = vector.broadcast %add3A_376 : i32 to vector<16xi32>
    %add3A_378 = arith.addi %add3A_377, %iota3A : vector<16xi32>
    %ge3A_379 = arith.constant 125 : i32
    %ge3A_380 = vector.broadcast %ge3A_379 : i32 to vector<16xi32>
    %ge3A_381 = arith.cmpi sge, %add3A_378, %ge3A_380 : vector<16xi32>
    %broadcast_in_dim3A_382 = vector.broadcast %squeeze3A : i32 to vector<16xi32>
    %eq3A_383 = arith.cmpi eq, %add3A_364, %broadcast_in_dim3A_382 : vector<16xi32>
    %broadcast_in_dim3A_384 = vector.broadcast %squeeze3A_166 : i32 to vector<16xi32>
    %eq3A_385 = arith.cmpi eq, %add3A_375, %broadcast_in_dim3A_384 : vector<16xi32>
    %and3A_386 = arith.andi %eq3A_383, %eq3A_385 : vector<16xi1>
    %or3A_387 = arith.ori %and3A_386, %ge3A_381 : vector<16xi1>
    %and3A_388 = arith.andi %and3A_335, %or3A_387 : vector<16xi1>
    %swap3A_389 = arith.constant 0 : i32
    %swap3A_390 = arith.index_cast %swap3A_389 : i32 to index
    %swap3A_391 = arith.constant 64 : index
    %swap3A_392 = tpu.vector_load %arg7[%swap3A_390, %swap3A_391] {strides = array<i32>} : memref<2x128xi32, #tpu.memory_space<vmem>>, vector<16xi32>,
    tpu.vector_store %arg7[%swap3A_390, %swap3A_391], %add3A_364 {strides = array<i32>} : memref<2x128xi32, #tpu.memory_space<vmem>>, vector<16xi32>,
    %swap3A_393 = arith.constant 1 : i32
    %swap3A_394 = arith.index_cast %swap3A_393 : i32 to index
    %swap3A_395 = arith.constant 64 : index
    %swap3A_396 = tpu.vector_load %arg7[%swap3A_394, %swap3A_395] {strides = array<i32>} : memref<2x128xi32, #tpu.memory_space<vmem>>, vector<16xi32>,
    tpu.vector_store %arg7[%swap3A_394, %swap3A_395], %add3A_375 {strides = array<i32>} : memref<2x128xi32, #tpu.memory_space<vmem>>, vector<16xi32>,
    %add3A_397 = arith.constant 80 : i32
    %add3A_398 = arith.addi %select_n3A_135, %add3A_397 : i32
    %get3A_399 = arith.constant 0 : i32
    %get3A_400 = arith.index_cast %get3A_399 : i32 to index
    %get3A_401 = arith.index_cast %add3A_398 : i32 to index
    %get3A_402 = tpu.vector_load %arg5[%get3A_400, %get3A_401] {strides = array<i32>} : memref<2x136xf32, #tpu.memory_space<vmem>>, vector<16xf32>,
    %get3A_403 = arith.constant 1 : i32
    %get3A_404 = arith.index_cast %get3A_403 : i32 to index
    %get3A_405 = arith.index_cast %add3A_398 : i32 to index
    %get3A_406 = tpu.vector_load %arg5[%get3A_404, %get3A_405] {strides = array<i32>} : memref<2x136xf32, #tpu.memory_space<vmem>>, vector<16xf32>,
    %convert_element_type3A_407 = arith.fptosi %get3A_402 : vector<16xf32> to vector<16xi32>
    %jit3A_408 = arith.constant 0 : i32
    %jit3A_409 = arith.constant 999 : i32
    %max3A_410 = vector.broadcast %jit3A_408 : i32 to vector<16xi32>
    %max3A_411 = arith.maxsi %max3A_410, %convert_element_type3A_407 : vector<16xi32>
    %min3A_412 = vector.broadcast %jit3A_409 : i32 to vector<16xi32>
    %min3A_413 = arith.minsi %min3A_412, %max3A_411 : vector<16xi32>
    %mul3A_414 = arith.constant 1000 : i32
    %mul3A_415 = arith.muli %add3A_114, %mul3A_414 : i32
    %add3A_416 = vector.broadcast %mul3A_415 : i32 to vector<16xi32>
    %add3A_417 = arith.addi %min3A_413, %add3A_416 : vector<16xi32>
    %convert_element_type3A_418 = arith.fptosi %get3A_406 : vector<16xf32> to vector<16xi32>
    %jit3A_419 = arith.constant 0 : i32
    %jit3A_420 = arith.constant 999 : i32
    %max3A_421 = vector.broadcast %jit3A_419 : i32 to vector<16xi32>
    %max3A_422 = arith.maxsi %max3A_421, %convert_element_type3A_418 : vector<16xi32>
    %min3A_423 = vector.broadcast %jit3A_420 : i32 to vector<16xi32>
    %min3A_424 = arith.minsi %min3A_423, %max3A_422 : vector<16xi32>
    %mul3A_425 = arith.constant 1000 : i32
    %mul3A_426 = arith.muli %add3A_114, %mul3A_425 : i32
    %add3A_427 = vector.broadcast %mul3A_426 : i32 to vector<16xi32>
    %add3A_428 = arith.addi %min3A_424, %add3A_427 : vector<16xi32>
    %add3A_429 = arith.constant 80 : i32
    %add3A_430 = vector.broadcast %add3A_429 : i32 to vector<16xi32>
    %add3A_431 = arith.addi %add3A_430, %iota3A : vector<16xi32>
    %ge3A_432 = arith.constant 125 : i32
    %ge3A_433 = vector.broadcast %ge3A_432 : i32 to vector<16xi32>
    %ge3A_434 = arith.cmpi sge, %add3A_431, %ge3A_433 : vector<16xi32>
    %broadcast_in_dim3A_435 = vector.broadcast %squeeze3A : i32 to vector<16xi32>
    %eq3A_436 = arith.cmpi eq, %add3A_417, %broadcast_in_dim3A_435 : vector<16xi32>
    %broadcast_in_dim3A_437 = vector.broadcast %squeeze3A_166 : i32 to vector<16xi32>
    %eq3A_438 = arith.cmpi eq, %add3A_428, %broadcast_in_dim3A_437 : vector<16xi32>
    %and3A_439 = arith.andi %eq3A_436, %eq3A_438 : vector<16xi1>
    %or3A_440 = arith.ori %and3A_439, %ge3A_434 : vector<16xi1>
    %and3A_441 = arith.andi %and3A_388, %or3A_440 : vector<16xi1>
    %swap3A_442 = arith.constant 0 : i32
    %swap3A_443 = arith.index_cast %swap3A_442 : i32 to index
    %swap3A_444 = arith.constant 80 : index
    %swap3A_445 = tpu.vector_load %arg7[%swap3A_443, %swap3A_444] {strides = array<i32>} : memref<2x128xi32, #tpu.memory_space<vmem>>, vector<16xi32>,
    tpu.vector_store %arg7[%swap3A_443, %swap3A_444], %add3A_417 {strides = array<i32>} : memref<2x128xi32, #tpu.memory_space<vmem>>, vector<16xi32>,
    %swap3A_446 = arith.constant 1 : i32
    %swap3A_447 = arith.index_cast %swap3A_446 : i32 to index
    %swap3A_448 = arith.constant 80 : index
    %swap3A_449 = tpu.vector_load %arg7[%swap3A_447, %swap3A_448] {strides = array<i32>} : memref<2x128xi32, #tpu.memory_space<vmem>>, vector<16xi32>,
    tpu.vector_store %arg7[%swap3A_447, %swap3A_448], %add3A_428 {strides = array<i32>} : memref<2x128xi32, #tpu.memory_space<vmem>>, vector<16xi32>,
    %add3A_450 = arith.constant 96 : i32
    %add3A_451 = arith.addi %select_n3A_135, %add3A_450 : i32
    %get3A_452 = arith.constant 0 : i32
    %get3A_453 = arith.index_cast %get3A_452 : i32 to index
    %get3A_454 = arith.index_cast %add3A_451 : i32 to index
    %get3A_455 = tpu.vector_load %arg5[%get3A_453, %get3A_454] {strides = array<i32>} : memref<2x136xf32, #tpu.memory_space<vmem>>, vector<16xf32>,
    %get3A_456 = arith.constant 1 : i32
    %get3A_457 = arith.index_cast %get3A_456 : i32 to index
    %get3A_458 = arith.index_cast %add3A_451 : i32 to index
    %get3A_459 = tpu.vector_load %arg5[%get3A_457, %get3A_458] {strides = array<i32>} : memref<2x136xf32, #tpu.memory_space<vmem>>, vector<16xf32>,
    %convert_element_type3A_460 = arith.fptosi %get3A_455 : vector<16xf32> to vector<16xi32>
    %jit3A_461 = arith.constant 0 : i32
    %jit3A_462 = arith.constant 999 : i32
    %max3A_463 = vector.broadcast %jit3A_461 : i32 to vector<16xi32>
    %max3A_464 = arith.maxsi %max3A_463, %convert_element_type3A_460 : vector<16xi32>
    %min3A_465 = vector.broadcast %jit3A_462 : i32 to vector<16xi32>
    %min3A_466 = arith.minsi %min3A_465, %max3A_464 : vector<16xi32>
    %mul3A_467 = arith.constant 1000 : i32
    %mul3A_468 = arith.muli %add3A_114, %mul3A_467 : i32
    %add3A_469 = vector.broadcast %mul3A_468 : i32 to vector<16xi32>
    %add3A_470 = arith.addi %min3A_466, %add3A_469 : vector<16xi32>
    %convert_element_type3A_471 = arith.fptosi %get3A_459 : vector<16xf32> to vector<16xi32>
    %jit3A_472 = arith.constant 0 : i32
    %jit3A_473 = arith.constant 999 : i32
    %max3A_474 = vector.broadcast %jit3A_472 : i32 to vector<16xi32>
    %max3A_475 = arith.maxsi %max3A_474, %convert_element_type3A_471 : vector<16xi32>
    %min3A_476 = vector.broadcast %jit3A_473 : i32 to vector<16xi32>
    %min3A_477 = arith.minsi %min3A_476, %max3A_475 : vector<16xi32>
    %mul3A_478 = arith.constant 1000 : i32
    %mul3A_479 = arith.muli %add3A_114, %mul3A_478 : i32
    %add3A_480 = vector.broadcast %mul3A_479 : i32 to vector<16xi32>
    %add3A_481 = arith.addi %min3A_477, %add3A_480 : vector<16xi32>
    %add3A_482 = arith.constant 96 : i32
    %add3A_483 = vector.broadcast %add3A_482 : i32 to vector<16xi32>
    %add3A_484 = arith.addi %add3A_483, %iota3A : vector<16xi32>
    %ge3A_485 = arith.constant 125 : i32
    %ge3A_486 = vector.broadcast %ge3A_485 : i32 to vector<16xi32>
    %ge3A_487 = arith.cmpi sge, %add3A_484, %ge3A_486 : vector<16xi32>
    %broadcast_in_dim3A_488 = vector.broadcast %squeeze3A : i32 to vector<16xi32>
    %eq3A_489 = arith.cmpi eq, %add3A_470, %broadcast_in_dim3A_488 : vector<16xi32>
    %broadcast_in_dim3A_490 = vector.broadcast %squeeze3A_166 : i32 to vector<16xi32>
    %eq3A_491 = arith.cmpi eq, %add3A_481, %broadcast_in_dim3A_490 : vector<16xi32>
    %and3A_492 = arith.andi %eq3A_489, %eq3A_491 : vector<16xi1>
    %or3A_493 = arith.ori %and3A_492, %ge3A_487 : vector<16xi1>
    %and3A_494 = arith.andi %and3A_441, %or3A_493 : vector<16xi1>
    %swap3A_495 = arith.constant 0 : i32
    %swap3A_496 = arith.index_cast %swap3A_495 : i32 to index
    %swap3A_497 = arith.constant 96 : index
    %swap3A_498 = tpu.vector_load %arg7[%swap3A_496, %swap3A_497] {strides = array<i32>} : memref<2x128xi32, #tpu.memory_space<vmem>>, vector<16xi32>,
    tpu.vector_store %arg7[%swap3A_496, %swap3A_497], %add3A_470 {strides = array<i32>} : memref<2x128xi32, #tpu.memory_space<vmem>>, vector<16xi32>,
    %swap3A_499 = arith.constant 1 : i32
    %swap3A_500 = arith.index_cast %swap3A_499 : i32 to index
    %swap3A_501 = arith.constant 96 : index
    %swap3A_502 = tpu.vector_load %arg7[%swap3A_500, %swap3A_501] {strides = array<i32>} : memref<2x128xi32, #tpu.memory_space<vmem>>, vector<16xi32>,
    tpu.vector_store %arg7[%swap3A_500, %swap3A_501], %add3A_481 {strides = array<i32>} : memref<2x128xi32, #tpu.memory_space<vmem>>, vector<16xi32>,
    %add3A_503 = arith.constant 112 : i32
    %add3A_504 = arith.addi %select_n3A_135, %add3A_503 : i32
    %get3A_505 = arith.constant 0 : i32
    %get3A_506 = arith.index_cast %get3A_505 : i32 to index
    %get3A_507 = arith.index_cast %add3A_504 : i32 to index
    %get3A_508 = tpu.vector_load %arg5[%get3A_506, %get3A_507] {strides = array<i32>} : memref<2x136xf32, #tpu.memory_space<vmem>>, vector<16xf32>,
    %get3A_509 = arith.constant 1 : i32
    %get3A_510 = arith.index_cast %get3A_509 : i32 to index
    %get3A_511 = arith.index_cast %add3A_504 : i32 to index
    %get3A_512 = tpu.vector_load %arg5[%get3A_510, %get3A_511] {strides = array<i32>} : memref<2x136xf32, #tpu.memory_space<vmem>>, vector<16xf32>,
    %convert_element_type3A_513 = arith.fptosi %get3A_508 : vector<16xf32> to vector<16xi32>
    %jit3A_514 = arith.constant 0 : i32
    %jit3A_515 = arith.constant 999 : i32
    %max3A_516 = vector.broadcast %jit3A_514 : i32 to vector<16xi32>
    %max3A_517 = arith.maxsi %max3A_516, %convert_element_type3A_513 : vector<16xi32>
    %min3A_518 = vector.broadcast %jit3A_515 : i32 to vector<16xi32>
    %min3A_519 = arith.minsi %min3A_518, %max3A_517 : vector<16xi32>
    %mul3A_520 = arith.constant 1000 : i32
    %mul3A_521 = arith.muli %add3A_114, %mul3A_520 : i32
    %add3A_522 = vector.broadcast %mul3A_521 : i32 to vector<16xi32>
    %add3A_523 = arith.addi %min3A_519, %add3A_522 : vector<16xi32>
    %convert_element_type3A_524 = arith.fptosi %get3A_512 : vector<16xf32> to vector<16xi32>
    %jit3A_525 = arith.constant 0 : i32
    %jit3A_526 = arith.constant 999 : i32
    %max3A_527 = vector.broadcast %jit3A_525 : i32 to vector<16xi32>
    %max3A_528 = arith.maxsi %max3A_527, %convert_element_type3A_524 : vector<16xi32>
    %min3A_529 = vector.broadcast %jit3A_526 : i32 to vector<16xi32>
    %min3A_530 = arith.minsi %min3A_529, %max3A_528 : vector<16xi32>
    %mul3A_531 = arith.constant 1000 : i32
    %mul3A_532 = arith.muli %add3A_114, %mul3A_531 : i32
    %add3A_533 = vector.broadcast %mul3A_532 : i32 to vector<16xi32>
    %add3A_534 = arith.addi %min3A_530, %add3A_533 : vector<16xi32>
    %add3A_535 = arith.constant 112 : i32
    %add3A_536 = vector.broadcast %add3A_535 : i32 to vector<16xi32>
    %add3A_537 = arith.addi %add3A_536, %iota3A : vector<16xi32>
    %ge3A_538 = arith.constant 125 : i32
    %ge3A_539 = vector.broadcast %ge3A_538 : i32 to vector<16xi32>
    %ge3A_540 = arith.cmpi sge, %add3A_537, %ge3A_539 : vector<16xi32>
    %broadcast_in_dim3A_541 = vector.broadcast %squeeze3A : i32 to vector<16xi32>
    %eq3A_542 = arith.cmpi eq, %add3A_523, %broadcast_in_dim3A_541 : vector<16xi32>
    %broadcast_in_dim3A_543 = vector.broadcast %squeeze3A_166 : i32 to vector<16xi32>
    %eq3A_544 = arith.cmpi eq, %add3A_534, %broadcast_in_dim3A_543 : vector<16xi32>
    %and3A_545 = arith.andi %eq3A_542, %eq3A_544 : vector<16xi1>
    %or3A_546 = arith.ori %and3A_545, %ge3A_540 : vector<16xi1>
    %and3A_547 = arith.andi %and3A_494, %or3A_546 : vector<16xi1>
    %swap3A_548 = arith.constant 0 : i32
    %swap3A_549 = arith.index_cast %swap3A_548 : i32 to index
    %swap3A_550 = arith.constant 112 : index
    %swap3A_551 = tpu.vector_load %arg7[%swap3A_549, %swap3A_550] {strides = array<i32>} : memref<2x128xi32, #tpu.memory_space<vmem>>, vector<16xi32>,
    tpu.vector_store %arg7[%swap3A_549, %swap3A_550], %add3A_523 {strides = array<i32>} : memref<2x128xi32, #tpu.memory_space<vmem>>, vector<16xi32>,
    %swap3A_552 = arith.constant 1 : i32
    %swap3A_553 = arith.index_cast %swap3A_552 : i32 to index
    %swap3A_554 = arith.constant 112 : index
    %swap3A_555 = tpu.vector_load %arg7[%swap3A_553, %swap3A_554] {strides = array<i32>} : memref<2x128xi32, #tpu.memory_space<vmem>>, vector<16xi32>,
    tpu.vector_store %arg7[%swap3A_553, %swap3A_554], %add3A_534 {strides = array<i32>} : memref<2x128xi32, #tpu.memory_space<vmem>>, vector<16xi32>,
    %reduce_and3A = arith.constant 1.000000e+00 : f32
    %reduce_and3A_556 = arith.constant 0.000000e+00 : f32
    %reduce_and3A_557 = vector.broadcast %reduce_and3A : f32 to vector<16xf32>
    %reduce_and3A_558 = vector.broadcast %reduce_and3A_556 : f32 to vector<16xf32>
    %reduce_and3A_559 = arith.select %and3A_547, %reduce_and3A_557, %reduce_and3A_558 : vector<16xi1>, vector<16xf32>
    %reduce_and3A_560 = arith.constant true
    %reduce_and3A_561 = vector.broadcast %reduce_and3A_560 : i1 to vector<16xi1>
    %reduce_and3A_562 = tpu.scan <min>, %reduce_and3A_559 masked %reduce_and3A_561 : vector<16xf32>, vector<16xi1> -> vector<16xf32>
    %reduce_and3A_563 = vector.extract %reduce_and3A_562[15] : f32 from vector<16xf32>
    %reduce_and3A_564 = arith.constant 0.000000e+00 : f32
    %reduce_and3A_565 = arith.cmpf ogt, %reduce_and3A_563, %reduce_and3A_564 : f32
    %convert_element_type3A_566 = arith.extui %reduce_and3A_565 : i1 to i32
    %cond3A = arith.constant 0 : i32
    %cond3A_567 = arith.cmpi ne, %convert_element_type3A_566, %cond3A : i32
    scf.if %cond3A_567 {
      %dma_start3A_1142 = arith.constant 0 : i32
      %dma_start3A_1143 = arith.constant 0 : i32
      %dma_start3A_1144 = tpu.memref_slice %arg9[%dma_start3A_1142, %dma_start3A_1143] : memref<128x128xf32, #tpu.memory_space<vmem>> -> memref<1x128xf32, #tpu.memory_space<vmem>>
      %dma_start3A_1145 = arith.constant 0 : i32
      %dma_start3A_1146 = tpu.memref_slice %arg2[%squeeze3A, %dma_start3A_1145] : memref<256000x128xf32, #tpu.memory_space<hbm>> -> memref<1x128xf32, #tpu.memory_space<hbm>>
      %dma_start3A_1147 = arith.constant 0 : i32
      %dma_start3A_1148 = arith.constant 0 : i32
      %dma_start3A_1149 = tpu.memref_slice %arg9[%dma_start3A_1147, %dma_start3A_1148] : memref<128x128xf32, #tpu.memory_space<vmem>> -> memref<1x128xf32, #tpu.memory_space<vmem>>
      %dma_start3A_1150 = arith.constant 0 : i32
      %dma_start3A_1151 = tpu.memref_slice %arg2[%squeeze3A, %dma_start3A_1150] : memref<256000x128xf32, #tpu.memory_space<hbm>> -> memref<1x128xf32, #tpu.memory_space<hbm>>
      tpu.enqueue_dma source(%dma_start3A_1151 : memref<1x128xf32, #tpu.memory_space<hbm>>) target(%dma_start3A_1149 : memref<1x128xf32, #tpu.memory_space<vmem>>) target_semaphore(%arg15 : memref<!tpu.dma_semaphore, #tpu.memory_space<semaphore_mem>>)
      %dma_start3A_1152 = arith.constant 0 : i32
      %dma_start3A_1153 = arith.constant 0 : i32
      %dma_start3A_1154 = tpu.memref_slice %arg11[%dma_start3A_1152, %dma_start3A_1153] : memref<128x128xf32, #tpu.memory_space<vmem>> -> memref<1x128xf32, #tpu.memory_space<vmem>>
      %dma_start3A_1155 = arith.constant 0 : i32
      %dma_start3A_1156 = tpu.memref_slice %arg2[%squeeze3A_166, %dma_start3A_1155] : memref<256000x128xf32, #tpu.memory_space<hbm>> -> memref<1x128xf32, #tpu.memory_space<hbm>>
      %dma_start3A_1157 = arith.constant 0 : i32
      %dma_start3A_1158 = arith.constant 0 : i32
      %dma_start3A_1159 = tpu.memref_slice %arg11[%dma_start3A_1157, %dma_start3A_1158] : memref<128x128xf32, #tpu.memory_space<vmem>> -> memref<1x128xf32, #tpu.memory_space<vmem>>
      %dma_start3A_1160 = arith.constant 0 : i32
      %dma_start3A_1161 = tpu.memref_slice %arg2[%squeeze3A_166, %dma_start3A_1160] : memref<256000x128xf32, #tpu.memory_space<hbm>> -> memref<1x128xf32, #tpu.memory_space<hbm>>
      tpu.enqueue_dma source(%dma_start3A_1161 : memref<1x128xf32, #tpu.memory_space<hbm>>) target(%dma_start3A_1159 : memref<1x128xf32, #tpu.memory_space<vmem>>) target_semaphore(%arg17 : memref<!tpu.dma_semaphore, #tpu.memory_space<semaphore_mem>>)
    } else {
    }
    %not3A = arith.constant true
    %not3A_568 = arith.xori %reduce_and3A_565, %not3A : i1
    %convert_element_type3A_569 = arith.extui %not3A_568 : i1 to i32
    %cond3A_570 = arith.constant 0 : i32
    %cond3A_571 = arith.cmpi ne, %convert_element_type3A_569, %cond3A_570 : i32
    scf.if %cond3A_571 {
      %dma_start3A_1142 = arith.constant 0 : i32
      %dma_start3A_1143 = arith.constant 0 : i32
      %dma_start3A_1144 = tpu.memref_slice %arg7[%dma_start3A_1142, %dma_start3A_1143] : memref<2x128xi32, #tpu.memory_space<vmem>> -> memref<1x128xi32, #tpu.memory_space<vmem>>
      %dma_start3A_1145 = tpu.memref_squeeze %dma_start3A_1144 : memref<1x128xi32, #tpu.memory_space<vmem>> -> memref<128xi32, #tpu.memory_space<vmem>>
      %dma_start3A_1146 = arith.constant 0 : i32
      %dma_start3A_1147 = arith.constant 0 : i32
      %dma_start3A_1148 = tpu.memref_slice %arg2[%dma_start3A_1146, %dma_start3A_1147] : memref<256000x128xf32, #tpu.memory_space<hbm>> -> memref<256000x128xf32, #tpu.memory_space<hbm>>
      tpu.enqueue_indirect_dma source(%dma_start3A_1148 : memref<256000x128xf32, #tpu.memory_space<hbm>>) target(%arg9 : memref<128x128xf32, #tpu.memory_space<vmem>>) offsets(%dma_start3A_1145 : memref<128xi32, #tpu.memory_space<vmem>>) semaphore(%arg15 : memref<!tpu.dma_semaphore, #tpu.memory_space<semaphore_mem>>)
      %dma_start3A_1149 = arith.constant 1 : i32
      %dma_start3A_1150 = arith.constant 0 : i32
      %dma_start3A_1151 = tpu.memref_slice %arg7[%dma_start3A_1149, %dma_start3A_1150] : memref<2x128xi32, #tpu.memory_space<vmem>> -> memref<1x128xi32, #tpu.memory_space<vmem>>
      %dma_start3A_1152 = tpu.memref_squeeze %dma_start3A_1151 : memref<1x128xi32, #tpu.memory_space<vmem>> -> memref<128xi32, #tpu.memory_space<vmem>>
      %dma_start3A_1153 = arith.constant 0 : i32
      %dma_start3A_1154 = arith.constant 0 : i32
      %dma_start3A_1155 = tpu.memref_slice %arg2[%dma_start3A_1153, %dma_start3A_1154] : memref<256000x128xf32, #tpu.memory_space<hbm>> -> memref<256000x128xf32, #tpu.memory_space<hbm>>
      tpu.enqueue_indirect_dma source(%dma_start3A_1155 : memref<256000x128xf32, #tpu.memory_space<hbm>>) target(%arg11 : memref<128x128xf32, #tpu.memory_space<vmem>>) offsets(%dma_start3A_1152 : memref<128xi32, #tpu.memory_space<vmem>>) semaphore(%arg17 : memref<!tpu.dma_semaphore, #tpu.memory_space<semaphore_mem>>)
    } else {
    }
    %scan3A = arith.constant false
    %scan3A_572 = arith.constant 0 : i32
    %scan3A_573 = arith.constant 31 : i32
    %scan3A_574 = arith.addi %scan3A_572, %scan3A_573 : i32
    %scan3A_575 = arith.constant 1 : i32
    %scan3A_576:2 = scf.for %scan3A_1142 = %scan3A_572 to %scan3A_574 step %scan3A_575 iter_args(%scan3A_1143 = %reduce_and3A_565, %scan3A_1144 = %scan3A) -> (i1, i1)  : i32 {
      %mul3A_1145 = arith.constant 2 : i32
      %mul3A_1146 = arith.muli %mul3A_1145, %scan3A_1142 : i32
      %add3A_1147 = arith.constant 0 : i32
      %add3A_1148 = arith.addi %mul3A_1146, %add3A_1147 : i32
      %dma_wait3A_1149 = arith.constant 0 : i32
      %dma_wait3A_1150 = arith.constant 0 : i32
      %dma_wait3A_1151 = tpu.memref_slice %arg3[%dma_wait3A_1149, %dma_wait3A_1150] : memref<2x256008xf32, #tpu.memory_space<hbm>> -> memref<2x136xf32, #tpu.memory_space<hbm>>
      %dma_wait3A_1152 = arith.constant 0 : i32
      %dma_wait3A_1153 = arith.constant 0 : i32
      %dma_wait3A_1154 = tpu.memref_slice %arg3[%dma_wait3A_1152, %dma_wait3A_1153] : memref<2x256008xf32, #tpu.memory_space<hbm>> -> memref<2x136xf32, #tpu.memory_space<hbm>>
      tpu.wait_dma2 semaphore(%arg14 : memref<!tpu.dma_semaphore, #tpu.memory_space<semaphore_mem>>) src(%dma_wait3A_1154 : memref<2x136xf32, #tpu.memory_space<hbm>>) dst(%arg6 : memref<2x136xf32, #tpu.memory_space<vmem>>)
      %add3A_1155 = arith.constant 1 : i32
      %add3A_1156 = arith.addi %add3A_1148, %add3A_1155 : i32
      %jit3A_1157 = arith.constant 2 : i32
      %div3A_1158 = arith.divsi %add3A_1156, %jit3A_1157 : i32
      %sign3A_1159 = arith.constant 0 : i32
      %sign3A_1160 = arith.cmpi sgt, %add3A_1156, %sign3A_1159 : i32
      %sign3A_1161 = arith.extui %sign3A_1160 : i1 to i32
      %sign3A_1162 = arith.constant 0 : i32
      %sign3A_1163 = arith.cmpi slt, %add3A_1156, %sign3A_1162 : i32
      %sign3A_1164 = arith.extui %sign3A_1163 : i1 to i32
      %sign3A_1165 = arith.subi %sign3A_1161, %sign3A_1164 : i32
      %sign3A_1166 = arith.constant 0 : i32
      %sign3A_1167 = arith.cmpi sgt, %jit3A_1157, %sign3A_1166 : i32
      %sign3A_1168 = arith.extui %sign3A_1167 : i1 to i32
      %sign3A_1169 = arith.constant 0 : i32
      %sign3A_1170 = arith.cmpi slt, %jit3A_1157, %sign3A_1169 : i32
      %sign3A_1171 = arith.extui %sign3A_1170 : i1 to i32
      %sign3A_1172 = arith.subi %sign3A_1168, %sign3A_1171 : i32
      %ne3A_1173 = arith.cmpi ne, %sign3A_1165, %sign3A_1172 : i32
      %rem3A_1174 = arith.remsi %add3A_1156, %jit3A_1157 : i32
      %ne3A_1175 = arith.constant 0 : i32
      %ne3A_1176 = arith.cmpi ne, %rem3A_1174, %ne3A_1175 : i32
      %and3A_1177 = arith.andi %ne3A_1173, %ne3A_1176 : i1
      %sub3A_1178 = arith.constant 1 : i32
      %sub3A_1179 = arith.subi %div3A_1158, %sub3A_1178 : i32
      %select_n3A_1180 = arith.select %and3A_1177, %sub3A_1179, %div3A_1158 : i32
      %add3A_1181 = arith.addi %mul3A_32, %select_n3A_1180 : i32
      %mul3A_1182 = arith.constant 1000 : i32
      %mul3A_1183 = arith.muli %add3A_1181, %mul3A_1182 : i32
      %add3A_1184 = arith.addi %mul3A_1183, %mul3A_34 : i32
      %jit3A_1185 = arith.constant 2 : i32
      %eq3A_1186 = arith.constant 0 : i32
      %eq3A_1187 = arith.cmpi eq, %jit3A_1185, %eq3A_1186 : i32
      %jit3A_1188 = arith.constant 1 : i32
      %select_n3A_1189 = arith.select %eq3A_1187, %jit3A_1188, %jit3A_1185 : i32
      %rem3A_1190 = arith.remsi %add3A_1156, %select_n3A_1189 : i32
      %ne3A_1191 = arith.constant 0 : i32
      %ne3A_1192 = arith.cmpi ne, %rem3A_1190, %ne3A_1191 : i32
      %lt3A_1193 = arith.constant 0 : i32
      %lt3A_1194 = arith.cmpi slt, %rem3A_1190, %lt3A_1193 : i32
      %lt3A_1195 = arith.constant 0 : i32
      %lt3A_1196 = arith.cmpi slt, %select_n3A_1189, %lt3A_1195 : i32
      %ne3A_1197 = arith.xori %lt3A_1194, %lt3A_1196 : i1
      %and3A_1198 = arith.andi %ne3A_1197, %ne3A_1192 : i1
      %add3A_1199 = arith.addi %rem3A_1190, %select_n3A_1189 : i32
      %select_n3A_1200 = arith.select %and3A_1198, %add3A_1199, %rem3A_1190 : i32
      %mul3A_1201 = arith.constant 125 : i32
      %mul3A_1202 = arith.muli %select_n3A_1200, %mul3A_1201 : i32
      %add3A_1203 = arith.addi %add3A_1184, %mul3A_1202 : i32
      %jit3A_1204 = arith.constant 8 : i32
      %eq3A_1205 = arith.constant 0 : i32
      %eq3A_1206 = arith.cmpi eq, %jit3A_1204, %eq3A_1205 : i32
      %jit3A_1207 = arith.constant 1 : i32
      %select_n3A_1208 = arith.select %eq3A_1206, %jit3A_1207, %jit3A_1204 : i32
      %rem3A_1209 = arith.remsi %add3A_1203, %select_n3A_1208 : i32
      %ne3A_1210 = arith.constant 0 : i32
      %ne3A_1211 = arith.cmpi ne, %rem3A_1209, %ne3A_1210 : i32
      %lt3A_1212 = arith.constant 0 : i32
      %lt3A_1213 = arith.cmpi slt, %rem3A_1209, %lt3A_1212 : i32
      %lt3A_1214 = arith.constant 0 : i32
      %lt3A_1215 = arith.cmpi slt, %select_n3A_1208, %lt3A_1214 : i32
      %ne3A_1216 = arith.xori %lt3A_1213, %lt3A_1215 : i1
      %and3A_1217 = arith.andi %ne3A_1216, %ne3A_1211 : i1
      %add3A_1218 = arith.addi %rem3A_1209, %select_n3A_1208 : i32
      %select_n3A_1219 = arith.select %and3A_1217, %add3A_1218, %rem3A_1209 : i32
      %broadcast_in_dim3A_1220 = arith.constant true
      %broadcast_in_dim3A_1221 = vector.broadcast %broadcast_in_dim3A_1220 : i1 to vector<16xi1>
      %add3A_1222 = arith.constant 0 : i32
      %add3A_1223 = arith.addi %select_n3A_1219, %add3A_1222 : i32
      %get3A_1224 = arith.constant 0 : i32
      %get3A_1225 = arith.index_cast %get3A_1224 : i32 to index
      %get3A_1226 = arith.index_cast %add3A_1223 : i32 to index
      %get3A_1227 = tpu.vector_load %arg6[%get3A_1225, %get3A_1226] {strides = array<i32>} : memref<2x136xf32, #tpu.memory_space<vmem>>, vector<16xf32>,
      %get3A_1228 = arith.constant 1 : i32
      %get3A_1229 = arith.index_cast %get3A_1228 : i32 to index
      %get3A_1230 = arith.index_cast %add3A_1223 : i32 to index
      %get3A_1231 = tpu.vector_load %arg6[%get3A_1229, %get3A_1230] {strides = array<i32>} : memref<2x136xf32, #tpu.memory_space<vmem>>, vector<16xf32>,
      %convert_element_type3A_1232 = arith.fptosi %get3A_1227 : vector<16xf32> to vector<16xi32>
      %jit3A_1233 = arith.constant 0 : i32
      %jit3A_1234 = arith.constant 999 : i32
      %max3A_1235 = vector.broadcast %jit3A_1233 : i32 to vector<16xi32>
      %max3A_1236 = arith.maxsi %max3A_1235, %convert_element_type3A_1232 : vector<16xi32>
      %min3A_1237 = vector.broadcast %jit3A_1234 : i32 to vector<16xi32>
      %min3A_1238 = arith.minsi %min3A_1237, %max3A_1236 : vector<16xi32>
      %mul3A_1239 = arith.constant 1000 : i32
      %mul3A_1240 = arith.muli %add3A_1181, %mul3A_1239 : i32
      %add3A_1241 = vector.broadcast %mul3A_1240 : i32 to vector<16xi32>
      %add3A_1242 = arith.addi %min3A_1238, %add3A_1241 : vector<16xi32>
      %convert_element_type3A_1243 = arith.fptosi %get3A_1231 : vector<16xf32> to vector<16xi32>
      %jit3A_1244 = arith.constant 0 : i32
      %jit3A_1245 = arith.constant 999 : i32
      %max3A_1246 = vector.broadcast %jit3A_1244 : i32 to vector<16xi32>
      %max3A_1247 = arith.maxsi %max3A_1246, %convert_element_type3A_1243 : vector<16xi32>
      %min3A_1248 = vector.broadcast %jit3A_1245 : i32 to vector<16xi32>
      %min3A_1249 = arith.minsi %min3A_1248, %max3A_1247 : vector<16xi32>
      %mul3A_1250 = arith.constant 1000 : i32
      %mul3A_1251 = arith.muli %add3A_1181, %mul3A_1250 : i32
      %add3A_1252 = vector.broadcast %mul3A_1251 : i32 to vector<16xi32>
      %add3A_1253 = arith.addi %min3A_1249, %add3A_1252 : vector<16xi32>
      %slice3A_1254 = vector.extract_strided_slice %add3A_1242 {offsets = [0], sizes = [1], strides = [1]} : vector<16xi32> to vector<1xi32>
      %squeeze3A_1255 = vector.extract %slice3A_1254[0] : i32 from vector<1xi32>
      %slice3A_1256 = vector.extract_strided_slice %add3A_1253 {offsets = [0], sizes = [1], strides = [1]} : vector<16xi32> to vector<1xi32>
      %squeeze3A_1257 = vector.extract %slice3A_1256[0] : i32 from vector<1xi32>
      %add3A_1258 = arith.constant 0 : i32
      %add3A_1259 = vector.broadcast %add3A_1258 : i32 to vector<16xi32>
      %add3A_1260 = arith.addi %add3A_1259, %iota3A : vector<16xi32>
      %ge3A_1261 = arith.constant 125 : i32
      %ge3A_1262 = vector.broadcast %ge3A_1261 : i32 to vector<16xi32>
      %ge3A_1263 = arith.cmpi sge, %add3A_1260, %ge3A_1262 : vector<16xi32>
      %broadcast_in_dim3A_1264 = vector.broadcast %squeeze3A_1255 : i32 to vector<16xi32>
      %eq3A_1265 = arith.cmpi eq, %add3A_1242, %broadcast_in_dim3A_1264 : vector<16xi32>
      %broadcast_in_dim3A_1266 = vector.broadcast %squeeze3A_1257 : i32 to vector<16xi32>
      %eq3A_1267 = arith.cmpi eq, %add3A_1253, %broadcast_in_dim3A_1266 : vector<16xi32>
      %and3A_1268 = arith.andi %eq3A_1265, %eq3A_1267 : vector<16xi1>
      %or3A_1269 = arith.ori %and3A_1268, %ge3A_1263 : vector<16xi1>
      %and3A_1270 = arith.andi %broadcast_in_dim3A_1221, %or3A_1269 : vector<16xi1>
      %swap3A_1271 = arith.constant 0 : i32
      %swap3A_1272 = arith.index_cast %swap3A_1271 : i32 to index
      %swap3A_1273 = arith.constant 0 : index
      %swap3A_1274 = tpu.vector_load %arg8[%swap3A_1272, %swap3A_1273] {strides = array<i32>} : memref<2x128xi32, #tpu.memory_space<vmem>>, vector<16xi32>,
      tpu.vector_store %arg8[%swap3A_1272, %swap3A_1273], %add3A_1242 {strides = array<i32>} : memref<2x128xi32, #tpu.memory_space<vmem>>, vector<16xi32>,
      %swap3A_1275 = arith.constant 1 : i32
      %swap3A_1276 = arith.index_cast %swap3A_1275 : i32 to index
      %swap3A_1277 = arith.constant 0 : index
      %swap3A_1278 = tpu.vector_load %arg8[%swap3A_1276, %swap3A_1277] {strides = array<i32>} : memref<2x128xi32, #tpu.memory_space<vmem>>, vector<16xi32>,
      tpu.vector_store %arg8[%swap3A_1276, %swap3A_1277], %add3A_1253 {strides = array<i32>} : memref<2x128xi32, #tpu.memory_space<vmem>>, vector<16xi32>,
      %add3A_1279 = arith.constant 16 : i32
      %add3A_1280 = arith.addi %select_n3A_1219, %add3A_1279 : i32
      %get3A_1281 = arith.constant 0 : i32
      %get3A_1282 = arith.index_cast %get3A_1281 : i32 to index
      %get3A_1283 = arith.index_cast %add3A_1280 : i32 to index
      %get3A_1284 = tpu.vector_load %arg6[%get3A_1282, %get3A_1283] {strides = array<i32>} : memref<2x136xf32, #tpu.memory_space<vmem>>, vector<16xf32>,
      %get3A_1285 = arith.constant 1 : i32
      %get3A_1286 = arith.index_cast %get3A_1285 : i32 to index
      %get3A_1287 = arith.index_cast %add3A_1280 : i32 to index
      %get3A_1288 = tpu.vector_load %arg6[%get3A_1286, %get3A_1287] {strides = array<i32>} : memref<2x136xf32, #tpu.memory_space<vmem>>, vector<16xf32>,
      %convert_element_type3A_1289 = arith.fptosi %get3A_1284 : vector<16xf32> to vector<16xi32>
      %jit3A_1290 = arith.constant 0 : i32
      %jit3A_1291 = arith.constant 999 : i32
      %max3A_1292 = vector.broadcast %jit3A_1290 : i32 to vector<16xi32>
      %max3A_1293 = arith.maxsi %max3A_1292, %convert_element_type3A_1289 : vector<16xi32>
      %min3A_1294 = vector.broadcast %jit3A_1291 : i32 to vector<16xi32>
      %min3A_1295 = arith.minsi %min3A_1294, %max3A_1293 : vector<16xi32>
      %mul3A_1296 = arith.constant 1000 : i32
      %mul3A_1297 = arith.muli %add3A_1181, %mul3A_1296 : i32
      %add3A_1298 = vector.broadcast %mul3A_1297 : i32 to vector<16xi32>
      %add3A_1299 = arith.addi %min3A_1295, %add3A_1298 : vector<16xi32>
      %convert_element_type3A_1300 = arith.fptosi %get3A_1288 : vector<16xf32> to vector<16xi32>
      %jit3A_1301 = arith.constant 0 : i32
      %jit3A_1302 = arith.constant 999 : i32
      %max3A_1303 = vector.broadcast %jit3A_1301 : i32 to vector<16xi32>
      %max3A_1304 = arith.maxsi %max3A_1303, %convert_element_type3A_1300 : vector<16xi32>
      %min3A_1305 = vector.broadcast %jit3A_1302 : i32 to vector<16xi32>
      %min3A_1306 = arith.minsi %min3A_1305, %max3A_1304 : vector<16xi32>
      %mul3A_1307 = arith.constant 1000 : i32
      %mul3A_1308 = arith.muli %add3A_1181, %mul3A_1307 : i32
      %add3A_1309 = vector.broadcast %mul3A_1308 : i32 to vector<16xi32>
      %add3A_1310 = arith.addi %min3A_1306, %add3A_1309 : vector<16xi32>
      %add3A_1311 = arith.constant 16 : i32
      %add3A_1312 = vector.broadcast %add3A_1311 : i32 to vector<16xi32>
      %add3A_1313 = arith.addi %add3A_1312, %iota3A : vector<16xi32>
      %ge3A_1314 = arith.constant 125 : i32
      %ge3A_1315 = vector.broadcast %ge3A_1314 : i32 to vector<16xi32>
      %ge3A_1316 = arith.cmpi sge, %add3A_1313, %ge3A_1315 : vector<16xi32>
      %broadcast_in_dim3A_1317 = vector.broadcast %squeeze3A_1255 : i32 to vector<16xi32>
      %eq3A_1318 = arith.cmpi eq, %add3A_1299, %broadcast_in_dim3A_1317 : vector<16xi32>
      %broadcast_in_dim3A_1319 = vector.broadcast %squeeze3A_1257 : i32 to vector<16xi32>
      %eq3A_1320 = arith.cmpi eq, %add3A_1310, %broadcast_in_dim3A_1319 : vector<16xi32>
      %and3A_1321 = arith.andi %eq3A_1318, %eq3A_1320 : vector<16xi1>
      %or3A_1322 = arith.ori %and3A_1321, %ge3A_1316 : vector<16xi1>
      %and3A_1323 = arith.andi %and3A_1270, %or3A_1322 : vector<16xi1>
      %swap3A_1324 = arith.constant 0 : i32
      %swap3A_1325 = arith.index_cast %swap3A_1324 : i32 to index
      %swap3A_1326 = arith.constant 16 : index
      %swap3A_1327 = tpu.vector_load %arg8[%swap3A_1325, %swap3A_1326] {strides = array<i32>} : memref<2x128xi32, #tpu.memory_space<vmem>>, vector<16xi32>,
      tpu.vector_store %arg8[%swap3A_1325, %swap3A_1326], %add3A_1299 {strides = array<i32>} : memref<2x128xi32, #tpu.memory_space<vmem>>, vector<16xi32>,
      %swap3A_1328 = arith.constant 1 : i32
      %swap3A_1329 = arith.index_cast %swap3A_1328 : i32 to index
      %swap3A_1330 = arith.constant 16 : index
      %swap3A_1331 = tpu.vector_load %arg8[%swap3A_1329, %swap3A_1330] {strides = array<i32>} : memref<2x128xi32, #tpu.memory_space<vmem>>, vector<16xi32>,
      tpu.vector_store %arg8[%swap3A_1329, %swap3A_1330], %add3A_1310 {strides = array<i32>} : memref<2x128xi32, #tpu.memory_space<vmem>>, vector<16xi32>,
      %add3A_1332 = arith.constant 32 : i32
      %add3A_1333 = arith.addi %select_n3A_1219, %add3A_1332 : i32
      %get3A_1334 = arith.constant 0 : i32
      %get3A_1335 = arith.index_cast %get3A_1334 : i32 to index
      %get3A_1336 = arith.index_cast %add3A_1333 : i32 to index
      %get3A_1337 = tpu.vector_load %arg6[%get3A_1335, %get3A_1336] {strides = array<i32>} : memref<2x136xf32, #tpu.memory_space<vmem>>, vector<16xf32>,
      %get3A_1338 = arith.constant 1 : i32
      %get3A_1339 = arith.index_cast %get3A_1338 : i32 to index
      %get3A_1340 = arith.index_cast %add3A_1333 : i32 to index
      %get3A_1341 = tpu.vector_load %arg6[%get3A_1339, %get3A_1340] {strides = array<i32>} : memref<2x136xf32, #tpu.memory_space<vmem>>, vector<16xf32>,
      %convert_element_type3A_1342 = arith.fptosi %get3A_1337 : vector<16xf32> to vector<16xi32>
      %jit3A_1343 = arith.constant 0 : i32
      %jit3A_1344 = arith.constant 999 : i32
      %max3A_1345 = vector.broadcast %jit3A_1343 : i32 to vector<16xi32>
      %max3A_1346 = arith.maxsi %max3A_1345, %convert_element_type3A_1342 : vector<16xi32>
      %min3A_1347 = vector.broadcast %jit3A_1344 : i32 to vector<16xi32>
      %min3A_1348 = arith.minsi %min3A_1347, %max3A_1346 : vector<16xi32>
      %mul3A_1349 = arith.constant 1000 : i32
      %mul3A_1350 = arith.muli %add3A_1181, %mul3A_1349 : i32
      %add3A_1351 = vector.broadcast %mul3A_1350 : i32 to vector<16xi32>
      %add3A_1352 = arith.addi %min3A_1348, %add3A_1351 : vector<16xi32>
      %convert_element_type3A_1353 = arith.fptosi %get3A_1341 : vector<16xf32> to vector<16xi32>
      %jit3A_1354 = arith.constant 0 : i32
      %jit3A_1355 = arith.constant 999 : i32
      %max3A_1356 = vector.broadcast %jit3A_1354 : i32 to vector<16xi32>
      %max3A_1357 = arith.maxsi %max3A_1356, %convert_element_type3A_1353 : vector<16xi32>
      %min3A_1358 = vector.broadcast %jit3A_1355 : i32 to vector<16xi32>
      %min3A_1359 = arith.minsi %min3A_1358, %max3A_1357 : vector<16xi32>
      %mul3A_1360 = arith.constant 1000 : i32
      %mul3A_1361 = arith.muli %add3A_1181, %mul3A_1360 : i32
      %add3A_1362 = vector.broadcast %mul3A_1361 : i32 to vector<16xi32>
      %add3A_1363 = arith.addi %min3A_1359, %add3A_1362 : vector<16xi32>
      %add3A_1364 = arith.constant 32 : i32
      %add3A_1365 = vector.broadcast %add3A_1364 : i32 to vector<16xi32>
      %add3A_1366 = arith.addi %add3A_1365, %iota3A : vector<16xi32>
      %ge3A_1367 = arith.constant 125 : i32
      %ge3A_1368 = vector.broadcast %ge3A_1367 : i32 to vector<16xi32>
      %ge3A_1369 = arith.cmpi sge, %add3A_1366, %ge3A_1368 : vector<16xi32>
      %broadcast_in_dim3A_1370 = vector.broadcast %squeeze3A_1255 : i32 to vector<16xi32>
      %eq3A_1371 = arith.cmpi eq, %add3A_1352, %broadcast_in_dim3A_1370 : vector<16xi32>
      %broadcast_in_dim3A_1372 = vector.broadcast %squeeze3A_1257 : i32 to vector<16xi32>
      %eq3A_1373 = arith.cmpi eq, %add3A_1363, %broadcast_in_dim3A_1372 : vector<16xi32>
      %and3A_1374 = arith.andi %eq3A_1371, %eq3A_1373 : vector<16xi1>
      %or3A_1375 = arith.ori %and3A_1374, %ge3A_1369 : vector<16xi1>
      %and3A_1376 = arith.andi %and3A_1323, %or3A_1375 : vector<16xi1>
      %swap3A_1377 = arith.constant 0 : i32
      %swap3A_1378 = arith.index_cast %swap3A_1377 : i32 to index
      %swap3A_1379 = arith.constant 32 : index
      %swap3A_1380 = tpu.vector_load %arg8[%swap3A_1378, %swap3A_1379] {strides = array<i32>} : memref<2x128xi32, #tpu.memory_space<vmem>>, vector<16xi32>,
      tpu.vector_store %arg8[%swap3A_1378, %swap3A_1379], %add3A_1352 {strides = array<i32>} : memref<2x128xi32, #tpu.memory_space<vmem>>, vector<16xi32>,
      %swap3A_1381 = arith.constant 1 : i32
      %swap3A_1382 = arith.index_cast %swap3A_1381 : i32 to index
      %swap3A_1383 = arith.constant 32 : index
      %swap3A_1384 = tpu.vector_load %arg8[%swap3A_1382, %swap3A_1383] {strides = array<i32>} : memref<2x128xi32, #tpu.memory_space<vmem>>, vector<16xi32>,
      tpu.vector_store %arg8[%swap3A_1382, %swap3A_1383], %add3A_1363 {strides = array<i32>} : memref<2x128xi32, #tpu.memory_space<vmem>>, vector<16xi32>,
      %add3A_1385 = arith.constant 48 : i32
      %add3A_1386 = arith.addi %select_n3A_1219, %add3A_1385 : i32
      %get3A_1387 = arith.constant 0 : i32
      %get3A_1388 = arith.index_cast %get3A_1387 : i32 to index
      %get3A_1389 = arith.index_cast %add3A_1386 : i32 to index
      %get3A_1390 = tpu.vector_load %arg6[%get3A_1388, %get3A_1389] {strides = array<i32>} : memref<2x136xf32, #tpu.memory_space<vmem>>, vector<16xf32>,
      %get3A_1391 = arith.constant 1 : i32
      %get3A_1392 = arith.index_cast %get3A_1391 : i32 to index
      %get3A_1393 = arith.index_cast %add3A_1386 : i32 to index
      %get3A_1394 = tpu.vector_load %arg6[%get3A_1392, %get3A_1393] {strides = array<i32>} : memref<2x136xf32, #tpu.memory_space<vmem>>, vector<16xf32>,
      %convert_element_type3A_1395 = arith.fptosi %get3A_1390 : vector<16xf32> to vector<16xi32>
      %jit3A_1396 = arith.constant 0 : i32
      %jit3A_1397 = arith.constant 999 : i32
      %max3A_1398 = vector.broadcast %jit3A_1396 : i32 to vector<16xi32>
      %max3A_1399 = arith.maxsi %max3A_1398, %convert_element_type3A_1395 : vector<16xi32>
      %min3A_1400 = vector.broadcast %jit3A_1397 : i32 to vector<16xi32>
      %min3A_1401 = arith.minsi %min3A_1400, %max3A_1399 : vector<16xi32>
      %mul3A_1402 = arith.constant 1000 : i32
      %mul3A_1403 = arith.muli %add3A_1181, %mul3A_1402 : i32
      %add3A_1404 = vector.broadcast %mul3A_1403 : i32 to vector<16xi32>
      %add3A_1405 = arith.addi %min3A_1401, %add3A_1404 : vector<16xi32>
      %convert_element_type3A_1406 = arith.fptosi %get3A_1394 : vector<16xf32> to vector<16xi32>
      %jit3A_1407 = arith.constant 0 : i32
      %jit3A_1408 = arith.constant 999 : i32
      %max3A_1409 = vector.broadcast %jit3A_1407 : i32 to vector<16xi32>
      %max3A_1410 = arith.maxsi %max3A_1409, %convert_element_type3A_1406 : vector<16xi32>
      %min3A_1411 = vector.broadcast %jit3A_1408 : i32 to vector<16xi32>
      %min3A_1412 = arith.minsi %min3A_1411, %max3A_1410 : vector<16xi32>
      %mul3A_1413 = arith.constant 1000 : i32
      %mul3A_1414 = arith.muli %add3A_1181, %mul3A_1413 : i32
      %add3A_1415 = vector.broadcast %mul3A_1414 : i32 to vector<16xi32>
      %add3A_1416 = arith.addi %min3A_1412, %add3A_1415 : vector<16xi32>
      %add3A_1417 = arith.constant 48 : i32
      %add3A_1418 = vector.broadcast %add3A_1417 : i32 to vector<16xi32>
      %add3A_1419 = arith.addi %add3A_1418, %iota3A : vector<16xi32>
      %ge3A_1420 = arith.constant 125 : i32
      %ge3A_1421 = vector.broadcast %ge3A_1420 : i32 to vector<16xi32>
      %ge3A_1422 = arith.cmpi sge, %add3A_1419, %ge3A_1421 : vector<16xi32>
      %broadcast_in_dim3A_1423 = vector.broadcast %squeeze3A_1255 : i32 to vector<16xi32>
      %eq3A_1424 = arith.cmpi eq, %add3A_1405, %broadcast_in_dim3A_1423 : vector<16xi32>
      %broadcast_in_dim3A_1425 = vector.broadcast %squeeze3A_1257 : i32 to vector<16xi32>
      %eq3A_1426 = arith.cmpi eq, %add3A_1416, %broadcast_in_dim3A_1425 : vector<16xi32>
      %and3A_1427 = arith.andi %eq3A_1424, %eq3A_1426 : vector<16xi1>
      %or3A_1428 = arith.ori %and3A_1427, %ge3A_1422 : vector<16xi1>
      %and3A_1429 = arith.andi %and3A_1376, %or3A_1428 : vector<16xi1>
      %swap3A_1430 = arith.constant 0 : i32
      %swap3A_1431 = arith.index_cast %swap3A_1430 : i32 to index
      %swap3A_1432 = arith.constant 48 : index
      %swap3A_1433 = tpu.vector_load %arg8[%swap3A_1431, %swap3A_1432] {strides = array<i32>} : memref<2x128xi32, #tpu.memory_space<vmem>>, vector<16xi32>,
      tpu.vector_store %arg8[%swap3A_1431, %swap3A_1432], %add3A_1405 {strides = array<i32>} : memref<2x128xi32, #tpu.memory_space<vmem>>, vector<16xi32>,
      %swap3A_1434 = arith.constant 1 : i32
      %swap3A_1435 = arith.index_cast %swap3A_1434 : i32 to index
      %swap3A_1436 = arith.constant 48 : index
      %swap3A_1437 = tpu.vector_load %arg8[%swap3A_1435, %swap3A_1436] {strides = array<i32>} : memref<2x128xi32, #tpu.memory_space<vmem>>, vector<16xi32>,
      tpu.vector_store %arg8[%swap3A_1435, %swap3A_1436], %add3A_1416 {strides = array<i32>} : memref<2x128xi32, #tpu.memory_space<vmem>>, vector<16xi32>,
      %add3A_1438 = arith.constant 64 : i32
      %add3A_1439 = arith.addi %select_n3A_1219, %add3A_1438 : i32
      %get3A_1440 = arith.constant 0 : i32
      %get3A_1441 = arith.index_cast %get3A_1440 : i32 to index
      %get3A_1442 = arith.index_cast %add3A_1439 : i32 to index
      %get3A_1443 = tpu.vector_load %arg6[%get3A_1441, %get3A_1442] {strides = array<i32>} : memref<2x136xf32, #tpu.memory_space<vmem>>, vector<16xf32>,
      %get3A_1444 = arith.constant 1 : i32
      %get3A_1445 = arith.index_cast %get3A_1444 : i32 to index
      %get3A_1446 = arith.index_cast %add3A_1439 : i32 to index
      %get3A_1447 = tpu.vector_load %arg6[%get3A_1445, %get3A_1446] {strides = array<i32>} : memref<2x136xf32, #tpu.memory_space<vmem>>, vector<16xf32>,
      %convert_element_type3A_1448 = arith.fptosi %get3A_1443 : vector<16xf32> to vector<16xi32>
      %jit3A_1449 = arith.constant 0 : i32
      %jit3A_1450 = arith.constant 999 : i32
      %max3A_1451 = vector.broadcast %jit3A_1449 : i32 to vector<16xi32>
      %max3A_1452 = arith.maxsi %max3A_1451, %convert_element_type3A_1448 : vector<16xi32>
      %min3A_1453 = vector.broadcast %jit3A_1450 : i32 to vector<16xi32>
      %min3A_1454 = arith.minsi %min3A_1453, %max3A_1452 : vector<16xi32>
      %mul3A_1455 = arith.constant 1000 : i32
      %mul3A_1456 = arith.muli %add3A_1181, %mul3A_1455 : i32
      %add3A_1457 = vector.broadcast %mul3A_1456 : i32 to vector<16xi32>
      %add3A_1458 = arith.addi %min3A_1454, %add3A_1457 : vector<16xi32>
      %convert_element_type3A_1459 = arith.fptosi %get3A_1447 : vector<16xf32> to vector<16xi32>
      %jit3A_1460 = arith.constant 0 : i32
      %jit3A_1461 = arith.constant 999 : i32
      %max3A_1462 = vector.broadcast %jit3A_1460 : i32 to vector<16xi32>
      %max3A_1463 = arith.maxsi %max3A_1462, %convert_element_type3A_1459 : vector<16xi32>
      %min3A_1464 = vector.broadcast %jit3A_1461 : i32 to vector<16xi32>
      %min3A_1465 = arith.minsi %min3A_1464, %max3A_1463 : vector<16xi32>
      %mul3A_1466 = arith.constant 1000 : i32
      %mul3A_1467 = arith.muli %add3A_1181, %mul3A_1466 : i32
      %add3A_1468 = vector.broadcast %mul3A_1467 : i32 to vector<16xi32>
      %add3A_1469 = arith.addi %min3A_1465, %add3A_1468 : vector<16xi32>
      %add3A_1470 = arith.constant 64 : i32
      %add3A_1471 = vector.broadcast %add3A_1470 : i32 to vector<16xi32>
      %add3A_1472 = arith.addi %add3A_1471, %iota3A : vector<16xi32>
      %ge3A_1473 = arith.constant 125 : i32
      %ge3A_1474 = vector.broadcast %ge3A_1473 : i32 to vector<16xi32>
      %ge3A_1475 = arith.cmpi sge, %add3A_1472, %ge3A_1474 : vector<16xi32>
      %broadcast_in_dim3A_1476 = vector.broadcast %squeeze3A_1255 : i32 to vector<16xi32>
      %eq3A_1477 = arith.cmpi eq, %add3A_1458, %broadcast_in_dim3A_1476 : vector<16xi32>
      %broadcast_in_dim3A_1478 = vector.broadcast %squeeze3A_1257 : i32 to vector<16xi32>
      %eq3A_1479 = arith.cmpi eq, %add3A_1469, %broadcast_in_dim3A_1478 : vector<16xi32>
      %and3A_1480 = arith.andi %eq3A_1477, %eq3A_1479 : vector<16xi1>
      %or3A_1481 = arith.ori %and3A_1480, %ge3A_1475 : vector<16xi1>
      %and3A_1482 = arith.andi %and3A_1429, %or3A_1481 : vector<16xi1>
      %swap3A_1483 = arith.constant 0 : i32
      %swap3A_1484 = arith.index_cast %swap3A_1483 : i32 to index
      %swap3A_1485 = arith.constant 64 : index
      %swap3A_1486 = tpu.vector_load %arg8[%swap3A_1484, %swap3A_1485] {strides = array<i32>} : memref<2x128xi32, #tpu.memory_space<vmem>>, vector<16xi32>,
      tpu.vector_store %arg8[%swap3A_1484, %swap3A_1485], %add3A_1458 {strides = array<i32>} : memref<2x128xi32, #tpu.memory_space<vmem>>, vector<16xi32>,
      %swap3A_1487 = arith.constant 1 : i32
      %swap3A_1488 = arith.index_cast %swap3A_1487 : i32 to index
      %swap3A_1489 = arith.constant 64 : index
      %swap3A_1490 = tpu.vector_load %arg8[%swap3A_1488, %swap3A_1489] {strides = array<i32>} : memref<2x128xi32, #tpu.memory_space<vmem>>, vector<16xi32>,
      tpu.vector_store %arg8[%swap3A_1488, %swap3A_1489], %add3A_1469 {strides = array<i32>} : memref<2x128xi32, #tpu.memory_space<vmem>>, vector<16xi32>,
      %add3A_1491 = arith.constant 80 : i32
      %add3A_1492 = arith.addi %select_n3A_1219, %add3A_1491 : i32
      %get3A_1493 = arith.constant 0 : i32
      %get3A_1494 = arith.index_cast %get3A_1493 : i32 to index
      %get3A_1495 = arith.index_cast %add3A_1492 : i32 to index
      %get3A_1496 = tpu.vector_load %arg6[%get3A_1494, %get3A_1495] {strides = array<i32>} : memref<2x136xf32, #tpu.memory_space<vmem>>, vector<16xf32>,
      %get3A_1497 = arith.constant 1 : i32
      %get3A_1498 = arith.index_cast %get3A_1497 : i32 to index
      %get3A_1499 = arith.index_cast %add3A_1492 : i32 to index
      %get3A_1500 = tpu.vector_load %arg6[%get3A_1498, %get3A_1499] {strides = array<i32>} : memref<2x136xf32, #tpu.memory_space<vmem>>, vector<16xf32>,
      %convert_element_type3A_1501 = arith.fptosi %get3A_1496 : vector<16xf32> to vector<16xi32>
      %jit3A_1502 = arith.constant 0 : i32
      %jit3A_1503 = arith.constant 999 : i32
      %max3A_1504 = vector.broadcast %jit3A_1502 : i32 to vector<16xi32>
      %max3A_1505 = arith.maxsi %max3A_1504, %convert_element_type3A_1501 : vector<16xi32>
      %min3A_1506 = vector.broadcast %jit3A_1503 : i32 to vector<16xi32>
      %min3A_1507 = arith.minsi %min3A_1506, %max3A_1505 : vector<16xi32>
      %mul3A_1508 = arith.constant 1000 : i32
      %mul3A_1509 = arith.muli %add3A_1181, %mul3A_1508 : i32
      %add3A_1510 = vector.broadcast %mul3A_1509 : i32 to vector<16xi32>
      %add3A_1511 = arith.addi %min3A_1507, %add3A_1510 : vector<16xi32>
      %convert_element_type3A_1512 = arith.fptosi %get3A_1500 : vector<16xf32> to vector<16xi32>
      %jit3A_1513 = arith.constant 0 : i32
      %jit3A_1514 = arith.constant 999 : i32
      %max3A_1515 = vector.broadcast %jit3A_1513 : i32 to vector<16xi32>
      %max3A_1516 = arith.maxsi %max3A_1515, %convert_element_type3A_1512 : vector<16xi32>
      %min3A_1517 = vector.broadcast %jit3A_1514 : i32 to vector<16xi32>
      %min3A_1518 = arith.minsi %min3A_1517, %max3A_1516 : vector<16xi32>
      %mul3A_1519 = arith.constant 1000 : i32
      %mul3A_1520 = arith.muli %add3A_1181, %mul3A_1519 : i32
      %add3A_1521 = vector.broadcast %mul3A_1520 : i32 to vector<16xi32>
      %add3A_1522 = arith.addi %min3A_1518, %add3A_1521 : vector<16xi32>
      %add3A_1523 = arith.constant 80 : i32
      %add3A_1524 = vector.broadcast %add3A_1523 : i32 to vector<16xi32>
      %add3A_1525 = arith.addi %add3A_1524, %iota3A : vector<16xi32>
      %ge3A_1526 = arith.constant 125 : i32
      %ge3A_1527 = vector.broadcast %ge3A_1526 : i32 to vector<16xi32>
      %ge3A_1528 = arith.cmpi sge, %add3A_1525, %ge3A_1527 : vector<16xi32>
      %broadcast_in_dim3A_1529 = vector.broadcast %squeeze3A_1255 : i32 to vector<16xi32>
      %eq3A_1530 = arith.cmpi eq, %add3A_1511, %broadcast_in_dim3A_1529 : vector<16xi32>
      %broadcast_in_dim3A_1531 = vector.broadcast %squeeze3A_1257 : i32 to vector<16xi32>
      %eq3A_1532 = arith.cmpi eq, %add3A_1522, %broadcast_in_dim3A_1531 : vector<16xi32>
      %and3A_1533 = arith.andi %eq3A_1530, %eq3A_1532 : vector<16xi1>
      %or3A_1534 = arith.ori %and3A_1533, %ge3A_1528 : vector<16xi1>
      %and3A_1535 = arith.andi %and3A_1482, %or3A_1534 : vector<16xi1>
      %swap3A_1536 = arith.constant 0 : i32
      %swap3A_1537 = arith.index_cast %swap3A_1536 : i32 to index
      %swap3A_1538 = arith.constant 80 : index
      %swap3A_1539 = tpu.vector_load %arg8[%swap3A_1537, %swap3A_1538] {strides = array<i32>} : memref<2x128xi32, #tpu.memory_space<vmem>>, vector<16xi32>,
      tpu.vector_store %arg8[%swap3A_1537, %swap3A_1538], %add3A_1511 {strides = array<i32>} : memref<2x128xi32, #tpu.memory_space<vmem>>, vector<16xi32>,
      %swap3A_1540 = arith.constant 1 : i32
      %swap3A_1541 = arith.index_cast %swap3A_1540 : i32 to index
      %swap3A_1542 = arith.constant 80 : index
      %swap3A_1543 = tpu.vector_load %arg8[%swap3A_1541, %swap3A_1542] {strides = array<i32>} : memref<2x128xi32, #tpu.memory_space<vmem>>, vector<16xi32>,
      tpu.vector_store %arg8[%swap3A_1541, %swap3A_1542], %add3A_1522 {strides = array<i32>} : memref<2x128xi32, #tpu.memory_space<vmem>>, vector<16xi32>,
      %add3A_1544 = arith.constant 96 : i32
      %add3A_1545 = arith.addi %select_n3A_1219, %add3A_1544 : i32
      %get3A_1546 = arith.constant 0 : i32
      %get3A_1547 = arith.index_cast %get3A_1546 : i32 to index
      %get3A_1548 = arith.index_cast %add3A_1545 : i32 to index
      %get3A_1549 = tpu.vector_load %arg6[%get3A_1547, %get3A_1548] {strides = array<i32>} : memref<2x136xf32, #tpu.memory_space<vmem>>, vector<16xf32>,
      %get3A_1550 = arith.constant 1 : i32
      %get3A_1551 = arith.index_cast %get3A_1550 : i32 to index
      %get3A_1552 = arith.index_cast %add3A_1545 : i32 to index
      %get3A_1553 = tpu.vector_load %arg6[%get3A_1551, %get3A_1552] {strides = array<i32>} : memref<2x136xf32, #tpu.memory_space<vmem>>, vector<16xf32>,
      %convert_element_type3A_1554 = arith.fptosi %get3A_1549 : vector<16xf32> to vector<16xi32>
      %jit3A_1555 = arith.constant 0 : i32
      %jit3A_1556 = arith.constant 999 : i32
      %max3A_1557 = vector.broadcast %jit3A_1555 : i32 to vector<16xi32>
      %max3A_1558 = arith.maxsi %max3A_1557, %convert_element_type3A_1554 : vector<16xi32>
      %min3A_1559 = vector.broadcast %jit3A_1556 : i32 to vector<16xi32>
      %min3A_1560 = arith.minsi %min3A_1559, %max3A_1558 : vector<16xi32>
      %mul3A_1561 = arith.constant 1000 : i32
      %mul3A_1562 = arith.muli %add3A_1181, %mul3A_1561 : i32
      %add3A_1563 = vector.broadcast %mul3A_1562 : i32 to vector<16xi32>
      %add3A_1564 = arith.addi %min3A_1560, %add3A_1563 : vector<16xi32>
      %convert_element_type3A_1565 = arith.fptosi %get3A_1553 : vector<16xf32> to vector<16xi32>
      %jit3A_1566 = arith.constant 0 : i32
      %jit3A_1567 = arith.constant 999 : i32
      %max3A_1568 = vector.broadcast %jit3A_1566 : i32 to vector<16xi32>
      %max3A_1569 = arith.maxsi %max3A_1568, %convert_element_type3A_1565 : vector<16xi32>
      %min3A_1570 = vector.broadcast %jit3A_1567 : i32 to vector<16xi32>
      %min3A_1571 = arith.minsi %min3A_1570, %max3A_1569 : vector<16xi32>
      %mul3A_1572 = arith.constant 1000 : i32
      %mul3A_1573 = arith.muli %add3A_1181, %mul3A_1572 : i32
      %add3A_1574 = vector.broadcast %mul3A_1573 : i32 to vector<16xi32>
      %add3A_1575 = arith.addi %min3A_1571, %add3A_1574 : vector<16xi32>
      %add3A_1576 = arith.constant 96 : i32
      %add3A_1577 = vector.broadcast %add3A_1576 : i32 to vector<16xi32>
      %add3A_1578 = arith.addi %add3A_1577, %iota3A : vector<16xi32>
      %ge3A_1579 = arith.constant 125 : i32
      %ge3A_1580 = vector.broadcast %ge3A_1579 : i32 to vector<16xi32>
      %ge3A_1581 = arith.cmpi sge, %add3A_1578, %ge3A_1580 : vector<16xi32>
      %broadcast_in_dim3A_1582 = vector.broadcast %squeeze3A_1255 : i32 to vector<16xi32>
      %eq3A_1583 = arith.cmpi eq, %add3A_1564, %broadcast_in_dim3A_1582 : vector<16xi32>
      %broadcast_in_dim3A_1584 = vector.broadcast %squeeze3A_1257 : i32 to vector<16xi32>
      %eq3A_1585 = arith.cmpi eq, %add3A_1575, %broadcast_in_dim3A_1584 : vector<16xi32>
      %and3A_1586 = arith.andi %eq3A_1583, %eq3A_1585 : vector<16xi1>
      %or3A_1587 = arith.ori %and3A_1586, %ge3A_1581 : vector<16xi1>
      %and3A_1588 = arith.andi %and3A_1535, %or3A_1587 : vector<16xi1>
      %swap3A_1589 = arith.constant 0 : i32
      %swap3A_1590 = arith.index_cast %swap3A_1589 : i32 to index
      %swap3A_1591 = arith.constant 96 : index
      %swap3A_1592 = tpu.vector_load %arg8[%swap3A_1590, %swap3A_1591] {strides = array<i32>} : memref<2x128xi32, #tpu.memory_space<vmem>>, vector<16xi32>,
      tpu.vector_store %arg8[%swap3A_1590, %swap3A_1591], %add3A_1564 {strides = array<i32>} : memref<2x128xi32, #tpu.memory_space<vmem>>, vector<16xi32>,
      %swap3A_1593 = arith.constant 1 : i32
      %swap3A_1594 = arith.index_cast %swap3A_1593 : i32 to index
      %swap3A_1595 = arith.constant 96 : index
      %swap3A_1596 = tpu.vector_load %arg8[%swap3A_1594, %swap3A_1595] {strides = array<i32>} : memref<2x128xi32, #tpu.memory_space<vmem>>, vector<16xi32>,
      tpu.vector_store %arg8[%swap3A_1594, %swap3A_1595], %add3A_1575 {strides = array<i32>} : memref<2x128xi32, #tpu.memory_space<vmem>>, vector<16xi32>,
      %add3A_1597 = arith.constant 112 : i32
      %add3A_1598 = arith.addi %select_n3A_1219, %add3A_1597 : i32
      %get3A_1599 = arith.constant 0 : i32
      %get3A_1600 = arith.index_cast %get3A_1599 : i32 to index
      %get3A_1601 = arith.index_cast %add3A_1598 : i32 to index
      %get3A_1602 = tpu.vector_load %arg6[%get3A_1600, %get3A_1601] {strides = array<i32>} : memref<2x136xf32, #tpu.memory_space<vmem>>, vector<16xf32>,
      %get3A_1603 = arith.constant 1 : i32
      %get3A_1604 = arith.index_cast %get3A_1603 : i32 to index
      %get3A_1605 = arith.index_cast %add3A_1598 : i32 to index
      %get3A_1606 = tpu.vector_load %arg6[%get3A_1604, %get3A_1605] {strides = array<i32>} : memref<2x136xf32, #tpu.memory_space<vmem>>, vector<16xf32>,
      %convert_element_type3A_1607 = arith.fptosi %get3A_1602 : vector<16xf32> to vector<16xi32>
      %jit3A_1608 = arith.constant 0 : i32
      %jit3A_1609 = arith.constant 999 : i32
      %max3A_1610 = vector.broadcast %jit3A_1608 : i32 to vector<16xi32>
      %max3A_1611 = arith.maxsi %max3A_1610, %convert_element_type3A_1607 : vector<16xi32>
      %min3A_1612 = vector.broadcast %jit3A_1609 : i32 to vector<16xi32>
      %min3A_1613 = arith.minsi %min3A_1612, %max3A_1611 : vector<16xi32>
      %mul3A_1614 = arith.constant 1000 : i32
      %mul3A_1615 = arith.muli %add3A_1181, %mul3A_1614 : i32
      %add3A_1616 = vector.broadcast %mul3A_1615 : i32 to vector<16xi32>
      %add3A_1617 = arith.addi %min3A_1613, %add3A_1616 : vector<16xi32>
      %convert_element_type3A_1618 = arith.fptosi %get3A_1606 : vector<16xf32> to vector<16xi32>
      %jit3A_1619 = arith.constant 0 : i32
      %jit3A_1620 = arith.constant 999 : i32
      %max3A_1621 = vector.broadcast %jit3A_1619 : i32 to vector<16xi32>
      %max3A_1622 = arith.maxsi %max3A_1621, %convert_element_type3A_1618 : vector<16xi32>
      %min3A_1623 = vector.broadcast %jit3A_1620 : i32 to vector<16xi32>
      %min3A_1624 = arith.minsi %min3A_1623, %max3A_1622 : vector<16xi32>
      %mul3A_1625 = arith.constant 1000 : i32
      %mul3A_1626 = arith.muli %add3A_1181, %mul3A_1625 : i32
      %add3A_1627 = vector.broadcast %mul3A_1626 : i32 to vector<16xi32>
      %add3A_1628 = arith.addi %min3A_1624, %add3A_1627 : vector<16xi32>
      %add3A_1629 = arith.constant 112 : i32
      %add3A_1630 = vector.broadcast %add3A_1629 : i32 to vector<16xi32>
      %add3A_1631 = arith.addi %add3A_1630, %iota3A : vector<16xi32>
      %ge3A_1632 = arith.constant 125 : i32
      %ge3A_1633 = vector.broadcast %ge3A_1632 : i32 to vector<16xi32>
      %ge3A_1634 = arith.cmpi sge, %add3A_1631, %ge3A_1633 : vector<16xi32>
      %broadcast_in_dim3A_1635 = vector.broadcast %squeeze3A_1255 : i32 to vector<16xi32>
      %eq3A_1636 = arith.cmpi eq, %add3A_1617, %broadcast_in_dim3A_1635 : vector<16xi32>
      %broadcast_in_dim3A_1637 = vector.broadcast %squeeze3A_1257 : i32 to vector<16xi32>
      %eq3A_1638 = arith.cmpi eq, %add3A_1628, %broadcast_in_dim3A_1637 : vector<16xi32>
      %and3A_1639 = arith.andi %eq3A_1636, %eq3A_1638 : vector<16xi1>
      %or3A_1640 = arith.ori %and3A_1639, %ge3A_1634 : vector<16xi1>
      %and3A_1641 = arith.andi %and3A_1588, %or3A_1640 : vector<16xi1>
      %swap3A_1642 = arith.constant 0 : i32
      %swap3A_1643 = arith.index_cast %swap3A_1642 : i32 to index
      %swap3A_1644 = arith.constant 112 : index
      %swap3A_1645 = tpu.vector_load %arg8[%swap3A_1643, %swap3A_1644] {strides = array<i32>} : memref<2x128xi32, #tpu.memory_space<vmem>>, vector<16xi32>,
      tpu.vector_store %arg8[%swap3A_1643, %swap3A_1644], %add3A_1617 {strides = array<i32>} : memref<2x128xi32, #tpu.memory_space<vmem>>, vector<16xi32>,
      %swap3A_1646 = arith.constant 1 : i32
      %swap3A_1647 = arith.index_cast %swap3A_1646 : i32 to index
      %swap3A_1648 = arith.constant 112 : index
      %swap3A_1649 = tpu.vector_load %arg8[%swap3A_1647, %swap3A_1648] {strides = array<i32>} : memref<2x128xi32, #tpu.memory_space<vmem>>, vector<16xi32>,
      tpu.vector_store %arg8[%swap3A_1647, %swap3A_1648], %add3A_1628 {strides = array<i32>} : memref<2x128xi32, #tpu.memory_space<vmem>>, vector<16xi32>,
      %reduce_and3A_1650 = arith.constant 1.000000e+00 : f32
      %reduce_and3A_1651 = arith.constant 0.000000e+00 : f32
      %reduce_and3A_1652 = vector.broadcast %reduce_and3A_1650 : f32 to vector<16xf32>
      %reduce_and3A_1653 = vector.broadcast %reduce_and3A_1651 : f32 to vector<16xf32>
      %reduce_and3A_1654 = arith.select %and3A_1641, %reduce_and3A_1652, %reduce_and3A_1653 : vector<16xi1>, vector<16xf32>
      %reduce_and3A_1655 = arith.constant true
      %reduce_and3A_1656 = vector.broadcast %reduce_and3A_1655 : i1 to vector<16xi1>
      %reduce_and3A_1657 = tpu.scan <min>, %reduce_and3A_1654 masked %reduce_and3A_1656 : vector<16xf32>, vector<16xi1> -> vector<16xf32>
      %reduce_and3A_1658 = vector.extract %reduce_and3A_1657[15] : f32 from vector<16xf32>
      %reduce_and3A_1659 = arith.constant 0.000000e+00 : f32
      %reduce_and3A_1660 = arith.cmpf ogt, %reduce_and3A_1658, %reduce_and3A_1659 : f32
      %add3A_1661 = arith.constant 2 : i32
      %add3A_1662 = arith.addi %add3A_1148, %add3A_1661 : i32
      %jit3A_1663 = arith.constant 2 : i32
      %div3A_1664 = arith.divsi %add3A_1662, %jit3A_1663 : i32
      %sign3A_1665 = arith.constant 0 : i32
      %sign3A_1666 = arith.cmpi sgt, %add3A_1662, %sign3A_1665 : i32
      %sign3A_1667 = arith.extui %sign3A_1666 : i1 to i32
      %sign3A_1668 = arith.constant 0 : i32
      %sign3A_1669 = arith.cmpi slt, %add3A_1662, %sign3A_1668 : i32
      %sign3A_1670 = arith.extui %sign3A_1669 : i1 to i32
      %sign3A_1671 = arith.subi %sign3A_1667, %sign3A_1670 : i32
      %sign3A_1672 = arith.constant 0 : i32
      %sign3A_1673 = arith.cmpi sgt, %jit3A_1663, %sign3A_1672 : i32
      %sign3A_1674 = arith.extui %sign3A_1673 : i1 to i32
      %sign3A_1675 = arith.constant 0 : i32
      %sign3A_1676 = arith.cmpi slt, %jit3A_1663, %sign3A_1675 : i32
      %sign3A_1677 = arith.extui %sign3A_1676 : i1 to i32
      %sign3A_1678 = arith.subi %sign3A_1674, %sign3A_1677 : i32
      %ne3A_1679 = arith.cmpi ne, %sign3A_1671, %sign3A_1678 : i32
      %rem3A_1680 = arith.remsi %add3A_1662, %jit3A_1663 : i32
      %ne3A_1681 = arith.constant 0 : i32
      %ne3A_1682 = arith.cmpi ne, %rem3A_1680, %ne3A_1681 : i32
      %and3A_1683 = arith.andi %ne3A_1679, %ne3A_1682 : i1
      %sub3A_1684 = arith.constant 1 : i32
      %sub3A_1685 = arith.subi %div3A_1664, %sub3A_1684 : i32
      %select_n3A_1686 = arith.select %and3A_1683, %sub3A_1685, %div3A_1664 : i32
      %add3A_1687 = arith.addi %mul3A_32, %select_n3A_1686 : i32
      %mul3A_1688 = arith.constant 1000 : i32
      %mul3A_1689 = arith.muli %add3A_1687, %mul3A_1688 : i32
      %add3A_1690 = arith.addi %mul3A_1689, %mul3A_34 : i32
      %jit3A_1691 = arith.constant 2 : i32
      %eq3A_1692 = arith.constant 0 : i32
      %eq3A_1693 = arith.cmpi eq, %jit3A_1691, %eq3A_1692 : i32
      %jit3A_1694 = arith.constant 1 : i32
      %select_n3A_1695 = arith.select %eq3A_1693, %jit3A_1694, %jit3A_1691 : i32
      %rem3A_1696 = arith.remsi %add3A_1662, %select_n3A_1695 : i32
      %ne3A_1697 = arith.constant 0 : i32
      %ne3A_1698 = arith.cmpi ne, %rem3A_1696, %ne3A_1697 : i32
      %lt3A_1699 = arith.constant 0 : i32
      %lt3A_1700 = arith.cmpi slt, %rem3A_1696, %lt3A_1699 : i32
      %lt3A_1701 = arith.constant 0 : i32
      %lt3A_1702 = arith.cmpi slt, %select_n3A_1695, %lt3A_1701 : i32
      %ne3A_1703 = arith.xori %lt3A_1700, %lt3A_1702 : i1
      %and3A_1704 = arith.andi %ne3A_1703, %ne3A_1698 : i1
      %add3A_1705 = arith.addi %rem3A_1696, %select_n3A_1695 : i32
      %select_n3A_1706 = arith.select %and3A_1704, %add3A_1705, %rem3A_1696 : i32
      %mul3A_1707 = arith.constant 125 : i32
      %mul3A_1708 = arith.muli %select_n3A_1706, %mul3A_1707 : i32
      %add3A_1709 = arith.addi %add3A_1690, %mul3A_1708 : i32
      %jit3A_1710 = arith.constant 8 : i32
      %div3A_1711 = arith.divsi %add3A_1709, %jit3A_1710 : i32
      %sign3A_1712 = arith.constant 0 : i32
      %sign3A_1713 = arith.cmpi sgt, %add3A_1709, %sign3A_1712 : i32
      %sign3A_1714 = arith.extui %sign3A_1713 : i1 to i32
      %sign3A_1715 = arith.constant 0 : i32
      %sign3A_1716 = arith.cmpi slt, %add3A_1709, %sign3A_1715 : i32
      %sign3A_1717 = arith.extui %sign3A_1716 : i1 to i32
      %sign3A_1718 = arith.subi %sign3A_1714, %sign3A_1717 : i32
      %sign3A_1719 = arith.constant 0 : i32
      %sign3A_1720 = arith.cmpi sgt, %jit3A_1710, %sign3A_1719 : i32
      %sign3A_1721 = arith.extui %sign3A_1720 : i1 to i32
      %sign3A_1722 = arith.constant 0 : i32
      %sign3A_1723 = arith.cmpi slt, %jit3A_1710, %sign3A_1722 : i32
      %sign3A_1724 = arith.extui %sign3A_1723 : i1 to i32
      %sign3A_1725 = arith.subi %sign3A_1721, %sign3A_1724 : i32
      %ne3A_1726 = arith.cmpi ne, %sign3A_1718, %sign3A_1725 : i32
      %rem3A_1727 = arith.remsi %add3A_1709, %jit3A_1710 : i32
      %ne3A_1728 = arith.constant 0 : i32
      %ne3A_1729 = arith.cmpi ne, %rem3A_1727, %ne3A_1728 : i32
      %and3A_1730 = arith.andi %ne3A_1726, %ne3A_1729 : i1
      %sub3A_1731 = arith.constant 1 : i32
      %sub3A_1732 = arith.subi %div3A_1711, %sub3A_1731 : i32
      %select_n3A_1733 = arith.select %and3A_1730, %sub3A_1732, %div3A_1711 : i32
      %mul3A_1734 = arith.constant 8 : i32
      %mul3A_1735 = arith.muli %select_n3A_1733, %mul3A_1734 : i32
      %dma_start3A_1736 = arith.constant 0 : i32
      %dma_start3A_1737 = tpu.memref_slice %arg3[%dma_start3A_1736, %mul3A_1735] : memref<2x256008xf32, #tpu.memory_space<hbm>> -> memref<2x136xf32, #tpu.memory_space<hbm>>
      %dma_start3A_1738 = arith.constant 0 : i32
      %dma_start3A_1739 = tpu.memref_slice %arg3[%dma_start3A_1738, %mul3A_1735] : memref<2x256008xf32, #tpu.memory_space<hbm>> -> memref<2x136xf32, #tpu.memory_space<hbm>>
      tpu.enqueue_dma source(%dma_start3A_1739 : memref<2x136xf32, #tpu.memory_space<hbm>>) target(%arg5 : memref<2x136xf32, #tpu.memory_space<vmem>>) target_semaphore(%arg13 : memref<!tpu.dma_semaphore, #tpu.memory_space<semaphore_mem>>)
      %ge3A_1740 = arith.constant 1 : i32
      %ge3A_1741 = arith.cmpi sge, %add3A_1148, %ge3A_1740 : i32
      %convert_element_type3A_1742 = arith.extui %ge3A_1741 : i1 to i32
      %cond3A_1743 = arith.constant 0 : i32
      %cond3A_1744 = arith.cmpi ne, %convert_element_type3A_1742, %cond3A_1743 : i32
      scf.if %cond3A_1744 {
        %dma_wait3A_2491 = arith.constant 0 : i32
        %dma_wait3A_2492 = arith.constant 0 : i32
        %dma_wait3A_2493 = tpu.memref_slice %arg10[%dma_wait3A_2491, %dma_wait3A_2492] : memref<128x128xf32, #tpu.memory_space<vmem>> -> memref<125x128xf32, #tpu.memory_space<vmem>>
        %dma_wait3A_2494 = arith.constant 0 : i32
        %dma_wait3A_2495 = arith.constant 0 : i32
        %dma_wait3A_2496 = tpu.memref_slice %arg4[%dma_wait3A_2494, %dma_wait3A_2495] : memref<256000x128xf32, #tpu.memory_space<hbm>> -> memref<125x128xf32, #tpu.memory_space<hbm>>
        %dma_wait3A_2497 = arith.constant 0 : i32
        %dma_wait3A_2498 = arith.constant 0 : i32
        %dma_wait3A_2499 = tpu.memref_slice %arg4[%dma_wait3A_2497, %dma_wait3A_2498] : memref<256000x128xf32, #tpu.memory_space<hbm>> -> memref<125x128xf32, #tpu.memory_space<hbm>>
        %dma_wait3A_2500 = arith.constant 0 : i32
        %dma_wait3A_2501 = arith.constant 0 : i32
        %dma_wait3A_2502 = tpu.memref_slice %arg10[%dma_wait3A_2500, %dma_wait3A_2501] : memref<128x128xf32, #tpu.memory_space<vmem>> -> memref<125x128xf32, #tpu.memory_space<vmem>>
        tpu.wait_dma2 semaphore(%arg20 : memref<!tpu.dma_semaphore, #tpu.memory_space<semaphore_mem>>) src(%dma_wait3A_2502 : memref<125x128xf32, #tpu.memory_space<vmem>>) dst(%dma_wait3A_2499 : memref<125x128xf32, #tpu.memory_space<hbm>>)
      } else {
      }
      %convert_element_type3A_1745 = arith.extui %reduce_and3A_1660 : i1 to i32
      %cond3A_1746 = arith.constant 0 : i32
      %cond3A_1747 = arith.cmpi ne, %convert_element_type3A_1745, %cond3A_1746 : i32
      scf.if %cond3A_1747 {
        %dma_start3A_2491 = arith.constant 0 : i32
        %dma_start3A_2492 = arith.constant 0 : i32
        %dma_start3A_2493 = tpu.memref_slice %arg10[%dma_start3A_2491, %dma_start3A_2492] : memref<128x128xf32, #tpu.memory_space<vmem>> -> memref<1x128xf32, #tpu.memory_space<vmem>>
        %dma_start3A_2494 = arith.constant 0 : i32
        %dma_start3A_2495 = tpu.memref_slice %arg2[%squeeze3A_1255, %dma_start3A_2494] : memref<256000x128xf32, #tpu.memory_space<hbm>> -> memref<1x128xf32, #tpu.memory_space<hbm>>
        %dma_start3A_2496 = arith.constant 0 : i32
        %dma_start3A_2497 = arith.constant 0 : i32
        %dma_start3A_2498 = tpu.memref_slice %arg10[%dma_start3A_2496, %dma_start3A_2497] : memref<128x128xf32, #tpu.memory_space<vmem>> -> memref<1x128xf32, #tpu.memory_space<vmem>>
        %dma_start3A_2499 = arith.constant 0 : i32
        %dma_start3A_2500 = tpu.memref_slice %arg2[%squeeze3A_1255, %dma_start3A_2499] : memref<256000x128xf32, #tpu.memory_space<hbm>> -> memref<1x128xf32, #tpu.memory_space<hbm>>
        tpu.enqueue_dma source(%dma_start3A_2500 : memref<1x128xf32, #tpu.memory_space<hbm>>) target(%dma_start3A_2498 : memref<1x128xf32, #tpu.memory_space<vmem>>) target_semaphore(%arg16 : memref<!tpu.dma_semaphore, #tpu.memory_space<semaphore_mem>>)
        %dma_start3A_2501 = arith.constant 0 : i32
        %dma_start3A_2502 = arith.constant 0 : i32
        %dma_start3A_2503 = tpu.memref_slice %arg12[%dma_start3A_2501, %dma_start3A_2502] : memref<128x128xf32, #tpu.memory_space<vmem>> -> memref<1x128xf32, #tpu.memory_space<vmem>>
        %dma_start3A_2504 = arith.constant 0 : i32
        %dma_start3A_2505 = tpu.memref_slice %arg2[%squeeze3A_1257, %dma_start3A_2504] : memref<256000x128xf32, #tpu.memory_space<hbm>> -> memref<1x128xf32, #tpu.memory_space<hbm>>
        %dma_start3A_2506 = arith.constant 0 : i32
        %dma_start3A_2507 = arith.constant 0 : i32
        %dma_start3A_2508 = tpu.memref_slice %arg12[%dma_start3A_2506, %dma_start3A_2507] : memref<128x128xf32, #tpu.memory_space<vmem>> -> memref<1x128xf32, #tpu.memory_space<vmem>>
        %dma_start3A_2509 = arith.constant 0 : i32
        %dma_start3A_2510 = tpu.memref_slice %arg2[%squeeze3A_1257, %dma_start3A_2509] : memref<256000x128xf32, #tpu.memory_space<hbm>> -> memref<1x128xf32, #tpu.memory_space<hbm>>
        tpu.enqueue_dma source(%dma_start3A_2510 : memref<1x128xf32, #tpu.memory_space<hbm>>) target(%dma_start3A_2508 : memref<1x128xf32, #tpu.memory_space<vmem>>) target_semaphore(%arg18 : memref<!tpu.dma_semaphore, #tpu.memory_space<semaphore_mem>>)
      } else {
      }
      %not3A_1748 = arith.constant true
      %not3A_1749 = arith.xori %reduce_and3A_1660, %not3A_1748 : i1
      %convert_element_type3A_1750 = arith.extui %not3A_1749 : i1 to i32
      %cond3A_1751 = arith.constant 0 : i32
      %cond3A_1752 = arith.cmpi ne, %convert_element_type3A_1750, %cond3A_1751 : i32
      scf.if %cond3A_1752 {
        %dma_start3A_2491 = arith.constant 0 : i32
        %dma_start3A_2492 = arith.constant 0 : i32
        %dma_start3A_2493 = tpu.memref_slice %arg8[%dma_start3A_2491, %dma_start3A_2492] : memref<2x128xi32, #tpu.memory_space<vmem>> -> memref<1x128xi32, #tpu.memory_space<vmem>>
        %dma_start3A_2494 = tpu.memref_squeeze %dma_start3A_2493 : memref<1x128xi32, #tpu.memory_space<vmem>> -> memref<128xi32, #tpu.memory_space<vmem>>
        %dma_start3A_2495 = arith.constant 0 : i32
        %dma_start3A_2496 = arith.constant 0 : i32
        %dma_start3A_2497 = tpu.memref_slice %arg2[%dma_start3A_2495, %dma_start3A_2496] : memref<256000x128xf32, #tpu.memory_space<hbm>> -> memref<256000x128xf32, #tpu.memory_space<hbm>>
        tpu.enqueue_indirect_dma source(%dma_start3A_2497 : memref<256000x128xf32, #tpu.memory_space<hbm>>) target(%arg10 : memref<128x128xf32, #tpu.memory_space<vmem>>) offsets(%dma_start3A_2494 : memref<128xi32, #tpu.memory_space<vmem>>) semaphore(%arg16 : memref<!tpu.dma_semaphore, #tpu.memory_space<semaphore_mem>>)
        %dma_start3A_2498 = arith.constant 1 : i32
        %dma_start3A_2499 = arith.constant 0 : i32
        %dma_start3A_2500 = tpu.memref_slice %arg8[%dma_start3A_2498, %dma_start3A_2499] : memref<2x128xi32, #tpu.memory_space<vmem>> -> memref<1x128xi32, #tpu.memory_space<vmem>>
        %dma_start3A_2501 = tpu.memref_squeeze %dma_start3A_2500 : memref<1x128xi32, #tpu.memory_space<vmem>> -> memref<128xi32, #tpu.memory_space<vmem>>
        %dma_start3A_2502 = arith.constant 0 : i32
        %dma_start3A_2503 = arith.constant 0 : i32
        %dma_start3A_2504 = tpu.memref_slice %arg2[%dma_start3A_2502, %dma_start3A_2503] : memref<256000x128xf32, #tpu.memory_space<hbm>> -> memref<256000x128xf32, #tpu.memory_space<hbm>>
        tpu.enqueue_indirect_dma source(%dma_start3A_2504 : memref<256000x128xf32, #tpu.memory_space<hbm>>) target(%arg12 : memref<128x128xf32, #tpu.memory_space<vmem>>) offsets(%dma_start3A_2501 : memref<128xi32, #tpu.memory_space<vmem>>) semaphore(%arg18 : memref<!tpu.dma_semaphore, #tpu.memory_space<semaphore_mem>>)
      } else {
      }
      %convert_element_type3A_1753 = arith.extui %scan3A_1143 : i1 to i32
      %cond3A_1754 = arith.constant 0 : i32
      %cond3A_1755 = arith.cmpi ne, %convert_element_type3A_1753, %cond3A_1754 : i32
      scf.if %cond3A_1755 {
        %dma_wait3A_2491 = arith.constant 0 : i32
        %dma_wait3A_2492 = arith.constant 0 : i32
        %dma_wait3A_2493 = tpu.memref_slice %arg9[%dma_wait3A_2491, %dma_wait3A_2492] : memref<128x128xf32, #tpu.memory_space<vmem>> -> memref<1x128xf32, #tpu.memory_space<vmem>>
        %dma_wait3A_2494 = arith.constant 0 : i32
        %dma_wait3A_2495 = arith.constant 0 : i32
        %dma_wait3A_2496 = tpu.memref_slice %arg2[%dma_wait3A_2494, %dma_wait3A_2495] : memref<256000x128xf32, #tpu.memory_space<hbm>> -> memref<1x128xf32, #tpu.memory_space<hbm>>
        %dma_wait3A_2497 = arith.constant 0 : i32
        %dma_wait3A_2498 = arith.constant 0 : i32
        %dma_wait3A_2499 = tpu.memref_slice %arg9[%dma_wait3A_2497, %dma_wait3A_2498] : memref<128x128xf32, #tpu.memory_space<vmem>> -> memref<1x128xf32, #tpu.memory_space<vmem>>
        %dma_wait3A_2500 = arith.constant 0 : i32
        %dma_wait3A_2501 = arith.constant 0 : i32
        %dma_wait3A_2502 = tpu.memref_slice %arg2[%dma_wait3A_2500, %dma_wait3A_2501] : memref<256000x128xf32, #tpu.memory_space<hbm>> -> memref<1x128xf32, #tpu.memory_space<hbm>>
        tpu.wait_dma2 semaphore(%arg15 : memref<!tpu.dma_semaphore, #tpu.memory_space<semaphore_mem>>) src(%dma_wait3A_2502 : memref<1x128xf32, #tpu.memory_space<hbm>>) dst(%dma_wait3A_2499 : memref<1x128xf32, #tpu.memory_space<vmem>>)
        %dma_wait3A_2503 = arith.constant 0 : i32
        %dma_wait3A_2504 = arith.constant 0 : i32
        %dma_wait3A_2505 = tpu.memref_slice %arg11[%dma_wait3A_2503, %dma_wait3A_2504] : memref<128x128xf32, #tpu.memory_space<vmem>> -> memref<1x128xf32, #tpu.memory_space<vmem>>
        %dma_wait3A_2506 = arith.constant 0 : i32
        %dma_wait3A_2507 = arith.constant 0 : i32
        %dma_wait3A_2508 = tpu.memref_slice %arg2[%dma_wait3A_2506, %dma_wait3A_2507] : memref<256000x128xf32, #tpu.memory_space<hbm>> -> memref<1x128xf32, #tpu.memory_space<hbm>>
        %dma_wait3A_2509 = arith.constant 0 : i32
        %dma_wait3A_2510 = arith.constant 0 : i32
        %dma_wait3A_2511 = tpu.memref_slice %arg11[%dma_wait3A_2509, %dma_wait3A_2510] : memref<128x128xf32, #tpu.memory_space<vmem>> -> memref<1x128xf32, #tpu.memory_space<vmem>>
        %dma_wait3A_2512 = arith.constant 0 : i32
        %dma_wait3A_2513 = arith.constant 0 : i32
        %dma_wait3A_2514 = tpu.memref_slice %arg2[%dma_wait3A_2512, %dma_wait3A_2513] : memref<256000x128xf32, #tpu.memory_space<hbm>> -> memref<1x128xf32, #tpu.memory_space<hbm>>
        tpu.wait_dma2 semaphore(%arg17 : memref<!tpu.dma_semaphore, #tpu.memory_space<semaphore_mem>>) src(%dma_wait3A_2514 : memref<1x128xf32, #tpu.memory_space<hbm>>) dst(%dma_wait3A_2511 : memref<1x128xf32, #tpu.memory_space<vmem>>)
        %get3A_2515 = arith.constant 0 : i32
        %get3A_2516 = arith.index_cast %get3A_2515 : i32 to index
        %get3A_2517 = arith.constant 0 : index
        %get3A_2518 = tpu.vector_load %arg9[%get3A_2516, %get3A_2517] {strides = array<i32>} : memref<128x128xf32, #tpu.memory_space<vmem>>, vector<16xf32>,
        %get3A_2519 = arith.constant 0 : i32
        %get3A_2520 = arith.index_cast %get3A_2519 : i32 to index
        %get3A_2521 = arith.constant 0 : index
        %get3A_2522 = tpu.vector_load %arg11[%get3A_2520, %get3A_2521] {strides = array<i32>} : memref<128x128xf32, #tpu.memory_space<vmem>>, vector<16xf32>,
        %add3A_2523 = arith.addf %get3A_2518, %get3A_2522 : vector<16xf32>
        %get3A_2524 = arith.constant 0 : i32
        %get3A_2525 = arith.index_cast %get3A_2524 : i32 to index
        %get3A_2526 = arith.constant 16 : index
        %get3A_2527 = tpu.vector_load %arg9[%get3A_2525, %get3A_2526] {strides = array<i32>} : memref<128x128xf32, #tpu.memory_space<vmem>>, vector<16xf32>,
        %get3A_2528 = arith.constant 0 : i32
        %get3A_2529 = arith.index_cast %get3A_2528 : i32 to index
        %get3A_2530 = arith.constant 16 : index
        %get3A_2531 = tpu.vector_load %arg11[%get3A_2529, %get3A_2530] {strides = array<i32>} : memref<128x128xf32, #tpu.memory_space<vmem>>, vector<16xf32>,
        %add3A_2532 = arith.addf %get3A_2527, %get3A_2531 : vector<16xf32>
        %get3A_2533 = arith.constant 0 : i32
        %get3A_2534 = arith.index_cast %get3A_2533 : i32 to index
        %get3A_2535 = arith.constant 32 : index
        %get3A_2536 = tpu.vector_load %arg9[%get3A_2534, %get3A_2535] {strides = array<i32>} : memref<128x128xf32, #tpu.memory_space<vmem>>, vector<16xf32>,
        %get3A_2537 = arith.constant 0 : i32
        %get3A_2538 = arith.index_cast %get3A_2537 : i32 to index
        %get3A_2539 = arith.constant 32 : index
        %get3A_2540 = tpu.vector_load %arg11[%get3A_2538, %get3A_2539] {strides = array<i32>} : memref<128x128xf32, #tpu.memory_space<vmem>>, vector<16xf32>,
        %add3A_2541 = arith.addf %get3A_2536, %get3A_2540 : vector<16xf32>
        %get3A_2542 = arith.constant 0 : i32
        %get3A_2543 = arith.index_cast %get3A_2542 : i32 to index
        %get3A_2544 = arith.constant 48 : index
        %get3A_2545 = tpu.vector_load %arg9[%get3A_2543, %get3A_2544] {strides = array<i32>} : memref<128x128xf32, #tpu.memory_space<vmem>>, vector<16xf32>,
        %get3A_2546 = arith.constant 0 : i32
        %get3A_2547 = arith.index_cast %get3A_2546 : i32 to index
        %get3A_2548 = arith.constant 48 : index
        %get3A_2549 = tpu.vector_load %arg11[%get3A_2547, %get3A_2548] {strides = array<i32>} : memref<128x128xf32, #tpu.memory_space<vmem>>, vector<16xf32>,
        %add3A_2550 = arith.addf %get3A_2545, %get3A_2549 : vector<16xf32>
        %get3A_2551 = arith.constant 0 : i32
        %get3A_2552 = arith.index_cast %get3A_2551 : i32 to index
        %get3A_2553 = arith.constant 64 : index
        %get3A_2554 = tpu.vector_load %arg9[%get3A_2552, %get3A_2553] {strides = array<i32>} : memref<128x128xf32, #tpu.memory_space<vmem>>, vector<16xf32>,
        %get3A_2555 = arith.constant 0 : i32
        %get3A_2556 = arith.index_cast %get3A_2555 : i32 to index
        %get3A_2557 = arith.constant 64 : index
        %get3A_2558 = tpu.vector_load %arg11[%get3A_2556, %get3A_2557] {strides = array<i32>} : memref<128x128xf32, #tpu.memory_space<vmem>>, vector<16xf32>,
        %add3A_2559 = arith.addf %get3A_2554, %get3A_2558 : vector<16xf32>
        %get3A_2560 = arith.constant 0 : i32
        %get3A_2561 = arith.index_cast %get3A_2560 : i32 to index
        %get3A_2562 = arith.constant 80 : index
        %get3A_2563 = tpu.vector_load %arg9[%get3A_2561, %get3A_2562] {strides = array<i32>} : memref<128x128xf32, #tpu.memory_space<vmem>>, vector<16xf32>,
        %get3A_2564 = arith.constant 0 : i32
        %get3A_2565 = arith.index_cast %get3A_2564 : i32 to index
        %get3A_2566 = arith.constant 80 : index
        %get3A_2567 = tpu.vector_load %arg11[%get3A_2565, %get3A_2566] {strides = array<i32>} : memref<128x128xf32, #tpu.memory_space<vmem>>, vector<16xf32>,
        %add3A_2568 = arith.addf %get3A_2563, %get3A_2567 : vector<16xf32>
        %get3A_2569 = arith.constant 0 : i32
        %get3A_2570 = arith.index_cast %get3A_2569 : i32 to index
        %get3A_2571 = arith.constant 96 : index
        %get3A_2572 = tpu.vector_load %arg9[%get3A_2570, %get3A_2571] {strides = array<i32>} : memref<128x128xf32, #tpu.memory_space<vmem>>, vector<16xf32>,
        %get3A_2573 = arith.constant 0 : i32
        %get3A_2574 = arith.index_cast %get3A_2573 : i32 to index
        %get3A_2575 = arith.constant 96 : index
        %get3A_2576 = tpu.vector_load %arg11[%get3A_2574, %get3A_2575] {strides = array<i32>} : memref<128x128xf32, #tpu.memory_space<vmem>>, vector<16xf32>,
        %add3A_2577 = arith.addf %get3A_2572, %get3A_2576 : vector<16xf32>
        %get3A_2578 = arith.constant 0 : i32
        %get3A_2579 = arith.index_cast %get3A_2578 : i32 to index
        %get3A_2580 = arith.constant 112 : index
        %get3A_2581 = tpu.vector_load %arg9[%get3A_2579, %get3A_2580] {strides = array<i32>} : memref<128x128xf32, #tpu.memory_space<vmem>>, vector<16xf32>,
        %get3A_2582 = arith.constant 0 : i32
        %get3A_2583 = arith.index_cast %get3A_2582 : i32 to index
        %get3A_2584 = arith.constant 112 : index
        %get3A_2585 = tpu.vector_load %arg11[%get3A_2583, %get3A_2584] {strides = array<i32>} : memref<128x128xf32, #tpu.memory_space<vmem>>, vector<16xf32>,
        %add3A_2586 = arith.addf %get3A_2581, %get3A_2585 : vector<16xf32>
        %parallel_loop3A = arith.constant 0 : i32
        %parallel_loop3A_2587 = arith.constant 125 : i32
        %parallel_loop3A_2588 = arith.constant 1 : i32
        scf.for %parallel_loop3A_2589 = %parallel_loop3A to %parallel_loop3A_2587 step %parallel_loop3A_2588  : i32 {
          %parallel_loop3A_2590 = arith.index_cast %parallel_loop3A_2589 : i32 to index
          %parallel_loop3A_2591 = arith.constant 0 : index
          %parallel_loop3A_2592 = tpu.vector_load %arg9[%parallel_loop3A_2590, %parallel_loop3A_2591] {strides = array<i32>} : memref<128x128xf32, #tpu.memory_space<vmem>>, vector<16xf32>,
          tpu.vector_store %arg9[%parallel_loop3A_2590, %parallel_loop3A_2591], %add3A_2523 {strides = array<i32>} : memref<128x128xf32, #tpu.memory_space<vmem>>, vector<16xf32>,
          %parallel_loop3A_2593 = arith.index_cast %parallel_loop3A_2589 : i32 to index
          %parallel_loop3A_2594 = arith.constant 16 : index
          %parallel_loop3A_2595 = tpu.vector_load %arg9[%parallel_loop3A_2593, %parallel_loop3A_2594] {strides = array<i32>} : memref<128x128xf32, #tpu.memory_space<vmem>>, vector<16xf32>,
          tpu.vector_store %arg9[%parallel_loop3A_2593, %parallel_loop3A_2594], %add3A_2532 {strides = array<i32>} : memref<128x128xf32, #tpu.memory_space<vmem>>, vector<16xf32>,
          %parallel_loop3A_2596 = arith.index_cast %parallel_loop3A_2589 : i32 to index
          %parallel_loop3A_2597 = arith.constant 32 : index
          %parallel_loop3A_2598 = tpu.vector_load %arg9[%parallel_loop3A_2596, %parallel_loop3A_2597] {strides = array<i32>} : memref<128x128xf32, #tpu.memory_space<vmem>>, vector<16xf32>,
          tpu.vector_store %arg9[%parallel_loop3A_2596, %parallel_loop3A_2597], %add3A_2541 {strides = array<i32>} : memref<128x128xf32, #tpu.memory_space<vmem>>, vector<16xf32>,
          %parallel_loop3A_2599 = arith.index_cast %parallel_loop3A_2589 : i32 to index
          %parallel_loop3A_2600 = arith.constant 48 : index
          %parallel_loop3A_2601 = tpu.vector_load %arg9[%parallel_loop3A_2599, %parallel_loop3A_2600] {strides = array<i32>} : memref<128x128xf32, #tpu.memory_space<vmem>>, vector<16xf32>,
          tpu.vector_store %arg9[%parallel_loop3A_2599, %parallel_loop3A_2600], %add3A_2550 {strides = array<i32>} : memref<128x128xf32, #tpu.memory_space<vmem>>, vector<16xf32>,
          %parallel_loop3A_2602 = arith.index_cast %parallel_loop3A_2589 : i32 to index
          %parallel_loop3A_2603 = arith.constant 64 : index
          %parallel_loop3A_2604 = tpu.vector_load %arg9[%parallel_loop3A_2602, %parallel_loop3A_2603] {strides = array<i32>} : memref<128x128xf32, #tpu.memory_space<vmem>>, vector<16xf32>,
          tpu.vector_store %arg9[%parallel_loop3A_2602, %parallel_loop3A_2603], %add3A_2559 {strides = array<i32>} : memref<128x128xf32, #tpu.memory_space<vmem>>, vector<16xf32>,
          %parallel_loop3A_2605 = arith.index_cast %parallel_loop3A_2589 : i32 to index
          %parallel_loop3A_2606 = arith.constant 80 : index
          %parallel_loop3A_2607 = tpu.vector_load %arg9[%parallel_loop3A_2605, %parallel_loop3A_2606] {strides = array<i32>} : memref<128x128xf32, #tpu.memory_space<vmem>>, vector<16xf32>,
          tpu.vector_store %arg9[%parallel_loop3A_2605, %parallel_loop3A_2606], %add3A_2568 {strides = array<i32>} : memref<128x128xf32, #tpu.memory_space<vmem>>, vector<16xf32>,
          %parallel_loop3A_2608 = arith.index_cast %parallel_loop3A_2589 : i32 to index
          %parallel_loop3A_2609 = arith.constant 96 : index
          %parallel_loop3A_2610 = tpu.vector_load %arg9[%parallel_loop3A_2608, %parallel_loop3A_2609] {strides = array<i32>} : memref<128x128xf32, #tpu.memory_space<vmem>>, vector<16xf32>,
          tpu.vector_store %arg9[%parallel_loop3A_2608, %parallel_loop3A_2609], %add3A_2577 {strides = array<i32>} : memref<128x128xf32, #tpu.memory_space<vmem>>, vector<16xf32>,
          %parallel_loop3A_2611 = arith.index_cast %parallel_loop3A_2589 : i32 to index
          %parallel_loop3A_2612 = arith.constant 112 : index
          %parallel_loop3A_2613 = tpu.vector_load %arg9[%parallel_loop3A_2611, %parallel_loop3A_2612] {strides = array<i32>} : memref<128x128xf32, #tpu.memory_space<vmem>>, vector<16xf32>,
          tpu.vector_store %arg9[%parallel_loop3A_2611, %parallel_loop3A_2612], %add3A_2586 {strides = array<i32>} : memref<128x128xf32, #tpu.memory_space<vmem>>, vector<16xf32>,
        } {sc.loop_unroll_factor = 4 : i64, sc.parallel_access}
      } else {
      }
      %not3A_1756 = arith.constant true
      %not3A_1757 = arith.xori %scan3A_1143, %not3A_1756 : i1
      %convert_element_type3A_1758 = arith.extui %not3A_1757 : i1 to i32
      %cond3A_1759 = arith.constant 0 : i32
      %cond3A_1760 = arith.cmpi ne, %convert_element_type3A_1758, %cond3A_1759 : i32
      scf.if %cond3A_1760 {
        %dma_wait3A_2491 = arith.constant 0 : i32
        %dma_wait3A_2492 = arith.constant 0 : i32
        %dma_wait3A_2493 = tpu.memref_slice %arg7[%dma_wait3A_2491, %dma_wait3A_2492] : memref<2x128xi32, #tpu.memory_space<vmem>> -> memref<1x128xi32, #tpu.memory_space<vmem>>
        %dma_wait3A_2494 = tpu.memref_squeeze %dma_wait3A_2493 : memref<1x128xi32, #tpu.memory_space<vmem>> -> memref<128xi32, #tpu.memory_space<vmem>>
        %dma_wait3A_2495 = arith.constant 0 : i32
        %dma_wait3A_2496 = arith.constant 0 : i32
        %dma_wait3A_2497 = tpu.memref_slice %arg2[%dma_wait3A_2495, %dma_wait3A_2496] : memref<256000x128xf32, #tpu.memory_space<hbm>> -> memref<256000x128xf32, #tpu.memory_space<hbm>>
        tpu.wait_indirect_dma semaphore(%arg15 : memref<!tpu.dma_semaphore, #tpu.memory_space<semaphore_mem>>) src(%dma_wait3A_2497 : memref<256000x128xf32, #tpu.memory_space<hbm>>) dst(%arg9 : memref<128x128xf32, #tpu.memory_space<vmem>>)
        %dma_wait3A_2498 = arith.constant 1 : i32
        %dma_wait3A_2499 = arith.constant 0 : i32
        %dma_wait3A_2500 = tpu.memref_slice %arg7[%dma_wait3A_2498, %dma_wait3A_2499] : memref<2x128xi32, #tpu.memory_space<vmem>> -> memref<1x128xi32, #tpu.memory_space<vmem>>
        %dma_wait3A_2501 = tpu.memref_squeeze %dma_wait3A_2500 : memref<1x128xi32, #tpu.memory_space<vmem>> -> memref<128xi32, #tpu.memory_space<vmem>>
        %dma_wait3A_2502 = arith.constant 0 : i32
        %dma_wait3A_2503 = arith.constant 0 : i32
        %dma_wait3A_2504 = tpu.memref_slice %arg2[%dma_wait3A_2502, %dma_wait3A_2503] : memref<256000x128xf32, #tpu.memory_space<hbm>> -> memref<256000x128xf32, #tpu.memory_space<hbm>>
        tpu.wait_indirect_dma semaphore(%arg17 : memref<!tpu.dma_semaphore, #tpu.memory_space<semaphore_mem>>) src(%dma_wait3A_2504 : memref<256000x128xf32, #tpu.memory_space<hbm>>) dst(%arg11 : memref<128x128xf32, #tpu.memory_space<vmem>>)
        %parallel_loop3A = arith.constant 0 : i32
        %parallel_loop3A_2505 = arith.constant 125 : i32
        %parallel_loop3A_2506 = arith.constant 1 : i32
        scf.for %parallel_loop3A_2507 = %parallel_loop3A to %parallel_loop3A_2505 step %parallel_loop3A_2506  : i32 {
          %parallel_loop3A_2508 = arith.index_cast %parallel_loop3A_2507 : i32 to index
          %parallel_loop3A_2509 = arith.constant 0 : index
          %parallel_loop3A_2510 = tpu.vector_load %arg9[%parallel_loop3A_2508, %parallel_loop3A_2509] {strides = array<i32>} : memref<128x128xf32, #tpu.memory_space<vmem>>, vector<16xf32>,
          %parallel_loop3A_2511 = arith.index_cast %parallel_loop3A_2507 : i32 to index
          %parallel_loop3A_2512 = arith.constant 0 : index
          %parallel_loop3A_2513 = tpu.vector_load %arg11[%parallel_loop3A_2511, %parallel_loop3A_2512] {strides = array<i32>} : memref<128x128xf32, #tpu.memory_space<vmem>>, vector<16xf32>,
          %parallel_loop3A_2514 = arith.addf %parallel_loop3A_2510, %parallel_loop3A_2513 : vector<16xf32>
          %parallel_loop3A_2515 = arith.index_cast %parallel_loop3A_2507 : i32 to index
          %parallel_loop3A_2516 = arith.constant 0 : index
          %parallel_loop3A_2517 = tpu.vector_load %arg9[%parallel_loop3A_2515, %parallel_loop3A_2516] {strides = array<i32>} : memref<128x128xf32, #tpu.memory_space<vmem>>, vector<16xf32>,
          tpu.vector_store %arg9[%parallel_loop3A_2515, %parallel_loop3A_2516], %parallel_loop3A_2514 {strides = array<i32>} : memref<128x128xf32, #tpu.memory_space<vmem>>, vector<16xf32>,
          %parallel_loop3A_2518 = arith.index_cast %parallel_loop3A_2507 : i32 to index
          %parallel_loop3A_2519 = arith.constant 16 : index
          %parallel_loop3A_2520 = tpu.vector_load %arg9[%parallel_loop3A_2518, %parallel_loop3A_2519] {strides = array<i32>} : memref<128x128xf32, #tpu.memory_space<vmem>>, vector<16xf32>,
          %parallel_loop3A_2521 = arith.index_cast %parallel_loop3A_2507 : i32 to index
          %parallel_loop3A_2522 = arith.constant 16 : index
          %parallel_loop3A_2523 = tpu.vector_load %arg11[%parallel_loop3A_2521, %parallel_loop3A_2522] {strides = array<i32>} : memref<128x128xf32, #tpu.memory_space<vmem>>, vector<16xf32>,
          %parallel_loop3A_2524 = arith.addf %parallel_loop3A_2520, %parallel_loop3A_2523 : vector<16xf32>
          %parallel_loop3A_2525 = arith.index_cast %parallel_loop3A_2507 : i32 to index
          %parallel_loop3A_2526 = arith.constant 16 : index
          %parallel_loop3A_2527 = tpu.vector_load %arg9[%parallel_loop3A_2525, %parallel_loop3A_2526] {strides = array<i32>} : memref<128x128xf32, #tpu.memory_space<vmem>>, vector<16xf32>,
          tpu.vector_store %arg9[%parallel_loop3A_2525, %parallel_loop3A_2526], %parallel_loop3A_2524 {strides = array<i32>} : memref<128x128xf32, #tpu.memory_space<vmem>>, vector<16xf32>,
          %parallel_loop3A_2528 = arith.index_cast %parallel_loop3A_2507 : i32 to index
          %parallel_loop3A_2529 = arith.constant 32 : index
          %parallel_loop3A_2530 = tpu.vector_load %arg9[%parallel_loop3A_2528, %parallel_loop3A_2529] {strides = array<i32>} : memref<128x128xf32, #tpu.memory_space<vmem>>, vector<16xf32>,
          %parallel_loop3A_2531 = arith.index_cast %parallel_loop3A_2507 : i32 to index
          %parallel_loop3A_2532 = arith.constant 32 : index
          %parallel_loop3A_2533 = tpu.vector_load %arg11[%parallel_loop3A_2531, %parallel_loop3A_2532] {strides = array<i32>} : memref<128x128xf32, #tpu.memory_space<vmem>>, vector<16xf32>,
          %parallel_loop3A_2534 = arith.addf %parallel_loop3A_2530, %parallel_loop3A_2533 : vector<16xf32>
          %parallel_loop3A_2535 = arith.index_cast %parallel_loop3A_2507 : i32 to index
          %parallel_loop3A_2536 = arith.constant 32 : index
          %parallel_loop3A_2537 = tpu.vector_load %arg9[%parallel_loop3A_2535, %parallel_loop3A_2536] {strides = array<i32>} : memref<128x128xf32, #tpu.memory_space<vmem>>, vector<16xf32>,
          tpu.vector_store %arg9[%parallel_loop3A_2535, %parallel_loop3A_2536], %parallel_loop3A_2534 {strides = array<i32>} : memref<128x128xf32, #tpu.memory_space<vmem>>, vector<16xf32>,
          %parallel_loop3A_2538 = arith.index_cast %parallel_loop3A_2507 : i32 to index
          %parallel_loop3A_2539 = arith.constant 48 : index
          %parallel_loop3A_2540 = tpu.vector_load %arg9[%parallel_loop3A_2538, %parallel_loop3A_2539] {strides = array<i32>} : memref<128x128xf32, #tpu.memory_space<vmem>>, vector<16xf32>,
          %parallel_loop3A_2541 = arith.index_cast %parallel_loop3A_2507 : i32 to index
          %parallel_loop3A_2542 = arith.constant 48 : index
          %parallel_loop3A_2543 = tpu.vector_load %arg11[%parallel_loop3A_2541, %parallel_loop3A_2542] {strides = array<i32>} : memref<128x128xf32, #tpu.memory_space<vmem>>, vector<16xf32>,
          %parallel_loop3A_2544 = arith.addf %parallel_loop3A_2540, %parallel_loop3A_2543 : vector<16xf32>
          %parallel_loop3A_2545 = arith.index_cast %parallel_loop3A_2507 : i32 to index
          %parallel_loop3A_2546 = arith.constant 48 : index
          %parallel_loop3A_2547 = tpu.vector_load %arg9[%parallel_loop3A_2545, %parallel_loop3A_2546] {strides = array<i32>} : memref<128x128xf32, #tpu.memory_space<vmem>>, vector<16xf32>,
          tpu.vector_store %arg9[%parallel_loop3A_2545, %parallel_loop3A_2546], %parallel_loop3A_2544 {strides = array<i32>} : memref<128x128xf32, #tpu.memory_space<vmem>>, vector<16xf32>,
          %parallel_loop3A_2548 = arith.index_cast %parallel_loop3A_2507 : i32 to index
          %parallel_loop3A_2549 = arith.constant 64 : index
          %parallel_loop3A_2550 = tpu.vector_load %arg9[%parallel_loop3A_2548, %parallel_loop3A_2549] {strides = array<i32>} : memref<128x128xf32, #tpu.memory_space<vmem>>, vector<16xf32>,
          %parallel_loop3A_2551 = arith.index_cast %parallel_loop3A_2507 : i32 to index
          %parallel_loop3A_2552 = arith.constant 64 : index
          %parallel_loop3A_2553 = tpu.vector_load %arg11[%parallel_loop3A_2551, %parallel_loop3A_2552] {strides = array<i32>} : memref<128x128xf32, #tpu.memory_space<vmem>>, vector<16xf32>,
          %parallel_loop3A_2554 = arith.addf %parallel_loop3A_2550, %parallel_loop3A_2553 : vector<16xf32>
          %parallel_loop3A_2555 = arith.index_cast %parallel_loop3A_2507 : i32 to index
          %parallel_loop3A_2556 = arith.constant 64 : index
          %parallel_loop3A_2557 = tpu.vector_load %arg9[%parallel_loop3A_2555, %parallel_loop3A_2556] {strides = array<i32>} : memref<128x128xf32, #tpu.memory_space<vmem>>, vector<16xf32>,
          tpu.vector_store %arg9[%parallel_loop3A_2555, %parallel_loop3A_2556], %parallel_loop3A_2554 {strides = array<i32>} : memref<128x128xf32, #tpu.memory_space<vmem>>, vector<16xf32>,
          %parallel_loop3A_2558 = arith.index_cast %parallel_loop3A_2507 : i32 to index
          %parallel_loop3A_2559 = arith.constant 80 : index
          %parallel_loop3A_2560 = tpu.vector_load %arg9[%parallel_loop3A_2558, %parallel_loop3A_2559] {strides = array<i32>} : memref<128x128xf32, #tpu.memory_space<vmem>>, vector<16xf32>,
          %parallel_loop3A_2561 = arith.index_cast %parallel_loop3A_2507 : i32 to index
          %parallel_loop3A_2562 = arith.constant 80 : index
          %parallel_loop3A_2563 = tpu.vector_load %arg11[%parallel_loop3A_2561, %parallel_loop3A_2562] {strides = array<i32>} : memref<128x128xf32, #tpu.memory_space<vmem>>, vector<16xf32>,
          %parallel_loop3A_2564 = arith.addf %parallel_loop3A_2560, %parallel_loop3A_2563 : vector<16xf32>
          %parallel_loop3A_2565 = arith.index_cast %parallel_loop3A_2507 : i32 to index
          %parallel_loop3A_2566 = arith.constant 80 : index
          %parallel_loop3A_2567 = tpu.vector_load %arg9[%parallel_loop3A_2565, %parallel_loop3A_2566] {strides = array<i32>} : memref<128x128xf32, #tpu.memory_space<vmem>>, vector<16xf32>,
          tpu.vector_store %arg9[%parallel_loop3A_2565, %parallel_loop3A_2566], %parallel_loop3A_2564 {strides = array<i32>} : memref<128x128xf32, #tpu.memory_space<vmem>>, vector<16xf32>,
          %parallel_loop3A_2568 = arith.index_cast %parallel_loop3A_2507 : i32 to index
          %parallel_loop3A_2569 = arith.constant 96 : index
          %parallel_loop3A_2570 = tpu.vector_load %arg9[%parallel_loop3A_2568, %parallel_loop3A_2569] {strides = array<i32>} : memref<128x128xf32, #tpu.memory_space<vmem>>, vector<16xf32>,
          %parallel_loop3A_2571 = arith.index_cast %parallel_loop3A_2507 : i32 to index
          %parallel_loop3A_2572 = arith.constant 96 : index
          %parallel_loop3A_2573 = tpu.vector_load %arg11[%parallel_loop3A_2571, %parallel_loop3A_2572] {strides = array<i32>} : memref<128x128xf32, #tpu.memory_space<vmem>>, vector<16xf32>,
          %parallel_loop3A_2574 = arith.addf %parallel_loop3A_2570, %parallel_loop3A_2573 : vector<16xf32>
          %parallel_loop3A_2575 = arith.index_cast %parallel_loop3A_2507 : i32 to index
          %parallel_loop3A_2576 = arith.constant 96 : index
          %parallel_loop3A_2577 = tpu.vector_load %arg9[%parallel_loop3A_2575, %parallel_loop3A_2576] {strides = array<i32>} : memref<128x128xf32, #tpu.memory_space<vmem>>, vector<16xf32>,
          tpu.vector_store %arg9[%parallel_loop3A_2575, %parallel_loop3A_2576], %parallel_loop3A_2574 {strides = array<i32>} : memref<128x128xf32, #tpu.memory_space<vmem>>, vector<16xf32>,
          %parallel_loop3A_2578 = arith.index_cast %parallel_loop3A_2507 : i32 to index
          %parallel_loop3A_2579 = arith.constant 112 : index
          %parallel_loop3A_2580 = tpu.vector_load %arg9[%parallel_loop3A_2578, %parallel_loop3A_2579] {strides = array<i32>} : memref<128x128xf32, #tpu.memory_space<vmem>>, vector<16xf32>,
          %parallel_loop3A_2581 = arith.index_cast %parallel_loop3A_2507 : i32 to index
          %parallel_loop3A_2582 = arith.constant 112 : index
          %parallel_loop3A_2583 = tpu.vector_load %arg11[%parallel_loop3A_2581, %parallel_loop3A_2582] {strides = array<i32>} : memref<128x128xf32, #tpu.memory_space<vmem>>, vector<16xf32>,
          %parallel_loop3A_2584 = arith.addf %parallel_loop3A_2580, %parallel_loop3A_2583 : vector<16xf32>
          %parallel_loop3A_2585 = arith.index_cast %parallel_loop3A_2507 : i32 to index
          %parallel_loop3A_2586 = arith.constant 112 : index
          %parallel_loop3A_2587 = tpu.vector_load %arg9[%parallel_loop3A_2585, %parallel_loop3A_2586] {strides = array<i32>} : memref<128x128xf32, #tpu.memory_space<vmem>>, vector<16xf32>,
          tpu.vector_store %arg9[%parallel_loop3A_2585, %parallel_loop3A_2586], %parallel_loop3A_2584 {strides = array<i32>} : memref<128x128xf32, #tpu.memory_space<vmem>>, vector<16xf32>,
        } {sc.loop_unroll_factor = 4 : i64, sc.parallel_access}
      } else {
      }
      %jit3A_1761 = arith.constant 2 : i32
      %div3A_1762 = arith.divsi %add3A_1148, %jit3A_1761 : i32
      %sign3A_1763 = arith.constant 0 : i32
      %sign3A_1764 = arith.cmpi sgt, %add3A_1148, %sign3A_1763 : i32
      %sign3A_1765 = arith.extui %sign3A_1764 : i1 to i32
      %sign3A_1766 = arith.constant 0 : i32
      %sign3A_1767 = arith.cmpi slt, %add3A_1148, %sign3A_1766 : i32
      %sign3A_1768 = arith.extui %sign3A_1767 : i1 to i32
      %sign3A_1769 = arith.subi %sign3A_1765, %sign3A_1768 : i32
      %sign3A_1770 = arith.constant 0 : i32
      %sign3A_1771 = arith.cmpi sgt, %jit3A_1761, %sign3A_1770 : i32
      %sign3A_1772 = arith.extui %sign3A_1771 : i1 to i32
      %sign3A_1773 = arith.constant 0 : i32
      %sign3A_1774 = arith.cmpi slt, %jit3A_1761, %sign3A_1773 : i32
      %sign3A_1775 = arith.extui %sign3A_1774 : i1 to i32
      %sign3A_1776 = arith.subi %sign3A_1772, %sign3A_1775 : i32
      %ne3A_1777 = arith.cmpi ne, %sign3A_1769, %sign3A_1776 : i32
      %rem3A_1778 = arith.remsi %add3A_1148, %jit3A_1761 : i32
      %ne3A_1779 = arith.constant 0 : i32
      %ne3A_1780 = arith.cmpi ne, %rem3A_1778, %ne3A_1779 : i32
      %and3A_1781 = arith.andi %ne3A_1777, %ne3A_1780 : i1
      %sub3A_1782 = arith.constant 1 : i32
      %sub3A_1783 = arith.subi %div3A_1762, %sub3A_1782 : i32
      %select_n3A_1784 = arith.select %and3A_1781, %sub3A_1783, %div3A_1762 : i32
      %add3A_1785 = arith.addi %mul3A_32, %select_n3A_1784 : i32
      %mul3A_1786 = arith.constant 1000 : i32
      %mul3A_1787 = arith.muli %add3A_1785, %mul3A_1786 : i32
      %add3A_1788 = arith.addi %mul3A_1787, %mul3A_34 : i32
      %jit3A_1789 = arith.constant 2 : i32
      %eq3A_1790 = arith.constant 0 : i32
      %eq3A_1791 = arith.cmpi eq, %jit3A_1789, %eq3A_1790 : i32
      %jit3A_1792 = arith.constant 1 : i32
      %select_n3A_1793 = arith.select %eq3A_1791, %jit3A_1792, %jit3A_1789 : i32
      %rem3A_1794 = arith.remsi %add3A_1148, %select_n3A_1793 : i32
      %ne3A_1795 = arith.constant 0 : i32
      %ne3A_1796 = arith.cmpi ne, %rem3A_1794, %ne3A_1795 : i32
      %lt3A_1797 = arith.constant 0 : i32
      %lt3A_1798 = arith.cmpi slt, %rem3A_1794, %lt3A_1797 : i32
      %lt3A_1799 = arith.constant 0 : i32
      %lt3A_1800 = arith.cmpi slt, %select_n3A_1793, %lt3A_1799 : i32
      %ne3A_1801 = arith.xori %lt3A_1798, %lt3A_1800 : i1
      %and3A_1802 = arith.andi %ne3A_1801, %ne3A_1796 : i1
      %add3A_1803 = arith.addi %rem3A_1794, %select_n3A_1793 : i32
      %select_n3A_1804 = arith.select %and3A_1802, %add3A_1803, %rem3A_1794 : i32
      %mul3A_1805 = arith.constant 125 : i32
      %mul3A_1806 = arith.muli %select_n3A_1804, %mul3A_1805 : i32
      %add3A_1807 = arith.addi %add3A_1788, %mul3A_1806 : i32
      %dma_start3A_1808 = arith.constant 0 : i32
      %dma_start3A_1809 = arith.constant 0 : i32
      %dma_start3A_1810 = tpu.memref_slice %arg9[%dma_start3A_1808, %dma_start3A_1809] : memref<128x128xf32, #tpu.memory_space<vmem>> -> memref<125x128xf32, #tpu.memory_space<vmem>>
      %dma_start3A_1811 = arith.constant 0 : i32
      %dma_start3A_1812 = tpu.memref_slice %arg4[%add3A_1807, %dma_start3A_1811] : memref<256000x128xf32, #tpu.memory_space<hbm>> -> memref<125x128xf32, #tpu.memory_space<hbm>>
      %dma_start3A_1813 = arith.constant 0 : i32
      %dma_start3A_1814 = tpu.memref_slice %arg4[%add3A_1807, %dma_start3A_1813] : memref<256000x128xf32, #tpu.memory_space<hbm>> -> memref<125x128xf32, #tpu.memory_space<hbm>>
      %dma_start3A_1815 = arith.constant 0 : i32
      %dma_start3A_1816 = arith.constant 0 : i32
      %dma_start3A_1817 = tpu.memref_slice %arg9[%dma_start3A_1815, %dma_start3A_1816] : memref<128x128xf32, #tpu.memory_space<vmem>> -> memref<125x128xf32, #tpu.memory_space<vmem>>
      tpu.enqueue_dma source(%dma_start3A_1817 : memref<125x128xf32, #tpu.memory_space<vmem>>) target(%dma_start3A_1814 : memref<125x128xf32, #tpu.memory_space<hbm>>) target_semaphore(%arg19 : memref<!tpu.dma_semaphore, #tpu.memory_space<semaphore_mem>>)
      %mul3A_1818 = arith.constant 2 : i32
      %mul3A_1819 = arith.muli %mul3A_1818, %scan3A_1142 : i32
      %add3A_1820 = arith.constant 1 : i32
      %add3A_1821 = arith.addi %mul3A_1819, %add3A_1820 : i32
      %dma_wait3A_1822 = arith.constant 0 : i32
      %dma_wait3A_1823 = arith.constant 0 : i32
      %dma_wait3A_1824 = tpu.memref_slice %arg3[%dma_wait3A_1822, %dma_wait3A_1823] : memref<2x256008xf32, #tpu.memory_space<hbm>> -> memref<2x136xf32, #tpu.memory_space<hbm>>
      %dma_wait3A_1825 = arith.constant 0 : i32
      %dma_wait3A_1826 = arith.constant 0 : i32
      %dma_wait3A_1827 = tpu.memref_slice %arg3[%dma_wait3A_1825, %dma_wait3A_1826] : memref<2x256008xf32, #tpu.memory_space<hbm>> -> memref<2x136xf32, #tpu.memory_space<hbm>>
      tpu.wait_dma2 semaphore(%arg13 : memref<!tpu.dma_semaphore, #tpu.memory_space<semaphore_mem>>) src(%dma_wait3A_1827 : memref<2x136xf32, #tpu.memory_space<hbm>>) dst(%arg5 : memref<2x136xf32, #tpu.memory_space<vmem>>)
      %add3A_1828 = arith.constant 1 : i32
      %add3A_1829 = arith.addi %add3A_1821, %add3A_1828 : i32
      %jit3A_1830 = arith.constant 2 : i32
      %div3A_1831 = arith.divsi %add3A_1829, %jit3A_1830 : i32
      %sign3A_1832 = arith.constant 0 : i32
      %sign3A_1833 = arith.cmpi sgt, %add3A_1829, %sign3A_1832 : i32
      %sign3A_1834 = arith.extui %sign3A_1833 : i1 to i32
      %sign3A_1835 = arith.constant 0 : i32
      %sign3A_1836 = arith.cmpi slt, %add3A_1829, %sign3A_1835 : i32
      %sign3A_1837 = arith.extui %sign3A_1836 : i1 to i32
      %sign3A_1838 = arith.subi %sign3A_1834, %sign3A_1837 : i32
      %sign3A_1839 = arith.constant 0 : i32
      %sign3A_1840 = arith.cmpi sgt, %jit3A_1830, %sign3A_1839 : i32
      %sign3A_1841 = arith.extui %sign3A_1840 : i1 to i32
      %sign3A_1842 = arith.constant 0 : i32
      %sign3A_1843 = arith.cmpi slt, %jit3A_1830, %sign3A_1842 : i32
      %sign3A_1844 = arith.extui %sign3A_1843 : i1 to i32
      %sign3A_1845 = arith.subi %sign3A_1841, %sign3A_1844 : i32
      %ne3A_1846 = arith.cmpi ne, %sign3A_1838, %sign3A_1845 : i32
      %rem3A_1847 = arith.remsi %add3A_1829, %jit3A_1830 : i32
      %ne3A_1848 = arith.constant 0 : i32
      %ne3A_1849 = arith.cmpi ne, %rem3A_1847, %ne3A_1848 : i32
      %and3A_1850 = arith.andi %ne3A_1846, %ne3A_1849 : i1
      %sub3A_1851 = arith.constant 1 : i32
      %sub3A_1852 = arith.subi %div3A_1831, %sub3A_1851 : i32
      %select_n3A_1853 = arith.select %and3A_1850, %sub3A_1852, %div3A_1831 : i32
      %add3A_1854 = arith.addi %mul3A_32, %select_n3A_1853 : i32
      %mul3A_1855 = arith.constant 1000 : i32
      %mul3A_1856 = arith.muli %add3A_1854, %mul3A_1855 : i32
      %add3A_1857 = arith.addi %mul3A_1856, %mul3A_34 : i32
      %jit3A_1858 = arith.constant 2 : i32
      %eq3A_1859 = arith.constant 0 : i32
      %eq3A_1860 = arith.cmpi eq, %jit3A_1858, %eq3A_1859 : i32
      %jit3A_1861 = arith.constant 1 : i32
      %select_n3A_1862 = arith.select %eq3A_1860, %jit3A_1861, %jit3A_1858 : i32
      %rem3A_1863 = arith.remsi %add3A_1829, %select_n3A_1862 : i32
      %ne3A_1864 = arith.constant 0 : i32
      %ne3A_1865 = arith.cmpi ne, %rem3A_1863, %ne3A_1864 : i32
      %lt3A_1866 = arith.constant 0 : i32
      %lt3A_1867 = arith.cmpi slt, %rem3A_1863, %lt3A_1866 : i32
      %lt3A_1868 = arith.constant 0 : i32
      %lt3A_1869 = arith.cmpi slt, %select_n3A_1862, %lt3A_1868 : i32
      %ne3A_1870 = arith.xori %lt3A_1867, %lt3A_1869 : i1
      %and3A_1871 = arith.andi %ne3A_1870, %ne3A_1865 : i1
      %add3A_1872 = arith.addi %rem3A_1863, %select_n3A_1862 : i32
      %select_n3A_1873 = arith.select %and3A_1871, %add3A_1872, %rem3A_1863 : i32
      %mul3A_1874 = arith.constant 125 : i32
      %mul3A_1875 = arith.muli %select_n3A_1873, %mul3A_1874 : i32
      %add3A_1876 = arith.addi %add3A_1857, %mul3A_1875 : i32
      %jit3A_1877 = arith.constant 8 : i32
      %eq3A_1878 = arith.constant 0 : i32
      %eq3A_1879 = arith.cmpi eq, %jit3A_1877, %eq3A_1878 : i32
      %jit3A_1880 = arith.constant 1 : i32
      %select_n3A_1881 = arith.select %eq3A_1879, %jit3A_1880, %jit3A_1877 : i32
      %rem3A_1882 = arith.remsi %add3A_1876, %select_n3A_1881 : i32
      %ne3A_1883 = arith.constant 0 : i32
      %ne3A_1884 = arith.cmpi ne, %rem3A_1882, %ne3A_1883 : i32
      %lt3A_1885 = arith.constant 0 : i32
      %lt3A_1886 = arith.cmpi slt, %rem3A_1882, %lt3A_1885 : i32
      %lt3A_1887 = arith.constant 0 : i32
      %lt3A_1888 = arith.cmpi slt, %select_n3A_1881, %lt3A_1887 : i32
      %ne3A_1889 = arith.xori %lt3A_1886, %lt3A_1888 : i1
      %and3A_1890 = arith.andi %ne3A_1889, %ne3A_1884 : i1
      %add3A_1891 = arith.addi %rem3A_1882, %select_n3A_1881 : i32
      %select_n3A_1892 = arith.select %and3A_1890, %add3A_1891, %rem3A_1882 : i32
      %broadcast_in_dim3A_1893 = arith.constant true
      %broadcast_in_dim3A_1894 = vector.broadcast %broadcast_in_dim3A_1893 : i1 to vector<16xi1>
      %add3A_1895 = arith.constant 0 : i32
      %add3A_1896 = arith.addi %select_n3A_1892, %add3A_1895 : i32
      %get3A_1897 = arith.constant 0 : i32
      %get3A_1898 = arith.index_cast %get3A_1897 : i32 to index
      %get3A_1899 = arith.index_cast %add3A_1896 : i32 to index
      %get3A_1900 = tpu.vector_load %arg5[%get3A_1898, %get3A_1899] {strides = array<i32>} : memref<2x136xf32, #tpu.memory_space<vmem>>, vector<16xf32>,
      %get3A_1901 = arith.constant 1 : i32
      %get3A_1902 = arith.index_cast %get3A_1901 : i32 to index
      %get3A_1903 = arith.index_cast %add3A_1896 : i32 to index
      %get3A_1904 = tpu.vector_load %arg5[%get3A_1902, %get3A_1903] {strides = array<i32>} : memref<2x136xf32, #tpu.memory_space<vmem>>, vector<16xf32>,
      %convert_element_type3A_1905 = arith.fptosi %get3A_1900 : vector<16xf32> to vector<16xi32>
      %jit3A_1906 = arith.constant 0 : i32
      %jit3A_1907 = arith.constant 999 : i32
      %max3A_1908 = vector.broadcast %jit3A_1906 : i32 to vector<16xi32>
      %max3A_1909 = arith.maxsi %max3A_1908, %convert_element_type3A_1905 : vector<16xi32>
      %min3A_1910 = vector.broadcast %jit3A_1907 : i32 to vector<16xi32>
      %min3A_1911 = arith.minsi %min3A_1910, %max3A_1909 : vector<16xi32>
      %mul3A_1912 = arith.constant 1000 : i32
      %mul3A_1913 = arith.muli %add3A_1854, %mul3A_1912 : i32
      %add3A_1914 = vector.broadcast %mul3A_1913 : i32 to vector<16xi32>
      %add3A_1915 = arith.addi %min3A_1911, %add3A_1914 : vector<16xi32>
      %convert_element_type3A_1916 = arith.fptosi %get3A_1904 : vector<16xf32> to vector<16xi32>
      %jit3A_1917 = arith.constant 0 : i32
      %jit3A_1918 = arith.constant 999 : i32
      %max3A_1919 = vector.broadcast %jit3A_1917 : i32 to vector<16xi32>
      %max3A_1920 = arith.maxsi %max3A_1919, %convert_element_type3A_1916 : vector<16xi32>
      %min3A_1921 = vector.broadcast %jit3A_1918 : i32 to vector<16xi32>
      %min3A_1922 = arith.minsi %min3A_1921, %max3A_1920 : vector<16xi32>
      %mul3A_1923 = arith.constant 1000 : i32
      %mul3A_1924 = arith.muli %add3A_1854, %mul3A_1923 : i32
      %add3A_1925 = vector.broadcast %mul3A_1924 : i32 to vector<16xi32>
      %add3A_1926 = arith.addi %min3A_1922, %add3A_1925 : vector<16xi32>
      %slice3A_1927 = vector.extract_strided_slice %add3A_1915 {offsets = [0], sizes = [1], strides = [1]} : vector<16xi32> to vector<1xi32>
      %squeeze3A_1928 = vector.extract %slice3A_1927[0] : i32 from vector<1xi32>
      %slice3A_1929 = vector.extract_strided_slice %add3A_1926 {offsets = [0], sizes = [1], strides = [1]} : vector<16xi32> to vector<1xi32>
      %squeeze3A_1930 = vector.extract %slice3A_1929[0] : i32 from vector<1xi32>
      %add3A_1931 = arith.constant 0 : i32
      %add3A_1932 = vector.broadcast %add3A_1931 : i32 to vector<16xi32>
      %add3A_1933 = arith.addi %add3A_1932, %iota3A : vector<16xi32>
      %ge3A_1934 = arith.constant 125 : i32
      %ge3A_1935 = vector.broadcast %ge3A_1934 : i32 to vector<16xi32>
      %ge3A_1936 = arith.cmpi sge, %add3A_1933, %ge3A_1935 : vector<16xi32>
      %broadcast_in_dim3A_1937 = vector.broadcast %squeeze3A_1928 : i32 to vector<16xi32>
      %eq3A_1938 = arith.cmpi eq, %add3A_1915, %broadcast_in_dim3A_1937 : vector<16xi32>
      %broadcast_in_dim3A_1939 = vector.broadcast %squeeze3A_1930 : i32 to vector<16xi32>
      %eq3A_1940 = arith.cmpi eq, %add3A_1926, %broadcast_in_dim3A_1939 : vector<16xi32>
      %and3A_1941 = arith.andi %eq3A_1938, %eq3A_1940 : vector<16xi1>
      %or3A_1942 = arith.ori %and3A_1941, %ge3A_1936 : vector<16xi1>
      %and3A_1943 = arith.andi %broadcast_in_dim3A_1894, %or3A_1942 : vector<16xi1>
      %swap3A_1944 = arith.constant 0 : i32
      %swap3A_1945 = arith.index_cast %swap3A_1944 : i32 to index
      %swap3A_1946 = arith.constant 0 : index
      %swap3A_1947 = tpu.vector_load %arg7[%swap3A_1945, %swap3A_1946] {strides = array<i32>} : memref<2x128xi32, #tpu.memory_space<vmem>>, vector<16xi32>,
      tpu.vector_store %arg7[%swap3A_1945, %swap3A_1946], %add3A_1915 {strides = array<i32>} : memref<2x128xi32, #tpu.memory_space<vmem>>, vector<16xi32>,
      %swap3A_1948 = arith.constant 1 : i32
      %swap3A_1949 = arith.index_cast %swap3A_1948 : i32 to index
      %swap3A_1950 = arith.constant 0 : index
      %swap3A_1951 = tpu.vector_load %arg7[%swap3A_1949, %swap3A_1950] {strides = array<i32>} : memref<2x128xi32, #tpu.memory_space<vmem>>, vector<16xi32>,
      tpu.vector_store %arg7[%swap3A_1949, %swap3A_1950], %add3A_1926 {strides = array<i32>} : memref<2x128xi32, #tpu.memory_space<vmem>>, vector<16xi32>,
      %add3A_1952 = arith.constant 16 : i32
      %add3A_1953 = arith.addi %select_n3A_1892, %add3A_1952 : i32
      %get3A_1954 = arith.constant 0 : i32
      %get3A_1955 = arith.index_cast %get3A_1954 : i32 to index
      %get3A_1956 = arith.index_cast %add3A_1953 : i32 to index
      %get3A_1957 = tpu.vector_load %arg5[%get3A_1955, %get3A_1956] {strides = array<i32>} : memref<2x136xf32, #tpu.memory_space<vmem>>, vector<16xf32>,
      %get3A_1958 = arith.constant 1 : i32
      %get3A_1959 = arith.index_cast %get3A_1958 : i32 to index
      %get3A_1960 = arith.index_cast %add3A_1953 : i32 to index
      %get3A_1961 = tpu.vector_load %arg5[%get3A_1959, %get3A_1960] {strides = array<i32>} : memref<2x136xf32, #tpu.memory_space<vmem>>, vector<16xf32>,
      %convert_element_type3A_1962 = arith.fptosi %get3A_1957 : vector<16xf32> to vector<16xi32>
      %jit3A_1963 = arith.constant 0 : i32
      %jit3A_1964 = arith.constant 999 : i32
      %max3A_1965 = vector.broadcast %jit3A_1963 : i32 to vector<16xi32>
      %max3A_1966 = arith.maxsi %max3A_1965, %convert_element_type3A_1962 : vector<16xi32>
      %min3A_1967 = vector.broadcast %jit3A_1964 : i32 to vector<16xi32>
      %min3A_1968 = arith.minsi %min3A_1967, %max3A_1966 : vector<16xi32>
      %mul3A_1969 = arith.constant 1000 : i32
      %mul3A_1970 = arith.muli %add3A_1854, %mul3A_1969 : i32
      %add3A_1971 = vector.broadcast %mul3A_1970 : i32 to vector<16xi32>
      %add3A_1972 = arith.addi %min3A_1968, %add3A_1971 : vector<16xi32>
      %convert_element_type3A_1973 = arith.fptosi %get3A_1961 : vector<16xf32> to vector<16xi32>
      %jit3A_1974 = arith.constant 0 : i32
      %jit3A_1975 = arith.constant 999 : i32
      %max3A_1976 = vector.broadcast %jit3A_1974 : i32 to vector<16xi32>
      %max3A_1977 = arith.maxsi %max3A_1976, %convert_element_type3A_1973 : vector<16xi32>
      %min3A_1978 = vector.broadcast %jit3A_1975 : i32 to vector<16xi32>
      %min3A_1979 = arith.minsi %min3A_1978, %max3A_1977 : vector<16xi32>
      %mul3A_1980 = arith.constant 1000 : i32
      %mul3A_1981 = arith.muli %add3A_1854, %mul3A_1980 : i32
      %add3A_1982 = vector.broadcast %mul3A_1981 : i32 to vector<16xi32>
      %add3A_1983 = arith.addi %min3A_1979, %add3A_1982 : vector<16xi32>
      %add3A_1984 = arith.constant 16 : i32
      %add3A_1985 = vector.broadcast %add3A_1984 : i32 to vector<16xi32>
      %add3A_1986 = arith.addi %add3A_1985, %iota3A : vector<16xi32>
      %ge3A_1987 = arith.constant 125 : i32
      %ge3A_1988 = vector.broadcast %ge3A_1987 : i32 to vector<16xi32>
      %ge3A_1989 = arith.cmpi sge, %add3A_1986, %ge3A_1988 : vector<16xi32>
      %broadcast_in_dim3A_1990 = vector.broadcast %squeeze3A_1928 : i32 to vector<16xi32>
      %eq3A_1991 = arith.cmpi eq, %add3A_1972, %broadcast_in_dim3A_1990 : vector<16xi32>
      %broadcast_in_dim3A_1992 = vector.broadcast %squeeze3A_1930 : i32 to vector<16xi32>
      %eq3A_1993 = arith.cmpi eq, %add3A_1983, %broadcast_in_dim3A_1992 : vector<16xi32>
      %and3A_1994 = arith.andi %eq3A_1991, %eq3A_1993 : vector<16xi1>
      %or3A_1995 = arith.ori %and3A_1994, %ge3A_1989 : vector<16xi1>
      %and3A_1996 = arith.andi %and3A_1943, %or3A_1995 : vector<16xi1>
      %swap3A_1997 = arith.constant 0 : i32
      %swap3A_1998 = arith.index_cast %swap3A_1997 : i32 to index
      %swap3A_1999 = arith.constant 16 : index
      %swap3A_2000 = tpu.vector_load %arg7[%swap3A_1998, %swap3A_1999] {strides = array<i32>} : memref<2x128xi32, #tpu.memory_space<vmem>>, vector<16xi32>,
      tpu.vector_store %arg7[%swap3A_1998, %swap3A_1999], %add3A_1972 {strides = array<i32>} : memref<2x128xi32, #tpu.memory_space<vmem>>, vector<16xi32>,
      %swap3A_2001 = arith.constant 1 : i32
      %swap3A_2002 = arith.index_cast %swap3A_2001 : i32 to index
      %swap3A_2003 = arith.constant 16 : index
      %swap3A_2004 = tpu.vector_load %arg7[%swap3A_2002, %swap3A_2003] {strides = array<i32>} : memref<2x128xi32, #tpu.memory_space<vmem>>, vector<16xi32>,
      tpu.vector_store %arg7[%swap3A_2002, %swap3A_2003], %add3A_1983 {strides = array<i32>} : memref<2x128xi32, #tpu.memory_space<vmem>>, vector<16xi32>,
      %add3A_2005 = arith.constant 32 : i32
      %add3A_2006 = arith.addi %select_n3A_1892, %add3A_2005 : i32
      %get3A_2007 = arith.constant 0 : i32
      %get3A_2008 = arith.index_cast %get3A_2007 : i32 to index
      %get3A_2009 = arith.index_cast %add3A_2006 : i32 to index
      %get3A_2010 = tpu.vector_load %arg5[%get3A_2008, %get3A_2009] {strides = array<i32>} : memref<2x136xf32, #tpu.memory_space<vmem>>, vector<16xf32>,
      %get3A_2011 = arith.constant 1 : i32
      %get3A_2012 = arith.index_cast %get3A_2011 : i32 to index
      %get3A_2013 = arith.index_cast %add3A_2006 : i32 to index
      %get3A_2014 = tpu.vector_load %arg5[%get3A_2012, %get3A_2013] {strides = array<i32>} : memref<2x136xf32, #tpu.memory_space<vmem>>, vector<16xf32>,
      %convert_element_type3A_2015 = arith.fptosi %get3A_2010 : vector<16xf32> to vector<16xi32>
      %jit3A_2016 = arith.constant 0 : i32
      %jit3A_2017 = arith.constant 999 : i32
      %max3A_2018 = vector.broadcast %jit3A_2016 : i32 to vector<16xi32>
      %max3A_2019 = arith.maxsi %max3A_2018, %convert_element_type3A_2015 : vector<16xi32>
      %min3A_2020 = vector.broadcast %jit3A_2017 : i32 to vector<16xi32>
      %min3A_2021 = arith.minsi %min3A_2020, %max3A_2019 : vector<16xi32>
      %mul3A_2022 = arith.constant 1000 : i32
      %mul3A_2023 = arith.muli %add3A_1854, %mul3A_2022 : i32
      %add3A_2024 = vector.broadcast %mul3A_2023 : i32 to vector<16xi32>
      %add3A_2025 = arith.addi %min3A_2021, %add3A_2024 : vector<16xi32>
      %convert_element_type3A_2026 = arith.fptosi %get3A_2014 : vector<16xf32> to vector<16xi32>
      %jit3A_2027 = arith.constant 0 : i32
      %jit3A_2028 = arith.constant 999 : i32
      %max3A_2029 = vector.broadcast %jit3A_2027 : i32 to vector<16xi32>
      %max3A_2030 = arith.maxsi %max3A_2029, %convert_element_type3A_2026 : vector<16xi32>
      %min3A_2031 = vector.broadcast %jit3A_2028 : i32 to vector<16xi32>
      %min3A_2032 = arith.minsi %min3A_2031, %max3A_2030 : vector<16xi32>
      %mul3A_2033 = arith.constant 1000 : i32
      %mul3A_2034 = arith.muli %add3A_1854, %mul3A_2033 : i32
      %add3A_2035 = vector.broadcast %mul3A_2034 : i32 to vector<16xi32>
      %add3A_2036 = arith.addi %min3A_2032, %add3A_2035 : vector<16xi32>
      %add3A_2037 = arith.constant 32 : i32
      %add3A_2038 = vector.broadcast %add3A_2037 : i32 to vector<16xi32>
      %add3A_2039 = arith.addi %add3A_2038, %iota3A : vector<16xi32>
      %ge3A_2040 = arith.constant 125 : i32
      %ge3A_2041 = vector.broadcast %ge3A_2040 : i32 to vector<16xi32>
      %ge3A_2042 = arith.cmpi sge, %add3A_2039, %ge3A_2041 : vector<16xi32>
      %broadcast_in_dim3A_2043 = vector.broadcast %squeeze3A_1928 : i32 to vector<16xi32>
      %eq3A_2044 = arith.cmpi eq, %add3A_2025, %broadcast_in_dim3A_2043 : vector<16xi32>
      %broadcast_in_dim3A_2045 = vector.broadcast %squeeze3A_1930 : i32 to vector<16xi32>
      %eq3A_2046 = arith.cmpi eq, %add3A_2036, %broadcast_in_dim3A_2045 : vector<16xi32>
      %and3A_2047 = arith.andi %eq3A_2044, %eq3A_2046 : vector<16xi1>
      %or3A_2048 = arith.ori %and3A_2047, %ge3A_2042 : vector<16xi1>
      %and3A_2049 = arith.andi %and3A_1996, %or3A_2048 : vector<16xi1>
      %swap3A_2050 = arith.constant 0 : i32
      %swap3A_2051 = arith.index_cast %swap3A_2050 : i32 to index
      %swap3A_2052 = arith.constant 32 : index
      %swap3A_2053 = tpu.vector_load %arg7[%swap3A_2051, %swap3A_2052] {strides = array<i32>} : memref<2x128xi32, #tpu.memory_space<vmem>>, vector<16xi32>,
      tpu.vector_store %arg7[%swap3A_2051, %swap3A_2052], %add3A_2025 {strides = array<i32>} : memref<2x128xi32, #tpu.memory_space<vmem>>, vector<16xi32>,
      %swap3A_2054 = arith.constant 1 : i32
      %swap3A_2055 = arith.index_cast %swap3A_2054 : i32 to index
      %swap3A_2056 = arith.constant 32 : index
      %swap3A_2057 = tpu.vector_load %arg7[%swap3A_2055, %swap3A_2056] {strides = array<i32>} : memref<2x128xi32, #tpu.memory_space<vmem>>, vector<16xi32>,
      tpu.vector_store %arg7[%swap3A_2055, %swap3A_2056], %add3A_2036 {strides = array<i32>} : memref<2x128xi32, #tpu.memory_space<vmem>>, vector<16xi32>,
      %add3A_2058 = arith.constant 48 : i32
      %add3A_2059 = arith.addi %select_n3A_1892, %add3A_2058 : i32
      %get3A_2060 = arith.constant 0 : i32
      %get3A_2061 = arith.index_cast %get3A_2060 : i32 to index
      %get3A_2062 = arith.index_cast %add3A_2059 : i32 to index
      %get3A_2063 = tpu.vector_load %arg5[%get3A_2061, %get3A_2062] {strides = array<i32>} : memref<2x136xf32, #tpu.memory_space<vmem>>, vector<16xf32>,
      %get3A_2064 = arith.constant 1 : i32
      %get3A_2065 = arith.index_cast %get3A_2064 : i32 to index
      %get3A_2066 = arith.index_cast %add3A_2059 : i32 to index
      %get3A_2067 = tpu.vector_load %arg5[%get3A_2065, %get3A_2066] {strides = array<i32>} : memref<2x136xf32, #tpu.memory_space<vmem>>, vector<16xf32>,
      %convert_element_type3A_2068 = arith.fptosi %get3A_2063 : vector<16xf32> to vector<16xi32>
      %jit3A_2069 = arith.constant 0 : i32
      %jit3A_2070 = arith.constant 999 : i32
      %max3A_2071 = vector.broadcast %jit3A_2069 : i32 to vector<16xi32>
      %max3A_2072 = arith.maxsi %max3A_2071, %convert_element_type3A_2068 : vector<16xi32>
      %min3A_2073 = vector.broadcast %jit3A_2070 : i32 to vector<16xi32>
      %min3A_2074 = arith.minsi %min3A_2073, %max3A_2072 : vector<16xi32>
      %mul3A_2075 = arith.constant 1000 : i32
      %mul3A_2076 = arith.muli %add3A_1854, %mul3A_2075 : i32
      %add3A_2077 = vector.broadcast %mul3A_2076 : i32 to vector<16xi32>
      %add3A_2078 = arith.addi %min3A_2074, %add3A_2077 : vector<16xi32>
      %convert_element_type3A_2079 = arith.fptosi %get3A_2067 : vector<16xf32> to vector<16xi32>
      %jit3A_2080 = arith.constant 0 : i32
      %jit3A_2081 = arith.constant 999 : i32
      %max3A_2082 = vector.broadcast %jit3A_2080 : i32 to vector<16xi32>
      %max3A_2083 = arith.maxsi %max3A_2082, %convert_element_type3A_2079 : vector<16xi32>
      %min3A_2084 = vector.broadcast %jit3A_2081 : i32 to vector<16xi32>
      %min3A_2085 = arith.minsi %min3A_2084, %max3A_2083 : vector<16xi32>
      %mul3A_2086 = arith.constant 1000 : i32
      %mul3A_2087 = arith.muli %add3A_1854, %mul3A_2086 : i32
      %add3A_2088 = vector.broadcast %mul3A_2087 : i32 to vector<16xi32>
      %add3A_2089 = arith.addi %min3A_2085, %add3A_2088 : vector<16xi32>
      %add3A_2090 = arith.constant 48 : i32
      %add3A_2091 = vector.broadcast %add3A_2090 : i32 to vector<16xi32>
      %add3A_2092 = arith.addi %add3A_2091, %iota3A : vector<16xi32>
      %ge3A_2093 = arith.constant 125 : i32
      %ge3A_2094 = vector.broadcast %ge3A_2093 : i32 to vector<16xi32>
      %ge3A_2095 = arith.cmpi sge, %add3A_2092, %ge3A_2094 : vector<16xi32>
      %broadcast_in_dim3A_2096 = vector.broadcast %squeeze3A_1928 : i32 to vector<16xi32>
      %eq3A_2097 = arith.cmpi eq, %add3A_2078, %broadcast_in_dim3A_2096 : vector<16xi32>
      %broadcast_in_dim3A_2098 = vector.broadcast %squeeze3A_1930 : i32 to vector<16xi32>
      %eq3A_2099 = arith.cmpi eq, %add3A_2089, %broadcast_in_dim3A_2098 : vector<16xi32>
      %and3A_2100 = arith.andi %eq3A_2097, %eq3A_2099 : vector<16xi1>
      %or3A_2101 = arith.ori %and3A_2100, %ge3A_2095 : vector<16xi1>
      %and3A_2102 = arith.andi %and3A_2049, %or3A_2101 : vector<16xi1>
      %swap3A_2103 = arith.constant 0 : i32
      %swap3A_2104 = arith.index_cast %swap3A_2103 : i32 to index
      %swap3A_2105 = arith.constant 48 : index
      %swap3A_2106 = tpu.vector_load %arg7[%swap3A_2104, %swap3A_2105] {strides = array<i32>} : memref<2x128xi32, #tpu.memory_space<vmem>>, vector<16xi32>,
      tpu.vector_store %arg7[%swap3A_2104, %swap3A_2105], %add3A_2078 {strides = array<i32>} : memref<2x128xi32, #tpu.memory_space<vmem>>, vector<16xi32>,
      %swap3A_2107 = arith.constant 1 : i32
      %swap3A_2108 = arith.index_cast %swap3A_2107 : i32 to index
      %swap3A_2109 = arith.constant 48 : index
      %swap3A_2110 = tpu.vector_load %arg7[%swap3A_2108, %swap3A_2109] {strides = array<i32>} : memref<2x128xi32, #tpu.memory_space<vmem>>, vector<16xi32>,
      tpu.vector_store %arg7[%swap3A_2108, %swap3A_2109], %add3A_2089 {strides = array<i32>} : memref<2x128xi32, #tpu.memory_space<vmem>>, vector<16xi32>,
      %add3A_2111 = arith.constant 64 : i32
      %add3A_2112 = arith.addi %select_n3A_1892, %add3A_2111 : i32
      %get3A_2113 = arith.constant 0 : i32
      %get3A_2114 = arith.index_cast %get3A_2113 : i32 to index
      %get3A_2115 = arith.index_cast %add3A_2112 : i32 to index
      %get3A_2116 = tpu.vector_load %arg5[%get3A_2114, %get3A_2115] {strides = array<i32>} : memref<2x136xf32, #tpu.memory_space<vmem>>, vector<16xf32>,
      %get3A_2117 = arith.constant 1 : i32
      %get3A_2118 = arith.index_cast %get3A_2117 : i32 to index
      %get3A_2119 = arith.index_cast %add3A_2112 : i32 to index
      %get3A_2120 = tpu.vector_load %arg5[%get3A_2118, %get3A_2119] {strides = array<i32>} : memref<2x136xf32, #tpu.memory_space<vmem>>, vector<16xf32>,
      %convert_element_type3A_2121 = arith.fptosi %get3A_2116 : vector<16xf32> to vector<16xi32>
      %jit3A_2122 = arith.constant 0 : i32
      %jit3A_2123 = arith.constant 999 : i32
      %max3A_2124 = vector.broadcast %jit3A_2122 : i32 to vector<16xi32>
      %max3A_2125 = arith.maxsi %max3A_2124, %convert_element_type3A_2121 : vector<16xi32>
      %min3A_2126 = vector.broadcast %jit3A_2123 : i32 to vector<16xi32>
      %min3A_2127 = arith.minsi %min3A_2126, %max3A_2125 : vector<16xi32>
      %mul3A_2128 = arith.constant 1000 : i32
      %mul3A_2129 = arith.muli %add3A_1854, %mul3A_2128 : i32
      %add3A_2130 = vector.broadcast %mul3A_2129 : i32 to vector<16xi32>
      %add3A_2131 = arith.addi %min3A_2127, %add3A_2130 : vector<16xi32>
      %convert_element_type3A_2132 = arith.fptosi %get3A_2120 : vector<16xf32> to vector<16xi32>
      %jit3A_2133 = arith.constant 0 : i32
      %jit3A_2134 = arith.constant 999 : i32
      %max3A_2135 = vector.broadcast %jit3A_2133 : i32 to vector<16xi32>
      %max3A_2136 = arith.maxsi %max3A_2135, %convert_element_type3A_2132 : vector<16xi32>
      %min3A_2137 = vector.broadcast %jit3A_2134 : i32 to vector<16xi32>
      %min3A_2138 = arith.minsi %min3A_2137, %max3A_2136 : vector<16xi32>
      %mul3A_2139 = arith.constant 1000 : i32
      %mul3A_2140 = arith.muli %add3A_1854, %mul3A_2139 : i32
      %add3A_2141 = vector.broadcast %mul3A_2140 : i32 to vector<16xi32>
      %add3A_2142 = arith.addi %min3A_2138, %add3A_2141 : vector<16xi32>
      %add3A_2143 = arith.constant 64 : i32
      %add3A_2144 = vector.broadcast %add3A_2143 : i32 to vector<16xi32>
      %add3A_2145 = arith.addi %add3A_2144, %iota3A : vector<16xi32>
      %ge3A_2146 = arith.constant 125 : i32
      %ge3A_2147 = vector.broadcast %ge3A_2146 : i32 to vector<16xi32>
      %ge3A_2148 = arith.cmpi sge, %add3A_2145, %ge3A_2147 : vector<16xi32>
      %broadcast_in_dim3A_2149 = vector.broadcast %squeeze3A_1928 : i32 to vector<16xi32>
      %eq3A_2150 = arith.cmpi eq, %add3A_2131, %broadcast_in_dim3A_2149 : vector<16xi32>
      %broadcast_in_dim3A_2151 = vector.broadcast %squeeze3A_1930 : i32 to vector<16xi32>
      %eq3A_2152 = arith.cmpi eq, %add3A_2142, %broadcast_in_dim3A_2151 : vector<16xi32>
      %and3A_2153 = arith.andi %eq3A_2150, %eq3A_2152 : vector<16xi1>
      %or3A_2154 = arith.ori %and3A_2153, %ge3A_2148 : vector<16xi1>
      %and3A_2155 = arith.andi %and3A_2102, %or3A_2154 : vector<16xi1>
      %swap3A_2156 = arith.constant 0 : i32
      %swap3A_2157 = arith.index_cast %swap3A_2156 : i32 to index
      %swap3A_2158 = arith.constant 64 : index
      %swap3A_2159 = tpu.vector_load %arg7[%swap3A_2157, %swap3A_2158] {strides = array<i32>} : memref<2x128xi32, #tpu.memory_space<vmem>>, vector<16xi32>,
      tpu.vector_store %arg7[%swap3A_2157, %swap3A_2158], %add3A_2131 {strides = array<i32>} : memref<2x128xi32, #tpu.memory_space<vmem>>, vector<16xi32>,
      %swap3A_2160 = arith.constant 1 : i32
      %swap3A_2161 = arith.index_cast %swap3A_2160 : i32 to index
      %swap3A_2162 = arith.constant 64 : index
      %swap3A_2163 = tpu.vector_load %arg7[%swap3A_2161, %swap3A_2162] {strides = array<i32>} : memref<2x128xi32, #tpu.memory_space<vmem>>, vector<16xi32>,
      tpu.vector_store %arg7[%swap3A_2161, %swap3A_2162], %add3A_2142 {strides = array<i32>} : memref<2x128xi32, #tpu.memory_space<vmem>>, vector<16xi32>,
      %add3A_2164 = arith.constant 80 : i32
      %add3A_2165 = arith.addi %select_n3A_1892, %add3A_2164 : i32
      %get3A_2166 = arith.constant 0 : i32
      %get3A_2167 = arith.index_cast %get3A_2166 : i32 to index
      %get3A_2168 = arith.index_cast %add3A_2165 : i32 to index
      %get3A_2169 = tpu.vector_load %arg5[%get3A_2167, %get3A_2168] {strides = array<i32>} : memref<2x136xf32, #tpu.memory_space<vmem>>, vector<16xf32>,
      %get3A_2170 = arith.constant 1 : i32
      %get3A_2171 = arith.index_cast %get3A_2170 : i32 to index
      %get3A_2172 = arith.index_cast %add3A_2165 : i32 to index
      %get3A_2173 = tpu.vector_load %arg5[%get3A_2171, %get3A_2172] {strides = array<i32>} : memref<2x136xf32, #tpu.memory_space<vmem>>, vector<16xf32>,
      %convert_element_type3A_2174 = arith.fptosi %get3A_2169 : vector<16xf32> to vector<16xi32>
      %jit3A_2175 = arith.constant 0 : i32
      %jit3A_2176 = arith.constant 999 : i32
      %max3A_2177 = vector.broadcast %jit3A_2175 : i32 to vector<16xi32>
      %max3A_2178 = arith.maxsi %max3A_2177, %convert_element_type3A_2174 : vector<16xi32>
      %min3A_2179 = vector.broadcast %jit3A_2176 : i32 to vector<16xi32>
      %min3A_2180 = arith.minsi %min3A_2179, %max3A_2178 : vector<16xi32>
      %mul3A_2181 = arith.constant 1000 : i32
      %mul3A_2182 = arith.muli %add3A_1854, %mul3A_2181 : i32
      %add3A_2183 = vector.broadcast %mul3A_2182 : i32 to vector<16xi32>
      %add3A_2184 = arith.addi %min3A_2180, %add3A_2183 : vector<16xi32>
      %convert_element_type3A_2185 = arith.fptosi %get3A_2173 : vector<16xf32> to vector<16xi32>
      %jit3A_2186 = arith.constant 0 : i32
      %jit3A_2187 = arith.constant 999 : i32
      %max3A_2188 = vector.broadcast %jit3A_2186 : i32 to vector<16xi32>
      %max3A_2189 = arith.maxsi %max3A_2188, %convert_element_type3A_2185 : vector<16xi32>
      %min3A_2190 = vector.broadcast %jit3A_2187 : i32 to vector<16xi32>
      %min3A_2191 = arith.minsi %min3A_2190, %max3A_2189 : vector<16xi32>
      %mul3A_2192 = arith.constant 1000 : i32
      %mul3A_2193 = arith.muli %add3A_1854, %mul3A_2192 : i32
      %add3A_2194 = vector.broadcast %mul3A_2193 : i32 to vector<16xi32>
      %add3A_2195 = arith.addi %min3A_2191, %add3A_2194 : vector<16xi32>
      %add3A_2196 = arith.constant 80 : i32
      %add3A_2197 = vector.broadcast %add3A_2196 : i32 to vector<16xi32>
      %add3A_2198 = arith.addi %add3A_2197, %iota3A : vector<16xi32>
      %ge3A_2199 = arith.constant 125 : i32
      %ge3A_2200 = vector.broadcast %ge3A_2199 : i32 to vector<16xi32>
      %ge3A_2201 = arith.cmpi sge, %add3A_2198, %ge3A_2200 : vector<16xi32>
      %broadcast_in_dim3A_2202 = vector.broadcast %squeeze3A_1928 : i32 to vector<16xi32>
      %eq3A_2203 = arith.cmpi eq, %add3A_2184, %broadcast_in_dim3A_2202 : vector<16xi32>
      %broadcast_in_dim3A_2204 = vector.broadcast %squeeze3A_1930 : i32 to vector<16xi32>
      %eq3A_2205 = arith.cmpi eq, %add3A_2195, %broadcast_in_dim3A_2204 : vector<16xi32>
      %and3A_2206 = arith.andi %eq3A_2203, %eq3A_2205 : vector<16xi1>
      %or3A_2207 = arith.ori %and3A_2206, %ge3A_2201 : vector<16xi1>
      %and3A_2208 = arith.andi %and3A_2155, %or3A_2207 : vector<16xi1>
      %swap3A_2209 = arith.constant 0 : i32
      %swap3A_2210 = arith.index_cast %swap3A_2209 : i32 to index
      %swap3A_2211 = arith.constant 80 : index
      %swap3A_2212 = tpu.vector_load %arg7[%swap3A_2210, %swap3A_2211] {strides = array<i32>} : memref<2x128xi32, #tpu.memory_space<vmem>>, vector<16xi32>,
      tpu.vector_store %arg7[%swap3A_2210, %swap3A_2211], %add3A_2184 {strides = array<i32>} : memref<2x128xi32, #tpu.memory_space<vmem>>, vector<16xi32>,
      %swap3A_2213 = arith.constant 1 : i32
      %swap3A_2214 = arith.index_cast %swap3A_2213 : i32 to index
      %swap3A_2215 = arith.constant 80 : index
      %swap3A_2216 = tpu.vector_load %arg7[%swap3A_2214, %swap3A_2215] {strides = array<i32>} : memref<2x128xi32, #tpu.memory_space<vmem>>, vector<16xi32>,
      tpu.vector_store %arg7[%swap3A_2214, %swap3A_2215], %add3A_2195 {strides = array<i32>} : memref<2x128xi32, #tpu.memory_space<vmem>>, vector<16xi32>,
      %add3A_2217 = arith.constant 96 : i32
      %add3A_2218 = arith.addi %select_n3A_1892, %add3A_2217 : i32
      %get3A_2219 = arith.constant 0 : i32
      %get3A_2220 = arith.index_cast %get3A_2219 : i32 to index
      %get3A_2221 = arith.index_cast %add3A_2218 : i32 to index
      %get3A_2222 = tpu.vector_load %arg5[%get3A_2220, %get3A_2221] {strides = array<i32>} : memref<2x136xf32, #tpu.memory_space<vmem>>, vector<16xf32>,
      %get3A_2223 = arith.constant 1 : i32
      %get3A_2224 = arith.index_cast %get3A_2223 : i32 to index
      %get3A_2225 = arith.index_cast %add3A_2218 : i32 to index
      %get3A_2226 = tpu.vector_load %arg5[%get3A_2224, %get3A_2225] {strides = array<i32>} : memref<2x136xf32, #tpu.memory_space<vmem>>, vector<16xf32>,
      %convert_element_type3A_2227 = arith.fptosi %get3A_2222 : vector<16xf32> to vector<16xi32>
      %jit3A_2228 = arith.constant 0 : i32
      %jit3A_2229 = arith.constant 999 : i32
      %max3A_2230 = vector.broadcast %jit3A_2228 : i32 to vector<16xi32>
      %max3A_2231 = arith.maxsi %max3A_2230, %convert_element_type3A_2227 : vector<16xi32>
      %min3A_2232 = vector.broadcast %jit3A_2229 : i32 to vector<16xi32>
      %min3A_2233 = arith.minsi %min3A_2232, %max3A_2231 : vector<16xi32>
      %mul3A_2234 = arith.constant 1000 : i32
      %mul3A_2235 = arith.muli %add3A_1854, %mul3A_2234 : i32
      %add3A_2236 = vector.broadcast %mul3A_2235 : i32 to vector<16xi32>
      %add3A_2237 = arith.addi %min3A_2233, %add3A_2236 : vector<16xi32>
      %convert_element_type3A_2238 = arith.fptosi %get3A_2226 : vector<16xf32> to vector<16xi32>
      %jit3A_2239 = arith.constant 0 : i32
      %jit3A_2240 = arith.constant 999 : i32
      %max3A_2241 = vector.broadcast %jit3A_2239 : i32 to vector<16xi32>
      %max3A_2242 = arith.maxsi %max3A_2241, %convert_element_type3A_2238 : vector<16xi32>
      %min3A_2243 = vector.broadcast %jit3A_2240 : i32 to vector<16xi32>
      %min3A_2244 = arith.minsi %min3A_2243, %max3A_2242 : vector<16xi32>
      %mul3A_2245 = arith.constant 1000 : i32
      %mul3A_2246 = arith.muli %add3A_1854, %mul3A_2245 : i32
      %add3A_2247 = vector.broadcast %mul3A_2246 : i32 to vector<16xi32>
      %add3A_2248 = arith.addi %min3A_2244, %add3A_2247 : vector<16xi32>
      %add3A_2249 = arith.constant 96 : i32
      %add3A_2250 = vector.broadcast %add3A_2249 : i32 to vector<16xi32>
      %add3A_2251 = arith.addi %add3A_2250, %iota3A : vector<16xi32>
      %ge3A_2252 = arith.constant 125 : i32
      %ge3A_2253 = vector.broadcast %ge3A_2252 : i32 to vector<16xi32>
      %ge3A_2254 = arith.cmpi sge, %add3A_2251, %ge3A_2253 : vector<16xi32>
      %broadcast_in_dim3A_2255 = vector.broadcast %squeeze3A_1928 : i32 to vector<16xi32>
      %eq3A_2256 = arith.cmpi eq, %add3A_2237, %broadcast_in_dim3A_2255 : vector<16xi32>
      %broadcast_in_dim3A_2257 = vector.broadcast %squeeze3A_1930 : i32 to vector<16xi32>
      %eq3A_2258 = arith.cmpi eq, %add3A_2248, %broadcast_in_dim3A_2257 : vector<16xi32>
      %and3A_2259 = arith.andi %eq3A_2256, %eq3A_2258 : vector<16xi1>
      %or3A_2260 = arith.ori %and3A_2259, %ge3A_2254 : vector<16xi1>
      %and3A_2261 = arith.andi %and3A_2208, %or3A_2260 : vector<16xi1>
      %swap3A_2262 = arith.constant 0 : i32
      %swap3A_2263 = arith.index_cast %swap3A_2262 : i32 to index
      %swap3A_2264 = arith.constant 96 : index
      %swap3A_2265 = tpu.vector_load %arg7[%swap3A_2263, %swap3A_2264] {strides = array<i32>} : memref<2x128xi32, #tpu.memory_space<vmem>>, vector<16xi32>,
      tpu.vector_store %arg7[%swap3A_2263, %swap3A_2264], %add3A_2237 {strides = array<i32>} : memref<2x128xi32, #tpu.memory_space<vmem>>, vector<16xi32>,
      %swap3A_2266 = arith.constant 1 : i32
      %swap3A_2267 = arith.index_cast %swap3A_2266 : i32 to index
      %swap3A_2268 = arith.constant 96 : index
      %swap3A_2269 = tpu.vector_load %arg7[%swap3A_2267, %swap3A_2268] {strides = array<i32>} : memref<2x128xi32, #tpu.memory_space<vmem>>, vector<16xi32>,
      tpu.vector_store %arg7[%swap3A_2267, %swap3A_2268], %add3A_2248 {strides = array<i32>} : memref<2x128xi32, #tpu.memory_space<vmem>>, vector<16xi32>,
      %add3A_2270 = arith.constant 112 : i32
      %add3A_2271 = arith.addi %select_n3A_1892, %add3A_2270 : i32
      %get3A_2272 = arith.constant 0 : i32
      %get3A_2273 = arith.index_cast %get3A_2272 : i32 to index
      %get3A_2274 = arith.index_cast %add3A_2271 : i32 to index
      %get3A_2275 = tpu.vector_load %arg5[%get3A_2273, %get3A_2274] {strides = array<i32>} : memref<2x136xf32, #tpu.memory_space<vmem>>, vector<16xf32>,
      %get3A_2276 = arith.constant 1 : i32
      %get3A_2277 = arith.index_cast %get3A_2276 : i32 to index
      %get3A_2278 = arith.index_cast %add3A_2271 : i32 to index
      %get3A_2279 = tpu.vector_load %arg5[%get3A_2277, %get3A_2278] {strides = array<i32>} : memref<2x136xf32, #tpu.memory_space<vmem>>, vector<16xf32>,
      %convert_element_type3A_2280 = arith.fptosi %get3A_2275 : vector<16xf32> to vector<16xi32>
      %jit3A_2281 = arith.constant 0 : i32
      %jit3A_2282 = arith.constant 999 : i32
      %max3A_2283 = vector.broadcast %jit3A_2281 : i32 to vector<16xi32>
      %max3A_2284 = arith.maxsi %max3A_2283, %convert_element_type3A_2280 : vector<16xi32>
      %min3A_2285 = vector.broadcast %jit3A_2282 : i32 to vector<16xi32>
      %min3A_2286 = arith.minsi %min3A_2285, %max3A_2284 : vector<16xi32>
      %mul3A_2287 = arith.constant 1000 : i32
      %mul3A_2288 = arith.muli %add3A_1854, %mul3A_2287 : i32
      %add3A_2289 = vector.broadcast %mul3A_2288 : i32 to vector<16xi32>
      %add3A_2290 = arith.addi %min3A_2286, %add3A_2289 : vector<16xi32>
      %convert_element_type3A_2291 = arith.fptosi %get3A_2279 : vector<16xf32> to vector<16xi32>
      %jit3A_2292 = arith.constant 0 : i32
      %jit3A_2293 = arith.constant 999 : i32
      %max3A_2294 = vector.broadcast %jit3A_2292 : i32 to vector<16xi32>
      %max3A_2295 = arith.maxsi %max3A_2294, %convert_element_type3A_2291 : vector<16xi32>
      %min3A_2296 = vector.broadcast %jit3A_2293 : i32 to vector<16xi32>
      %min3A_2297 = arith.minsi %min3A_2296, %max3A_2295 : vector<16xi32>
      %mul3A_2298 = arith.constant 1000 : i32
      %mul3A_2299 = arith.muli %add3A_1854, %mul3A_2298 : i32
      %add3A_2300 = vector.broadcast %mul3A_2299 : i32 to vector<16xi32>
      %add3A_2301 = arith.addi %min3A_2297, %add3A_2300 : vector<16xi32>
      %add3A_2302 = arith.constant 112 : i32
      %add3A_2303 = vector.broadcast %add3A_2302 : i32 to vector<16xi32>
      %add3A_2304 = arith.addi %add3A_2303, %iota3A : vector<16xi32>
      %ge3A_2305 = arith.constant 125 : i32
      %ge3A_2306 = vector.broadcast %ge3A_2305 : i32 to vector<16xi32>
      %ge3A_2307 = arith.cmpi sge, %add3A_2304, %ge3A_2306 : vector<16xi32>
      %broadcast_in_dim3A_2308 = vector.broadcast %squeeze3A_1928 : i32 to vector<16xi32>
      %eq3A_2309 = arith.cmpi eq, %add3A_2290, %broadcast_in_dim3A_2308 : vector<16xi32>
      %broadcast_in_dim3A_2310 = vector.broadcast %squeeze3A_1930 : i32 to vector<16xi32>
      %eq3A_2311 = arith.cmpi eq, %add3A_2301, %broadcast_in_dim3A_2310 : vector<16xi32>
      %and3A_2312 = arith.andi %eq3A_2309, %eq3A_2311 : vector<16xi1>
      %or3A_2313 = arith.ori %and3A_2312, %ge3A_2307 : vector<16xi1>
      %and3A_2314 = arith.andi %and3A_2261, %or3A_2313 : vector<16xi1>
      %swap3A_2315 = arith.constant 0 : i32
      %swap3A_2316 = arith.index_cast %swap3A_2315 : i32 to index
      %swap3A_2317 = arith.constant 112 : index
      %swap3A_2318 = tpu.vector_load %arg7[%swap3A_2316, %swap3A_2317] {strides = array<i32>} : memref<2x128xi32, #tpu.memory_space<vmem>>, vector<16xi32>,
      tpu.vector_store %arg7[%swap3A_2316, %swap3A_2317], %add3A_2290 {strides = array<i32>} : memref<2x128xi32, #tpu.memory_space<vmem>>, vector<16xi32>,
      %swap3A_2319 = arith.constant 1 : i32
      %swap3A_2320 = arith.index_cast %swap3A_2319 : i32 to index
      %swap3A_2321 = arith.constant 112 : index
      %swap3A_2322 = tpu.vector_load %arg7[%swap3A_2320, %swap3A_2321] {strides = array<i32>} : memref<2x128xi32, #tpu.memory_space<vmem>>, vector<16xi32>,
      tpu.vector_store %arg7[%swap3A_2320, %swap3A_2321], %add3A_2301 {strides = array<i32>} : memref<2x128xi32, #tpu.memory_space<vmem>>, vector<16xi32>,
      %reduce_and3A_2323 = arith.constant 1.000000e+00 : f32
      %reduce_and3A_2324 = arith.constant 0.000000e+00 : f32
      %reduce_and3A_2325 = vector.broadcast %reduce_and3A_2323 : f32 to vector<16xf32>
      %reduce_and3A_2326 = vector.broadcast %reduce_and3A_2324 : f32 to vector<16xf32>
      %reduce_and3A_2327 = arith.select %and3A_2314, %reduce_and3A_2325, %reduce_and3A_2326 : vector<16xi1>, vector<16xf32>
      %reduce_and3A_2328 = arith.constant true
      %reduce_and3A_2329 = vector.broadcast %reduce_and3A_2328 : i1 to vector<16xi1>
      %reduce_and3A_2330 = tpu.scan <min>, %reduce_and3A_2327 masked %reduce_and3A_2329 : vector<16xf32>, vector<16xi1> -> vector<16xf32>
      %reduce_and3A_2331 = vector.extract %reduce_and3A_2330[15] : f32 from vector<16xf32>
      %reduce_and3A_2332 = arith.constant 0.000000e+00 : f32
      %reduce_and3A_2333 = arith.cmpf ogt, %reduce_and3A_2331, %reduce_and3A_2332 : f32
      %add3A_2334 = arith.constant 2 : i32
      %add3A_2335 = arith.addi %add3A_1821, %add3A_2334 : i32
      %jit3A_2336 = arith.constant 2 : i32
      %div3A_2337 = arith.divsi %add3A_2335, %jit3A_2336 : i32
      %sign3A_2338 = arith.constant 0 : i32
      %sign3A_2339 = arith.cmpi sgt, %add3A_2335, %sign3A_2338 : i32
      %sign3A_2340 = arith.extui %sign3A_2339 : i1 to i32
      %sign3A_2341 = arith.constant 0 : i32
      %sign3A_2342 = arith.cmpi slt, %add3A_2335, %sign3A_2341 : i32
      %sign3A_2343 = arith.extui %sign3A_2342 : i1 to i32
      %sign3A_2344 = arith.subi %sign3A_2340, %sign3A_2343 : i32
      %sign3A_2345 = arith.constant 0 : i32
      %sign3A_2346 = arith.cmpi sgt, %jit3A_2336, %sign3A_2345 : i32
      %sign3A_2347 = arith.extui %sign3A_2346 : i1 to i32
      %sign3A_2348 = arith.constant 0 : i32
      %sign3A_2349 = arith.cmpi slt, %jit3A_2336, %sign3A_2348 : i32
      %sign3A_2350 = arith.extui %sign3A_2349 : i1 to i32
      %sign3A_2351 = arith.subi %sign3A_2347, %sign3A_2350 : i32
      %ne3A_2352 = arith.cmpi ne, %sign3A_2344, %sign3A_2351 : i32
      %rem3A_2353 = arith.remsi %add3A_2335, %jit3A_2336 : i32
      %ne3A_2354 = arith.constant 0 : i32
      %ne3A_2355 = arith.cmpi ne, %rem3A_2353, %ne3A_2354 : i32
      %and3A_2356 = arith.andi %ne3A_2352, %ne3A_2355 : i1
      %sub3A_2357 = arith.constant 1 : i32
      %sub3A_2358 = arith.subi %div3A_2337, %sub3A_2357 : i32
      %select_n3A_2359 = arith.select %and3A_2356, %sub3A_2358, %div3A_2337 : i32
      %add3A_2360 = arith.addi %mul3A_32, %select_n3A_2359 : i32
      %mul3A_2361 = arith.constant 1000 : i32
      %mul3A_2362 = arith.muli %add3A_2360, %mul3A_2361 : i32
      %add3A_2363 = arith.addi %mul3A_2362, %mul3A_34 : i32
      %jit3A_2364 = arith.constant 2 : i32
      %eq3A_2365 = arith.constant 0 : i32
      %eq3A_2366 = arith.cmpi eq, %jit3A_2364, %eq3A_2365 : i32
      %jit3A_2367 = arith.constant 1 : i32
      %select_n3A_2368 = arith.select %eq3A_2366, %jit3A_2367, %jit3A_2364 : i32
      %rem3A_2369 = arith.remsi %add3A_2335, %select_n3A_2368 : i32
      %ne3A_2370 = arith.constant 0 : i32
      %ne3A_2371 = arith.cmpi ne, %rem3A_2369, %ne3A_2370 : i32
      %lt3A_2372 = arith.constant 0 : i32
      %lt3A_2373 = arith.cmpi slt, %rem3A_2369, %lt3A_2372 : i32
      %lt3A_2374 = arith.constant 0 : i32
      %lt3A_2375 = arith.cmpi slt, %select_n3A_2368, %lt3A_2374 : i32
      %ne3A_2376 = arith.xori %lt3A_2373, %lt3A_2375 : i1
      %and3A_2377 = arith.andi %ne3A_2376, %ne3A_2371 : i1
      %add3A_2378 = arith.addi %rem3A_2369, %select_n3A_2368 : i32
      %select_n3A_2379 = arith.select %and3A_2377, %add3A_2378, %rem3A_2369 : i32
      %mul3A_2380 = arith.constant 125 : i32
      %mul3A_2381 = arith.muli %select_n3A_2379, %mul3A_2380 : i32
      %add3A_2382 = arith.addi %add3A_2363, %mul3A_2381 : i32
      %jit3A_2383 = arith.constant 8 : i32
      %div3A_2384 = arith.divsi %add3A_2382, %jit3A_2383 : i32
      %sign3A_2385 = arith.constant 0 : i32
      %sign3A_2386 = arith.cmpi sgt, %add3A_2382, %sign3A_2385 : i32
      %sign3A_2387 = arith.extui %sign3A_2386 : i1 to i32
      %sign3A_2388 = arith.constant 0 : i32
      %sign3A_2389 = arith.cmpi slt, %add3A_2382, %sign3A_2388 : i32
      %sign3A_2390 = arith.extui %sign3A_2389 : i1 to i32
      %sign3A_2391 = arith.subi %sign3A_2387, %sign3A_2390 : i32
      %sign3A_2392 = arith.constant 0 : i32
      %sign3A_2393 = arith.cmpi sgt, %jit3A_2383, %sign3A_2392 : i32
      %sign3A_2394 = arith.extui %sign3A_2393 : i1 to i32
      %sign3A_2395 = arith.constant 0 : i32
      %sign3A_2396 = arith.cmpi slt, %jit3A_2383, %sign3A_2395 : i32
      %sign3A_2397 = arith.extui %sign3A_2396 : i1 to i32
      %sign3A_2398 = arith.subi %sign3A_2394, %sign3A_2397 : i32
      %ne3A_2399 = arith.cmpi ne, %sign3A_2391, %sign3A_2398 : i32
      %rem3A_2400 = arith.remsi %add3A_2382, %jit3A_2383 : i32
      %ne3A_2401 = arith.constant 0 : i32
      %ne3A_2402 = arith.cmpi ne, %rem3A_2400, %ne3A_2401 : i32
      %and3A_2403 = arith.andi %ne3A_2399, %ne3A_2402 : i1
      %sub3A_2404 = arith.constant 1 : i32
      %sub3A_2405 = arith.subi %div3A_2384, %sub3A_2404 : i32
      %select_n3A_2406 = arith.select %and3A_2403, %sub3A_2405, %div3A_2384 : i32
      %mul3A_2407 = arith.constant 8 : i32
      %mul3A_2408 = arith.muli %select_n3A_2406, %mul3A_2407 : i32
      %dma_start3A_2409 = arith.constant 0 : i32
      %dma_start3A_2410 = tpu.memref_slice %arg3[%dma_start3A_2409, %mul3A_2408] : memref<2x256008xf32, #tpu.memory_space<hbm>> -> memref<2x136xf32, #tpu.memory_space<hbm>>
      %dma_start3A_2411 = arith.constant 0 : i32
      %dma_start3A_2412 = tpu.memref_slice %arg3[%dma_start3A_2411, %mul3A_2408] : memref<2x256008xf32, #tpu.memory_space<hbm>> -> memref<2x136xf32, #tpu.memory_space<hbm>>
      tpu.enqueue_dma source(%dma_start3A_2412 : memref<2x136xf32, #tpu.memory_space<hbm>>) target(%arg6 : memref<2x136xf32, #tpu.memory_space<vmem>>) target_semaphore(%arg14 : memref<!tpu.dma_semaphore, #tpu.memory_space<semaphore_mem>>)
      %ge3A_2413 = arith.constant 1 : i32
      %ge3A_2414 = arith.cmpi sge, %add3A_1821, %ge3A_2413 : i32
      %convert_element_type3A_2415 = arith.extui %ge3A_2414 : i1 to i32
      %cond3A_2416 = arith.constant 0 : i32
      %cond3A_2417 = arith.cmpi ne, %convert_element_type3A_2415, %cond3A_2416 : i32
      scf.if %cond3A_2417 {
        %dma_wait3A_2491 = arith.constant 0 : i32
        %dma_wait3A_2492 = arith.constant 0 : i32
        %dma_wait3A_2493 = tpu.memref_slice %arg9[%dma_wait3A_2491, %dma_wait3A_2492] : memref<128x128xf32, #tpu.memory_space<vmem>> -> memref<125x128xf32, #tpu.memory_space<vmem>>
        %dma_wait3A_2494 = arith.constant 0 : i32
        %dma_wait3A_2495 = arith.constant 0 : i32
        %dma_wait3A_2496 = tpu.memref_slice %arg4[%dma_wait3A_2494, %dma_wait3A_2495] : memref<256000x128xf32, #tpu.memory_space<hbm>> -> memref<125x128xf32, #tpu.memory_space<hbm>>
        %dma_wait3A_2497 = arith.constant 0 : i32
        %dma_wait3A_2498 = arith.constant 0 : i32
        %dma_wait3A_2499 = tpu.memref_slice %arg4[%dma_wait3A_2497, %dma_wait3A_2498] : memref<256000x128xf32, #tpu.memory_space<hbm>> -> memref<125x128xf32, #tpu.memory_space<hbm>>
        %dma_wait3A_2500 = arith.constant 0 : i32
        %dma_wait3A_2501 = arith.constant 0 : i32
        %dma_wait3A_2502 = tpu.memref_slice %arg9[%dma_wait3A_2500, %dma_wait3A_2501] : memref<128x128xf32, #tpu.memory_space<vmem>> -> memref<125x128xf32, #tpu.memory_space<vmem>>
        tpu.wait_dma2 semaphore(%arg19 : memref<!tpu.dma_semaphore, #tpu.memory_space<semaphore_mem>>) src(%dma_wait3A_2502 : memref<125x128xf32, #tpu.memory_space<vmem>>) dst(%dma_wait3A_2499 : memref<125x128xf32, #tpu.memory_space<hbm>>)
      } else {
      }
      %convert_element_type3A_2418 = arith.extui %reduce_and3A_2333 : i1 to i32
      %cond3A_2419 = arith.constant 0 : i32
      %cond3A_2420 = arith.cmpi ne, %convert_element_type3A_2418, %cond3A_2419 : i32
      scf.if %cond3A_2420 {
        %dma_start3A_2491 = arith.constant 0 : i32
        %dma_start3A_2492 = arith.constant 0 : i32
        %dma_start3A_2493 = tpu.memref_slice %arg9[%dma_start3A_2491, %dma_start3A_2492] : memref<128x128xf32, #tpu.memory_space<vmem>> -> memref<1x128xf32, #tpu.memory_space<vmem>>
        %dma_start3A_2494 = arith.constant 0 : i32
        %dma_start3A_2495 = tpu.memref_slice %arg2[%squeeze3A_1928, %dma_start3A_2494] : memref<256000x128xf32, #tpu.memory_space<hbm>> -> memref<1x128xf32, #tpu.memory_space<hbm>>
        %dma_start3A_2496 = arith.constant 0 : i32
        %dma_start3A_2497 = arith.constant 0 : i32
        %dma_start3A_2498 = tpu.memref_slice %arg9[%dma_start3A_2496, %dma_start3A_2497] : memref<128x128xf32, #tpu.memory_space<vmem>> -> memref<1x128xf32, #tpu.memory_space<vmem>>
        %dma_start3A_2499 = arith.constant 0 : i32
        %dma_start3A_2500 = tpu.memref_slice %arg2[%squeeze3A_1928, %dma_start3A_2499] : memref<256000x128xf32, #tpu.memory_space<hbm>> -> memref<1x128xf32, #tpu.memory_space<hbm>>
        tpu.enqueue_dma source(%dma_start3A_2500 : memref<1x128xf32, #tpu.memory_space<hbm>>) target(%dma_start3A_2498 : memref<1x128xf32, #tpu.memory_space<vmem>>) target_semaphore(%arg15 : memref<!tpu.dma_semaphore, #tpu.memory_space<semaphore_mem>>)
        %dma_start3A_2501 = arith.constant 0 : i32
        %dma_start3A_2502 = arith.constant 0 : i32
        %dma_start3A_2503 = tpu.memref_slice %arg11[%dma_start3A_2501, %dma_start3A_2502] : memref<128x128xf32, #tpu.memory_space<vmem>> -> memref<1x128xf32, #tpu.memory_space<vmem>>
        %dma_start3A_2504 = arith.constant 0 : i32
        %dma_start3A_2505 = tpu.memref_slice %arg2[%squeeze3A_1930, %dma_start3A_2504] : memref<256000x128xf32, #tpu.memory_space<hbm>> -> memref<1x128xf32, #tpu.memory_space<hbm>>
        %dma_start3A_2506 = arith.constant 0 : i32
        %dma_start3A_2507 = arith.constant 0 : i32
        %dma_start3A_2508 = tpu.memref_slice %arg11[%dma_start3A_2506, %dma_start3A_2507] : memref<128x128xf32, #tpu.memory_space<vmem>> -> memref<1x128xf32, #tpu.memory_space<vmem>>
        %dma_start3A_2509 = arith.constant 0 : i32
        %dma_start3A_2510 = tpu.memref_slice %arg2[%squeeze3A_1930, %dma_start3A_2509] : memref<256000x128xf32, #tpu.memory_space<hbm>> -> memref<1x128xf32, #tpu.memory_space<hbm>>
        tpu.enqueue_dma source(%dma_start3A_2510 : memref<1x128xf32, #tpu.memory_space<hbm>>) target(%dma_start3A_2508 : memref<1x128xf32, #tpu.memory_space<vmem>>) target_semaphore(%arg17 : memref<!tpu.dma_semaphore, #tpu.memory_space<semaphore_mem>>)
      } else {
      }
      %not3A_2421 = arith.constant true
      %not3A_2422 = arith.xori %reduce_and3A_2333, %not3A_2421 : i1
      %convert_element_type3A_2423 = arith.extui %not3A_2422 : i1 to i32
      %cond3A_2424 = arith.constant 0 : i32
      %cond3A_2425 = arith.cmpi ne, %convert_element_type3A_2423, %cond3A_2424 : i32
      scf.if %cond3A_2425 {
        %dma_start3A_2491 = arith.constant 0 : i32
        %dma_start3A_2492 = arith.constant 0 : i32
        %dma_start3A_2493 = tpu.memref_slice %arg7[%dma_start3A_2491, %dma_start3A_2492] : memref<2x128xi32, #tpu.memory_space<vmem>> -> memref<1x128xi32, #tpu.memory_space<vmem>>
        %dma_start3A_2494 = tpu.memref_squeeze %dma_start3A_2493 : memref<1x128xi32, #tpu.memory_space<vmem>> -> memref<128xi32, #tpu.memory_space<vmem>>
        %dma_start3A_2495 = arith.constant 0 : i32
        %dma_start3A_2496 = arith.constant 0 : i32
        %dma_start3A_2497 = tpu.memref_slice %arg2[%dma_start3A_2495, %dma_start3A_2496] : memref<256000x128xf32, #tpu.memory_space<hbm>> -> memref<256000x128xf32, #tpu.memory_space<hbm>>
        tpu.enqueue_indirect_dma source(%dma_start3A_2497 : memref<256000x128xf32, #tpu.memory_space<hbm>>) target(%arg9 : memref<128x128xf32, #tpu.memory_space<vmem>>) offsets(%dma_start3A_2494 : memref<128xi32, #tpu.memory_space<vmem>>) semaphore(%arg15 : memref<!tpu.dma_semaphore, #tpu.memory_space<semaphore_mem>>)
        %dma_start3A_2498 = arith.constant 1 : i32
        %dma_start3A_2499 = arith.constant 0 : i32
        %dma_start3A_2500 = tpu.memref_slice %arg7[%dma_start3A_2498, %dma_start3A_2499] : memref<2x128xi32, #tpu.memory_space<vmem>> -> memref<1x128xi32, #tpu.memory_space<vmem>>
        %dma_start3A_2501 = tpu.memref_squeeze %dma_start3A_2500 : memref<1x128xi32, #tpu.memory_space<vmem>> -> memref<128xi32, #tpu.memory_space<vmem>>
        %dma_start3A_2502 = arith.constant 0 : i32
        %dma_start3A_2503 = arith.constant 0 : i32
        %dma_start3A_2504 = tpu.memref_slice %arg2[%dma_start3A_2502, %dma_start3A_2503] : memref<256000x128xf32, #tpu.memory_space<hbm>> -> memref<256000x128xf32, #tpu.memory_space<hbm>>
        tpu.enqueue_indirect_dma source(%dma_start3A_2504 : memref<256000x128xf32, #tpu.memory_space<hbm>>) target(%arg11 : memref<128x128xf32, #tpu.memory_space<vmem>>) offsets(%dma_start3A_2501 : memref<128xi32, #tpu.memory_space<vmem>>) semaphore(%arg17 : memref<!tpu.dma_semaphore, #tpu.memory_space<semaphore_mem>>)
      } else {
      }
      %convert_element_type3A_2426 = arith.extui %reduce_and3A_1660 : i1 to i32
      %cond3A_2427 = arith.constant 0 : i32
      %cond3A_2428 = arith.cmpi ne, %convert_element_type3A_2426, %cond3A_2427 : i32
      scf.if %cond3A_2428 {
        %dma_wait3A_2491 = arith.constant 0 : i32
        %dma_wait3A_2492 = arith.constant 0 : i32
        %dma_wait3A_2493 = tpu.memref_slice %arg10[%dma_wait3A_2491, %dma_wait3A_2492] : memref<128x128xf32, #tpu.memory_space<vmem>> -> memref<1x128xf32, #tpu.memory_space<vmem>>
        %dma_wait3A_2494 = arith.constant 0 : i32
        %dma_wait3A_2495 = arith.constant 0 : i32
        %dma_wait3A_2496 = tpu.memref_slice %arg2[%dma_wait3A_2494, %dma_wait3A_2495] : memref<256000x128xf32, #tpu.memory_space<hbm>> -> memref<1x128xf32, #tpu.memory_space<hbm>>
        %dma_wait3A_2497 = arith.constant 0 : i32
        %dma_wait3A_2498 = arith.constant 0 : i32
        %dma_wait3A_2499 = tpu.memref_slice %arg10[%dma_wait3A_2497, %dma_wait3A_2498] : memref<128x128xf32, #tpu.memory_space<vmem>> -> memref<1x128xf32, #tpu.memory_space<vmem>>
        %dma_wait3A_2500 = arith.constant 0 : i32
        %dma_wait3A_2501 = arith.constant 0 : i32
        %dma_wait3A_2502 = tpu.memref_slice %arg2[%dma_wait3A_2500, %dma_wait3A_2501] : memref<256000x128xf32, #tpu.memory_space<hbm>> -> memref<1x128xf32, #tpu.memory_space<hbm>>
        tpu.wait_dma2 semaphore(%arg16 : memref<!tpu.dma_semaphore, #tpu.memory_space<semaphore_mem>>) src(%dma_wait3A_2502 : memref<1x128xf32, #tpu.memory_space<hbm>>) dst(%dma_wait3A_2499 : memref<1x128xf32, #tpu.memory_space<vmem>>)
        %dma_wait3A_2503 = arith.constant 0 : i32
        %dma_wait3A_2504 = arith.constant 0 : i32
        %dma_wait3A_2505 = tpu.memref_slice %arg12[%dma_wait3A_2503, %dma_wait3A_2504] : memref<128x128xf32, #tpu.memory_space<vmem>> -> memref<1x128xf32, #tpu.memory_space<vmem>>
        %dma_wait3A_2506 = arith.constant 0 : i32
        %dma_wait3A_2507 = arith.constant 0 : i32
        %dma_wait3A_2508 = tpu.memref_slice %arg2[%dma_wait3A_2506, %dma_wait3A_2507] : memref<256000x128xf32, #tpu.memory_space<hbm>> -> memref<1x128xf32, #tpu.memory_space<hbm>>
        %dma_wait3A_2509 = arith.constant 0 : i32
        %dma_wait3A_2510 = arith.constant 0 : i32
        %dma_wait3A_2511 = tpu.memref_slice %arg12[%dma_wait3A_2509, %dma_wait3A_2510] : memref<128x128xf32, #tpu.memory_space<vmem>> -> memref<1x128xf32, #tpu.memory_space<vmem>>
        %dma_wait3A_2512 = arith.constant 0 : i32
        %dma_wait3A_2513 = arith.constant 0 : i32
        %dma_wait3A_2514 = tpu.memref_slice %arg2[%dma_wait3A_2512, %dma_wait3A_2513] : memref<256000x128xf32, #tpu.memory_space<hbm>> -> memref<1x128xf32, #tpu.memory_space<hbm>>
        tpu.wait_dma2 semaphore(%arg18 : memref<!tpu.dma_semaphore, #tpu.memory_space<semaphore_mem>>) src(%dma_wait3A_2514 : memref<1x128xf32, #tpu.memory_space<hbm>>) dst(%dma_wait3A_2511 : memref<1x128xf32, #tpu.memory_space<vmem>>)
        %get3A_2515 = arith.constant 0 : i32
        %get3A_2516 = arith.index_cast %get3A_2515 : i32 to index
        %get3A_2517 = arith.constant 0 : index
        %get3A_2518 = tpu.vector_load %arg10[%get3A_2516, %get3A_2517] {strides = array<i32>} : memref<128x128xf32, #tpu.memory_space<vmem>>, vector<16xf32>,
        %get3A_2519 = arith.constant 0 : i32
        %get3A_2520 = arith.index_cast %get3A_2519 : i32 to index
        %get3A_2521 = arith.constant 0 : index
        %get3A_2522 = tpu.vector_load %arg12[%get3A_2520, %get3A_2521] {strides = array<i32>} : memref<128x128xf32, #tpu.memory_space<vmem>>, vector<16xf32>,
        %add3A_2523 = arith.addf %get3A_2518, %get3A_2522 : vector<16xf32>
        %get3A_2524 = arith.constant 0 : i32
        %get3A_2525 = arith.index_cast %get3A_2524 : i32 to index
        %get3A_2526 = arith.constant 16 : index
        %get3A_2527 = tpu.vector_load %arg10[%get3A_2525, %get3A_2526] {strides = array<i32>} : memref<128x128xf32, #tpu.memory_space<vmem>>, vector<16xf32>,
        %get3A_2528 = arith.constant 0 : i32
        %get3A_2529 = arith.index_cast %get3A_2528 : i32 to index
        %get3A_2530 = arith.constant 16 : index
        %get3A_2531 = tpu.vector_load %arg12[%get3A_2529, %get3A_2530] {strides = array<i32>} : memref<128x128xf32, #tpu.memory_space<vmem>>, vector<16xf32>,
        %add3A_2532 = arith.addf %get3A_2527, %get3A_2531 : vector<16xf32>
        %get3A_2533 = arith.constant 0 : i32
        %get3A_2534 = arith.index_cast %get3A_2533 : i32 to index
        %get3A_2535 = arith.constant 32 : index
        %get3A_2536 = tpu.vector_load %arg10[%get3A_2534, %get3A_2535] {strides = array<i32>} : memref<128x128xf32, #tpu.memory_space<vmem>>, vector<16xf32>,
        %get3A_2537 = arith.constant 0 : i32
        %get3A_2538 = arith.index_cast %get3A_2537 : i32 to index
        %get3A_2539 = arith.constant 32 : index
        %get3A_2540 = tpu.vector_load %arg12[%get3A_2538, %get3A_2539] {strides = array<i32>} : memref<128x128xf32, #tpu.memory_space<vmem>>, vector<16xf32>,
        %add3A_2541 = arith.addf %get3A_2536, %get3A_2540 : vector<16xf32>
        %get3A_2542 = arith.constant 0 : i32
        %get3A_2543 = arith.index_cast %get3A_2542 : i32 to index
        %get3A_2544 = arith.constant 48 : index
        %get3A_2545 = tpu.vector_load %arg10[%get3A_2543, %get3A_2544] {strides = array<i32>} : memref<128x128xf32, #tpu.memory_space<vmem>>, vector<16xf32>,
        %get3A_2546 = arith.constant 0 : i32
        %get3A_2547 = arith.index_cast %get3A_2546 : i32 to index
        %get3A_2548 = arith.constant 48 : index
        %get3A_2549 = tpu.vector_load %arg12[%get3A_2547, %get3A_2548] {strides = array<i32>} : memref<128x128xf32, #tpu.memory_space<vmem>>, vector<16xf32>,
        %add3A_2550 = arith.addf %get3A_2545, %get3A_2549 : vector<16xf32>
        %get3A_2551 = arith.constant 0 : i32
        %get3A_2552 = arith.index_cast %get3A_2551 : i32 to index
        %get3A_2553 = arith.constant 64 : index
        %get3A_2554 = tpu.vector_load %arg10[%get3A_2552, %get3A_2553] {strides = array<i32>} : memref<128x128xf32, #tpu.memory_space<vmem>>, vector<16xf32>,
        %get3A_2555 = arith.constant 0 : i32
        %get3A_2556 = arith.index_cast %get3A_2555 : i32 to index
        %get3A_2557 = arith.constant 64 : index
        %get3A_2558 = tpu.vector_load %arg12[%get3A_2556, %get3A_2557] {strides = array<i32>} : memref<128x128xf32, #tpu.memory_space<vmem>>, vector<16xf32>,
        %add3A_2559 = arith.addf %get3A_2554, %get3A_2558 : vector<16xf32>
        %get3A_2560 = arith.constant 0 : i32
        %get3A_2561 = arith.index_cast %get3A_2560 : i32 to index
        %get3A_2562 = arith.constant 80 : index
        %get3A_2563 = tpu.vector_load %arg10[%get3A_2561, %get3A_2562] {strides = array<i32>} : memref<128x128xf32, #tpu.memory_space<vmem>>, vector<16xf32>,
        %get3A_2564 = arith.constant 0 : i32
        %get3A_2565 = arith.index_cast %get3A_2564 : i32 to index
        %get3A_2566 = arith.constant 80 : index
        %get3A_2567 = tpu.vector_load %arg12[%get3A_2565, %get3A_2566] {strides = array<i32>} : memref<128x128xf32, #tpu.memory_space<vmem>>, vector<16xf32>,
        %add3A_2568 = arith.addf %get3A_2563, %get3A_2567 : vector<16xf32>
        %get3A_2569 = arith.constant 0 : i32
        %get3A_2570 = arith.index_cast %get3A_2569 : i32 to index
        %get3A_2571 = arith.constant 96 : index
        %get3A_2572 = tpu.vector_load %arg10[%get3A_2570, %get3A_2571] {strides = array<i32>} : memref<128x128xf32, #tpu.memory_space<vmem>>, vector<16xf32>,
        %get3A_2573 = arith.constant 0 : i32
        %get3A_2574 = arith.index_cast %get3A_2573 : i32 to index
        %get3A_2575 = arith.constant 96 : index
        %get3A_2576 = tpu.vector_load %arg12[%get3A_2574, %get3A_2575] {strides = array<i32>} : memref<128x128xf32, #tpu.memory_space<vmem>>, vector<16xf32>,
        %add3A_2577 = arith.addf %get3A_2572, %get3A_2576 : vector<16xf32>
        %get3A_2578 = arith.constant 0 : i32
        %get3A_2579 = arith.index_cast %get3A_2578 : i32 to index
        %get3A_2580 = arith.constant 112 : index
        %get3A_2581 = tpu.vector_load %arg10[%get3A_2579, %get3A_2580] {strides = array<i32>} : memref<128x128xf32, #tpu.memory_space<vmem>>, vector<16xf32>,
        %get3A_2582 = arith.constant 0 : i32
        %get3A_2583 = arith.index_cast %get3A_2582 : i32 to index
        %get3A_2584 = arith.constant 112 : index
        %get3A_2585 = tpu.vector_load %arg12[%get3A_2583, %get3A_2584] {strides = array<i32>} : memref<128x128xf32, #tpu.memory_space<vmem>>, vector<16xf32>,
        %add3A_2586 = arith.addf %get3A_2581, %get3A_2585 : vector<16xf32>
        %parallel_loop3A = arith.constant 0 : i32
        %parallel_loop3A_2587 = arith.constant 125 : i32
        %parallel_loop3A_2588 = arith.constant 1 : i32
        scf.for %parallel_loop3A_2589 = %parallel_loop3A to %parallel_loop3A_2587 step %parallel_loop3A_2588  : i32 {
          %parallel_loop3A_2590 = arith.index_cast %parallel_loop3A_2589 : i32 to index
          %parallel_loop3A_2591 = arith.constant 0 : index
          %parallel_loop3A_2592 = tpu.vector_load %arg10[%parallel_loop3A_2590, %parallel_loop3A_2591] {strides = array<i32>} : memref<128x128xf32, #tpu.memory_space<vmem>>, vector<16xf32>,
          tpu.vector_store %arg10[%parallel_loop3A_2590, %parallel_loop3A_2591], %add3A_2523 {strides = array<i32>} : memref<128x128xf32, #tpu.memory_space<vmem>>, vector<16xf32>,
          %parallel_loop3A_2593 = arith.index_cast %parallel_loop3A_2589 : i32 to index
          %parallel_loop3A_2594 = arith.constant 16 : index
          %parallel_loop3A_2595 = tpu.vector_load %arg10[%parallel_loop3A_2593, %parallel_loop3A_2594] {strides = array<i32>} : memref<128x128xf32, #tpu.memory_space<vmem>>, vector<16xf32>,
          tpu.vector_store %arg10[%parallel_loop3A_2593, %parallel_loop3A_2594], %add3A_2532 {strides = array<i32>} : memref<128x128xf32, #tpu.memory_space<vmem>>, vector<16xf32>,
          %parallel_loop3A_2596 = arith.index_cast %parallel_loop3A_2589 : i32 to index
          %parallel_loop3A_2597 = arith.constant 32 : index
          %parallel_loop3A_2598 = tpu.vector_load %arg10[%parallel_loop3A_2596, %parallel_loop3A_2597] {strides = array<i32>} : memref<128x128xf32, #tpu.memory_space<vmem>>, vector<16xf32>,
          tpu.vector_store %arg10[%parallel_loop3A_2596, %parallel_loop3A_2597], %add3A_2541 {strides = array<i32>} : memref<128x128xf32, #tpu.memory_space<vmem>>, vector<16xf32>,
          %parallel_loop3A_2599 = arith.index_cast %parallel_loop3A_2589 : i32 to index
          %parallel_loop3A_2600 = arith.constant 48 : index
          %parallel_loop3A_2601 = tpu.vector_load %arg10[%parallel_loop3A_2599, %parallel_loop3A_2600] {strides = array<i32>} : memref<128x128xf32, #tpu.memory_space<vmem>>, vector<16xf32>,
          tpu.vector_store %arg10[%parallel_loop3A_2599, %parallel_loop3A_2600], %add3A_2550 {strides = array<i32>} : memref<128x128xf32, #tpu.memory_space<vmem>>, vector<16xf32>,
          %parallel_loop3A_2602 = arith.index_cast %parallel_loop3A_2589 : i32 to index
          %parallel_loop3A_2603 = arith.constant 64 : index
          %parallel_loop3A_2604 = tpu.vector_load %arg10[%parallel_loop3A_2602, %parallel_loop3A_2603] {strides = array<i32>} : memref<128x128xf32, #tpu.memory_space<vmem>>, vector<16xf32>,
          tpu.vector_store %arg10[%parallel_loop3A_2602, %parallel_loop3A_2603], %add3A_2559 {strides = array<i32>} : memref<128x128xf32, #tpu.memory_space<vmem>>, vector<16xf32>,
          %parallel_loop3A_2605 = arith.index_cast %parallel_loop3A_2589 : i32 to index
          %parallel_loop3A_2606 = arith.constant 80 : index
          %parallel_loop3A_2607 = tpu.vector_load %arg10[%parallel_loop3A_2605, %parallel_loop3A_2606] {strides = array<i32>} : memref<128x128xf32, #tpu.memory_space<vmem>>, vector<16xf32>,
          tpu.vector_store %arg10[%parallel_loop3A_2605, %parallel_loop3A_2606], %add3A_2568 {strides = array<i32>} : memref<128x128xf32, #tpu.memory_space<vmem>>, vector<16xf32>,
          %parallel_loop3A_2608 = arith.index_cast %parallel_loop3A_2589 : i32 to index
          %parallel_loop3A_2609 = arith.constant 96 : index
          %parallel_loop3A_2610 = tpu.vector_load %arg10[%parallel_loop3A_2608, %parallel_loop3A_2609] {strides = array<i32>} : memref<128x128xf32, #tpu.memory_space<vmem>>, vector<16xf32>,
          tpu.vector_store %arg10[%parallel_loop3A_2608, %parallel_loop3A_2609], %add3A_2577 {strides = array<i32>} : memref<128x128xf32, #tpu.memory_space<vmem>>, vector<16xf32>,
          %parallel_loop3A_2611 = arith.index_cast %parallel_loop3A_2589 : i32 to index
          %parallel_loop3A_2612 = arith.constant 112 : index
          %parallel_loop3A_2613 = tpu.vector_load %arg10[%parallel_loop3A_2611, %parallel_loop3A_2612] {strides = array<i32>} : memref<128x128xf32, #tpu.memory_space<vmem>>, vector<16xf32>,
          tpu.vector_store %arg10[%parallel_loop3A_2611, %parallel_loop3A_2612], %add3A_2586 {strides = array<i32>} : memref<128x128xf32, #tpu.memory_space<vmem>>, vector<16xf32>,
        } {sc.loop_unroll_factor = 4 : i64, sc.parallel_access}
      } else {
      }
      %not3A_2429 = arith.constant true
      %not3A_2430 = arith.xori %reduce_and3A_1660, %not3A_2429 : i1
      %convert_element_type3A_2431 = arith.extui %not3A_2430 : i1 to i32
      %cond3A_2432 = arith.constant 0 : i32
      %cond3A_2433 = arith.cmpi ne, %convert_element_type3A_2431, %cond3A_2432 : i32
      scf.if %cond3A_2433 {
        %dma_wait3A_2491 = arith.constant 0 : i32
        %dma_wait3A_2492 = arith.constant 0 : i32
        %dma_wait3A_2493 = tpu.memref_slice %arg8[%dma_wait3A_2491, %dma_wait3A_2492] : memref<2x128xi32, #tpu.memory_space<vmem>> -> memref<1x128xi32, #tpu.memory_space<vmem>>
        %dma_wait3A_2494 = tpu.memref_squeeze %dma_wait3A_2493 : memref<1x128xi32, #tpu.memory_space<vmem>> -> memref<128xi32, #tpu.memory_space<vmem>>
        %dma_wait3A_2495 = arith.constant 0 : i32
        %dma_wait3A_2496 = arith.constant 0 : i32
        %dma_wait3A_2497 = tpu.memref_slice %arg2[%dma_wait3A_2495, %dma_wait3A_2496] : memref<256000x128xf32, #tpu.memory_space<hbm>> -> memref<256000x128xf32, #tpu.memory_space<hbm>>
        tpu.wait_indirect_dma semaphore(%arg16 : memref<!tpu.dma_semaphore, #tpu.memory_space<semaphore_mem>>) src(%dma_wait3A_2497 : memref<256000x128xf32, #tpu.memory_space<hbm>>) dst(%arg10 : memref<128x128xf32, #tpu.memory_space<vmem>>)
        %dma_wait3A_2498 = arith.constant 1 : i32
        %dma_wait3A_2499 = arith.constant 0 : i32
        %dma_wait3A_2500 = tpu.memref_slice %arg8[%dma_wait3A_2498, %dma_wait3A_2499] : memref<2x128xi32, #tpu.memory_space<vmem>> -> memref<1x128xi32, #tpu.memory_space<vmem>>
        %dma_wait3A_2501 = tpu.memref_squeeze %dma_wait3A_2500 : memref<1x128xi32, #tpu.memory_space<vmem>> -> memref<128xi32, #tpu.memory_space<vmem>>
        %dma_wait3A_2502 = arith.constant 0 : i32
        %dma_wait3A_2503 = arith.constant 0 : i32
        %dma_wait3A_2504 = tpu.memref_slice %arg2[%dma_wait3A_2502, %dma_wait3A_2503] : memref<256000x128xf32, #tpu.memory_space<hbm>> -> memref<256000x128xf32, #tpu.memory_space<hbm>>
        tpu.wait_indirect_dma semaphore(%arg18 : memref<!tpu.dma_semaphore, #tpu.memory_space<semaphore_mem>>) src(%dma_wait3A_2504 : memref<256000x128xf32, #tpu.memory_space<hbm>>) dst(%arg12 : memref<128x128xf32, #tpu.memory_space<vmem>>)
        %parallel_loop3A = arith.constant 0 : i32
        %parallel_loop3A_2505 = arith.constant 125 : i32
        %parallel_loop3A_2506 = arith.constant 1 : i32
        scf.for %parallel_loop3A_2507 = %parallel_loop3A to %parallel_loop3A_2505 step %parallel_loop3A_2506  : i32 {
          %parallel_loop3A_2508 = arith.index_cast %parallel_loop3A_2507 : i32 to index
          %parallel_loop3A_2509 = arith.constant 0 : index
          %parallel_loop3A_2510 = tpu.vector_load %arg10[%parallel_loop3A_2508, %parallel_loop3A_2509] {strides = array<i32>} : memref<128x128xf32, #tpu.memory_space<vmem>>, vector<16xf32>,
          %parallel_loop3A_2511 = arith.index_cast %parallel_loop3A_2507 : i32 to index
          %parallel_loop3A_2512 = arith.constant 0 : index
          %parallel_loop3A_2513 = tpu.vector_load %arg12[%parallel_loop3A_2511, %parallel_loop3A_2512] {strides = array<i32>} : memref<128x128xf32, #tpu.memory_space<vmem>>, vector<16xf32>,
          %parallel_loop3A_2514 = arith.addf %parallel_loop3A_2510, %parallel_loop3A_2513 : vector<16xf32>
          %parallel_loop3A_2515 = arith.index_cast %parallel_loop3A_2507 : i32 to index
          %parallel_loop3A_2516 = arith.constant 0 : index
          %parallel_loop3A_2517 = tpu.vector_load %arg10[%parallel_loop3A_2515, %parallel_loop3A_2516] {strides = array<i32>} : memref<128x128xf32, #tpu.memory_space<vmem>>, vector<16xf32>,
          tpu.vector_store %arg10[%parallel_loop3A_2515, %parallel_loop3A_2516], %parallel_loop3A_2514 {strides = array<i32>} : memref<128x128xf32, #tpu.memory_space<vmem>>, vector<16xf32>,
          %parallel_loop3A_2518 = arith.index_cast %parallel_loop3A_2507 : i32 to index
          %parallel_loop3A_2519 = arith.constant 16 : index
          %parallel_loop3A_2520 = tpu.vector_load %arg10[%parallel_loop3A_2518, %parallel_loop3A_2519] {strides = array<i32>} : memref<128x128xf32, #tpu.memory_space<vmem>>, vector<16xf32>,
          %parallel_loop3A_2521 = arith.index_cast %parallel_loop3A_2507 : i32 to index
          %parallel_loop3A_2522 = arith.constant 16 : index
          %parallel_loop3A_2523 = tpu.vector_load %arg12[%parallel_loop3A_2521, %parallel_loop3A_2522] {strides = array<i32>} : memref<128x128xf32, #tpu.memory_space<vmem>>, vector<16xf32>,
          %parallel_loop3A_2524 = arith.addf %parallel_loop3A_2520, %parallel_loop3A_2523 : vector<16xf32>
          %parallel_loop3A_2525 = arith.index_cast %parallel_loop3A_2507 : i32 to index
          %parallel_loop3A_2526 = arith.constant 16 : index
          %parallel_loop3A_2527 = tpu.vector_load %arg10[%parallel_loop3A_2525, %parallel_loop3A_2526] {strides = array<i32>} : memref<128x128xf32, #tpu.memory_space<vmem>>, vector<16xf32>,
          tpu.vector_store %arg10[%parallel_loop3A_2525, %parallel_loop3A_2526], %parallel_loop3A_2524 {strides = array<i32>} : memref<128x128xf32, #tpu.memory_space<vmem>>, vector<16xf32>,
          %parallel_loop3A_2528 = arith.index_cast %parallel_loop3A_2507 : i32 to index
          %parallel_loop3A_2529 = arith.constant 32 : index
          %parallel_loop3A_2530 = tpu.vector_load %arg10[%parallel_loop3A_2528, %parallel_loop3A_2529] {strides = array<i32>} : memref<128x128xf32, #tpu.memory_space<vmem>>, vector<16xf32>,
          %parallel_loop3A_2531 = arith.index_cast %parallel_loop3A_2507 : i32 to index
          %parallel_loop3A_2532 = arith.constant 32 : index
          %parallel_loop3A_2533 = tpu.vector_load %arg12[%parallel_loop3A_2531, %parallel_loop3A_2532] {strides = array<i32>} : memref<128x128xf32, #tpu.memory_space<vmem>>, vector<16xf32>,
          %parallel_loop3A_2534 = arith.addf %parallel_loop3A_2530, %parallel_loop3A_2533 : vector<16xf32>
          %parallel_loop3A_2535 = arith.index_cast %parallel_loop3A_2507 : i32 to index
          %parallel_loop3A_2536 = arith.constant 32 : index
          %parallel_loop3A_2537 = tpu.vector_load %arg10[%parallel_loop3A_2535, %parallel_loop3A_2536] {strides = array<i32>} : memref<128x128xf32, #tpu.memory_space<vmem>>, vector<16xf32>,
          tpu.vector_store %arg10[%parallel_loop3A_2535, %parallel_loop3A_2536], %parallel_loop3A_2534 {strides = array<i32>} : memref<128x128xf32, #tpu.memory_space<vmem>>, vector<16xf32>,
          %parallel_loop3A_2538 = arith.index_cast %parallel_loop3A_2507 : i32 to index
          %parallel_loop3A_2539 = arith.constant 48 : index
          %parallel_loop3A_2540 = tpu.vector_load %arg10[%parallel_loop3A_2538, %parallel_loop3A_2539] {strides = array<i32>} : memref<128x128xf32, #tpu.memory_space<vmem>>, vector<16xf32>,
          %parallel_loop3A_2541 = arith.index_cast %parallel_loop3A_2507 : i32 to index
          %parallel_loop3A_2542 = arith.constant 48 : index
          %parallel_loop3A_2543 = tpu.vector_load %arg12[%parallel_loop3A_2541, %parallel_loop3A_2542] {strides = array<i32>} : memref<128x128xf32, #tpu.memory_space<vmem>>, vector<16xf32>,
          %parallel_loop3A_2544 = arith.addf %parallel_loop3A_2540, %parallel_loop3A_2543 : vector<16xf32>
          %parallel_loop3A_2545 = arith.index_cast %parallel_loop3A_2507 : i32 to index
          %parallel_loop3A_2546 = arith.constant 48 : index
          %parallel_loop3A_2547 = tpu.vector_load %arg10[%parallel_loop3A_2545, %parallel_loop3A_2546] {strides = array<i32>} : memref<128x128xf32, #tpu.memory_space<vmem>>, vector<16xf32>,
          tpu.vector_store %arg10[%parallel_loop3A_2545, %parallel_loop3A_2546], %parallel_loop3A_2544 {strides = array<i32>} : memref<128x128xf32, #tpu.memory_space<vmem>>, vector<16xf32>,
          %parallel_loop3A_2548 = arith.index_cast %parallel_loop3A_2507 : i32 to index
          %parallel_loop3A_2549 = arith.constant 64 : index
          %parallel_loop3A_2550 = tpu.vector_load %arg10[%parallel_loop3A_2548, %parallel_loop3A_2549] {strides = array<i32>} : memref<128x128xf32, #tpu.memory_space<vmem>>, vector<16xf32>,
          %parallel_loop3A_2551 = arith.index_cast %parallel_loop3A_2507 : i32 to index
          %parallel_loop3A_2552 = arith.constant 64 : index
          %parallel_loop3A_2553 = tpu.vector_load %arg12[%parallel_loop3A_2551, %parallel_loop3A_2552] {strides = array<i32>} : memref<128x128xf32, #tpu.memory_space<vmem>>, vector<16xf32>,
          %parallel_loop3A_2554 = arith.addf %parallel_loop3A_2550, %parallel_loop3A_2553 : vector<16xf32>
          %parallel_loop3A_2555 = arith.index_cast %parallel_loop3A_2507 : i32 to index
          %parallel_loop3A_2556 = arith.constant 64 : index
          %parallel_loop3A_2557 = tpu.vector_load %arg10[%parallel_loop3A_2555, %parallel_loop3A_2556] {strides = array<i32>} : memref<128x128xf32, #tpu.memory_space<vmem>>, vector<16xf32>,
          tpu.vector_store %arg10[%parallel_loop3A_2555, %parallel_loop3A_2556], %parallel_loop3A_2554 {strides = array<i32>} : memref<128x128xf32, #tpu.memory_space<vmem>>, vector<16xf32>,
          %parallel_loop3A_2558 = arith.index_cast %parallel_loop3A_2507 : i32 to index
          %parallel_loop3A_2559 = arith.constant 80 : index
          %parallel_loop3A_2560 = tpu.vector_load %arg10[%parallel_loop3A_2558, %parallel_loop3A_2559] {strides = array<i32>} : memref<128x128xf32, #tpu.memory_space<vmem>>, vector<16xf32>,
          %parallel_loop3A_2561 = arith.index_cast %parallel_loop3A_2507 : i32 to index
          %parallel_loop3A_2562 = arith.constant 80 : index
          %parallel_loop3A_2563 = tpu.vector_load %arg12[%parallel_loop3A_2561, %parallel_loop3A_2562] {strides = array<i32>} : memref<128x128xf32, #tpu.memory_space<vmem>>, vector<16xf32>,
          %parallel_loop3A_2564 = arith.addf %parallel_loop3A_2560, %parallel_loop3A_2563 : vector<16xf32>
          %parallel_loop3A_2565 = arith.index_cast %parallel_loop3A_2507 : i32 to index
          %parallel_loop3A_2566 = arith.constant 80 : index
          %parallel_loop3A_2567 = tpu.vector_load %arg10[%parallel_loop3A_2565, %parallel_loop3A_2566] {strides = array<i32>} : memref<128x128xf32, #tpu.memory_space<vmem>>, vector<16xf32>,
          tpu.vector_store %arg10[%parallel_loop3A_2565, %parallel_loop3A_2566], %parallel_loop3A_2564 {strides = array<i32>} : memref<128x128xf32, #tpu.memory_space<vmem>>, vector<16xf32>,
          %parallel_loop3A_2568 = arith.index_cast %parallel_loop3A_2507 : i32 to index
          %parallel_loop3A_2569 = arith.constant 96 : index
          %parallel_loop3A_2570 = tpu.vector_load %arg10[%parallel_loop3A_2568, %parallel_loop3A_2569] {strides = array<i32>} : memref<128x128xf32, #tpu.memory_space<vmem>>, vector<16xf32>,
          %parallel_loop3A_2571 = arith.index_cast %parallel_loop3A_2507 : i32 to index
          %parallel_loop3A_2572 = arith.constant 96 : index
          %parallel_loop3A_2573 = tpu.vector_load %arg12[%parallel_loop3A_2571, %parallel_loop3A_2572] {strides = array<i32>} : memref<128x128xf32, #tpu.memory_space<vmem>>, vector<16xf32>,
          %parallel_loop3A_2574 = arith.addf %parallel_loop3A_2570, %parallel_loop3A_2573 : vector<16xf32>
          %parallel_loop3A_2575 = arith.index_cast %parallel_loop3A_2507 : i32 to index
          %parallel_loop3A_2576 = arith.constant 96 : index
          %parallel_loop3A_2577 = tpu.vector_load %arg10[%parallel_loop3A_2575, %parallel_loop3A_2576] {strides = array<i32>} : memref<128x128xf32, #tpu.memory_space<vmem>>, vector<16xf32>,
          tpu.vector_store %arg10[%parallel_loop3A_2575, %parallel_loop3A_2576], %parallel_loop3A_2574 {strides = array<i32>} : memref<128x128xf32, #tpu.memory_space<vmem>>, vector<16xf32>,
          %parallel_loop3A_2578 = arith.index_cast %parallel_loop3A_2507 : i32 to index
          %parallel_loop3A_2579 = arith.constant 112 : index
          %parallel_loop3A_2580 = tpu.vector_load %arg10[%parallel_loop3A_2578, %parallel_loop3A_2579] {strides = array<i32>} : memref<128x128xf32, #tpu.memory_space<vmem>>, vector<16xf32>,
          %parallel_loop3A_2581 = arith.index_cast %parallel_loop3A_2507 : i32 to index
          %parallel_loop3A_2582 = arith.constant 112 : index
          %parallel_loop3A_2583 = tpu.vector_load %arg12[%parallel_loop3A_2581, %parallel_loop3A_2582] {strides = array<i32>} : memref<128x128xf32, #tpu.memory_space<vmem>>, vector<16xf32>,
          %parallel_loop3A_2584 = arith.addf %parallel_loop3A_2580, %parallel_loop3A_2583 : vector<16xf32>
          %parallel_loop3A_2585 = arith.index_cast %parallel_loop3A_2507 : i32 to index
          %parallel_loop3A_2586 = arith.constant 112 : index
          %parallel_loop3A_2587 = tpu.vector_load %arg10[%parallel_loop3A_2585, %parallel_loop3A_2586] {strides = array<i32>} : memref<128x128xf32, #tpu.memory_space<vmem>>, vector<16xf32>,
          tpu.vector_store %arg10[%parallel_loop3A_2585, %parallel_loop3A_2586], %parallel_loop3A_2584 {strides = array<i32>} : memref<128x128xf32, #tpu.memory_space<vmem>>, vector<16xf32>,
        } {sc.loop_unroll_factor = 4 : i64, sc.parallel_access}
      } else {
      }
      %jit3A_2434 = arith.constant 2 : i32
      %div3A_2435 = arith.divsi %add3A_1821, %jit3A_2434 : i32
      %sign3A_2436 = arith.constant 0 : i32
      %sign3A_2437 = arith.cmpi sgt, %add3A_1821, %sign3A_2436 : i32
      %sign3A_2438 = arith.extui %sign3A_2437 : i1 to i32
      %sign3A_2439 = arith.constant 0 : i32
      %sign3A_2440 = arith.cmpi slt, %add3A_1821, %sign3A_2439 : i32
      %sign3A_2441 = arith.extui %sign3A_2440 : i1 to i32
      %sign3A_2442 = arith.subi %sign3A_2438, %sign3A_2441 : i32
      %sign3A_2443 = arith.constant 0 : i32
      %sign3A_2444 = arith.cmpi sgt, %jit3A_2434, %sign3A_2443 : i32
      %sign3A_2445 = arith.extui %sign3A_2444 : i1 to i32
      %sign3A_2446 = arith.constant 0 : i32
      %sign3A_2447 = arith.cmpi slt, %jit3A_2434, %sign3A_2446 : i32
      %sign3A_2448 = arith.extui %sign3A_2447 : i1 to i32
      %sign3A_2449 = arith.subi %sign3A_2445, %sign3A_2448 : i32
      %ne3A_2450 = arith.cmpi ne, %sign3A_2442, %sign3A_2449 : i32
      %rem3A_2451 = arith.remsi %add3A_1821, %jit3A_2434 : i32
      %ne3A_2452 = arith.constant 0 : i32
      %ne3A_2453 = arith.cmpi ne, %rem3A_2451, %ne3A_2452 : i32
      %and3A_2454 = arith.andi %ne3A_2450, %ne3A_2453 : i1
      %sub3A_2455 = arith.constant 1 : i32
      %sub3A_2456 = arith.subi %div3A_2435, %sub3A_2455 : i32
      %select_n3A_2457 = arith.select %and3A_2454, %sub3A_2456, %div3A_2435 : i32
      %add3A_2458 = arith.addi %mul3A_32, %select_n3A_2457 : i32
      %mul3A_2459 = arith.constant 1000 : i32
      %mul3A_2460 = arith.muli %add3A_2458, %mul3A_2459 : i32
      %add3A_2461 = arith.addi %mul3A_2460, %mul3A_34 : i32
      %jit3A_2462 = arith.constant 2 : i32
      %eq3A_2463 = arith.constant 0 : i32
      %eq3A_2464 = arith.cmpi eq, %jit3A_2462, %eq3A_2463 : i32
      %jit3A_2465 = arith.constant 1 : i32
      %select_n3A_2466 = arith.select %eq3A_2464, %jit3A_2465, %jit3A_2462 : i32
      %rem3A_2467 = arith.remsi %add3A_1821, %select_n3A_2466 : i32
      %ne3A_2468 = arith.constant 0 : i32
      %ne3A_2469 = arith.cmpi ne, %rem3A_2467, %ne3A_2468 : i32
      %lt3A_2470 = arith.constant 0 : i32
      %lt3A_2471 = arith.cmpi slt, %rem3A_2467, %lt3A_2470 : i32
      %lt3A_2472 = arith.constant 0 : i32
      %lt3A_2473 = arith.cmpi slt, %select_n3A_2466, %lt3A_2472 : i32
      %ne3A_2474 = arith.xori %lt3A_2471, %lt3A_2473 : i1
      %and3A_2475 = arith.andi %ne3A_2474, %ne3A_2469 : i1
      %add3A_2476 = arith.addi %rem3A_2467, %select_n3A_2466 : i32
      %select_n3A_2477 = arith.select %and3A_2475, %add3A_2476, %rem3A_2467 : i32
      %mul3A_2478 = arith.constant 125 : i32
      %mul3A_2479 = arith.muli %select_n3A_2477, %mul3A_2478 : i32
      %add3A_2480 = arith.addi %add3A_2461, %mul3A_2479 : i32
      %dma_start3A_2481 = arith.constant 0 : i32
      %dma_start3A_2482 = arith.constant 0 : i32
      %dma_start3A_2483 = tpu.memref_slice %arg10[%dma_start3A_2481, %dma_start3A_2482] : memref<128x128xf32, #tpu.memory_space<vmem>> -> memref<125x128xf32, #tpu.memory_space<vmem>>
      %dma_start3A_2484 = arith.constant 0 : i32
      %dma_start3A_2485 = tpu.memref_slice %arg4[%add3A_2480, %dma_start3A_2484] : memref<256000x128xf32, #tpu.memory_space<hbm>> -> memref<125x128xf32, #tpu.memory_space<hbm>>
      %dma_start3A_2486 = arith.constant 0 : i32
      %dma_start3A_2487 = tpu.memref_slice %arg4[%add3A_2480, %dma_start3A_2486] : memref<256000x128xf32, #tpu.memory_space<hbm>> -> memref<125x128xf32, #tpu.memory_space<hbm>>
      %dma_start3A_2488 = arith.constant 0 : i32
      %dma_start3A_2489 = arith.constant 0 : i32
      %dma_start3A_2490 = tpu.memref_slice %arg10[%dma_start3A_2488, %dma_start3A_2489] : memref<128x128xf32, #tpu.memory_space<vmem>> -> memref<125x128xf32, #tpu.memory_space<vmem>>
      tpu.enqueue_dma source(%dma_start3A_2490 : memref<125x128xf32, #tpu.memory_space<vmem>>) target(%dma_start3A_2487 : memref<125x128xf32, #tpu.memory_space<hbm>>) target_semaphore(%arg20 : memref<!tpu.dma_semaphore, #tpu.memory_space<semaphore_mem>>)
      scf.yield %reduce_and3A_2333, %reduce_and3A_1660 : i1, i1
    }
    %scan3A_577 = arith.constant 31 : i32
    %dma_wait3A_578 = arith.constant 0 : i32
    %dma_wait3A_579 = arith.constant 0 : i32
    %dma_wait3A_580 = tpu.memref_slice %arg3[%dma_wait3A_578, %dma_wait3A_579] : memref<2x256008xf32, #tpu.memory_space<hbm>> -> memref<2x136xf32, #tpu.memory_space<hbm>>
    %dma_wait3A_581 = arith.constant 0 : i32
    %dma_wait3A_582 = arith.constant 0 : i32
    %dma_wait3A_583 = tpu.memref_slice %arg3[%dma_wait3A_581, %dma_wait3A_582] : memref<2x256008xf32, #tpu.memory_space<hbm>> -> memref<2x136xf32, #tpu.memory_space<hbm>>
    tpu.wait_dma2 semaphore(%arg14 : memref<!tpu.dma_semaphore, #tpu.memory_space<semaphore_mem>>) src(%dma_wait3A_583 : memref<2x136xf32, #tpu.memory_space<hbm>>) dst(%arg6 : memref<2x136xf32, #tpu.memory_space<vmem>>)
    %add3A_584 = arith.constant 31 : i32
    %add3A_585 = arith.addi %mul3A_32, %add3A_584 : i32
    %mul3A_586 = arith.constant 1000 : i32
    %mul3A_587 = arith.muli %add3A_585, %mul3A_586 : i32
    %add3A_588 = arith.addi %mul3A_587, %mul3A_34 : i32
    %add3A_589 = arith.constant 125 : i32
    %add3A_590 = arith.addi %add3A_588, %add3A_589 : i32
    %jit3A_591 = arith.constant 8 : i32
    %eq3A_592 = arith.constant 0 : i32
    %eq3A_593 = arith.cmpi eq, %jit3A_591, %eq3A_592 : i32
    %jit3A_594 = arith.constant 1 : i32
    %select_n3A_595 = arith.select %eq3A_593, %jit3A_594, %jit3A_591 : i32
    %rem3A_596 = arith.remsi %add3A_590, %select_n3A_595 : i32
    %ne3A_597 = arith.constant 0 : i32
    %ne3A_598 = arith.cmpi ne, %rem3A_596, %ne3A_597 : i32
    %lt3A_599 = arith.constant 0 : i32
    %lt3A_600 = arith.cmpi slt, %rem3A_596, %lt3A_599 : i32
    %lt3A_601 = arith.constant 0 : i32
    %lt3A_602 = arith.cmpi slt, %select_n3A_595, %lt3A_601 : i32
    %ne3A_603 = arith.xori %lt3A_600, %lt3A_602 : i1
    %and3A_604 = arith.andi %ne3A_603, %ne3A_598 : i1
    %add3A_605 = arith.addi %rem3A_596, %select_n3A_595 : i32
    %select_n3A_606 = arith.select %and3A_604, %add3A_605, %rem3A_596 : i32
    %broadcast_in_dim3A_607 = arith.constant true
    %broadcast_in_dim3A_608 = vector.broadcast %broadcast_in_dim3A_607 : i1 to vector<16xi1>
    %add3A_609 = arith.constant 0 : i32
    %add3A_610 = arith.addi %select_n3A_606, %add3A_609 : i32
    %get3A_611 = arith.constant 0 : i32
    %get3A_612 = arith.index_cast %get3A_611 : i32 to index
    %get3A_613 = arith.index_cast %add3A_610 : i32 to index
    %get3A_614 = tpu.vector_load %arg6[%get3A_612, %get3A_613] {strides = array<i32>} : memref<2x136xf32, #tpu.memory_space<vmem>>, vector<16xf32>,
    %get3A_615 = arith.constant 1 : i32
    %get3A_616 = arith.index_cast %get3A_615 : i32 to index
    %get3A_617 = arith.index_cast %add3A_610 : i32 to index
    %get3A_618 = tpu.vector_load %arg6[%get3A_616, %get3A_617] {strides = array<i32>} : memref<2x136xf32, #tpu.memory_space<vmem>>, vector<16xf32>,
    %convert_element_type3A_619 = arith.fptosi %get3A_614 : vector<16xf32> to vector<16xi32>
    %jit3A_620 = arith.constant 0 : i32
    %jit3A_621 = arith.constant 999 : i32
    %max3A_622 = vector.broadcast %jit3A_620 : i32 to vector<16xi32>
    %max3A_623 = arith.maxsi %max3A_622, %convert_element_type3A_619 : vector<16xi32>
    %min3A_624 = vector.broadcast %jit3A_621 : i32 to vector<16xi32>
    %min3A_625 = arith.minsi %min3A_624, %max3A_623 : vector<16xi32>
    %mul3A_626 = arith.constant 1000 : i32
    %mul3A_627 = arith.muli %add3A_585, %mul3A_626 : i32
    %add3A_628 = vector.broadcast %mul3A_627 : i32 to vector<16xi32>
    %add3A_629 = arith.addi %min3A_625, %add3A_628 : vector<16xi32>
    %convert_element_type3A_630 = arith.fptosi %get3A_618 : vector<16xf32> to vector<16xi32>
    %jit3A_631 = arith.constant 0 : i32
    %jit3A_632 = arith.constant 999 : i32
    %max3A_633 = vector.broadcast %jit3A_631 : i32 to vector<16xi32>
    %max3A_634 = arith.maxsi %max3A_633, %convert_element_type3A_630 : vector<16xi32>
    %min3A_635 = vector.broadcast %jit3A_632 : i32 to vector<16xi32>
    %min3A_636 = arith.minsi %min3A_635, %max3A_634 : vector<16xi32>
    %mul3A_637 = arith.constant 1000 : i32
    %mul3A_638 = arith.muli %add3A_585, %mul3A_637 : i32
    %add3A_639 = vector.broadcast %mul3A_638 : i32 to vector<16xi32>
    %add3A_640 = arith.addi %min3A_636, %add3A_639 : vector<16xi32>
    %slice3A_641 = vector.extract_strided_slice %add3A_629 {offsets = [0], sizes = [1], strides = [1]} : vector<16xi32> to vector<1xi32>
    %squeeze3A_642 = vector.extract %slice3A_641[0] : i32 from vector<1xi32>
    %slice3A_643 = vector.extract_strided_slice %add3A_640 {offsets = [0], sizes = [1], strides = [1]} : vector<16xi32> to vector<1xi32>
    %squeeze3A_644 = vector.extract %slice3A_643[0] : i32 from vector<1xi32>
    %add3A_645 = arith.constant 0 : i32
    %add3A_646 = vector.broadcast %add3A_645 : i32 to vector<16xi32>
    %add3A_647 = arith.addi %add3A_646, %iota3A : vector<16xi32>
    %ge3A_648 = arith.constant 125 : i32
    %ge3A_649 = vector.broadcast %ge3A_648 : i32 to vector<16xi32>
    %ge3A_650 = arith.cmpi sge, %add3A_647, %ge3A_649 : vector<16xi32>
    %broadcast_in_dim3A_651 = vector.broadcast %squeeze3A_642 : i32 to vector<16xi32>
    %eq3A_652 = arith.cmpi eq, %add3A_629, %broadcast_in_dim3A_651 : vector<16xi32>
    %broadcast_in_dim3A_653 = vector.broadcast %squeeze3A_644 : i32 to vector<16xi32>
    %eq3A_654 = arith.cmpi eq, %add3A_640, %broadcast_in_dim3A_653 : vector<16xi32>
    %and3A_655 = arith.andi %eq3A_652, %eq3A_654 : vector<16xi1>
    %or3A_656 = arith.ori %and3A_655, %ge3A_650 : vector<16xi1>
    %and3A_657 = arith.andi %broadcast_in_dim3A_608, %or3A_656 : vector<16xi1>
    %swap3A_658 = arith.constant 0 : i32
    %swap3A_659 = arith.index_cast %swap3A_658 : i32 to index
    %swap3A_660 = arith.constant 0 : index
    %swap3A_661 = tpu.vector_load %arg8[%swap3A_659, %swap3A_660] {strides = array<i32>} : memref<2x128xi32, #tpu.memory_space<vmem>>, vector<16xi32>,
    tpu.vector_store %arg8[%swap3A_659, %swap3A_660], %add3A_629 {strides = array<i32>} : memref<2x128xi32, #tpu.memory_space<vmem>>, vector<16xi32>,
    %swap3A_662 = arith.constant 1 : i32
    %swap3A_663 = arith.index_cast %swap3A_662 : i32 to index
    %swap3A_664 = arith.constant 0 : index
    %swap3A_665 = tpu.vector_load %arg8[%swap3A_663, %swap3A_664] {strides = array<i32>} : memref<2x128xi32, #tpu.memory_space<vmem>>, vector<16xi32>,
    tpu.vector_store %arg8[%swap3A_663, %swap3A_664], %add3A_640 {strides = array<i32>} : memref<2x128xi32, #tpu.memory_space<vmem>>, vector<16xi32>,
    %add3A_666 = arith.constant 16 : i32
    %add3A_667 = arith.addi %select_n3A_606, %add3A_666 : i32
    %get3A_668 = arith.constant 0 : i32
    %get3A_669 = arith.index_cast %get3A_668 : i32 to index
    %get3A_670 = arith.index_cast %add3A_667 : i32 to index
    %get3A_671 = tpu.vector_load %arg6[%get3A_669, %get3A_670] {strides = array<i32>} : memref<2x136xf32, #tpu.memory_space<vmem>>, vector<16xf32>,
    %get3A_672 = arith.constant 1 : i32
    %get3A_673 = arith.index_cast %get3A_672 : i32 to index
    %get3A_674 = arith.index_cast %add3A_667 : i32 to index
    %get3A_675 = tpu.vector_load %arg6[%get3A_673, %get3A_674] {strides = array<i32>} : memref<2x136xf32, #tpu.memory_space<vmem>>, vector<16xf32>,
    %convert_element_type3A_676 = arith.fptosi %get3A_671 : vector<16xf32> to vector<16xi32>
    %jit3A_677 = arith.constant 0 : i32
    %jit3A_678 = arith.constant 999 : i32
    %max3A_679 = vector.broadcast %jit3A_677 : i32 to vector<16xi32>
    %max3A_680 = arith.maxsi %max3A_679, %convert_element_type3A_676 : vector<16xi32>
    %min3A_681 = vector.broadcast %jit3A_678 : i32 to vector<16xi32>
    %min3A_682 = arith.minsi %min3A_681, %max3A_680 : vector<16xi32>
    %mul3A_683 = arith.constant 1000 : i32
    %mul3A_684 = arith.muli %add3A_585, %mul3A_683 : i32
    %add3A_685 = vector.broadcast %mul3A_684 : i32 to vector<16xi32>
    %add3A_686 = arith.addi %min3A_682, %add3A_685 : vector<16xi32>
    %convert_element_type3A_687 = arith.fptosi %get3A_675 : vector<16xf32> to vector<16xi32>
    %jit3A_688 = arith.constant 0 : i32
    %jit3A_689 = arith.constant 999 : i32
    %max3A_690 = vector.broadcast %jit3A_688 : i32 to vector<16xi32>
    %max3A_691 = arith.maxsi %max3A_690, %convert_element_type3A_687 : vector<16xi32>
    %min3A_692 = vector.broadcast %jit3A_689 : i32 to vector<16xi32>
    %min3A_693 = arith.minsi %min3A_692, %max3A_691 : vector<16xi32>
    %mul3A_694 = arith.constant 1000 : i32
    %mul3A_695 = arith.muli %add3A_585, %mul3A_694 : i32
    %add3A_696 = vector.broadcast %mul3A_695 : i32 to vector<16xi32>
    %add3A_697 = arith.addi %min3A_693, %add3A_696 : vector<16xi32>
    %add3A_698 = arith.constant 16 : i32
    %add3A_699 = vector.broadcast %add3A_698 : i32 to vector<16xi32>
    %add3A_700 = arith.addi %add3A_699, %iota3A : vector<16xi32>
    %ge3A_701 = arith.constant 125 : i32
    %ge3A_702 = vector.broadcast %ge3A_701 : i32 to vector<16xi32>
    %ge3A_703 = arith.cmpi sge, %add3A_700, %ge3A_702 : vector<16xi32>
    %broadcast_in_dim3A_704 = vector.broadcast %squeeze3A_642 : i32 to vector<16xi32>
    %eq3A_705 = arith.cmpi eq, %add3A_686, %broadcast_in_dim3A_704 : vector<16xi32>
    %broadcast_in_dim3A_706 = vector.broadcast %squeeze3A_644 : i32 to vector<16xi32>
    %eq3A_707 = arith.cmpi eq, %add3A_697, %broadcast_in_dim3A_706 : vector<16xi32>
    %and3A_708 = arith.andi %eq3A_705, %eq3A_707 : vector<16xi1>
    %or3A_709 = arith.ori %and3A_708, %ge3A_703 : vector<16xi1>
    %and3A_710 = arith.andi %and3A_657, %or3A_709 : vector<16xi1>
    %swap3A_711 = arith.constant 0 : i32
    %swap3A_712 = arith.index_cast %swap3A_711 : i32 to index
    %swap3A_713 = arith.constant 16 : index
    %swap3A_714 = tpu.vector_load %arg8[%swap3A_712, %swap3A_713] {strides = array<i32>} : memref<2x128xi32, #tpu.memory_space<vmem>>, vector<16xi32>,
    tpu.vector_store %arg8[%swap3A_712, %swap3A_713], %add3A_686 {strides = array<i32>} : memref<2x128xi32, #tpu.memory_space<vmem>>, vector<16xi32>,
    %swap3A_715 = arith.constant 1 : i32
    %swap3A_716 = arith.index_cast %swap3A_715 : i32 to index
    %swap3A_717 = arith.constant 16 : index
    %swap3A_718 = tpu.vector_load %arg8[%swap3A_716, %swap3A_717] {strides = array<i32>} : memref<2x128xi32, #tpu.memory_space<vmem>>, vector<16xi32>,
    tpu.vector_store %arg8[%swap3A_716, %swap3A_717], %add3A_697 {strides = array<i32>} : memref<2x128xi32, #tpu.memory_space<vmem>>, vector<16xi32>,
    %add3A_719 = arith.constant 32 : i32
    %add3A_720 = arith.addi %select_n3A_606, %add3A_719 : i32
    %get3A_721 = arith.constant 0 : i32
    %get3A_722 = arith.index_cast %get3A_721 : i32 to index
    %get3A_723 = arith.index_cast %add3A_720 : i32 to index
    %get3A_724 = tpu.vector_load %arg6[%get3A_722, %get3A_723] {strides = array<i32>} : memref<2x136xf32, #tpu.memory_space<vmem>>, vector<16xf32>,
    %get3A_725 = arith.constant 1 : i32
    %get3A_726 = arith.index_cast %get3A_725 : i32 to index
    %get3A_727 = arith.index_cast %add3A_720 : i32 to index
    %get3A_728 = tpu.vector_load %arg6[%get3A_726, %get3A_727] {strides = array<i32>} : memref<2x136xf32, #tpu.memory_space<vmem>>, vector<16xf32>,
    %convert_element_type3A_729 = arith.fptosi %get3A_724 : vector<16xf32> to vector<16xi32>
    %jit3A_730 = arith.constant 0 : i32
    %jit3A_731 = arith.constant 999 : i32
    %max3A_732 = vector.broadcast %jit3A_730 : i32 to vector<16xi32>
    %max3A_733 = arith.maxsi %max3A_732, %convert_element_type3A_729 : vector<16xi32>
    %min3A_734 = vector.broadcast %jit3A_731 : i32 to vector<16xi32>
    %min3A_735 = arith.minsi %min3A_734, %max3A_733 : vector<16xi32>
    %mul3A_736 = arith.constant 1000 : i32
    %mul3A_737 = arith.muli %add3A_585, %mul3A_736 : i32
    %add3A_738 = vector.broadcast %mul3A_737 : i32 to vector<16xi32>
    %add3A_739 = arith.addi %min3A_735, %add3A_738 : vector<16xi32>
    %convert_element_type3A_740 = arith.fptosi %get3A_728 : vector<16xf32> to vector<16xi32>
    %jit3A_741 = arith.constant 0 : i32
    %jit3A_742 = arith.constant 999 : i32
    %max3A_743 = vector.broadcast %jit3A_741 : i32 to vector<16xi32>
    %max3A_744 = arith.maxsi %max3A_743, %convert_element_type3A_740 : vector<16xi32>
    %min3A_745 = vector.broadcast %jit3A_742 : i32 to vector<16xi32>
    %min3A_746 = arith.minsi %min3A_745, %max3A_744 : vector<16xi32>
    %mul3A_747 = arith.constant 1000 : i32
    %mul3A_748 = arith.muli %add3A_585, %mul3A_747 : i32
    %add3A_749 = vector.broadcast %mul3A_748 : i32 to vector<16xi32>
    %add3A_750 = arith.addi %min3A_746, %add3A_749 : vector<16xi32>
    %add3A_751 = arith.constant 32 : i32
    %add3A_752 = vector.broadcast %add3A_751 : i32 to vector<16xi32>
    %add3A_753 = arith.addi %add3A_752, %iota3A : vector<16xi32>
    %ge3A_754 = arith.constant 125 : i32
    %ge3A_755 = vector.broadcast %ge3A_754 : i32 to vector<16xi32>
    %ge3A_756 = arith.cmpi sge, %add3A_753, %ge3A_755 : vector<16xi32>
    %broadcast_in_dim3A_757 = vector.broadcast %squeeze3A_642 : i32 to vector<16xi32>
    %eq3A_758 = arith.cmpi eq, %add3A_739, %broadcast_in_dim3A_757 : vector<16xi32>
    %broadcast_in_dim3A_759 = vector.broadcast %squeeze3A_644 : i32 to vector<16xi32>
    %eq3A_760 = arith.cmpi eq, %add3A_750, %broadcast_in_dim3A_759 : vector<16xi32>
    %and3A_761 = arith.andi %eq3A_758, %eq3A_760 : vector<16xi1>
    %or3A_762 = arith.ori %and3A_761, %ge3A_756 : vector<16xi1>
    %and3A_763 = arith.andi %and3A_710, %or3A_762 : vector<16xi1>
    %swap3A_764 = arith.constant 0 : i32
    %swap3A_765 = arith.index_cast %swap3A_764 : i32 to index
    %swap3A_766 = arith.constant 32 : index
    %swap3A_767 = tpu.vector_load %arg8[%swap3A_765, %swap3A_766] {strides = array<i32>} : memref<2x128xi32, #tpu.memory_space<vmem>>, vector<16xi32>,
    tpu.vector_store %arg8[%swap3A_765, %swap3A_766], %add3A_739 {strides = array<i32>} : memref<2x128xi32, #tpu.memory_space<vmem>>, vector<16xi32>,
    %swap3A_768 = arith.constant 1 : i32
    %swap3A_769 = arith.index_cast %swap3A_768 : i32 to index
    %swap3A_770 = arith.constant 32 : index
    %swap3A_771 = tpu.vector_load %arg8[%swap3A_769, %swap3A_770] {strides = array<i32>} : memref<2x128xi32, #tpu.memory_space<vmem>>, vector<16xi32>,
    tpu.vector_store %arg8[%swap3A_769, %swap3A_770], %add3A_750 {strides = array<i32>} : memref<2x128xi32, #tpu.memory_space<vmem>>, vector<16xi32>,
    %add3A_772 = arith.constant 48 : i32
    %add3A_773 = arith.addi %select_n3A_606, %add3A_772 : i32
    %get3A_774 = arith.constant 0 : i32
    %get3A_775 = arith.index_cast %get3A_774 : i32 to index
    %get3A_776 = arith.index_cast %add3A_773 : i32 to index
    %get3A_777 = tpu.vector_load %arg6[%get3A_775, %get3A_776] {strides = array<i32>} : memref<2x136xf32, #tpu.memory_space<vmem>>, vector<16xf32>,
    %get3A_778 = arith.constant 1 : i32
    %get3A_779 = arith.index_cast %get3A_778 : i32 to index
    %get3A_780 = arith.index_cast %add3A_773 : i32 to index
    %get3A_781 = tpu.vector_load %arg6[%get3A_779, %get3A_780] {strides = array<i32>} : memref<2x136xf32, #tpu.memory_space<vmem>>, vector<16xf32>,
    %convert_element_type3A_782 = arith.fptosi %get3A_777 : vector<16xf32> to vector<16xi32>
    %jit3A_783 = arith.constant 0 : i32
    %jit3A_784 = arith.constant 999 : i32
    %max3A_785 = vector.broadcast %jit3A_783 : i32 to vector<16xi32>
    %max3A_786 = arith.maxsi %max3A_785, %convert_element_type3A_782 : vector<16xi32>
    %min3A_787 = vector.broadcast %jit3A_784 : i32 to vector<16xi32>
    %min3A_788 = arith.minsi %min3A_787, %max3A_786 : vector<16xi32>
    %mul3A_789 = arith.constant 1000 : i32
    %mul3A_790 = arith.muli %add3A_585, %mul3A_789 : i32
    %add3A_791 = vector.broadcast %mul3A_790 : i32 to vector<16xi32>
    %add3A_792 = arith.addi %min3A_788, %add3A_791 : vector<16xi32>
    %convert_element_type3A_793 = arith.fptosi %get3A_781 : vector<16xf32> to vector<16xi32>
    %jit3A_794 = arith.constant 0 : i32
    %jit3A_795 = arith.constant 999 : i32
    %max3A_796 = vector.broadcast %jit3A_794 : i32 to vector<16xi32>
    %max3A_797 = arith.maxsi %max3A_796, %convert_element_type3A_793 : vector<16xi32>
    %min3A_798 = vector.broadcast %jit3A_795 : i32 to vector<16xi32>
    %min3A_799 = arith.minsi %min3A_798, %max3A_797 : vector<16xi32>
    %mul3A_800 = arith.constant 1000 : i32
    %mul3A_801 = arith.muli %add3A_585, %mul3A_800 : i32
    %add3A_802 = vector.broadcast %mul3A_801 : i32 to vector<16xi32>
    %add3A_803 = arith.addi %min3A_799, %add3A_802 : vector<16xi32>
    %add3A_804 = arith.constant 48 : i32
    %add3A_805 = vector.broadcast %add3A_804 : i32 to vector<16xi32>
    %add3A_806 = arith.addi %add3A_805, %iota3A : vector<16xi32>
    %ge3A_807 = arith.constant 125 : i32
    %ge3A_808 = vector.broadcast %ge3A_807 : i32 to vector<16xi32>
    %ge3A_809 = arith.cmpi sge, %add3A_806, %ge3A_808 : vector<16xi32>
    %broadcast_in_dim3A_810 = vector.broadcast %squeeze3A_642 : i32 to vector<16xi32>
    %eq3A_811 = arith.cmpi eq, %add3A_792, %broadcast_in_dim3A_810 : vector<16xi32>
    %broadcast_in_dim3A_812 = vector.broadcast %squeeze3A_644 : i32 to vector<16xi32>
    %eq3A_813 = arith.cmpi eq, %add3A_803, %broadcast_in_dim3A_812 : vector<16xi32>
    %and3A_814 = arith.andi %eq3A_811, %eq3A_813 : vector<16xi1>
    %or3A_815 = arith.ori %and3A_814, %ge3A_809 : vector<16xi1>
    %and3A_816 = arith.andi %and3A_763, %or3A_815 : vector<16xi1>
    %swap3A_817 = arith.constant 0 : i32
    %swap3A_818 = arith.index_cast %swap3A_817 : i32 to index
    %swap3A_819 = arith.constant 48 : index
    %swap3A_820 = tpu.vector_load %arg8[%swap3A_818, %swap3A_819] {strides = array<i32>} : memref<2x128xi32, #tpu.memory_space<vmem>>, vector<16xi32>,
    tpu.vector_store %arg8[%swap3A_818, %swap3A_819], %add3A_792 {strides = array<i32>} : memref<2x128xi32, #tpu.memory_space<vmem>>, vector<16xi32>,
    %swap3A_821 = arith.constant 1 : i32
    %swap3A_822 = arith.index_cast %swap3A_821 : i32 to index
    %swap3A_823 = arith.constant 48 : index
    %swap3A_824 = tpu.vector_load %arg8[%swap3A_822, %swap3A_823] {strides = array<i32>} : memref<2x128xi32, #tpu.memory_space<vmem>>, vector<16xi32>,
    tpu.vector_store %arg8[%swap3A_822, %swap3A_823], %add3A_803 {strides = array<i32>} : memref<2x128xi32, #tpu.memory_space<vmem>>, vector<16xi32>,
    %add3A_825 = arith.constant 64 : i32
    %add3A_826 = arith.addi %select_n3A_606, %add3A_825 : i32
    %get3A_827 = arith.constant 0 : i32
    %get3A_828 = arith.index_cast %get3A_827 : i32 to index
    %get3A_829 = arith.index_cast %add3A_826 : i32 to index
    %get3A_830 = tpu.vector_load %arg6[%get3A_828, %get3A_829] {strides = array<i32>} : memref<2x136xf32, #tpu.memory_space<vmem>>, vector<16xf32>,
    %get3A_831 = arith.constant 1 : i32
    %get3A_832 = arith.index_cast %get3A_831 : i32 to index
    %get3A_833 = arith.index_cast %add3A_826 : i32 to index
    %get3A_834 = tpu.vector_load %arg6[%get3A_832, %get3A_833] {strides = array<i32>} : memref<2x136xf32, #tpu.memory_space<vmem>>, vector<16xf32>,
    %convert_element_type3A_835 = arith.fptosi %get3A_830 : vector<16xf32> to vector<16xi32>
    %jit3A_836 = arith.constant 0 : i32
    %jit3A_837 = arith.constant 999 : i32
    %max3A_838 = vector.broadcast %jit3A_836 : i32 to vector<16xi32>
    %max3A_839 = arith.maxsi %max3A_838, %convert_element_type3A_835 : vector<16xi32>
    %min3A_840 = vector.broadcast %jit3A_837 : i32 to vector<16xi32>
    %min3A_841 = arith.minsi %min3A_840, %max3A_839 : vector<16xi32>
    %mul3A_842 = arith.constant 1000 : i32
    %mul3A_843 = arith.muli %add3A_585, %mul3A_842 : i32
    %add3A_844 = vector.broadcast %mul3A_843 : i32 to vector<16xi32>
    %add3A_845 = arith.addi %min3A_841, %add3A_844 : vector<16xi32>
    %convert_element_type3A_846 = arith.fptosi %get3A_834 : vector<16xf32> to vector<16xi32>
    %jit3A_847 = arith.constant 0 : i32
    %jit3A_848 = arith.constant 999 : i32
    %max3A_849 = vector.broadcast %jit3A_847 : i32 to vector<16xi32>
    %max3A_850 = arith.maxsi %max3A_849, %convert_element_type3A_846 : vector<16xi32>
    %min3A_851 = vector.broadcast %jit3A_848 : i32 to vector<16xi32>
    %min3A_852 = arith.minsi %min3A_851, %max3A_850 : vector<16xi32>
    %mul3A_853 = arith.constant 1000 : i32
    %mul3A_854 = arith.muli %add3A_585, %mul3A_853 : i32
    %add3A_855 = vector.broadcast %mul3A_854 : i32 to vector<16xi32>
    %add3A_856 = arith.addi %min3A_852, %add3A_855 : vector<16xi32>
    %add3A_857 = arith.constant 64 : i32
    %add3A_858 = vector.broadcast %add3A_857 : i32 to vector<16xi32>
    %add3A_859 = arith.addi %add3A_858, %iota3A : vector<16xi32>
    %ge3A_860 = arith.constant 125 : i32
    %ge3A_861 = vector.broadcast %ge3A_860 : i32 to vector<16xi32>
    %ge3A_862 = arith.cmpi sge, %add3A_859, %ge3A_861 : vector<16xi32>
    %broadcast_in_dim3A_863 = vector.broadcast %squeeze3A_642 : i32 to vector<16xi32>
    %eq3A_864 = arith.cmpi eq, %add3A_845, %broadcast_in_dim3A_863 : vector<16xi32>
    %broadcast_in_dim3A_865 = vector.broadcast %squeeze3A_644 : i32 to vector<16xi32>
    %eq3A_866 = arith.cmpi eq, %add3A_856, %broadcast_in_dim3A_865 : vector<16xi32>
    %and3A_867 = arith.andi %eq3A_864, %eq3A_866 : vector<16xi1>
    %or3A_868 = arith.ori %and3A_867, %ge3A_862 : vector<16xi1>
    %and3A_869 = arith.andi %and3A_816, %or3A_868 : vector<16xi1>
    %swap3A_870 = arith.constant 0 : i32
    %swap3A_871 = arith.index_cast %swap3A_870 : i32 to index
    %swap3A_872 = arith.constant 64 : index
    %swap3A_873 = tpu.vector_load %arg8[%swap3A_871, %swap3A_872] {strides = array<i32>} : memref<2x128xi32, #tpu.memory_space<vmem>>, vector<16xi32>,
    tpu.vector_store %arg8[%swap3A_871, %swap3A_872], %add3A_845 {strides = array<i32>} : memref<2x128xi32, #tpu.memory_space<vmem>>, vector<16xi32>,
    %swap3A_874 = arith.constant 1 : i32
    %swap3A_875 = arith.index_cast %swap3A_874 : i32 to index
    %swap3A_876 = arith.constant 64 : index
    %swap3A_877 = tpu.vector_load %arg8[%swap3A_875, %swap3A_876] {strides = array<i32>} : memref<2x128xi32, #tpu.memory_space<vmem>>, vector<16xi32>,
    tpu.vector_store %arg8[%swap3A_875, %swap3A_876], %add3A_856 {strides = array<i32>} : memref<2x128xi32, #tpu.memory_space<vmem>>, vector<16xi32>,
    %add3A_878 = arith.constant 80 : i32
    %add3A_879 = arith.addi %select_n3A_606, %add3A_878 : i32
    %get3A_880 = arith.constant 0 : i32
    %get3A_881 = arith.index_cast %get3A_880 : i32 to index
    %get3A_882 = arith.index_cast %add3A_879 : i32 to index
    %get3A_883 = tpu.vector_load %arg6[%get3A_881, %get3A_882] {strides = array<i32>} : memref<2x136xf32, #tpu.memory_space<vmem>>, vector<16xf32>,
    %get3A_884 = arith.constant 1 : i32
    %get3A_885 = arith.index_cast %get3A_884 : i32 to index
    %get3A_886 = arith.index_cast %add3A_879 : i32 to index
    %get3A_887 = tpu.vector_load %arg6[%get3A_885, %get3A_886] {strides = array<i32>} : memref<2x136xf32, #tpu.memory_space<vmem>>, vector<16xf32>,
    %convert_element_type3A_888 = arith.fptosi %get3A_883 : vector<16xf32> to vector<16xi32>
    %jit3A_889 = arith.constant 0 : i32
    %jit3A_890 = arith.constant 999 : i32
    %max3A_891 = vector.broadcast %jit3A_889 : i32 to vector<16xi32>
    %max3A_892 = arith.maxsi %max3A_891, %convert_element_type3A_888 : vector<16xi32>
    %min3A_893 = vector.broadcast %jit3A_890 : i32 to vector<16xi32>
    %min3A_894 = arith.minsi %min3A_893, %max3A_892 : vector<16xi32>
    %mul3A_895 = arith.constant 1000 : i32
    %mul3A_896 = arith.muli %add3A_585, %mul3A_895 : i32
    %add3A_897 = vector.broadcast %mul3A_896 : i32 to vector<16xi32>
    %add3A_898 = arith.addi %min3A_894, %add3A_897 : vector<16xi32>
    %convert_element_type3A_899 = arith.fptosi %get3A_887 : vector<16xf32> to vector<16xi32>
    %jit3A_900 = arith.constant 0 : i32
    %jit3A_901 = arith.constant 999 : i32
    %max3A_902 = vector.broadcast %jit3A_900 : i32 to vector<16xi32>
    %max3A_903 = arith.maxsi %max3A_902, %convert_element_type3A_899 : vector<16xi32>
    %min3A_904 = vector.broadcast %jit3A_901 : i32 to vector<16xi32>
    %min3A_905 = arith.minsi %min3A_904, %max3A_903 : vector<16xi32>
    %mul3A_906 = arith.constant 1000 : i32
    %mul3A_907 = arith.muli %add3A_585, %mul3A_906 : i32
    %add3A_908 = vector.broadcast %mul3A_907 : i32 to vector<16xi32>
    %add3A_909 = arith.addi %min3A_905, %add3A_908 : vector<16xi32>
    %add3A_910 = arith.constant 80 : i32
    %add3A_911 = vector.broadcast %add3A_910 : i32 to vector<16xi32>
    %add3A_912 = arith.addi %add3A_911, %iota3A : vector<16xi32>
    %ge3A_913 = arith.constant 125 : i32
    %ge3A_914 = vector.broadcast %ge3A_913 : i32 to vector<16xi32>
    %ge3A_915 = arith.cmpi sge, %add3A_912, %ge3A_914 : vector<16xi32>
    %broadcast_in_dim3A_916 = vector.broadcast %squeeze3A_642 : i32 to vector<16xi32>
    %eq3A_917 = arith.cmpi eq, %add3A_898, %broadcast_in_dim3A_916 : vector<16xi32>
    %broadcast_in_dim3A_918 = vector.broadcast %squeeze3A_644 : i32 to vector<16xi32>
    %eq3A_919 = arith.cmpi eq, %add3A_909, %broadcast_in_dim3A_918 : vector<16xi32>
    %and3A_920 = arith.andi %eq3A_917, %eq3A_919 : vector<16xi1>
    %or3A_921 = arith.ori %and3A_920, %ge3A_915 : vector<16xi1>
    %and3A_922 = arith.andi %and3A_869, %or3A_921 : vector<16xi1>
    %swap3A_923 = arith.constant 0 : i32
    %swap3A_924 = arith.index_cast %swap3A_923 : i32 to index
    %swap3A_925 = arith.constant 80 : index
    %swap3A_926 = tpu.vector_load %arg8[%swap3A_924, %swap3A_925] {strides = array<i32>} : memref<2x128xi32, #tpu.memory_space<vmem>>, vector<16xi32>,
    tpu.vector_store %arg8[%swap3A_924, %swap3A_925], %add3A_898 {strides = array<i32>} : memref<2x128xi32, #tpu.memory_space<vmem>>, vector<16xi32>,
    %swap3A_927 = arith.constant 1 : i32
    %swap3A_928 = arith.index_cast %swap3A_927 : i32 to index
    %swap3A_929 = arith.constant 80 : index
    %swap3A_930 = tpu.vector_load %arg8[%swap3A_928, %swap3A_929] {strides = array<i32>} : memref<2x128xi32, #tpu.memory_space<vmem>>, vector<16xi32>,
    tpu.vector_store %arg8[%swap3A_928, %swap3A_929], %add3A_909 {strides = array<i32>} : memref<2x128xi32, #tpu.memory_space<vmem>>, vector<16xi32>,
    %add3A_931 = arith.constant 96 : i32
    %add3A_932 = arith.addi %select_n3A_606, %add3A_931 : i32
    %get3A_933 = arith.constant 0 : i32
    %get3A_934 = arith.index_cast %get3A_933 : i32 to index
    %get3A_935 = arith.index_cast %add3A_932 : i32 to index
    %get3A_936 = tpu.vector_load %arg6[%get3A_934, %get3A_935] {strides = array<i32>} : memref<2x136xf32, #tpu.memory_space<vmem>>, vector<16xf32>,
    %get3A_937 = arith.constant 1 : i32
    %get3A_938 = arith.index_cast %get3A_937 : i32 to index
    %get3A_939 = arith.index_cast %add3A_932 : i32 to index
    %get3A_940 = tpu.vector_load %arg6[%get3A_938, %get3A_939] {strides = array<i32>} : memref<2x136xf32, #tpu.memory_space<vmem>>, vector<16xf32>,
    %convert_element_type3A_941 = arith.fptosi %get3A_936 : vector<16xf32> to vector<16xi32>
    %jit3A_942 = arith.constant 0 : i32
    %jit3A_943 = arith.constant 999 : i32
    %max3A_944 = vector.broadcast %jit3A_942 : i32 to vector<16xi32>
    %max3A_945 = arith.maxsi %max3A_944, %convert_element_type3A_941 : vector<16xi32>
    %min3A_946 = vector.broadcast %jit3A_943 : i32 to vector<16xi32>
    %min3A_947 = arith.minsi %min3A_946, %max3A_945 : vector<16xi32>
    %mul3A_948 = arith.constant 1000 : i32
    %mul3A_949 = arith.muli %add3A_585, %mul3A_948 : i32
    %add3A_950 = vector.broadcast %mul3A_949 : i32 to vector<16xi32>
    %add3A_951 = arith.addi %min3A_947, %add3A_950 : vector<16xi32>
    %convert_element_type3A_952 = arith.fptosi %get3A_940 : vector<16xf32> to vector<16xi32>
    %jit3A_953 = arith.constant 0 : i32
    %jit3A_954 = arith.constant 999 : i32
    %max3A_955 = vector.broadcast %jit3A_953 : i32 to vector<16xi32>
    %max3A_956 = arith.maxsi %max3A_955, %convert_element_type3A_952 : vector<16xi32>
    %min3A_957 = vector.broadcast %jit3A_954 : i32 to vector<16xi32>
    %min3A_958 = arith.minsi %min3A_957, %max3A_956 : vector<16xi32>
    %mul3A_959 = arith.constant 1000 : i32
    %mul3A_960 = arith.muli %add3A_585, %mul3A_959 : i32
    %add3A_961 = vector.broadcast %mul3A_960 : i32 to vector<16xi32>
    %add3A_962 = arith.addi %min3A_958, %add3A_961 : vector<16xi32>
    %add3A_963 = arith.constant 96 : i32
    %add3A_964 = vector.broadcast %add3A_963 : i32 to vector<16xi32>
    %add3A_965 = arith.addi %add3A_964, %iota3A : vector<16xi32>
    %ge3A_966 = arith.constant 125 : i32
    %ge3A_967 = vector.broadcast %ge3A_966 : i32 to vector<16xi32>
    %ge3A_968 = arith.cmpi sge, %add3A_965, %ge3A_967 : vector<16xi32>
    %broadcast_in_dim3A_969 = vector.broadcast %squeeze3A_642 : i32 to vector<16xi32>
    %eq3A_970 = arith.cmpi eq, %add3A_951, %broadcast_in_dim3A_969 : vector<16xi32>
    %broadcast_in_dim3A_971 = vector.broadcast %squeeze3A_644 : i32 to vector<16xi32>
    %eq3A_972 = arith.cmpi eq, %add3A_962, %broadcast_in_dim3A_971 : vector<16xi32>
    %and3A_973 = arith.andi %eq3A_970, %eq3A_972 : vector<16xi1>
    %or3A_974 = arith.ori %and3A_973, %ge3A_968 : vector<16xi1>
    %and3A_975 = arith.andi %and3A_922, %or3A_974 : vector<16xi1>
    %swap3A_976 = arith.constant 0 : i32
    %swap3A_977 = arith.index_cast %swap3A_976 : i32 to index
    %swap3A_978 = arith.constant 96 : index
    %swap3A_979 = tpu.vector_load %arg8[%swap3A_977, %swap3A_978] {strides = array<i32>} : memref<2x128xi32, #tpu.memory_space<vmem>>, vector<16xi32>,
    tpu.vector_store %arg8[%swap3A_977, %swap3A_978], %add3A_951 {strides = array<i32>} : memref<2x128xi32, #tpu.memory_space<vmem>>, vector<16xi32>,
    %swap3A_980 = arith.constant 1 : i32
    %swap3A_981 = arith.index_cast %swap3A_980 : i32 to index
    %swap3A_982 = arith.constant 96 : index
    %swap3A_983 = tpu.vector_load %arg8[%swap3A_981, %swap3A_982] {strides = array<i32>} : memref<2x128xi32, #tpu.memory_space<vmem>>, vector<16xi32>,
    tpu.vector_store %arg8[%swap3A_981, %swap3A_982], %add3A_962 {strides = array<i32>} : memref<2x128xi32, #tpu.memory_space<vmem>>, vector<16xi32>,
    %add3A_984 = arith.constant 112 : i32
    %add3A_985 = arith.addi %select_n3A_606, %add3A_984 : i32
    %get3A_986 = arith.constant 0 : i32
    %get3A_987 = arith.index_cast %get3A_986 : i32 to index
    %get3A_988 = arith.index_cast %add3A_985 : i32 to index
    %get3A_989 = tpu.vector_load %arg6[%get3A_987, %get3A_988] {strides = array<i32>} : memref<2x136xf32, #tpu.memory_space<vmem>>, vector<16xf32>,
    %get3A_990 = arith.constant 1 : i32
    %get3A_991 = arith.index_cast %get3A_990 : i32 to index
    %get3A_992 = arith.index_cast %add3A_985 : i32 to index
    %get3A_993 = tpu.vector_load %arg6[%get3A_991, %get3A_992] {strides = array<i32>} : memref<2x136xf32, #tpu.memory_space<vmem>>, vector<16xf32>,
    %convert_element_type3A_994 = arith.fptosi %get3A_989 : vector<16xf32> to vector<16xi32>
    %jit3A_995 = arith.constant 0 : i32
    %jit3A_996 = arith.constant 999 : i32
    %max3A_997 = vector.broadcast %jit3A_995 : i32 to vector<16xi32>
    %max3A_998 = arith.maxsi %max3A_997, %convert_element_type3A_994 : vector<16xi32>
    %min3A_999 = vector.broadcast %jit3A_996 : i32 to vector<16xi32>
    %min3A_1000 = arith.minsi %min3A_999, %max3A_998 : vector<16xi32>
    %mul3A_1001 = arith.constant 1000 : i32
    %mul3A_1002 = arith.muli %add3A_585, %mul3A_1001 : i32
    %add3A_1003 = vector.broadcast %mul3A_1002 : i32 to vector<16xi32>
    %add3A_1004 = arith.addi %min3A_1000, %add3A_1003 : vector<16xi32>
    %convert_element_type3A_1005 = arith.fptosi %get3A_993 : vector<16xf32> to vector<16xi32>
    %jit3A_1006 = arith.constant 0 : i32
    %jit3A_1007 = arith.constant 999 : i32
    %max3A_1008 = vector.broadcast %jit3A_1006 : i32 to vector<16xi32>
    %max3A_1009 = arith.maxsi %max3A_1008, %convert_element_type3A_1005 : vector<16xi32>
    %min3A_1010 = vector.broadcast %jit3A_1007 : i32 to vector<16xi32>
    %min3A_1011 = arith.minsi %min3A_1010, %max3A_1009 : vector<16xi32>
    %mul3A_1012 = arith.constant 1000 : i32
    %mul3A_1013 = arith.muli %add3A_585, %mul3A_1012 : i32
    %add3A_1014 = vector.broadcast %mul3A_1013 : i32 to vector<16xi32>
    %add3A_1015 = arith.addi %min3A_1011, %add3A_1014 : vector<16xi32>
    %add3A_1016 = arith.constant 112 : i32
    %add3A_1017 = vector.broadcast %add3A_1016 : i32 to vector<16xi32>
    %add3A_1018 = arith.addi %add3A_1017, %iota3A : vector<16xi32>
    %ge3A_1019 = arith.constant 125 : i32
    %ge3A_1020 = vector.broadcast %ge3A_1019 : i32 to vector<16xi32>
    %ge3A_1021 = arith.cmpi sge, %add3A_1018, %ge3A_1020 : vector<16xi32>
    %broadcast_in_dim3A_1022 = vector.broadcast %squeeze3A_642 : i32 to vector<16xi32>
    %eq3A_1023 = arith.cmpi eq, %add3A_1004, %broadcast_in_dim3A_1022 : vector<16xi32>
    %broadcast_in_dim3A_1024 = vector.broadcast %squeeze3A_644 : i32 to vector<16xi32>
    %eq3A_1025 = arith.cmpi eq, %add3A_1015, %broadcast_in_dim3A_1024 : vector<16xi32>
    %and3A_1026 = arith.andi %eq3A_1023, %eq3A_1025 : vector<16xi1>
    %or3A_1027 = arith.ori %and3A_1026, %ge3A_1021 : vector<16xi1>
    %and3A_1028 = arith.andi %and3A_975, %or3A_1027 : vector<16xi1>
    %swap3A_1029 = arith.constant 0 : i32
    %swap3A_1030 = arith.index_cast %swap3A_1029 : i32 to index
    %swap3A_1031 = arith.constant 112 : index
    %swap3A_1032 = tpu.vector_load %arg8[%swap3A_1030, %swap3A_1031] {strides = array<i32>} : memref<2x128xi32, #tpu.memory_space<vmem>>, vector<16xi32>,
    tpu.vector_store %arg8[%swap3A_1030, %swap3A_1031], %add3A_1004 {strides = array<i32>} : memref<2x128xi32, #tpu.memory_space<vmem>>, vector<16xi32>,
    %swap3A_1033 = arith.constant 1 : i32
    %swap3A_1034 = arith.index_cast %swap3A_1033 : i32 to index
    %swap3A_1035 = arith.constant 112 : index
    %swap3A_1036 = tpu.vector_load %arg8[%swap3A_1034, %swap3A_1035] {strides = array<i32>} : memref<2x128xi32, #tpu.memory_space<vmem>>, vector<16xi32>,
    tpu.vector_store %arg8[%swap3A_1034, %swap3A_1035], %add3A_1015 {strides = array<i32>} : memref<2x128xi32, #tpu.memory_space<vmem>>, vector<16xi32>,
    %reduce_and3A_1037 = arith.constant 1.000000e+00 : f32
    %reduce_and3A_1038 = arith.constant 0.000000e+00 : f32
    %reduce_and3A_1039 = vector.broadcast %reduce_and3A_1037 : f32 to vector<16xf32>
    %reduce_and3A_1040 = vector.broadcast %reduce_and3A_1038 : f32 to vector<16xf32>
    %reduce_and3A_1041 = arith.select %and3A_1028, %reduce_and3A_1039, %reduce_and3A_1040 : vector<16xi1>, vector<16xf32>
    %reduce_and3A_1042 = arith.constant true
    %reduce_and3A_1043 = vector.broadcast %reduce_and3A_1042 : i1 to vector<16xi1>
    %reduce_and3A_1044 = tpu.scan <min>, %reduce_and3A_1041 masked %reduce_and3A_1043 : vector<16xf32>, vector<16xi1> -> vector<16xf32>
    %reduce_and3A_1045 = vector.extract %reduce_and3A_1044[15] : f32 from vector<16xf32>
    %reduce_and3A_1046 = arith.constant 0.000000e+00 : f32
    %reduce_and3A_1047 = arith.cmpf ogt, %reduce_and3A_1045, %reduce_and3A_1046 : f32
    %dma_wait3A_1048 = arith.constant 0 : i32
    %dma_wait3A_1049 = arith.constant 0 : i32
    %dma_wait3A_1050 = tpu.memref_slice %arg10[%dma_wait3A_1048, %dma_wait3A_1049] : memref<128x128xf32, #tpu.memory_space<vmem>> -> memref<125x128xf32, #tpu.memory_space<vmem>>
    %dma_wait3A_1051 = arith.constant 0 : i32
    %dma_wait3A_1052 = arith.constant 0 : i32
    %dma_wait3A_1053 = tpu.memref_slice %arg4[%dma_wait3A_1051, %dma_wait3A_1052] : memref<256000x128xf32, #tpu.memory_space<hbm>> -> memref<125x128xf32, #tpu.memory_space<hbm>>
    %dma_wait3A_1054 = arith.constant 0 : i32
    %dma_wait3A_1055 = arith.constant 0 : i32
    %dma_wait3A_1056 = tpu.memref_slice %arg4[%dma_wait3A_1054, %dma_wait3A_1055] : memref<256000x128xf32, #tpu.memory_space<hbm>> -> memref<125x128xf32, #tpu.memory_space<hbm>>
    %dma_wait3A_1057 = arith.constant 0 : i32
    %dma_wait3A_1058 = arith.constant 0 : i32
    %dma_wait3A_1059 = tpu.memref_slice %arg10[%dma_wait3A_1057, %dma_wait3A_1058] : memref<128x128xf32, #tpu.memory_space<vmem>> -> memref<125x128xf32, #tpu.memory_space<vmem>>
    tpu.wait_dma2 semaphore(%arg20 : memref<!tpu.dma_semaphore, #tpu.memory_space<semaphore_mem>>) src(%dma_wait3A_1059 : memref<125x128xf32, #tpu.memory_space<vmem>>) dst(%dma_wait3A_1056 : memref<125x128xf32, #tpu.memory_space<hbm>>)
    %convert_element_type3A_1060 = arith.extui %reduce_and3A_1047 : i1 to i32
    %cond3A_1061 = arith.constant 0 : i32
    %cond3A_1062 = arith.cmpi ne, %convert_element_type3A_1060, %cond3A_1061 : i32
    scf.if %cond3A_1062 {
      %dma_start3A_1142 = arith.constant 0 : i32
      %dma_start3A_1143 = arith.constant 0 : i32
      %dma_start3A_1144 = tpu.memref_slice %arg10[%dma_start3A_1142, %dma_start3A_1143] : memref<128x128xf32, #tpu.memory_space<vmem>> -> memref<1x128xf32, #tpu.memory_space<vmem>>
      %dma_start3A_1145 = arith.constant 0 : i32
      %dma_start3A_1146 = tpu.memref_slice %arg2[%squeeze3A_642, %dma_start3A_1145] : memref<256000x128xf32, #tpu.memory_space<hbm>> -> memref<1x128xf32, #tpu.memory_space<hbm>>
      %dma_start3A_1147 = arith.constant 0 : i32
      %dma_start3A_1148 = arith.constant 0 : i32
      %dma_start3A_1149 = tpu.memref_slice %arg10[%dma_start3A_1147, %dma_start3A_1148] : memref<128x128xf32, #tpu.memory_space<vmem>> -> memref<1x128xf32, #tpu.memory_space<vmem>>
      %dma_start3A_1150 = arith.constant 0 : i32
      %dma_start3A_1151 = tpu.memref_slice %arg2[%squeeze3A_642, %dma_start3A_1150] : memref<256000x128xf32, #tpu.memory_space<hbm>> -> memref<1x128xf32, #tpu.memory_space<hbm>>
      tpu.enqueue_dma source(%dma_start3A_1151 : memref<1x128xf32, #tpu.memory_space<hbm>>) target(%dma_start3A_1149 : memref<1x128xf32, #tpu.memory_space<vmem>>) target_semaphore(%arg16 : memref<!tpu.dma_semaphore, #tpu.memory_space<semaphore_mem>>)
      %dma_start3A_1152 = arith.constant 0 : i32
      %dma_start3A_1153 = arith.constant 0 : i32
      %dma_start3A_1154 = tpu.memref_slice %arg12[%dma_start3A_1152, %dma_start3A_1153] : memref<128x128xf32, #tpu.memory_space<vmem>> -> memref<1x128xf32, #tpu.memory_space<vmem>>
      %dma_start3A_1155 = arith.constant 0 : i32
      %dma_start3A_1156 = tpu.memref_slice %arg2[%squeeze3A_644, %dma_start3A_1155] : memref<256000x128xf32, #tpu.memory_space<hbm>> -> memref<1x128xf32, #tpu.memory_space<hbm>>
      %dma_start3A_1157 = arith.constant 0 : i32
      %dma_start3A_1158 = arith.constant 0 : i32
      %dma_start3A_1159 = tpu.memref_slice %arg12[%dma_start3A_1157, %dma_start3A_1158] : memref<128x128xf32, #tpu.memory_space<vmem>> -> memref<1x128xf32, #tpu.memory_space<vmem>>
      %dma_start3A_1160 = arith.constant 0 : i32
      %dma_start3A_1161 = tpu.memref_slice %arg2[%squeeze3A_644, %dma_start3A_1160] : memref<256000x128xf32, #tpu.memory_space<hbm>> -> memref<1x128xf32, #tpu.memory_space<hbm>>
      tpu.enqueue_dma source(%dma_start3A_1161 : memref<1x128xf32, #tpu.memory_space<hbm>>) target(%dma_start3A_1159 : memref<1x128xf32, #tpu.memory_space<vmem>>) target_semaphore(%arg18 : memref<!tpu.dma_semaphore, #tpu.memory_space<semaphore_mem>>)
    } else {
    }
    %not3A_1063 = arith.constant true
    %not3A_1064 = arith.xori %reduce_and3A_1047, %not3A_1063 : i1
    %convert_element_type3A_1065 = arith.extui %not3A_1064 : i1 to i32
    %cond3A_1066 = arith.constant 0 : i32
    %cond3A_1067 = arith.cmpi ne, %convert_element_type3A_1065, %cond3A_1066 : i32
    scf.if %cond3A_1067 {
      %dma_start3A_1142 = arith.constant 0 : i32
      %dma_start3A_1143 = arith.constant 0 : i32
      %dma_start3A_1144 = tpu.memref_slice %arg8[%dma_start3A_1142, %dma_start3A_1143] : memref<2x128xi32, #tpu.memory_space<vmem>> -> memref<1x128xi32, #tpu.memory_space<vmem>>
      %dma_start3A_1145 = tpu.memref_squeeze %dma_start3A_1144 : memref<1x128xi32, #tpu.memory_space<vmem>> -> memref<128xi32, #tpu.memory_space<vmem>>
      %dma_start3A_1146 = arith.constant 0 : i32
      %dma_start3A_1147 = arith.constant 0 : i32
      %dma_start3A_1148 = tpu.memref_slice %arg2[%dma_start3A_1146, %dma_start3A_1147] : memref<256000x128xf32, #tpu.memory_space<hbm>> -> memref<256000x128xf32, #tpu.memory_space<hbm>>
      tpu.enqueue_indirect_dma source(%dma_start3A_1148 : memref<256000x128xf32, #tpu.memory_space<hbm>>) target(%arg10 : memref<128x128xf32, #tpu.memory_space<vmem>>) offsets(%dma_start3A_1145 : memref<128xi32, #tpu.memory_space<vmem>>) semaphore(%arg16 : memref<!tpu.dma_semaphore, #tpu.memory_space<semaphore_mem>>)
      %dma_start3A_1149 = arith.constant 1 : i32
      %dma_start3A_1150 = arith.constant 0 : i32
      %dma_start3A_1151 = tpu.memref_slice %arg8[%dma_start3A_1149, %dma_start3A_1150] : memref<2x128xi32, #tpu.memory_space<vmem>> -> memref<1x128xi32, #tpu.memory_space<vmem>>
      %dma_start3A_1152 = tpu.memref_squeeze %dma_start3A_1151 : memref<1x128xi32, #tpu.memory_space<vmem>> -> memref<128xi32, #tpu.memory_space<vmem>>
      %dma_start3A_1153 = arith.constant 0 : i32
      %dma_start3A_1154 = arith.constant 0 : i32
      %dma_start3A_1155 = tpu.memref_slice %arg2[%dma_start3A_1153, %dma_start3A_1154] : memref<256000x128xf32, #tpu.memory_space<hbm>> -> memref<256000x128xf32, #tpu.memory_space<hbm>>
      tpu.enqueue_indirect_dma source(%dma_start3A_1155 : memref<256000x128xf32, #tpu.memory_space<hbm>>) target(%arg12 : memref<128x128xf32, #tpu.memory_space<vmem>>) offsets(%dma_start3A_1152 : memref<128xi32, #tpu.memory_space<vmem>>) semaphore(%arg18 : memref<!tpu.dma_semaphore, #tpu.memory_space<semaphore_mem>>)
    } else {
    }
    %convert_element_type3A_1068 = arith.extui %scan3A_576#0 : i1 to i32
    %cond3A_1069 = arith.constant 0 : i32
    %cond3A_1070 = arith.cmpi ne, %convert_element_type3A_1068, %cond3A_1069 : i32
    scf.if %cond3A_1070 {
      %dma_wait3A_1142 = arith.constant 0 : i32
      %dma_wait3A_1143 = arith.constant 0 : i32
      %dma_wait3A_1144 = tpu.memref_slice %arg9[%dma_wait3A_1142, %dma_wait3A_1143] : memref<128x128xf32, #tpu.memory_space<vmem>> -> memref<1x128xf32, #tpu.memory_space<vmem>>
      %dma_wait3A_1145 = arith.constant 0 : i32
      %dma_wait3A_1146 = arith.constant 0 : i32
      %dma_wait3A_1147 = tpu.memref_slice %arg2[%dma_wait3A_1145, %dma_wait3A_1146] : memref<256000x128xf32, #tpu.memory_space<hbm>> -> memref<1x128xf32, #tpu.memory_space<hbm>>
      %dma_wait3A_1148 = arith.constant 0 : i32
      %dma_wait3A_1149 = arith.constant 0 : i32
      %dma_wait3A_1150 = tpu.memref_slice %arg9[%dma_wait3A_1148, %dma_wait3A_1149] : memref<128x128xf32, #tpu.memory_space<vmem>> -> memref<1x128xf32, #tpu.memory_space<vmem>>
      %dma_wait3A_1151 = arith.constant 0 : i32
      %dma_wait3A_1152 = arith.constant 0 : i32
      %dma_wait3A_1153 = tpu.memref_slice %arg2[%dma_wait3A_1151, %dma_wait3A_1152] : memref<256000x128xf32, #tpu.memory_space<hbm>> -> memref<1x128xf32, #tpu.memory_space<hbm>>
      tpu.wait_dma2 semaphore(%arg15 : memref<!tpu.dma_semaphore, #tpu.memory_space<semaphore_mem>>) src(%dma_wait3A_1153 : memref<1x128xf32, #tpu.memory_space<hbm>>) dst(%dma_wait3A_1150 : memref<1x128xf32, #tpu.memory_space<vmem>>)
      %dma_wait3A_1154 = arith.constant 0 : i32
      %dma_wait3A_1155 = arith.constant 0 : i32
      %dma_wait3A_1156 = tpu.memref_slice %arg11[%dma_wait3A_1154, %dma_wait3A_1155] : memref<128x128xf32, #tpu.memory_space<vmem>> -> memref<1x128xf32, #tpu.memory_space<vmem>>
      %dma_wait3A_1157 = arith.constant 0 : i32
      %dma_wait3A_1158 = arith.constant 0 : i32
      %dma_wait3A_1159 = tpu.memref_slice %arg2[%dma_wait3A_1157, %dma_wait3A_1158] : memref<256000x128xf32, #tpu.memory_space<hbm>> -> memref<1x128xf32, #tpu.memory_space<hbm>>
      %dma_wait3A_1160 = arith.constant 0 : i32
      %dma_wait3A_1161 = arith.constant 0 : i32
      %dma_wait3A_1162 = tpu.memref_slice %arg11[%dma_wait3A_1160, %dma_wait3A_1161] : memref<128x128xf32, #tpu.memory_space<vmem>> -> memref<1x128xf32, #tpu.memory_space<vmem>>
      %dma_wait3A_1163 = arith.constant 0 : i32
      %dma_wait3A_1164 = arith.constant 0 : i32
      %dma_wait3A_1165 = tpu.memref_slice %arg2[%dma_wait3A_1163, %dma_wait3A_1164] : memref<256000x128xf32, #tpu.memory_space<hbm>> -> memref<1x128xf32, #tpu.memory_space<hbm>>
      tpu.wait_dma2 semaphore(%arg17 : memref<!tpu.dma_semaphore, #tpu.memory_space<semaphore_mem>>) src(%dma_wait3A_1165 : memref<1x128xf32, #tpu.memory_space<hbm>>) dst(%dma_wait3A_1162 : memref<1x128xf32, #tpu.memory_space<vmem>>)
      %get3A_1166 = arith.constant 0 : i32
      %get3A_1167 = arith.index_cast %get3A_1166 : i32 to index
      %get3A_1168 = arith.constant 0 : index
      %get3A_1169 = tpu.vector_load %arg9[%get3A_1167, %get3A_1168] {strides = array<i32>} : memref<128x128xf32, #tpu.memory_space<vmem>>, vector<16xf32>,
      %get3A_1170 = arith.constant 0 : i32
      %get3A_1171 = arith.index_cast %get3A_1170 : i32 to index
      %get3A_1172 = arith.constant 0 : index
      %get3A_1173 = tpu.vector_load %arg11[%get3A_1171, %get3A_1172] {strides = array<i32>} : memref<128x128xf32, #tpu.memory_space<vmem>>, vector<16xf32>,
      %add3A_1174 = arith.addf %get3A_1169, %get3A_1173 : vector<16xf32>
      %get3A_1175 = arith.constant 0 : i32
      %get3A_1176 = arith.index_cast %get3A_1175 : i32 to index
      %get3A_1177 = arith.constant 16 : index
      %get3A_1178 = tpu.vector_load %arg9[%get3A_1176, %get3A_1177] {strides = array<i32>} : memref<128x128xf32, #tpu.memory_space<vmem>>, vector<16xf32>,
      %get3A_1179 = arith.constant 0 : i32
      %get3A_1180 = arith.index_cast %get3A_1179 : i32 to index
      %get3A_1181 = arith.constant 16 : index
      %get3A_1182 = tpu.vector_load %arg11[%get3A_1180, %get3A_1181] {strides = array<i32>} : memref<128x128xf32, #tpu.memory_space<vmem>>, vector<16xf32>,
      %add3A_1183 = arith.addf %get3A_1178, %get3A_1182 : vector<16xf32>
      %get3A_1184 = arith.constant 0 : i32
      %get3A_1185 = arith.index_cast %get3A_1184 : i32 to index
      %get3A_1186 = arith.constant 32 : index
      %get3A_1187 = tpu.vector_load %arg9[%get3A_1185, %get3A_1186] {strides = array<i32>} : memref<128x128xf32, #tpu.memory_space<vmem>>, vector<16xf32>,
      %get3A_1188 = arith.constant 0 : i32
      %get3A_1189 = arith.index_cast %get3A_1188 : i32 to index
      %get3A_1190 = arith.constant 32 : index
      %get3A_1191 = tpu.vector_load %arg11[%get3A_1189, %get3A_1190] {strides = array<i32>} : memref<128x128xf32, #tpu.memory_space<vmem>>, vector<16xf32>,
      %add3A_1192 = arith.addf %get3A_1187, %get3A_1191 : vector<16xf32>
      %get3A_1193 = arith.constant 0 : i32
      %get3A_1194 = arith.index_cast %get3A_1193 : i32 to index
      %get3A_1195 = arith.constant 48 : index
      %get3A_1196 = tpu.vector_load %arg9[%get3A_1194, %get3A_1195] {strides = array<i32>} : memref<128x128xf32, #tpu.memory_space<vmem>>, vector<16xf32>,
      %get3A_1197 = arith.constant 0 : i32
      %get3A_1198 = arith.index_cast %get3A_1197 : i32 to index
      %get3A_1199 = arith.constant 48 : index
      %get3A_1200 = tpu.vector_load %arg11[%get3A_1198, %get3A_1199] {strides = array<i32>} : memref<128x128xf32, #tpu.memory_space<vmem>>, vector<16xf32>,
      %add3A_1201 = arith.addf %get3A_1196, %get3A_1200 : vector<16xf32>
      %get3A_1202 = arith.constant 0 : i32
      %get3A_1203 = arith.index_cast %get3A_1202 : i32 to index
      %get3A_1204 = arith.constant 64 : index
      %get3A_1205 = tpu.vector_load %arg9[%get3A_1203, %get3A_1204] {strides = array<i32>} : memref<128x128xf32, #tpu.memory_space<vmem>>, vector<16xf32>,
      %get3A_1206 = arith.constant 0 : i32
      %get3A_1207 = arith.index_cast %get3A_1206 : i32 to index
      %get3A_1208 = arith.constant 64 : index
      %get3A_1209 = tpu.vector_load %arg11[%get3A_1207, %get3A_1208] {strides = array<i32>} : memref<128x128xf32, #tpu.memory_space<vmem>>, vector<16xf32>,
      %add3A_1210 = arith.addf %get3A_1205, %get3A_1209 : vector<16xf32>
      %get3A_1211 = arith.constant 0 : i32
      %get3A_1212 = arith.index_cast %get3A_1211 : i32 to index
      %get3A_1213 = arith.constant 80 : index
      %get3A_1214 = tpu.vector_load %arg9[%get3A_1212, %get3A_1213] {strides = array<i32>} : memref<128x128xf32, #tpu.memory_space<vmem>>, vector<16xf32>,
      %get3A_1215 = arith.constant 0 : i32
      %get3A_1216 = arith.index_cast %get3A_1215 : i32 to index
      %get3A_1217 = arith.constant 80 : index
      %get3A_1218 = tpu.vector_load %arg11[%get3A_1216, %get3A_1217] {strides = array<i32>} : memref<128x128xf32, #tpu.memory_space<vmem>>, vector<16xf32>,
      %add3A_1219 = arith.addf %get3A_1214, %get3A_1218 : vector<16xf32>
      %get3A_1220 = arith.constant 0 : i32
      %get3A_1221 = arith.index_cast %get3A_1220 : i32 to index
      %get3A_1222 = arith.constant 96 : index
      %get3A_1223 = tpu.vector_load %arg9[%get3A_1221, %get3A_1222] {strides = array<i32>} : memref<128x128xf32, #tpu.memory_space<vmem>>, vector<16xf32>,
      %get3A_1224 = arith.constant 0 : i32
      %get3A_1225 = arith.index_cast %get3A_1224 : i32 to index
      %get3A_1226 = arith.constant 96 : index
      %get3A_1227 = tpu.vector_load %arg11[%get3A_1225, %get3A_1226] {strides = array<i32>} : memref<128x128xf32, #tpu.memory_space<vmem>>, vector<16xf32>,
      %add3A_1228 = arith.addf %get3A_1223, %get3A_1227 : vector<16xf32>
      %get3A_1229 = arith.constant 0 : i32
      %get3A_1230 = arith.index_cast %get3A_1229 : i32 to index
      %get3A_1231 = arith.constant 112 : index
      %get3A_1232 = tpu.vector_load %arg9[%get3A_1230, %get3A_1231] {strides = array<i32>} : memref<128x128xf32, #tpu.memory_space<vmem>>, vector<16xf32>,
      %get3A_1233 = arith.constant 0 : i32
      %get3A_1234 = arith.index_cast %get3A_1233 : i32 to index
      %get3A_1235 = arith.constant 112 : index
      %get3A_1236 = tpu.vector_load %arg11[%get3A_1234, %get3A_1235] {strides = array<i32>} : memref<128x128xf32, #tpu.memory_space<vmem>>, vector<16xf32>,
      %add3A_1237 = arith.addf %get3A_1232, %get3A_1236 : vector<16xf32>
      %parallel_loop3A = arith.constant 0 : i32
      %parallel_loop3A_1238 = arith.constant 125 : i32
      %parallel_loop3A_1239 = arith.constant 1 : i32
      scf.for %parallel_loop3A_1240 = %parallel_loop3A to %parallel_loop3A_1238 step %parallel_loop3A_1239  : i32 {
        %parallel_loop3A_1241 = arith.index_cast %parallel_loop3A_1240 : i32 to index
        %parallel_loop3A_1242 = arith.constant 0 : index
        %parallel_loop3A_1243 = tpu.vector_load %arg9[%parallel_loop3A_1241, %parallel_loop3A_1242] {strides = array<i32>} : memref<128x128xf32, #tpu.memory_space<vmem>>, vector<16xf32>,
        tpu.vector_store %arg9[%parallel_loop3A_1241, %parallel_loop3A_1242], %add3A_1174 {strides = array<i32>} : memref<128x128xf32, #tpu.memory_space<vmem>>, vector<16xf32>,
        %parallel_loop3A_1244 = arith.index_cast %parallel_loop3A_1240 : i32 to index
        %parallel_loop3A_1245 = arith.constant 16 : index
        %parallel_loop3A_1246 = tpu.vector_load %arg9[%parallel_loop3A_1244, %parallel_loop3A_1245] {strides = array<i32>} : memref<128x128xf32, #tpu.memory_space<vmem>>, vector<16xf32>,
        tpu.vector_store %arg9[%parallel_loop3A_1244, %parallel_loop3A_1245], %add3A_1183 {strides = array<i32>} : memref<128x128xf32, #tpu.memory_space<vmem>>, vector<16xf32>,
        %parallel_loop3A_1247 = arith.index_cast %parallel_loop3A_1240 : i32 to index
        %parallel_loop3A_1248 = arith.constant 32 : index
        %parallel_loop3A_1249 = tpu.vector_load %arg9[%parallel_loop3A_1247, %parallel_loop3A_1248] {strides = array<i32>} : memref<128x128xf32, #tpu.memory_space<vmem>>, vector<16xf32>,
        tpu.vector_store %arg9[%parallel_loop3A_1247, %parallel_loop3A_1248], %add3A_1192 {strides = array<i32>} : memref<128x128xf32, #tpu.memory_space<vmem>>, vector<16xf32>,
        %parallel_loop3A_1250 = arith.index_cast %parallel_loop3A_1240 : i32 to index
        %parallel_loop3A_1251 = arith.constant 48 : index
        %parallel_loop3A_1252 = tpu.vector_load %arg9[%parallel_loop3A_1250, %parallel_loop3A_1251] {strides = array<i32>} : memref<128x128xf32, #tpu.memory_space<vmem>>, vector<16xf32>,
        tpu.vector_store %arg9[%parallel_loop3A_1250, %parallel_loop3A_1251], %add3A_1201 {strides = array<i32>} : memref<128x128xf32, #tpu.memory_space<vmem>>, vector<16xf32>,
        %parallel_loop3A_1253 = arith.index_cast %parallel_loop3A_1240 : i32 to index
        %parallel_loop3A_1254 = arith.constant 64 : index
        %parallel_loop3A_1255 = tpu.vector_load %arg9[%parallel_loop3A_1253, %parallel_loop3A_1254] {strides = array<i32>} : memref<128x128xf32, #tpu.memory_space<vmem>>, vector<16xf32>,
        tpu.vector_store %arg9[%parallel_loop3A_1253, %parallel_loop3A_1254], %add3A_1210 {strides = array<i32>} : memref<128x128xf32, #tpu.memory_space<vmem>>, vector<16xf32>,
        %parallel_loop3A_1256 = arith.index_cast %parallel_loop3A_1240 : i32 to index
        %parallel_loop3A_1257 = arith.constant 80 : index
        %parallel_loop3A_1258 = tpu.vector_load %arg9[%parallel_loop3A_1256, %parallel_loop3A_1257] {strides = array<i32>} : memref<128x128xf32, #tpu.memory_space<vmem>>, vector<16xf32>,
        tpu.vector_store %arg9[%parallel_loop3A_1256, %parallel_loop3A_1257], %add3A_1219 {strides = array<i32>} : memref<128x128xf32, #tpu.memory_space<vmem>>, vector<16xf32>,
        %parallel_loop3A_1259 = arith.index_cast %parallel_loop3A_1240 : i32 to index
        %parallel_loop3A_1260 = arith.constant 96 : index
        %parallel_loop3A_1261 = tpu.vector_load %arg9[%parallel_loop3A_1259, %parallel_loop3A_1260] {strides = array<i32>} : memref<128x128xf32, #tpu.memory_space<vmem>>, vector<16xf32>,
        tpu.vector_store %arg9[%parallel_loop3A_1259, %parallel_loop3A_1260], %add3A_1228 {strides = array<i32>} : memref<128x128xf32, #tpu.memory_space<vmem>>, vector<16xf32>,
        %parallel_loop3A_1262 = arith.index_cast %parallel_loop3A_1240 : i32 to index
        %parallel_loop3A_1263 = arith.constant 112 : index
        %parallel_loop3A_1264 = tpu.vector_load %arg9[%parallel_loop3A_1262, %parallel_loop3A_1263] {strides = array<i32>} : memref<128x128xf32, #tpu.memory_space<vmem>>, vector<16xf32>,
        tpu.vector_store %arg9[%parallel_loop3A_1262, %parallel_loop3A_1263], %add3A_1237 {strides = array<i32>} : memref<128x128xf32, #tpu.memory_space<vmem>>, vector<16xf32>,
      } {sc.loop_unroll_factor = 4 : i64, sc.parallel_access}
    } else {
    }
    %not3A_1071 = arith.constant true
    %not3A_1072 = arith.xori %scan3A_576#0, %not3A_1071 : i1
    %convert_element_type3A_1073 = arith.extui %not3A_1072 : i1 to i32
    %cond3A_1074 = arith.constant 0 : i32
    %cond3A_1075 = arith.cmpi ne, %convert_element_type3A_1073, %cond3A_1074 : i32
    scf.if %cond3A_1075 {
      %dma_wait3A_1142 = arith.constant 0 : i32
      %dma_wait3A_1143 = arith.constant 0 : i32
      %dma_wait3A_1144 = tpu.memref_slice %arg7[%dma_wait3A_1142, %dma_wait3A_1143] : memref<2x128xi32, #tpu.memory_space<vmem>> -> memref<1x128xi32, #tpu.memory_space<vmem>>
      %dma_wait3A_1145 = tpu.memref_squeeze %dma_wait3A_1144 : memref<1x128xi32, #tpu.memory_space<vmem>> -> memref<128xi32, #tpu.memory_space<vmem>>
      %dma_wait3A_1146 = arith.constant 0 : i32
      %dma_wait3A_1147 = arith.constant 0 : i32
      %dma_wait3A_1148 = tpu.memref_slice %arg2[%dma_wait3A_1146, %dma_wait3A_1147] : memref<256000x128xf32, #tpu.memory_space<hbm>> -> memref<256000x128xf32, #tpu.memory_space<hbm>>
      tpu.wait_indirect_dma semaphore(%arg15 : memref<!tpu.dma_semaphore, #tpu.memory_space<semaphore_mem>>) src(%dma_wait3A_1148 : memref<256000x128xf32, #tpu.memory_space<hbm>>) dst(%arg9 : memref<128x128xf32, #tpu.memory_space<vmem>>)
      %dma_wait3A_1149 = arith.constant 1 : i32
      %dma_wait3A_1150 = arith.constant 0 : i32
      %dma_wait3A_1151 = tpu.memref_slice %arg7[%dma_wait3A_1149, %dma_wait3A_1150] : memref<2x128xi32, #tpu.memory_space<vmem>> -> memref<1x128xi32, #tpu.memory_space<vmem>>
      %dma_wait3A_1152 = tpu.memref_squeeze %dma_wait3A_1151 : memref<1x128xi32, #tpu.memory_space<vmem>> -> memref<128xi32, #tpu.memory_space<vmem>>
      %dma_wait3A_1153 = arith.constant 0 : i32
      %dma_wait3A_1154 = arith.constant 0 : i32
      %dma_wait3A_1155 = tpu.memref_slice %arg2[%dma_wait3A_1153, %dma_wait3A_1154] : memref<256000x128xf32, #tpu.memory_space<hbm>> -> memref<256000x128xf32, #tpu.memory_space<hbm>>
      tpu.wait_indirect_dma semaphore(%arg17 : memref<!tpu.dma_semaphore, #tpu.memory_space<semaphore_mem>>) src(%dma_wait3A_1155 : memref<256000x128xf32, #tpu.memory_space<hbm>>) dst(%arg11 : memref<128x128xf32, #tpu.memory_space<vmem>>)
      %parallel_loop3A = arith.constant 0 : i32
      %parallel_loop3A_1156 = arith.constant 125 : i32
      %parallel_loop3A_1157 = arith.constant 1 : i32
      scf.for %parallel_loop3A_1158 = %parallel_loop3A to %parallel_loop3A_1156 step %parallel_loop3A_1157  : i32 {
        %parallel_loop3A_1159 = arith.index_cast %parallel_loop3A_1158 : i32 to index
        %parallel_loop3A_1160 = arith.constant 0 : index
        %parallel_loop3A_1161 = tpu.vector_load %arg9[%parallel_loop3A_1159, %parallel_loop3A_1160] {strides = array<i32>} : memref<128x128xf32, #tpu.memory_space<vmem>>, vector<16xf32>,
        %parallel_loop3A_1162 = arith.index_cast %parallel_loop3A_1158 : i32 to index
        %parallel_loop3A_1163 = arith.constant 0 : index
        %parallel_loop3A_1164 = tpu.vector_load %arg11[%parallel_loop3A_1162, %parallel_loop3A_1163] {strides = array<i32>} : memref<128x128xf32, #tpu.memory_space<vmem>>, vector<16xf32>,
        %parallel_loop3A_1165 = arith.addf %parallel_loop3A_1161, %parallel_loop3A_1164 : vector<16xf32>
        %parallel_loop3A_1166 = arith.index_cast %parallel_loop3A_1158 : i32 to index
        %parallel_loop3A_1167 = arith.constant 0 : index
        %parallel_loop3A_1168 = tpu.vector_load %arg9[%parallel_loop3A_1166, %parallel_loop3A_1167] {strides = array<i32>} : memref<128x128xf32, #tpu.memory_space<vmem>>, vector<16xf32>,
        tpu.vector_store %arg9[%parallel_loop3A_1166, %parallel_loop3A_1167], %parallel_loop3A_1165 {strides = array<i32>} : memref<128x128xf32, #tpu.memory_space<vmem>>, vector<16xf32>,
        %parallel_loop3A_1169 = arith.index_cast %parallel_loop3A_1158 : i32 to index
        %parallel_loop3A_1170 = arith.constant 16 : index
        %parallel_loop3A_1171 = tpu.vector_load %arg9[%parallel_loop3A_1169, %parallel_loop3A_1170] {strides = array<i32>} : memref<128x128xf32, #tpu.memory_space<vmem>>, vector<16xf32>,
        %parallel_loop3A_1172 = arith.index_cast %parallel_loop3A_1158 : i32 to index
        %parallel_loop3A_1173 = arith.constant 16 : index
        %parallel_loop3A_1174 = tpu.vector_load %arg11[%parallel_loop3A_1172, %parallel_loop3A_1173] {strides = array<i32>} : memref<128x128xf32, #tpu.memory_space<vmem>>, vector<16xf32>,
        %parallel_loop3A_1175 = arith.addf %parallel_loop3A_1171, %parallel_loop3A_1174 : vector<16xf32>
        %parallel_loop3A_1176 = arith.index_cast %parallel_loop3A_1158 : i32 to index
        %parallel_loop3A_1177 = arith.constant 16 : index
        %parallel_loop3A_1178 = tpu.vector_load %arg9[%parallel_loop3A_1176, %parallel_loop3A_1177] {strides = array<i32>} : memref<128x128xf32, #tpu.memory_space<vmem>>, vector<16xf32>,
        tpu.vector_store %arg9[%parallel_loop3A_1176, %parallel_loop3A_1177], %parallel_loop3A_1175 {strides = array<i32>} : memref<128x128xf32, #tpu.memory_space<vmem>>, vector<16xf32>,
        %parallel_loop3A_1179 = arith.index_cast %parallel_loop3A_1158 : i32 to index
        %parallel_loop3A_1180 = arith.constant 32 : index
        %parallel_loop3A_1181 = tpu.vector_load %arg9[%parallel_loop3A_1179, %parallel_loop3A_1180] {strides = array<i32>} : memref<128x128xf32, #tpu.memory_space<vmem>>, vector<16xf32>,
        %parallel_loop3A_1182 = arith.index_cast %parallel_loop3A_1158 : i32 to index
        %parallel_loop3A_1183 = arith.constant 32 : index
        %parallel_loop3A_1184 = tpu.vector_load %arg11[%parallel_loop3A_1182, %parallel_loop3A_1183] {strides = array<i32>} : memref<128x128xf32, #tpu.memory_space<vmem>>, vector<16xf32>,
        %parallel_loop3A_1185 = arith.addf %parallel_loop3A_1181, %parallel_loop3A_1184 : vector<16xf32>
        %parallel_loop3A_1186 = arith.index_cast %parallel_loop3A_1158 : i32 to index
        %parallel_loop3A_1187 = arith.constant 32 : index
        %parallel_loop3A_1188 = tpu.vector_load %arg9[%parallel_loop3A_1186, %parallel_loop3A_1187] {strides = array<i32>} : memref<128x128xf32, #tpu.memory_space<vmem>>, vector<16xf32>,
        tpu.vector_store %arg9[%parallel_loop3A_1186, %parallel_loop3A_1187], %parallel_loop3A_1185 {strides = array<i32>} : memref<128x128xf32, #tpu.memory_space<vmem>>, vector<16xf32>,
        %parallel_loop3A_1189 = arith.index_cast %parallel_loop3A_1158 : i32 to index
        %parallel_loop3A_1190 = arith.constant 48 : index
        %parallel_loop3A_1191 = tpu.vector_load %arg9[%parallel_loop3A_1189, %parallel_loop3A_1190] {strides = array<i32>} : memref<128x128xf32, #tpu.memory_space<vmem>>, vector<16xf32>,
        %parallel_loop3A_1192 = arith.index_cast %parallel_loop3A_1158 : i32 to index
        %parallel_loop3A_1193 = arith.constant 48 : index
        %parallel_loop3A_1194 = tpu.vector_load %arg11[%parallel_loop3A_1192, %parallel_loop3A_1193] {strides = array<i32>} : memref<128x128xf32, #tpu.memory_space<vmem>>, vector<16xf32>,
        %parallel_loop3A_1195 = arith.addf %parallel_loop3A_1191, %parallel_loop3A_1194 : vector<16xf32>
        %parallel_loop3A_1196 = arith.index_cast %parallel_loop3A_1158 : i32 to index
        %parallel_loop3A_1197 = arith.constant 48 : index
        %parallel_loop3A_1198 = tpu.vector_load %arg9[%parallel_loop3A_1196, %parallel_loop3A_1197] {strides = array<i32>} : memref<128x128xf32, #tpu.memory_space<vmem>>, vector<16xf32>,
        tpu.vector_store %arg9[%parallel_loop3A_1196, %parallel_loop3A_1197], %parallel_loop3A_1195 {strides = array<i32>} : memref<128x128xf32, #tpu.memory_space<vmem>>, vector<16xf32>,
        %parallel_loop3A_1199 = arith.index_cast %parallel_loop3A_1158 : i32 to index
        %parallel_loop3A_1200 = arith.constant 64 : index
        %parallel_loop3A_1201 = tpu.vector_load %arg9[%parallel_loop3A_1199, %parallel_loop3A_1200] {strides = array<i32>} : memref<128x128xf32, #tpu.memory_space<vmem>>, vector<16xf32>,
        %parallel_loop3A_1202 = arith.index_cast %parallel_loop3A_1158 : i32 to index
        %parallel_loop3A_1203 = arith.constant 64 : index
        %parallel_loop3A_1204 = tpu.vector_load %arg11[%parallel_loop3A_1202, %parallel_loop3A_1203] {strides = array<i32>} : memref<128x128xf32, #tpu.memory_space<vmem>>, vector<16xf32>,
        %parallel_loop3A_1205 = arith.addf %parallel_loop3A_1201, %parallel_loop3A_1204 : vector<16xf32>
        %parallel_loop3A_1206 = arith.index_cast %parallel_loop3A_1158 : i32 to index
        %parallel_loop3A_1207 = arith.constant 64 : index
        %parallel_loop3A_1208 = tpu.vector_load %arg9[%parallel_loop3A_1206, %parallel_loop3A_1207] {strides = array<i32>} : memref<128x128xf32, #tpu.memory_space<vmem>>, vector<16xf32>,
        tpu.vector_store %arg9[%parallel_loop3A_1206, %parallel_loop3A_1207], %parallel_loop3A_1205 {strides = array<i32>} : memref<128x128xf32, #tpu.memory_space<vmem>>, vector<16xf32>,
        %parallel_loop3A_1209 = arith.index_cast %parallel_loop3A_1158 : i32 to index
        %parallel_loop3A_1210 = arith.constant 80 : index
        %parallel_loop3A_1211 = tpu.vector_load %arg9[%parallel_loop3A_1209, %parallel_loop3A_1210] {strides = array<i32>} : memref<128x128xf32, #tpu.memory_space<vmem>>, vector<16xf32>,
        %parallel_loop3A_1212 = arith.index_cast %parallel_loop3A_1158 : i32 to index
        %parallel_loop3A_1213 = arith.constant 80 : index
        %parallel_loop3A_1214 = tpu.vector_load %arg11[%parallel_loop3A_1212, %parallel_loop3A_1213] {strides = array<i32>} : memref<128x128xf32, #tpu.memory_space<vmem>>, vector<16xf32>,
        %parallel_loop3A_1215 = arith.addf %parallel_loop3A_1211, %parallel_loop3A_1214 : vector<16xf32>
        %parallel_loop3A_1216 = arith.index_cast %parallel_loop3A_1158 : i32 to index
        %parallel_loop3A_1217 = arith.constant 80 : index
        %parallel_loop3A_1218 = tpu.vector_load %arg9[%parallel_loop3A_1216, %parallel_loop3A_1217] {strides = array<i32>} : memref<128x128xf32, #tpu.memory_space<vmem>>, vector<16xf32>,
        tpu.vector_store %arg9[%parallel_loop3A_1216, %parallel_loop3A_1217], %parallel_loop3A_1215 {strides = array<i32>} : memref<128x128xf32, #tpu.memory_space<vmem>>, vector<16xf32>,
        %parallel_loop3A_1219 = arith.index_cast %parallel_loop3A_1158 : i32 to index
        %parallel_loop3A_1220 = arith.constant 96 : index
        %parallel_loop3A_1221 = tpu.vector_load %arg9[%parallel_loop3A_1219, %parallel_loop3A_1220] {strides = array<i32>} : memref<128x128xf32, #tpu.memory_space<vmem>>, vector<16xf32>,
        %parallel_loop3A_1222 = arith.index_cast %parallel_loop3A_1158 : i32 to index
        %parallel_loop3A_1223 = arith.constant 96 : index
        %parallel_loop3A_1224 = tpu.vector_load %arg11[%parallel_loop3A_1222, %parallel_loop3A_1223] {strides = array<i32>} : memref<128x128xf32, #tpu.memory_space<vmem>>, vector<16xf32>,
        %parallel_loop3A_1225 = arith.addf %parallel_loop3A_1221, %parallel_loop3A_1224 : vector<16xf32>
        %parallel_loop3A_1226 = arith.index_cast %parallel_loop3A_1158 : i32 to index
        %parallel_loop3A_1227 = arith.constant 96 : index
        %parallel_loop3A_1228 = tpu.vector_load %arg9[%parallel_loop3A_1226, %parallel_loop3A_1227] {strides = array<i32>} : memref<128x128xf32, #tpu.memory_space<vmem>>, vector<16xf32>,
        tpu.vector_store %arg9[%parallel_loop3A_1226, %parallel_loop3A_1227], %parallel_loop3A_1225 {strides = array<i32>} : memref<128x128xf32, #tpu.memory_space<vmem>>, vector<16xf32>,
        %parallel_loop3A_1229 = arith.index_cast %parallel_loop3A_1158 : i32 to index
        %parallel_loop3A_1230 = arith.constant 112 : index
        %parallel_loop3A_1231 = tpu.vector_load %arg9[%parallel_loop3A_1229, %parallel_loop3A_1230] {strides = array<i32>} : memref<128x128xf32, #tpu.memory_space<vmem>>, vector<16xf32>,
        %parallel_loop3A_1232 = arith.index_cast %parallel_loop3A_1158 : i32 to index
        %parallel_loop3A_1233 = arith.constant 112 : index
        %parallel_loop3A_1234 = tpu.vector_load %arg11[%parallel_loop3A_1232, %parallel_loop3A_1233] {strides = array<i32>} : memref<128x128xf32, #tpu.memory_space<vmem>>, vector<16xf32>,
        %parallel_loop3A_1235 = arith.addf %parallel_loop3A_1231, %parallel_loop3A_1234 : vector<16xf32>
        %parallel_loop3A_1236 = arith.index_cast %parallel_loop3A_1158 : i32 to index
        %parallel_loop3A_1237 = arith.constant 112 : index
        %parallel_loop3A_1238 = tpu.vector_load %arg9[%parallel_loop3A_1236, %parallel_loop3A_1237] {strides = array<i32>} : memref<128x128xf32, #tpu.memory_space<vmem>>, vector<16xf32>,
        tpu.vector_store %arg9[%parallel_loop3A_1236, %parallel_loop3A_1237], %parallel_loop3A_1235 {strides = array<i32>} : memref<128x128xf32, #tpu.memory_space<vmem>>, vector<16xf32>,
      } {sc.loop_unroll_factor = 4 : i64, sc.parallel_access}
    } else {
    }
    %add3A_1076 = arith.constant 31 : i32
    %add3A_1077 = arith.addi %mul3A_32, %add3A_1076 : i32
    %mul3A_1078 = arith.constant 1000 : i32
    %mul3A_1079 = arith.muli %add3A_1077, %mul3A_1078 : i32
    %add3A_1080 = arith.addi %mul3A_1079, %mul3A_34 : i32
    %add3A_1081 = arith.constant 0 : i32
    %add3A_1082 = arith.addi %add3A_1080, %add3A_1081 : i32
    %dma_start3A_1083 = arith.constant 0 : i32
    %dma_start3A_1084 = arith.constant 0 : i32
    %dma_start3A_1085 = tpu.memref_slice %arg9[%dma_start3A_1083, %dma_start3A_1084] : memref<128x128xf32, #tpu.memory_space<vmem>> -> memref<125x128xf32, #tpu.memory_space<vmem>>
    %dma_start3A_1086 = arith.constant 0 : i32
    %dma_start3A_1087 = tpu.memref_slice %arg4[%add3A_1082, %dma_start3A_1086] : memref<256000x128xf32, #tpu.memory_space<hbm>> -> memref<125x128xf32, #tpu.memory_space<hbm>>
    %dma_start3A_1088 = arith.constant 0 : i32
    %dma_start3A_1089 = tpu.memref_slice %arg4[%add3A_1082, %dma_start3A_1088] : memref<256000x128xf32, #tpu.memory_space<hbm>> -> memref<125x128xf32, #tpu.memory_space<hbm>>
    %dma_start3A_1090 = arith.constant 0 : i32
    %dma_start3A_1091 = arith.constant 0 : i32
    %dma_start3A_1092 = tpu.memref_slice %arg9[%dma_start3A_1090, %dma_start3A_1091] : memref<128x128xf32, #tpu.memory_space<vmem>> -> memref<125x128xf32, #tpu.memory_space<vmem>>
    tpu.enqueue_dma source(%dma_start3A_1092 : memref<125x128xf32, #tpu.memory_space<vmem>>) target(%dma_start3A_1089 : memref<125x128xf32, #tpu.memory_space<hbm>>) target_semaphore(%arg19 : memref<!tpu.dma_semaphore, #tpu.memory_space<semaphore_mem>>)
    %convert_element_type3A_1093 = arith.extui %reduce_and3A_1047 : i1 to i32
    %cond3A_1094 = arith.constant 0 : i32
    %cond3A_1095 = arith.cmpi ne, %convert_element_type3A_1093, %cond3A_1094 : i32
    scf.if %cond3A_1095 {
      %dma_wait3A_1142 = arith.constant 0 : i32
      %dma_wait3A_1143 = arith.constant 0 : i32
      %dma_wait3A_1144 = tpu.memref_slice %arg10[%dma_wait3A_1142, %dma_wait3A_1143] : memref<128x128xf32, #tpu.memory_space<vmem>> -> memref<1x128xf32, #tpu.memory_space<vmem>>
      %dma_wait3A_1145 = arith.constant 0 : i32
      %dma_wait3A_1146 = arith.constant 0 : i32
      %dma_wait3A_1147 = tpu.memref_slice %arg2[%dma_wait3A_1145, %dma_wait3A_1146] : memref<256000x128xf32, #tpu.memory_space<hbm>> -> memref<1x128xf32, #tpu.memory_space<hbm>>
      %dma_wait3A_1148 = arith.constant 0 : i32
      %dma_wait3A_1149 = arith.constant 0 : i32
      %dma_wait3A_1150 = tpu.memref_slice %arg10[%dma_wait3A_1148, %dma_wait3A_1149] : memref<128x128xf32, #tpu.memory_space<vmem>> -> memref<1x128xf32, #tpu.memory_space<vmem>>
      %dma_wait3A_1151 = arith.constant 0 : i32
      %dma_wait3A_1152 = arith.constant 0 : i32
      %dma_wait3A_1153 = tpu.memref_slice %arg2[%dma_wait3A_1151, %dma_wait3A_1152] : memref<256000x128xf32, #tpu.memory_space<hbm>> -> memref<1x128xf32, #tpu.memory_space<hbm>>
      tpu.wait_dma2 semaphore(%arg16 : memref<!tpu.dma_semaphore, #tpu.memory_space<semaphore_mem>>) src(%dma_wait3A_1153 : memref<1x128xf32, #tpu.memory_space<hbm>>) dst(%dma_wait3A_1150 : memref<1x128xf32, #tpu.memory_space<vmem>>)
      %dma_wait3A_1154 = arith.constant 0 : i32
      %dma_wait3A_1155 = arith.constant 0 : i32
      %dma_wait3A_1156 = tpu.memref_slice %arg12[%dma_wait3A_1154, %dma_wait3A_1155] : memref<128x128xf32, #tpu.memory_space<vmem>> -> memref<1x128xf32, #tpu.memory_space<vmem>>
      %dma_wait3A_1157 = arith.constant 0 : i32
      %dma_wait3A_1158 = arith.constant 0 : i32
      %dma_wait3A_1159 = tpu.memref_slice %arg2[%dma_wait3A_1157, %dma_wait3A_1158] : memref<256000x128xf32, #tpu.memory_space<hbm>> -> memref<1x128xf32, #tpu.memory_space<hbm>>
      %dma_wait3A_1160 = arith.constant 0 : i32
      %dma_wait3A_1161 = arith.constant 0 : i32
      %dma_wait3A_1162 = tpu.memref_slice %arg12[%dma_wait3A_1160, %dma_wait3A_1161] : memref<128x128xf32, #tpu.memory_space<vmem>> -> memref<1x128xf32, #tpu.memory_space<vmem>>
      %dma_wait3A_1163 = arith.constant 0 : i32
      %dma_wait3A_1164 = arith.constant 0 : i32
      %dma_wait3A_1165 = tpu.memref_slice %arg2[%dma_wait3A_1163, %dma_wait3A_1164] : memref<256000x128xf32, #tpu.memory_space<hbm>> -> memref<1x128xf32, #tpu.memory_space<hbm>>
      tpu.wait_dma2 semaphore(%arg18 : memref<!tpu.dma_semaphore, #tpu.memory_space<semaphore_mem>>) src(%dma_wait3A_1165 : memref<1x128xf32, #tpu.memory_space<hbm>>) dst(%dma_wait3A_1162 : memref<1x128xf32, #tpu.memory_space<vmem>>)
      %get3A_1166 = arith.constant 0 : i32
      %get3A_1167 = arith.index_cast %get3A_1166 : i32 to index
      %get3A_1168 = arith.constant 0 : index
      %get3A_1169 = tpu.vector_load %arg10[%get3A_1167, %get3A_1168] {strides = array<i32>} : memref<128x128xf32, #tpu.memory_space<vmem>>, vector<16xf32>,
      %get3A_1170 = arith.constant 0 : i32
      %get3A_1171 = arith.index_cast %get3A_1170 : i32 to index
      %get3A_1172 = arith.constant 0 : index
      %get3A_1173 = tpu.vector_load %arg12[%get3A_1171, %get3A_1172] {strides = array<i32>} : memref<128x128xf32, #tpu.memory_space<vmem>>, vector<16xf32>,
      %add3A_1174 = arith.addf %get3A_1169, %get3A_1173 : vector<16xf32>
      %get3A_1175 = arith.constant 0 : i32
      %get3A_1176 = arith.index_cast %get3A_1175 : i32 to index
      %get3A_1177 = arith.constant 16 : index
      %get3A_1178 = tpu.vector_load %arg10[%get3A_1176, %get3A_1177] {strides = array<i32>} : memref<128x128xf32, #tpu.memory_space<vmem>>, vector<16xf32>,
      %get3A_1179 = arith.constant 0 : i32
      %get3A_1180 = arith.index_cast %get3A_1179 : i32 to index
      %get3A_1181 = arith.constant 16 : index
      %get3A_1182 = tpu.vector_load %arg12[%get3A_1180, %get3A_1181] {strides = array<i32>} : memref<128x128xf32, #tpu.memory_space<vmem>>, vector<16xf32>,
      %add3A_1183 = arith.addf %get3A_1178, %get3A_1182 : vector<16xf32>
      %get3A_1184 = arith.constant 0 : i32
      %get3A_1185 = arith.index_cast %get3A_1184 : i32 to index
      %get3A_1186 = arith.constant 32 : index
      %get3A_1187 = tpu.vector_load %arg10[%get3A_1185, %get3A_1186] {strides = array<i32>} : memref<128x128xf32, #tpu.memory_space<vmem>>, vector<16xf32>,
      %get3A_1188 = arith.constant 0 : i32
      %get3A_1189 = arith.index_cast %get3A_1188 : i32 to index
      %get3A_1190 = arith.constant 32 : index
      %get3A_1191 = tpu.vector_load %arg12[%get3A_1189, %get3A_1190] {strides = array<i32>} : memref<128x128xf32, #tpu.memory_space<vmem>>, vector<16xf32>,
      %add3A_1192 = arith.addf %get3A_1187, %get3A_1191 : vector<16xf32>
      %get3A_1193 = arith.constant 0 : i32
      %get3A_1194 = arith.index_cast %get3A_1193 : i32 to index
      %get3A_1195 = arith.constant 48 : index
      %get3A_1196 = tpu.vector_load %arg10[%get3A_1194, %get3A_1195] {strides = array<i32>} : memref<128x128xf32, #tpu.memory_space<vmem>>, vector<16xf32>,
      %get3A_1197 = arith.constant 0 : i32
      %get3A_1198 = arith.index_cast %get3A_1197 : i32 to index
      %get3A_1199 = arith.constant 48 : index
      %get3A_1200 = tpu.vector_load %arg12[%get3A_1198, %get3A_1199] {strides = array<i32>} : memref<128x128xf32, #tpu.memory_space<vmem>>, vector<16xf32>,
      %add3A_1201 = arith.addf %get3A_1196, %get3A_1200 : vector<16xf32>
      %get3A_1202 = arith.constant 0 : i32
      %get3A_1203 = arith.index_cast %get3A_1202 : i32 to index
      %get3A_1204 = arith.constant 64 : index
      %get3A_1205 = tpu.vector_load %arg10[%get3A_1203, %get3A_1204] {strides = array<i32>} : memref<128x128xf32, #tpu.memory_space<vmem>>, vector<16xf32>,
      %get3A_1206 = arith.constant 0 : i32
      %get3A_1207 = arith.index_cast %get3A_1206 : i32 to index
      %get3A_1208 = arith.constant 64 : index
      %get3A_1209 = tpu.vector_load %arg12[%get3A_1207, %get3A_1208] {strides = array<i32>} : memref<128x128xf32, #tpu.memory_space<vmem>>, vector<16xf32>,
      %add3A_1210 = arith.addf %get3A_1205, %get3A_1209 : vector<16xf32>
      %get3A_1211 = arith.constant 0 : i32
      %get3A_1212 = arith.index_cast %get3A_1211 : i32 to index
      %get3A_1213 = arith.constant 80 : index
      %get3A_1214 = tpu.vector_load %arg10[%get3A_1212, %get3A_1213] {strides = array<i32>} : memref<128x128xf32, #tpu.memory_space<vmem>>, vector<16xf32>,
      %get3A_1215 = arith.constant 0 : i32
      %get3A_1216 = arith.index_cast %get3A_1215 : i32 to index
      %get3A_1217 = arith.constant 80 : index
      %get3A_1218 = tpu.vector_load %arg12[%get3A_1216, %get3A_1217] {strides = array<i32>} : memref<128x128xf32, #tpu.memory_space<vmem>>, vector<16xf32>,
      %add3A_1219 = arith.addf %get3A_1214, %get3A_1218 : vector<16xf32>
      %get3A_1220 = arith.constant 0 : i32
      %get3A_1221 = arith.index_cast %get3A_1220 : i32 to index
      %get3A_1222 = arith.constant 96 : index
      %get3A_1223 = tpu.vector_load %arg10[%get3A_1221, %get3A_1222] {strides = array<i32>} : memref<128x128xf32, #tpu.memory_space<vmem>>, vector<16xf32>,
      %get3A_1224 = arith.constant 0 : i32
      %get3A_1225 = arith.index_cast %get3A_1224 : i32 to index
      %get3A_1226 = arith.constant 96 : index
      %get3A_1227 = tpu.vector_load %arg12[%get3A_1225, %get3A_1226] {strides = array<i32>} : memref<128x128xf32, #tpu.memory_space<vmem>>, vector<16xf32>,
      %add3A_1228 = arith.addf %get3A_1223, %get3A_1227 : vector<16xf32>
      %get3A_1229 = arith.constant 0 : i32
      %get3A_1230 = arith.index_cast %get3A_1229 : i32 to index
      %get3A_1231 = arith.constant 112 : index
      %get3A_1232 = tpu.vector_load %arg10[%get3A_1230, %get3A_1231] {strides = array<i32>} : memref<128x128xf32, #tpu.memory_space<vmem>>, vector<16xf32>,
      %get3A_1233 = arith.constant 0 : i32
      %get3A_1234 = arith.index_cast %get3A_1233 : i32 to index
      %get3A_1235 = arith.constant 112 : index
      %get3A_1236 = tpu.vector_load %arg12[%get3A_1234, %get3A_1235] {strides = array<i32>} : memref<128x128xf32, #tpu.memory_space<vmem>>, vector<16xf32>,
      %add3A_1237 = arith.addf %get3A_1232, %get3A_1236 : vector<16xf32>
      %parallel_loop3A = arith.constant 0 : i32
      %parallel_loop3A_1238 = arith.constant 125 : i32
      %parallel_loop3A_1239 = arith.constant 1 : i32
      scf.for %parallel_loop3A_1240 = %parallel_loop3A to %parallel_loop3A_1238 step %parallel_loop3A_1239  : i32 {
        %parallel_loop3A_1241 = arith.index_cast %parallel_loop3A_1240 : i32 to index
        %parallel_loop3A_1242 = arith.constant 0 : index
        %parallel_loop3A_1243 = tpu.vector_load %arg10[%parallel_loop3A_1241, %parallel_loop3A_1242] {strides = array<i32>} : memref<128x128xf32, #tpu.memory_space<vmem>>, vector<16xf32>,
        tpu.vector_store %arg10[%parallel_loop3A_1241, %parallel_loop3A_1242], %add3A_1174 {strides = array<i32>} : memref<128x128xf32, #tpu.memory_space<vmem>>, vector<16xf32>,
        %parallel_loop3A_1244 = arith.index_cast %parallel_loop3A_1240 : i32 to index
        %parallel_loop3A_1245 = arith.constant 16 : index
        %parallel_loop3A_1246 = tpu.vector_load %arg10[%parallel_loop3A_1244, %parallel_loop3A_1245] {strides = array<i32>} : memref<128x128xf32, #tpu.memory_space<vmem>>, vector<16xf32>,
        tpu.vector_store %arg10[%parallel_loop3A_1244, %parallel_loop3A_1245], %add3A_1183 {strides = array<i32>} : memref<128x128xf32, #tpu.memory_space<vmem>>, vector<16xf32>,
        %parallel_loop3A_1247 = arith.index_cast %parallel_loop3A_1240 : i32 to index
        %parallel_loop3A_1248 = arith.constant 32 : index
        %parallel_loop3A_1249 = tpu.vector_load %arg10[%parallel_loop3A_1247, %parallel_loop3A_1248] {strides = array<i32>} : memref<128x128xf32, #tpu.memory_space<vmem>>, vector<16xf32>,
        tpu.vector_store %arg10[%parallel_loop3A_1247, %parallel_loop3A_1248], %add3A_1192 {strides = array<i32>} : memref<128x128xf32, #tpu.memory_space<vmem>>, vector<16xf32>,
        %parallel_loop3A_1250 = arith.index_cast %parallel_loop3A_1240 : i32 to index
        %parallel_loop3A_1251 = arith.constant 48 : index
        %parallel_loop3A_1252 = tpu.vector_load %arg10[%parallel_loop3A_1250, %parallel_loop3A_1251] {strides = array<i32>} : memref<128x128xf32, #tpu.memory_space<vmem>>, vector<16xf32>,
        tpu.vector_store %arg10[%parallel_loop3A_1250, %parallel_loop3A_1251], %add3A_1201 {strides = array<i32>} : memref<128x128xf32, #tpu.memory_space<vmem>>, vector<16xf32>,
        %parallel_loop3A_1253 = arith.index_cast %parallel_loop3A_1240 : i32 to index
        %parallel_loop3A_1254 = arith.constant 64 : index
        %parallel_loop3A_1255 = tpu.vector_load %arg10[%parallel_loop3A_1253, %parallel_loop3A_1254] {strides = array<i32>} : memref<128x128xf32, #tpu.memory_space<vmem>>, vector<16xf32>,
        tpu.vector_store %arg10[%parallel_loop3A_1253, %parallel_loop3A_1254], %add3A_1210 {strides = array<i32>} : memref<128x128xf32, #tpu.memory_space<vmem>>, vector<16xf32>,
        %parallel_loop3A_1256 = arith.index_cast %parallel_loop3A_1240 : i32 to index
        %parallel_loop3A_1257 = arith.constant 80 : index
        %parallel_loop3A_1258 = tpu.vector_load %arg10[%parallel_loop3A_1256, %parallel_loop3A_1257] {strides = array<i32>} : memref<128x128xf32, #tpu.memory_space<vmem>>, vector<16xf32>,
        tpu.vector_store %arg10[%parallel_loop3A_1256, %parallel_loop3A_1257], %add3A_1219 {strides = array<i32>} : memref<128x128xf32, #tpu.memory_space<vmem>>, vector<16xf32>,
        %parallel_loop3A_1259 = arith.index_cast %parallel_loop3A_1240 : i32 to index
        %parallel_loop3A_1260 = arith.constant 96 : index
        %parallel_loop3A_1261 = tpu.vector_load %arg10[%parallel_loop3A_1259, %parallel_loop3A_1260] {strides = array<i32>} : memref<128x128xf32, #tpu.memory_space<vmem>>, vector<16xf32>,
        tpu.vector_store %arg10[%parallel_loop3A_1259, %parallel_loop3A_1260], %add3A_1228 {strides = array<i32>} : memref<128x128xf32, #tpu.memory_space<vmem>>, vector<16xf32>,
        %parallel_loop3A_1262 = arith.index_cast %parallel_loop3A_1240 : i32 to index
        %parallel_loop3A_1263 = arith.constant 112 : index
        %parallel_loop3A_1264 = tpu.vector_load %arg10[%parallel_loop3A_1262, %parallel_loop3A_1263] {strides = array<i32>} : memref<128x128xf32, #tpu.memory_space<vmem>>, vector<16xf32>,
        tpu.vector_store %arg10[%parallel_loop3A_1262, %parallel_loop3A_1263], %add3A_1237 {strides = array<i32>} : memref<128x128xf32, #tpu.memory_space<vmem>>, vector<16xf32>,
      } {sc.loop_unroll_factor = 4 : i64, sc.parallel_access}
    } else {
    }
    %not3A_1096 = arith.constant true
    %not3A_1097 = arith.xori %reduce_and3A_1047, %not3A_1096 : i1
    %convert_element_type3A_1098 = arith.extui %not3A_1097 : i1 to i32
    %cond3A_1099 = arith.constant 0 : i32
    %cond3A_1100 = arith.cmpi ne, %convert_element_type3A_1098, %cond3A_1099 : i32
    scf.if %cond3A_1100 {
      %dma_wait3A_1142 = arith.constant 0 : i32
      %dma_wait3A_1143 = arith.constant 0 : i32
      %dma_wait3A_1144 = tpu.memref_slice %arg8[%dma_wait3A_1142, %dma_wait3A_1143] : memref<2x128xi32, #tpu.memory_space<vmem>> -> memref<1x128xi32, #tpu.memory_space<vmem>>
      %dma_wait3A_1145 = tpu.memref_squeeze %dma_wait3A_1144 : memref<1x128xi32, #tpu.memory_space<vmem>> -> memref<128xi32, #tpu.memory_space<vmem>>
      %dma_wait3A_1146 = arith.constant 0 : i32
      %dma_wait3A_1147 = arith.constant 0 : i32
      %dma_wait3A_1148 = tpu.memref_slice %arg2[%dma_wait3A_1146, %dma_wait3A_1147] : memref<256000x128xf32, #tpu.memory_space<hbm>> -> memref<256000x128xf32, #tpu.memory_space<hbm>>
      tpu.wait_indirect_dma semaphore(%arg16 : memref<!tpu.dma_semaphore, #tpu.memory_space<semaphore_mem>>) src(%dma_wait3A_1148 : memref<256000x128xf32, #tpu.memory_space<hbm>>) dst(%arg10 : memref<128x128xf32, #tpu.memory_space<vmem>>)
      %dma_wait3A_1149 = arith.constant 1 : i32
      %dma_wait3A_1150 = arith.constant 0 : i32
      %dma_wait3A_1151 = tpu.memref_slice %arg8[%dma_wait3A_1149, %dma_wait3A_1150] : memref<2x128xi32, #tpu.memory_space<vmem>> -> memref<1x128xi32, #tpu.memory_space<vmem>>
      %dma_wait3A_1152 = tpu.memref_squeeze %dma_wait3A_1151 : memref<1x128xi32, #tpu.memory_space<vmem>> -> memref<128xi32, #tpu.memory_space<vmem>>
      %dma_wait3A_1153 = arith.constant 0 : i32
      %dma_wait3A_1154 = arith.constant 0 : i32
      %dma_wait3A_1155 = tpu.memref_slice %arg2[%dma_wait3A_1153, %dma_wait3A_1154] : memref<256000x128xf32, #tpu.memory_space<hbm>> -> memref<256000x128xf32, #tpu.memory_space<hbm>>
      tpu.wait_indirect_dma semaphore(%arg18 : memref<!tpu.dma_semaphore, #tpu.memory_space<semaphore_mem>>) src(%dma_wait3A_1155 : memref<256000x128xf32, #tpu.memory_space<hbm>>) dst(%arg12 : memref<128x128xf32, #tpu.memory_space<vmem>>)
      %parallel_loop3A = arith.constant 0 : i32
      %parallel_loop3A_1156 = arith.constant 125 : i32
      %parallel_loop3A_1157 = arith.constant 1 : i32
      scf.for %parallel_loop3A_1158 = %parallel_loop3A to %parallel_loop3A_1156 step %parallel_loop3A_1157  : i32 {
        %parallel_loop3A_1159 = arith.index_cast %parallel_loop3A_1158 : i32 to index
        %parallel_loop3A_1160 = arith.constant 0 : index
        %parallel_loop3A_1161 = tpu.vector_load %arg10[%parallel_loop3A_1159, %parallel_loop3A_1160] {strides = array<i32>} : memref<128x128xf32, #tpu.memory_space<vmem>>, vector<16xf32>,
        %parallel_loop3A_1162 = arith.index_cast %parallel_loop3A_1158 : i32 to index
        %parallel_loop3A_1163 = arith.constant 0 : index
        %parallel_loop3A_1164 = tpu.vector_load %arg12[%parallel_loop3A_1162, %parallel_loop3A_1163] {strides = array<i32>} : memref<128x128xf32, #tpu.memory_space<vmem>>, vector<16xf32>,
        %parallel_loop3A_1165 = arith.addf %parallel_loop3A_1161, %parallel_loop3A_1164 : vector<16xf32>
        %parallel_loop3A_1166 = arith.index_cast %parallel_loop3A_1158 : i32 to index
        %parallel_loop3A_1167 = arith.constant 0 : index
        %parallel_loop3A_1168 = tpu.vector_load %arg10[%parallel_loop3A_1166, %parallel_loop3A_1167] {strides = array<i32>} : memref<128x128xf32, #tpu.memory_space<vmem>>, vector<16xf32>,
        tpu.vector_store %arg10[%parallel_loop3A_1166, %parallel_loop3A_1167], %parallel_loop3A_1165 {strides = array<i32>} : memref<128x128xf32, #tpu.memory_space<vmem>>, vector<16xf32>,
        %parallel_loop3A_1169 = arith.index_cast %parallel_loop3A_1158 : i32 to index
        %parallel_loop3A_1170 = arith.constant 16 : index
        %parallel_loop3A_1171 = tpu.vector_load %arg10[%parallel_loop3A_1169, %parallel_loop3A_1170] {strides = array<i32>} : memref<128x128xf32, #tpu.memory_space<vmem>>, vector<16xf32>,
        %parallel_loop3A_1172 = arith.index_cast %parallel_loop3A_1158 : i32 to index
        %parallel_loop3A_1173 = arith.constant 16 : index
        %parallel_loop3A_1174 = tpu.vector_load %arg12[%parallel_loop3A_1172, %parallel_loop3A_1173] {strides = array<i32>} : memref<128x128xf32, #tpu.memory_space<vmem>>, vector<16xf32>,
        %parallel_loop3A_1175 = arith.addf %parallel_loop3A_1171, %parallel_loop3A_1174 : vector<16xf32>
        %parallel_loop3A_1176 = arith.index_cast %parallel_loop3A_1158 : i32 to index
        %parallel_loop3A_1177 = arith.constant 16 : index
        %parallel_loop3A_1178 = tpu.vector_load %arg10[%parallel_loop3A_1176, %parallel_loop3A_1177] {strides = array<i32>} : memref<128x128xf32, #tpu.memory_space<vmem>>, vector<16xf32>,
        tpu.vector_store %arg10[%parallel_loop3A_1176, %parallel_loop3A_1177], %parallel_loop3A_1175 {strides = array<i32>} : memref<128x128xf32, #tpu.memory_space<vmem>>, vector<16xf32>,
        %parallel_loop3A_1179 = arith.index_cast %parallel_loop3A_1158 : i32 to index
        %parallel_loop3A_1180 = arith.constant 32 : index
        %parallel_loop3A_1181 = tpu.vector_load %arg10[%parallel_loop3A_1179, %parallel_loop3A_1180] {strides = array<i32>} : memref<128x128xf32, #tpu.memory_space<vmem>>, vector<16xf32>,
        %parallel_loop3A_1182 = arith.index_cast %parallel_loop3A_1158 : i32 to index
        %parallel_loop3A_1183 = arith.constant 32 : index
        %parallel_loop3A_1184 = tpu.vector_load %arg12[%parallel_loop3A_1182, %parallel_loop3A_1183] {strides = array<i32>} : memref<128x128xf32, #tpu.memory_space<vmem>>, vector<16xf32>,
        %parallel_loop3A_1185 = arith.addf %parallel_loop3A_1181, %parallel_loop3A_1184 : vector<16xf32>
        %parallel_loop3A_1186 = arith.index_cast %parallel_loop3A_1158 : i32 to index
        %parallel_loop3A_1187 = arith.constant 32 : index
        %parallel_loop3A_1188 = tpu.vector_load %arg10[%parallel_loop3A_1186, %parallel_loop3A_1187] {strides = array<i32>} : memref<128x128xf32, #tpu.memory_space<vmem>>, vector<16xf32>,
        tpu.vector_store %arg10[%parallel_loop3A_1186, %parallel_loop3A_1187], %parallel_loop3A_1185 {strides = array<i32>} : memref<128x128xf32, #tpu.memory_space<vmem>>, vector<16xf32>,
        %parallel_loop3A_1189 = arith.index_cast %parallel_loop3A_1158 : i32 to index
        %parallel_loop3A_1190 = arith.constant 48 : index
        %parallel_loop3A_1191 = tpu.vector_load %arg10[%parallel_loop3A_1189, %parallel_loop3A_1190] {strides = array<i32>} : memref<128x128xf32, #tpu.memory_space<vmem>>, vector<16xf32>,
        %parallel_loop3A_1192 = arith.index_cast %parallel_loop3A_1158 : i32 to index
        %parallel_loop3A_1193 = arith.constant 48 : index
        %parallel_loop3A_1194 = tpu.vector_load %arg12[%parallel_loop3A_1192, %parallel_loop3A_1193] {strides = array<i32>} : memref<128x128xf32, #tpu.memory_space<vmem>>, vector<16xf32>,
        %parallel_loop3A_1195 = arith.addf %parallel_loop3A_1191, %parallel_loop3A_1194 : vector<16xf32>
        %parallel_loop3A_1196 = arith.index_cast %parallel_loop3A_1158 : i32 to index
        %parallel_loop3A_1197 = arith.constant 48 : index
        %parallel_loop3A_1198 = tpu.vector_load %arg10[%parallel_loop3A_1196, %parallel_loop3A_1197] {strides = array<i32>} : memref<128x128xf32, #tpu.memory_space<vmem>>, vector<16xf32>,
        tpu.vector_store %arg10[%parallel_loop3A_1196, %parallel_loop3A_1197], %parallel_loop3A_1195 {strides = array<i32>} : memref<128x128xf32, #tpu.memory_space<vmem>>, vector<16xf32>,
        %parallel_loop3A_1199 = arith.index_cast %parallel_loop3A_1158 : i32 to index
        %parallel_loop3A_1200 = arith.constant 64 : index
        %parallel_loop3A_1201 = tpu.vector_load %arg10[%parallel_loop3A_1199, %parallel_loop3A_1200] {strides = array<i32>} : memref<128x128xf32, #tpu.memory_space<vmem>>, vector<16xf32>,
        %parallel_loop3A_1202 = arith.index_cast %parallel_loop3A_1158 : i32 to index
        %parallel_loop3A_1203 = arith.constant 64 : index
        %parallel_loop3A_1204 = tpu.vector_load %arg12[%parallel_loop3A_1202, %parallel_loop3A_1203] {strides = array<i32>} : memref<128x128xf32, #tpu.memory_space<vmem>>, vector<16xf32>,
        %parallel_loop3A_1205 = arith.addf %parallel_loop3A_1201, %parallel_loop3A_1204 : vector<16xf32>
        %parallel_loop3A_1206 = arith.index_cast %parallel_loop3A_1158 : i32 to index
        %parallel_loop3A_1207 = arith.constant 64 : index
        %parallel_loop3A_1208 = tpu.vector_load %arg10[%parallel_loop3A_1206, %parallel_loop3A_1207] {strides = array<i32>} : memref<128x128xf32, #tpu.memory_space<vmem>>, vector<16xf32>,
        tpu.vector_store %arg10[%parallel_loop3A_1206, %parallel_loop3A_1207], %parallel_loop3A_1205 {strides = array<i32>} : memref<128x128xf32, #tpu.memory_space<vmem>>, vector<16xf32>,
        %parallel_loop3A_1209 = arith.index_cast %parallel_loop3A_1158 : i32 to index
        %parallel_loop3A_1210 = arith.constant 80 : index
        %parallel_loop3A_1211 = tpu.vector_load %arg10[%parallel_loop3A_1209, %parallel_loop3A_1210] {strides = array<i32>} : memref<128x128xf32, #tpu.memory_space<vmem>>, vector<16xf32>,
        %parallel_loop3A_1212 = arith.index_cast %parallel_loop3A_1158 : i32 to index
        %parallel_loop3A_1213 = arith.constant 80 : index
        %parallel_loop3A_1214 = tpu.vector_load %arg12[%parallel_loop3A_1212, %parallel_loop3A_1213] {strides = array<i32>} : memref<128x128xf32, #tpu.memory_space<vmem>>, vector<16xf32>,
        %parallel_loop3A_1215 = arith.addf %parallel_loop3A_1211, %parallel_loop3A_1214 : vector<16xf32>
        %parallel_loop3A_1216 = arith.index_cast %parallel_loop3A_1158 : i32 to index
        %parallel_loop3A_1217 = arith.constant 80 : index
        %parallel_loop3A_1218 = tpu.vector_load %arg10[%parallel_loop3A_1216, %parallel_loop3A_1217] {strides = array<i32>} : memref<128x128xf32, #tpu.memory_space<vmem>>, vector<16xf32>,
        tpu.vector_store %arg10[%parallel_loop3A_1216, %parallel_loop3A_1217], %parallel_loop3A_1215 {strides = array<i32>} : memref<128x128xf32, #tpu.memory_space<vmem>>, vector<16xf32>,
        %parallel_loop3A_1219 = arith.index_cast %parallel_loop3A_1158 : i32 to index
        %parallel_loop3A_1220 = arith.constant 96 : index
        %parallel_loop3A_1221 = tpu.vector_load %arg10[%parallel_loop3A_1219, %parallel_loop3A_1220] {strides = array<i32>} : memref<128x128xf32, #tpu.memory_space<vmem>>, vector<16xf32>,
        %parallel_loop3A_1222 = arith.index_cast %parallel_loop3A_1158 : i32 to index
        %parallel_loop3A_1223 = arith.constant 96 : index
        %parallel_loop3A_1224 = tpu.vector_load %arg12[%parallel_loop3A_1222, %parallel_loop3A_1223] {strides = array<i32>} : memref<128x128xf32, #tpu.memory_space<vmem>>, vector<16xf32>,
        %parallel_loop3A_1225 = arith.addf %parallel_loop3A_1221, %parallel_loop3A_1224 : vector<16xf32>
        %parallel_loop3A_1226 = arith.index_cast %parallel_loop3A_1158 : i32 to index
        %parallel_loop3A_1227 = arith.constant 96 : index
        %parallel_loop3A_1228 = tpu.vector_load %arg10[%parallel_loop3A_1226, %parallel_loop3A_1227] {strides = array<i32>} : memref<128x128xf32, #tpu.memory_space<vmem>>, vector<16xf32>,
        tpu.vector_store %arg10[%parallel_loop3A_1226, %parallel_loop3A_1227], %parallel_loop3A_1225 {strides = array<i32>} : memref<128x128xf32, #tpu.memory_space<vmem>>, vector<16xf32>,
        %parallel_loop3A_1229 = arith.index_cast %parallel_loop3A_1158 : i32 to index
        %parallel_loop3A_1230 = arith.constant 112 : index
        %parallel_loop3A_1231 = tpu.vector_load %arg10[%parallel_loop3A_1229, %parallel_loop3A_1230] {strides = array<i32>} : memref<128x128xf32, #tpu.memory_space<vmem>>, vector<16xf32>,
        %parallel_loop3A_1232 = arith.index_cast %parallel_loop3A_1158 : i32 to index
        %parallel_loop3A_1233 = arith.constant 112 : index
        %parallel_loop3A_1234 = tpu.vector_load %arg12[%parallel_loop3A_1232, %parallel_loop3A_1233] {strides = array<i32>} : memref<128x128xf32, #tpu.memory_space<vmem>>, vector<16xf32>,
        %parallel_loop3A_1235 = arith.addf %parallel_loop3A_1231, %parallel_loop3A_1234 : vector<16xf32>
        %parallel_loop3A_1236 = arith.index_cast %parallel_loop3A_1158 : i32 to index
        %parallel_loop3A_1237 = arith.constant 112 : index
        %parallel_loop3A_1238 = tpu.vector_load %arg10[%parallel_loop3A_1236, %parallel_loop3A_1237] {strides = array<i32>} : memref<128x128xf32, #tpu.memory_space<vmem>>, vector<16xf32>,
        tpu.vector_store %arg10[%parallel_loop3A_1236, %parallel_loop3A_1237], %parallel_loop3A_1235 {strides = array<i32>} : memref<128x128xf32, #tpu.memory_space<vmem>>, vector<16xf32>,
      } {sc.loop_unroll_factor = 4 : i64, sc.parallel_access}
    } else {
    }
    %add3A_1101 = arith.constant 31 : i32
    %add3A_1102 = arith.addi %mul3A_32, %add3A_1101 : i32
    %mul3A_1103 = arith.constant 1000 : i32
    %mul3A_1104 = arith.muli %add3A_1102, %mul3A_1103 : i32
    %add3A_1105 = arith.addi %mul3A_1104, %mul3A_34 : i32
    %add3A_1106 = arith.constant 125 : i32
    %add3A_1107 = arith.addi %add3A_1105, %add3A_1106 : i32
    %dma_start3A_1108 = arith.constant 0 : i32
    %dma_start3A_1109 = arith.constant 0 : i32
    %dma_start3A_1110 = tpu.memref_slice %arg10[%dma_start3A_1108, %dma_start3A_1109] : memref<128x128xf32, #tpu.memory_space<vmem>> -> memref<125x128xf32, #tpu.memory_space<vmem>>
    %dma_start3A_1111 = arith.constant 0 : i32
    %dma_start3A_1112 = tpu.memref_slice %arg4[%add3A_1107, %dma_start3A_1111] : memref<256000x128xf32, #tpu.memory_space<hbm>> -> memref<125x128xf32, #tpu.memory_space<hbm>>
    %dma_start3A_1113 = arith.constant 0 : i32
    %dma_start3A_1114 = tpu.memref_slice %arg4[%add3A_1107, %dma_start3A_1113] : memref<256000x128xf32, #tpu.memory_space<hbm>> -> memref<125x128xf32, #tpu.memory_space<hbm>>
    %dma_start3A_1115 = arith.constant 0 : i32
    %dma_start3A_1116 = arith.constant 0 : i32
    %dma_start3A_1117 = tpu.memref_slice %arg10[%dma_start3A_1115, %dma_start3A_1116] : memref<128x128xf32, #tpu.memory_space<vmem>> -> memref<125x128xf32, #tpu.memory_space<vmem>>
    tpu.enqueue_dma source(%dma_start3A_1117 : memref<125x128xf32, #tpu.memory_space<vmem>>) target(%dma_start3A_1114 : memref<125x128xf32, #tpu.memory_space<hbm>>) target_semaphore(%arg20 : memref<!tpu.dma_semaphore, #tpu.memory_space<semaphore_mem>>)
    %dma_wait3A_1118 = arith.constant 0 : i32
    %dma_wait3A_1119 = arith.constant 0 : i32
    %dma_wait3A_1120 = tpu.memref_slice %arg9[%dma_wait3A_1118, %dma_wait3A_1119] : memref<128x128xf32, #tpu.memory_space<vmem>> -> memref<125x128xf32, #tpu.memory_space<vmem>>
    %dma_wait3A_1121 = arith.constant 0 : i32
    %dma_wait3A_1122 = arith.constant 0 : i32
    %dma_wait3A_1123 = tpu.memref_slice %arg4[%dma_wait3A_1121, %dma_wait3A_1122] : memref<256000x128xf32, #tpu.memory_space<hbm>> -> memref<125x128xf32, #tpu.memory_space<hbm>>
    %dma_wait3A_1124 = arith.constant 0 : i32
    %dma_wait3A_1125 = arith.constant 0 : i32
    %dma_wait3A_1126 = tpu.memref_slice %arg4[%dma_wait3A_1124, %dma_wait3A_1125] : memref<256000x128xf32, #tpu.memory_space<hbm>> -> memref<125x128xf32, #tpu.memory_space<hbm>>
    %dma_wait3A_1127 = arith.constant 0 : i32
    %dma_wait3A_1128 = arith.constant 0 : i32
    %dma_wait3A_1129 = tpu.memref_slice %arg9[%dma_wait3A_1127, %dma_wait3A_1128] : memref<128x128xf32, #tpu.memory_space<vmem>> -> memref<125x128xf32, #tpu.memory_space<vmem>>
    tpu.wait_dma2 semaphore(%arg19 : memref<!tpu.dma_semaphore, #tpu.memory_space<semaphore_mem>>) src(%dma_wait3A_1129 : memref<125x128xf32, #tpu.memory_space<vmem>>) dst(%dma_wait3A_1126 : memref<125x128xf32, #tpu.memory_space<hbm>>)
    %dma_wait3A_1130 = arith.constant 0 : i32
    %dma_wait3A_1131 = arith.constant 0 : i32
    %dma_wait3A_1132 = tpu.memref_slice %arg10[%dma_wait3A_1130, %dma_wait3A_1131] : memref<128x128xf32, #tpu.memory_space<vmem>> -> memref<125x128xf32, #tpu.memory_space<vmem>>
    %dma_wait3A_1133 = arith.constant 0 : i32
    %dma_wait3A_1134 = arith.constant 0 : i32
    %dma_wait3A_1135 = tpu.memref_slice %arg4[%dma_wait3A_1133, %dma_wait3A_1134] : memref<256000x128xf32, #tpu.memory_space<hbm>> -> memref<125x128xf32, #tpu.memory_space<hbm>>
    %dma_wait3A_1136 = arith.constant 0 : i32
    %dma_wait3A_1137 = arith.constant 0 : i32
    %dma_wait3A_1138 = tpu.memref_slice %arg4[%dma_wait3A_1136, %dma_wait3A_1137] : memref<256000x128xf32, #tpu.memory_space<hbm>> -> memref<125x128xf32, #tpu.memory_space<hbm>>
    %dma_wait3A_1139 = arith.constant 0 : i32
    %dma_wait3A_1140 = arith.constant 0 : i32
    %dma_wait3A_1141 = tpu.memref_slice %arg10[%dma_wait3A_1139, %dma_wait3A_1140] : memref<128x128xf32, #tpu.memory_space<vmem>> -> memref<125x128xf32, #tpu.memory_space<vmem>>
    tpu.wait_dma2 semaphore(%arg20 : memref<!tpu.dma_semaphore, #tpu.memory_space<semaphore_mem>>) src(%dma_wait3A_1141 : memref<125x128xf32, #tpu.memory_space<vmem>>) dst(%dma_wait3A_1138 : memref<125x128xf32, #tpu.memory_space<hbm>>)
    return
  }
}

module attributes {stable_mosaic.version = 14 : i64} {
  func.func @body(%arg0: i32, %arg1: memref<16x1000x128xf32, #tpu.memory_space<vmem>>, %arg2: memref<16x8x1000xf32, #tpu.memory_space<vmem>>, %arg3: memref<16x1x128xf32, #tpu.memory_space<vmem>>, %arg4: memref<1x128xf32, #tpu.memory_space<vmem>>, %arg5: memref<8x128xf32, #tpu.memory_space<vmem>>, %arg6: memref<1000x128xf32, #tpu.memory_space<vmem>>, %arg7: memref<16x1000x128xf32, #tpu.memory_space<vmem>>) attributes {dimension_semantics = [#tpu.dimension_semantics<arbitrary>], iteration_bounds = array<i64: 16>, scalar_prefetch = 0 : i64, scratch_operands = 0 : i64, tpu.core_type = #tpu.core_type<tc>, window_params = [{transform_indices = @transform_0, window_bounds = array<i64: 16, 1000, 128>}, {transform_indices = @transform_1, window_bounds = array<i64: 16, 8, 1000>}, {transform_indices = @transform_2, window_bounds = array<i64: 16, 1, 128>}, {pipeline_mode = #tpu.pipeline_mode<synchronous>, transform_indices = @transform_3, window_bounds = array<i64: 1, 128>}, {pipeline_mode = #tpu.pipeline_mode<synchronous>, transform_indices = @transform_4, window_bounds = array<i64: 8, 128>}, {pipeline_mode = #tpu.pipeline_mode<synchronous>, transform_indices = @transform_5, window_bounds = array<i64: 1000, 128>}, {transform_indices = @transform_6, window_bounds = array<i64: 16, 1000, 128>}]} {
    %get3A = arith.constant 0 : index
    %get3A_0 = arith.constant 0 : index
    %get3A_1 = arith.constant 0 : index
    %get3A_2 = vector.load %arg2[%get3A, %get3A_0, %get3A_1] : memref<16x8x1000xf32, #tpu.memory_space<vmem>>, vector<16x8x1000xf32>
    %get3A_3 = arith.constant 0 : index
    %get3A_4 = arith.constant 0 : index
    %get3A_5 = vector.load %arg5[%get3A_3, %get3A_4] : memref<8x128xf32, #tpu.memory_space<vmem>>, vector<8x128xf32>
    %dot_general3A = arith.constant dense<0.000000e+00> : vector<16x1000x128xf32>
    %dot_general3A_6 = tpu.matmul %get3A_2, %get3A_5, %dot_general3A {dimension_numbers = #tpu.dot_dimension_numbers<[1], [0], [0, 2], [1], [0, 0, 0, 2, 1, 1], [], []>, transpose_lhs_hint = false} : vector<16x8x1000xf32>, vector<8x128xf32>, vector<16x1000x128xf32> -> vector<16x1000x128xf32>
    %get3A_7 = arith.constant 0 : index
    %get3A_8 = arith.constant 0 : index
    %get3A_9 = arith.constant 0 : index
    %get3A_10 = vector.load %arg1[%get3A_7, %get3A_8, %get3A_9] : memref<16x1000x128xf32, #tpu.memory_space<vmem>>, vector<16x1000x128xf32>
    %add3A = arith.addf %get3A_10, %dot_general3A_6 : vector<16x1000x128xf32>
    %get3A_11 = arith.constant 0 : index
    %get3A_12 = arith.constant 0 : index
    %get3A_13 = vector.load %arg6[%get3A_11, %get3A_12] : memref<1000x128xf32, #tpu.memory_space<vmem>>, vector<1000x128xf32>
    %broadcast_in_dim3A = vector.shape_cast %get3A_13 : vector<1000x128xf32> to vector<1x1000x128xf32>
    %add3A_14 = vector.broadcast %broadcast_in_dim3A : vector<1x1000x128xf32> to vector<16x1000x128xf32>
    %add3A_15 = arith.addf %add3A, %add3A_14 : vector<16x1000x128xf32>
    %get3A_16 = arith.constant 0 : index
    %get3A_17 = arith.constant 0 : index
    %get3A_18 = arith.constant 0 : index
    %get3A_19 = vector.load %arg3[%get3A_16, %get3A_17, %get3A_18] : memref<16x1x128xf32, #tpu.memory_space<vmem>>, vector<16x1x128xf32>
    %add3A_20 = vector.broadcast %get3A_19 : vector<16x1x128xf32> to vector<16x1000x128xf32>
    %add3A_21 = arith.addf %add3A_15, %add3A_20 : vector<16x1000x128xf32>
    %get3A_22 = arith.constant 0 : index
    %get3A_23 = arith.constant 0 : index
    %get3A_24 = vector.load %arg4[%get3A_22, %get3A_23] : memref<1x128xf32, #tpu.memory_space<vmem>>, vector<1x128xf32>
    %broadcast_in_dim3A_25 = vector.shape_cast %get3A_24 : vector<1x128xf32> to vector<1x1x128xf32>
    %add3A_26 = vector.broadcast %broadcast_in_dim3A_25 : vector<1x1x128xf32> to vector<16x1000x128xf32>
    %add3A_27 = arith.addf %add3A_21, %add3A_26 : vector<16x1000x128xf32>
    %swap3A = arith.constant 0 : index
    %swap3A_28 = arith.constant 0 : index
    %swap3A_29 = arith.constant 0 : index
    %swap3A_30 = vector.load %arg7[%swap3A, %swap3A_28, %swap3A_29] : memref<16x1000x128xf32, #tpu.memory_space<vmem>>, vector<16x1000x128xf32>
    tpu.vector_store %arg7[%swap3A, %swap3A_28, %swap3A_29], %add3A_27 {strides = array<i32>} : memref<16x1000x128xf32, #tpu.memory_space<vmem>>, vector<16x1000x128xf32>,
    return
  }
  func.func @transform_0(%arg0: i32) -> (i32, i32, i32) {
    %c0_i32 = arith.constant 0 : i32
    %c0_i32_0 = arith.constant 0 : i32
    %c0_i32_1 = arith.constant 0 : i32
    return %arg0, %c0_i32, %c0_i32_0 : i32, i32, i32
  }
  func.func @transform_1(%arg0: i32) -> (i32, i32, i32) {
    %c0_i32 = arith.constant 0 : i32
    %c0_i32_0 = arith.constant 0 : i32
    %c0_i32_1 = arith.constant 0 : i32
    return %arg0, %c0_i32, %c0_i32_0 : i32, i32, i32
  }
  func.func @transform_2(%arg0: i32) -> (i32, i32, i32) {
    %c0_i32 = arith.constant 0 : i32
    %c0_i32_0 = arith.constant 0 : i32
    %c0_i32_1 = arith.constant 0 : i32
    return %arg0, %c0_i32, %c0_i32_0 : i32, i32, i32
  }
  func.func @transform_3(%arg0: i32) -> (i32, i32) {
    %c0_i32 = arith.constant 0 : i32
    %c0_i32_0 = arith.constant 0 : i32
    %c0_i32_1 = arith.constant 0 : i32
    return %c0_i32, %c0_i32_0 : i32, i32
  }
  func.func @transform_4(%arg0: i32) -> (i32, i32) {
    %c0_i32 = arith.constant 0 : i32
    %c0_i32_0 = arith.constant 0 : i32
    %c0_i32_1 = arith.constant 0 : i32
    return %c0_i32, %c0_i32_0 : i32, i32
  }
  func.func @transform_5(%arg0: i32) -> (i32, i32) {
    %c0_i32 = arith.constant 0 : i32
    %c0_i32_0 = arith.constant 0 : i32
    %c0_i32_1 = arith.constant 0 : i32
    return %c0_i32, %c0_i32_0 : i32, i32
  }
  func.func @transform_6(%arg0: i32) -> (i32, i32, i32) {
    %c0_i32 = arith.constant 0 : i32
    %c0_i32_0 = arith.constant 0 : i32
    %c0_i32_1 = arith.constant 0 : i32
    return %arg0, %c0_i32, %c0_i32_0 : i32, i32, i32
  }
}

</mosaic_0001>

<sc_bundles>
// kernel: kernel.4.cloned.1.call-start
scs
__scs_entry_jumppad:
0x0: {  	(pc) =	sbr.rel $0x88, $3  }
0x1: {  	(tag) =	ssettag $0x0;
	lr =	simm.s32 $0x1  }
0x2: {  	[smem:$0x3F9A] =	sst lr;
	_ =	strace $0xD0000000  }
0x3: {  	_ = 	snop  }
0x4: {  	_ = 	snop  }
0x5: {  	_ = 	snop  }
0x6: {  	_ = 	snop  }
0x7: {  	_ = 	snop  }
__scs_overlays_trampoline_lowered:
0x8: {  	[smem:$0x3FA9] =	sst s0  }
0x9: {  	[smem:$0x3FAA] =	sst s1  }
0xa: {  	[smem:$0x3FAB] =	sst s2  }
0xb: {  	[smem:$0x3FAC] =	sst s3  }
0xc: {  	[smem:$0x3FAD] =	sst s4  }
0xd: {  	[smem:$0x3FAE] =	sst s5  }
0xe: {  	[smem:$0x3FAF] =	sst s6  }
0xf: {  	[smem:$0x3FB0] =	sst s7  }
0x10: {  	[smem:$0x3FB1] =	sst s8  }
0x11: {  	[smem:$0x3FB2] =	sst s9;
	s0 =	simm.s32 @!p0 $0x0  }
0x12: {  	s1 =	sld [smem:$0x3F98];
	s0 =	simm.s32 @p0 $0x1  }
0x13: {  	[smem:$0x3FB3] =	sst s0;
	s0 =	simm.s32 @!p1 $0x0  }
0x14: {  	s2 =	sld [smem:$0x3F97];
	s0 =	simm.s32 @p1 $0x1  }
0x15: {  	[smem:$0x3FB4] =	sst s0;
	s0 =	simm.s32 @!p2 $0x0  }
0x16: {  	s3 =	sld [smem:$0x3FDB];
	s0 =	simm.s32 @p2 $0x1  }
0x17: {  	s4 =	simm.s32 $0x1BF5;
	[smem:$0x3FB6] =	sst s0  }
0x18: {  	s0 =	sld [smem:$0x3F99];
	_ =	swait.ge [sflag:s4], $0x0  }
0x19: {  	s7 =	sld [smem:$0x3F9A]  }
0x1a: {  	s8 =	sadd.s32 $0xFFFFE003, lr  }
0x1b: {  	s9 =	sadd.s32 $0xFFFFFEF7, lr;
	s5 =	simm.s32 $0xFFFFFFFF;
	p2 =	slt.u32 s8, $0xFFFFF086  }
0x1c: {  	p1 =	slt.u32 s9, $0xF7A;
	s5 =	simm.s32 @!p2 $0x0  }
0x1d: {  	s5 =	simm.s32 @p1 $0x1;
	p0 =	seq.s32 s7, s2  }
0x1e: {  	s7 =	smul.u32 @!p0 $0xF7A, s2;
	p2 =	seq.s32 @!p0 s5, $0x0  }
0x1f: {  	s9 =	smul.u32 $0xF7A, s1;
	s8 =	simm.s32 @!p0 $0x1BF5;
	p2 =	por !p2, p0  }
0x20: {  	[sflag:s8] =	ssyncset.s32 @!p0 $0xFFFFF086;
	s6 =	sadd.s32 @!p0 s3, s7;
	s7 =	simm.s32 @!p0 $0x108  }
0x21: {  	s3 =	sadd.s32 s3, s9;
	s6 =	sadd.s32 @!p0 $0x88, s6;
	s7 =	simm.s32 @p2 $0x1082  }
0x22: {  	[simem:s7], [sflag:s8] =	dma.local @!p0 [hbm:s6], $0xF7A  }
0x23: {  	s9 =	sor.u32 $0xD0000000, s2;
	s6 =	simm.s32 $0x108;
	_ =	swait.ge @!p0 [sflag:s8], $0x0  }
0x24: {  	s3 =	sadd.s32 $0x88, s3;
	s6 =	simm.s32 @!p1 $0x1082;
	[sflag:s4] =	ssyncset.s32 $0xFFFFF086  }
0x25: {  	[simem:s6], [sflag:s4] =	dma.local [hbm:s3], $0xF7A  }
0x26: {  	[smem:$0x3F9A] =	sst s1;
	(tag) =	ssettag s2;
	_ =	strace s9  }
0x27: {  	s1 =	sld [smem:$0x3FAA]  }
0x28: {  	s2 =	sld [smem:$0x3FAB]  }
0x29: {  	s4 =	sld [smem:$0x3FAD]  }
0x2a: {  	p0 =	seq.s32 s5, $0x0;
	s5 =	sld [smem:$0x3FAE]  }
0x2b: {  	s6 =	sld [smem:$0x3FAF]  }
0x2c: {  	s7 =	sld [smem:$0x3FB0]  }
0x2d: {  	s3 =	simm.s32 $0x108;
	s8 =	sld [smem:$0x3FB1]  }
0x2e: {  	s3 =	simm.s32 @!p0 $0x1082;
	s9 =	sld [smem:$0x3FB2]  }
0x2f: {  	lr =	sadd.s32 s0, s3;
	s0 =	sld [smem:$0x3FA9]  }
0x30: {  	s3 =	sld [smem:$0x3FAC]  }
0x31: {  	[smem:$0x3FB5] =	sst s10  }
0x32: {  	s10 =	sld [smem:$0x3FB3];
	_ =	sdelay $0x3  }
0x33: {  	p0 =	seq.s32 s10, $0x1;
	s10 =	sld [smem:$0x3FB5];
	_ =	sdelay $0x3  }
0x34: {  	[smem:$0x3FB5] =	sst s10  }
0x35: {  	s10 =	sld [smem:$0x3FB4];
	_ =	sdelay $0x3  }
0x36: {  	p1 =	seq.s32 s10, $0x1;
	s10 =	sld [smem:$0x3FB5];
	_ =	sdelay $0x3  }
0x37: {  	[smem:$0x3FB5] =	sst s10  }
0x38: {  	s10 =	sld [smem:$0x3FB6]  }
0x39: {  	_ = 	snop;
	(pc) =	sbr.ind lr, $3  }
0x3a: {  	_ = 	snop  }
0x3b: {  	_ = 	snop  }
0x3c: {  	p2 =	seq.s32 s10, $0x1;
	s10 =	sld [smem:$0x3FB5]  }
0x3d: {  	_ =	shalt  }
0x3e: {  	_ =	shalt  }
0x3f: {  	_ =	shalt  }
0x40: {  	_ =	shalt  }
0x41: {  	_ =	shalt  }
0x42: {  	_ =	shalt  }
0x43: {  	_ =	shalt  }
0x44: {  	_ =	shalt  }
0x45: {  	_ =	shalt  }
0x46: {  	_ =	shalt  }
0x47: {  	_ =	shalt  }
0x48: {  	_ =	shalt  }
0x49: {  	_ =	shalt  }
0x4a: {  	_ =	shalt  }
0x4b: {  	_ =	shalt  }
0x4c: {  	_ =	shalt  }
0x4d: {  	_ =	shalt  }
0x4e: {  	_ =	shalt  }
0x4f: {  	_ =	shalt  }
0x50: {  	_ =	shalt  }
0x51: {  	_ =	shalt  }
0x52: {  	_ =	shalt  }
0x53: {  	_ =	shalt  }
0x54: {  	_ =	shalt  }
0x55: {  	_ =	shalt  }
0x56: {  	_ =	shalt  }
0x57: {  	_ =	shalt  }
0x58: {  	_ =	shalt  }
0x59: {  	_ =	shalt  }
0x5a: {  	_ =	shalt  }
0x5b: {  	_ =	shalt  }
0x5c: {  	_ =	shalt  }
0x5d: {  	_ =	shalt  }
0x5e: {  	_ =	shalt  }
0x5f: {  	_ =	shalt  }
0x60: {  	_ =	shalt  }
0x61: {  	_ =	shalt  }
0x62: {  	_ =	shalt  }
0x63: {  	_ =	shalt  }
0x64: {  	_ =	shalt  }
0x65: {  	_ =	shalt  }
0x66: {  	_ =	shalt  }
0x67: {  	_ =	shalt  }
0x68: {  	_ =	shalt  }
0x69: {  	_ =	shalt  }
0x6a: {  	_ =	shalt  }
0x6b: {  	_ =	shalt  }
0x6c: {  	_ =	shalt  }
0x6d: {  	_ =	shalt  }
0x6e: {  	_ =	shalt  }
0x6f: {  	_ =	shalt  }
0x70: {  	_ =	shalt  }
0x71: {  	_ =	shalt  }
0x72: {  	_ =	shalt  }
0x73: {  	_ =	shalt  }
0x74: {  	_ =	shalt  }
0x75: {  	_ =	shalt  }
0x76: {  	_ =	shalt  }
0x77: {  	_ =	shalt  }
0x78: {  	_ =	shalt  }
0x79: {  	_ =	shalt  }
0x7a: {  	_ =	shalt  }
0x7b: {  	_ =	shalt  }
0x7c: {  	_ =	shalt  }
0x7d: {  	_ =	shalt  }
0x7e: {  	_ =	shalt  }
0x7f: {  	_ =	shalt  }
0x80: {  	_ =	shalt  }
0x81: {  	_ =	shalt  }
0x82: {  	_ =	shalt  }
0x83: {  	_ =	shalt  }
0x84: {  	_ =	shalt  }
0x85: {  	_ =	shalt  }
0x86: {  	_ =	shalt  }
0x87: {  	_ =	shalt  }
.Lfunc_end0:
.L_simem_size_0:
called_computation_lowered:
.L_overlay_start_0:
0x88: {  	s2 =	sld [smem:$0x3FD9]  }
0x89: {  	s3 =	sld [smem:$0x3FFE];
	_ =	sdelay $0x1  }
0x8a: {  	s1 =	srdreg.scid  }
0x8b: {  	s0 =	sand.u32 $0x1, s1  }
0x8c: {  	s17 =	sshll.u32 s0, $0xA;
	s2 =	sadd.s32 s3, s2  }
0x8d: {  	s2 =	sadd.s32 s2, s17  }
0x8e: {  	[smem:$0x3FC1] =	sst s2  }
0x8f: {  	_ = 	snop  }
0x90: {  	s2 =	sld [smem:$0x3FC9]  }
0x91: {  	s18 =	sld [smem:$0x3FD0];
	(tm) =	ssettm $0x1  }
0x92: {  	s4 =	sld [smem:$0x3FFB];
	_ =	sdelay $0x3  }
0x93: {  	_ =	strace s4  }
0x94: {  	s4 =	sld [smem:$0x3FFC];
	_ =	sdelay $0x3  }
0x95: {  	_ =	strace s4  }
0x96: {  	s4 =	sld [smem:$0x3FFD];
	_ =	sdelay $0x3  }
0x97: {  	_ =	strace s4  }
0x98: {  	_ =	strace $0x8FFFFFFF  }
0x99: {  	s19 =	sld [smem:$0x3FDB];
	_ =	sdelay $0x1  }
0x9a: {  	s5 =	simm.s32 $_scs_section_size  }
0x9b: {  	s6 =	simm.s32 $_size__tile_overlayer_lowered;
	s7 =	simm.s32 $_tile_overlayer_lowered  }
0x9c: {  	s22 =	simm.s32 $0x1BFF;
	s21 =	sshll.u32 s7, $0x1;
	s4 =	sadd.s32 s5, s19  }
0x9d: {  	s8 =	simm.s32 $0x0;
	s20 =	sshll.u32 s6, $0x1;
	s6 =	sadd.s32 s21, s4  }
0x9e: {  	[timem:s8], [sflag:s22] =	dma.local [hbm:s6], s20  }
0x9f: {  	_ =	swait.ge [sflag:s22], s20  }
0xa0: {  	s5 =	ssub.s32 $0x0, s20;
	[sflag:s22] =	ssyncset.done $0x0  }
0xa1: {  	[sflag:s22] =	ssyncadd.s32 s5;
	_ =	sdelay $0x1  }
0xa2: {  	s23 =	simm.s32 $0x1B8B  }
0xa3: {  	_ =	swait.ge [sflag:s23], $0x1  }
0xa4: {  	[sflag:s23] =	ssyncset.done $0x0  }
0xa5: {  	s25 =	simm.s32 $0x1B8E;
	s24 =	sld [smem:$0x3FFE];
	[sflag:s23] =	ssyncadd.s32 $0xFFFFFFFF  }
0xa6: {  	s26 =	simm.s32 $execute0_lowered;
	[smem:$0x3FD2] =	sst s25  }
0xa7: {  	s6 =	sshll.u32 s26, $0x1;
	_ =	strace $0x80000046;
	[dreg:$0x1] =	wrdreg $0xFFFFFFFF  }
0xa8: {  	s28 =	simm.s32 $_size_execute0_lowered;
	s4 =	sadd.s32 s4, s6;
	[dreg:$0x0] =	wrdreg $0x0  }
0xa9: {  	s6 =	sshll.u32 s28, $0x1;
	[dreg:$0x2] =	wrdreg s4  }
0xaa: {  	[dreg:$0x3] =	wrdreg s6  }
0xab: {  	[dreg:$0x4] =	wrdreg $0xC0  }
0xac: {  	_ =	task [dreg:s8], $0x5FFFF  }
0xad: {  	[dreg:$0x1] =	wrdreg $0xFFFFFFFF  }
0xae: {  	[dreg:$0x0] =	wrdreg $0x60  }
0xaf: {  	[dreg:$0x2] =	wrdreg s2  }
0xb0: {  	[dreg:$0x3] =	wrdreg s18  }
0xb1: {  	[dreg:$0x4] =	wrdreg s24  }
0xb2: {  	[dreg:$0x5] =	wrdreg $0x9  }
0xb3: {  	_ =	task.clear_ibuf [dreg:s8], $0x6FFFF;
	_ =	strace $0x90000046  }
0xb4: {  	s29 =	simm.s32 $0x9;
	_ =	strace $0x80000048  }
0xb5: {  	_ =	swait.ge [sflag:s29], $0x1  }
0xb6: {  	[sflag:s29] =	ssyncadd.s32 $0xFFFFFFFF  }
0xb7: {  	_ =	strace $0x90000048  }
0xb8: {  	_ =	sfence  }
0xb9: {  	s30 =	sld [smem:$0x0];
	_ =	sdelay $0x2  }
0xba: {  	s31 =	sshll.u32 s1, $0xD;
	s1 =	sshrl.u32 s1, $0x2  }
0xbb: {  	s3 =	sand.u32 $0x4000, s31;
	s1 =	sadd.s32 s1, s30  }
0xbc: {  	s0 =	sor.u32 s3, s0;
	s1 =	sshll.u32 s1, $0x11  }
0xbd: {  	s0 =	sor.u32 s1, s0  }
0xbe: {  	s0 =	sadd.s32 $0x8F2B, s0  }
0xbf: {  	[sflag:s0] =	ssyncadd.remote.s32 $0x1  }
0xc0: {  	_ =	sfence.sel $0xFFFF  }
0xc1: {  	[dreg:$0x0] =	wrdreg $0xFFFFFFFF;
	(pc) =	sbr.abs _section_cstart, $3  }
0xc2: {  	[dreg:$0x1] =	wrdreg $0xFFFFFFFF  }
0xc3: {  	_ =	task.clear_ibuf [dreg:s8], $0x2FFFF;
	_ =	strace $0x9FFFFFFF  }
0xc4: {  	(tm) =	ssettm $0x7FFFFFFF  }
0xc5: {  	_ =	shalt  }
tec
execute0_lowered:
.L_overlay_start_1:
0x0: {  	(tag) =	ssettag $0x1  }
0x1: {  	s4 =	stileid.u32;
	s1 =	rddreg [dreg:$0x0]  }
0x2: {  	s0 =	srdreg.scid;
	s3 =	rddreg [dreg:$0x1]  }
0x3: {  	s7 =	rddreg [dreg:$0x2];
	s5 =	simm.s32 $0x0;
	s11 =	simm.s32 $0x1  }
0x4: {  	s16 =	simm.s32 $0x88;
	s17 =	simm.s32 $0x3E808;
	s18 =	simm.s32 $0x110  }
0x5: {  	s19 =	simm.s32 $0x2;
	s20 =	simm.s32 $0x3;
	s21 =	simm.s32 $0x5  }
0x6: {  	s22 =	simm.s32 $0x420;
	s23 =	simm.s32 $0x7;
	s24 =	simm.s32 $0x4  }
0x7: {  	s29 =	simm.s32 $0x0;
	s2 =	sshll.u32 s4, $0x1;
	s0 =	sand.u32 $0x1, s0  }
0x8: {  	s8 =	sshrl.u32 s4, $0x1;
	[smem:$0x7FF] =	sst s5;
	s2 =	sand.u32 $0x2, s2  }
0x9: {  	s7 =	sadd.s32 $0x1400, s7;
	s25 =	smul.u32 $0x7D00, s8;
	s2 =	sor.u32 s0, s2  }
0xa: {  	_ =	strace $0x80000047;
	s0 =	ssub.s32 $0x2, s0;
	s4 =	smul.u32 $0xFA, s2  }
0xb: {  	s8 =	sshll.u32 s8, $0x5;
	s9 =	sshrl.u32 s0, $0x1;
	s13 =	sadd.s32 $0x7918, s25  }
0xc: {  	s0 =	ssub.s32 s0, s9;
	s9 =	simm.s32 $0x1;
	s10 =	sadd.s32 s25, s4  }
0xd: {  	s6 =	sand.u32 $0x6, s4;
	s26 =	sadd.s32 s13, s4;
	s0 =	smax.u32 s0, $0x1  }
0xe: {  	p0 =	seq.s32 s10, $0x0;
	p1 =	sne.s32 s6, $0x0;
	s12 =	sshrl.u32 s10, $0x3  }
0xf: {  	s10 =	sadd.s32 $0x7C, s10;
	s28 =	sadd.s32 $0x7D, s26;
	s30 =	sshll.u32 s26, $0x4  }
0x10: {  	[dreg:$0x8] =	wrdreg s0;
	p0 =	por !p0, !p1;
	s10 =	sshrl.u32 s10, $0x3  }
0x11: {  	s14 =	sshll.u32 s28, $0x4;
	p0 =	por !p0, !p0;
	s10 =	sadd.s32 s3, s10  }
.Ltmp0:
0x12: {  	s31 =	sand.u32 $0x1FFFFFF0, s14;
	s11 =	simm.s32 @!p0 $0x0;
	(pc) =	sbr.rel .LBB2_1-.Ltmp0, $4  }
0x13: {  	[dreg:$0x5] =	wrdreg s10;
	s10 =	sadd.s32 s7, s30;
	s11 =	ssub.s32 s12, s11  }
0x14: {  	[dreg:$0x6] =	wrdreg s10;
	s10 =	sadd.s32 s7, s31;
	s11 =	sand.u32 $0x1FFFFFFF, s11  }
0x15: {  	v0 =	vmov s25;
	s25 =	simm.s32 $0x6;
	[dreg:$0x7] =	wrdreg s10;
	s11 =	sadd.s32 s3, s11  }
0x16: {  	vm0 =	vcmask $0x3F34;
	v2 =	vimm.f32 $0.0e+00;
	v1 =	vmov s13;
	s26 =	simm.s32 $0x4420;
	s12 =	sand.u32 $0x7, s28;
	[dreg:$0x4] =	wrdreg s11  }
.LBB2_31:
0x17: {  	[tilespmem:$0x8290] =	vst v3;
	s0 =	rddreg [dreg:$0x7]  }
0x18: {  	[hbm4b:s0+s5] =	stream.linear.scatter [tilespmem:s26], [sflag:$0x8], $0x3E80, $0x38;
	[tilespmem:$0x10420] =	vst v63  }
0x19: {  	_ =	swait.ge [sflag:s23], $0x3E80  }
0x1a: {  	[sflag:s23] =	ssyncset.done $0x0  }
0x1b: {  	[sflag:s23] =	ssyncadd.s32 $0xFFFFC180  }
0x1c: {  	_ =	swait.ge [sflag:s14], $0x3E80  }
0x1d: {  	s29 =	sadd.s32 $0x1, s29;
	s31 =	rddreg [dreg:$0x8]  }
0x1e: {  	p0 =	sne.s32 s29, s31  }
.Ltmp1:
0x1f: {  	_ = 	snop;
	(pc) =	sbr.rel @!p0 .LBB2_32-.Ltmp1, $3  }
0x20: {  	_ =	sdelay $0x1  }
0x21: {  	[sflag:s14] =	ssyncset.done $0x0  }
0x22: {  	[sflag:s14] =	ssyncadd.s32 $0xFFFFC180  }
.LBB2_1:
0x23: {  	s0 =	rddreg [dreg:$0x4]  }
0x24: {  	[tilespmem:s5], [sflag:$0x1] =	stream.strided.gather [hbm4b:s0+s16], $0x110, s17, s16, $0x38;
	[tilespmem:$0x10420] =	vst v63  }
0x25: {  	s28 =	rddreg [dreg:$0x5]  }
0x26: {  	[tilespmem:s18], [sflag:$0x2] =	stream.strided.gather [hbm4b:s28+s16], $0x110, s17, s16, $0x38;
	[tilespmem:$0x10420] =	vst v63  }
0x27: {  	_ =	swait.ge [sflag:s9], $0x110  }
0x28: {  	[sflag:s9] =	ssyncset.done $0x0  }
0x29: {  	[sflag:s9] =	ssyncadd.s32 $0xFFFFFEF0  }
0x2a: {  	v3 =	vld [tilespmem:s6+$0x0]  }
0x2b: {  	v4 =	vld [tilespmem:s6+$0x88];
	_ =	sdelay $0x3  }
0x2c: {  	v3 =	vtrunc.f32 v3  }
0x2d: {  	v4 =	vtrunc.f32 v4;
	v3 =	vcvt.f32.s32 v3  }
0x2e: {  	v4 =	vcvt.f32.s32 v4  }
0x2f: {  	vm1 =	vgt.s32 v3, $0x0  }
0x30: {  	v3 =	vnsel vm1, $0x0, v3;
	vm1 =	vgt.s32 v4, $0x0  }
0x31: {  	v3 =	vmin.u32 v3, $0x3E7;
	v4 =	vnsel vm1, $0x0, v4  }
0x32: {  	v3 =	vadd.s32 v0, v3;
	v4 =	vmin.u32 v4, $0x3E7  }
0x33: {  	v4 =	vadd.s32 v0, v4;
	[tilespmem:$0x220] =	vst v3  }
0x34: {  	[tilespmem:$0x2A0] =	vst v4  }
0x35: {  	v5 =	vld [tilespmem:s6+$0x10]  }
0x36: {  	v6 =	vld [tilespmem:s6+$0x98];
	_ =	sdelay $0x3  }
0x37: {  	v5 =	vtrunc.f32 v5  }
0x38: {  	v6 =	vtrunc.f32 v6;
	v5 =	vcvt.f32.s32 v5  }
0x39: {  	v6 =	vcvt.f32.s32 v6  }
0x3a: {  	vm1 =	vgt.s32 v5, $0x0  }
0x3b: {  	v5 =	vnsel vm1, $0x0, v5;
	vm1 =	vgt.s32 v6, $0x0  }
0x3c: {  	v5 =	vmin.u32 v5, $0x3E7;
	v6 =	vnsel vm1, $0x0, v6  }
0x3d: {  	v5 =	vadd.s32 v0, v5;
	v6 =	vmin.u32 v6, $0x3E7  }
0x3e: {  	v6 =	vadd.s32 v0, v6;
	[tilespmem:$0x230] =	vst v5  }
0x3f: {  	[tilespmem:$0x2B0] =	vst v6  }
0x40: {  	v7 =	vld [tilespmem:s6+$0x20]  }
0x41: {  	v8 =	vld [tilespmem:s6+$0xA8];
	_ =	sdelay $0x3  }
0x42: {  	v7 =	vtrunc.f32 v7  }
0x43: {  	v8 =	vtrunc.f32 v8;
	v7 =	vcvt.f32.s32 v7  }
0x44: {  	v8 =	vcvt.f32.s32 v8  }
0x45: {  	vm1 =	vgt.s32 v7, $0x0  }
0x46: {  	v7 =	vnsel vm1, $0x0, v7;
	vm1 =	vgt.s32 v8, $0x0  }
0x47: {  	v7 =	vmin.u32 v7, $0x3E7;
	v8 =	vnsel vm1, $0x0, v8  }
0x48: {  	v7 =	vadd.s32 v0, v7;
	v8 =	vmin.u32 v8, $0x3E7  }
0x49: {  	v8 =	vadd.s32 v0, v8;
	[tilespmem:$0x240] =	vst v7  }
0x4a: {  	[tilespmem:$0x2C0] =	vst v8  }
0x4b: {  	v9 =	vld [tilespmem:s6+$0x30]  }
0x4c: {  	v10 =	vld [tilespmem:s6+$0xB8];
	_ =	sdelay $0x3  }
0x4d: {  	v9 =	vtrunc.f32 v9  }
0x4e: {  	v10 =	vtrunc.f32 v10;
	v9 =	vcvt.f32.s32 v9  }
0x4f: {  	v10 =	vcvt.f32.s32 v10  }
0x50: {  	vm1 =	vgt.s32 v9, $0x0  }
0x51: {  	v9 =	vnsel vm1, $0x0, v9;
	vm1 =	vgt.s32 v10, $0x0  }
0x52: {  	v9 =	vmin.u32 v9, $0x3E7;
	v10 =	vnsel vm1, $0x0, v10  }
0x53: {  	v9 =	vadd.s32 v0, v9;
	v10 =	vmin.u32 v10, $0x3E7  }
0x54: {  	v10 =	vadd.s32 v0, v10;
	[tilespmem:$0x250] =	vst v9  }
0x55: {  	[tilespmem:$0x2D0] =	vst v10  }
0x56: {  	v11 =	vld [tilespmem:s6+$0x40]  }
0x57: {  	v12 =	vld [tilespmem:s6+$0xC8];
	_ =	sdelay $0x3  }
0x58: {  	v11 =	vtrunc.f32 v11  }
0x59: {  	v12 =	vtrunc.f32 v12;
	v11 =	vcvt.f32.s32 v11  }
0x5a: {  	v12 =	vcvt.f32.s32 v12  }
0x5b: {  	vm1 =	vgt.s32 v11, $0x0  }
0x5c: {  	v11 =	vnsel vm1, $0x0, v11;
	vm1 =	vgt.s32 v12, $0x0  }
0x5d: {  	v11 =	vmin.u32 v11, $0x3E7;
	v12 =	vnsel vm1, $0x0, v12  }
0x5e: {  	v11 =	vadd.s32 v0, v11;
	v12 =	vmin.u32 v12, $0x3E7  }
0x5f: {  	v12 =	vadd.s32 v0, v12;
	[tilespmem:$0x260] =	vst v11  }
0x60: {  	[tilespmem:$0x2E0] =	vst v12  }
0x61: {  	v13 =	vld [tilespmem:s6+$0x50]  }
0x62: {  	v14 =	vld [tilespmem:s6+$0xD8];
	_ =	sdelay $0x3  }
0x63: {  	v13 =	vtrunc.f32 v13  }
0x64: {  	v14 =	vtrunc.f32 v14;
	v13 =	vcvt.f32.s32 v13  }
0x65: {  	v14 =	vcvt.f32.s32 v14  }
0x66: {  	vm1 =	vgt.s32 v13, $0x0  }
0x67: {  	v13 =	vnsel vm1, $0x0, v13;
	vm1 =	vgt.s32 v14, $0x0  }
0x68: {  	v13 =	vmin.u32 v13, $0x3E7;
	v14 =	vnsel vm1, $0x0, v14  }
0x69: {  	v13 =	vadd.s32 v0, v13;
	v14 =	vmin.u32 v14, $0x3E7  }
0x6a: {  	v14 =	vadd.s32 v0, v14;
	[tilespmem:$0x270] =	vst v13  }
0x6b: {  	[tilespmem:$0x2F0] =	vst v14  }
0x6c: {  	v15 =	vld [tilespmem:s6+$0x60]  }
0x6d: {  	v16 =	vld [tilespmem:s6+$0xE8];
	_ =	sdelay $0x3  }
0x6e: {  	v15 =	vtrunc.f32 v15  }
0x6f: {  	v16 =	vtrunc.f32 v16;
	v15 =	vcvt.f32.s32 v15  }
0x70: {  	v16 =	vcvt.f32.s32 v16  }
0x71: {  	vm1 =	vgt.s32 v15, $0x0  }
0x72: {  	v15 =	vnsel vm1, $0x0, v15;
	vm1 =	vgt.s32 v16, $0x0  }
0x73: {  	v15 =	vmin.u32 v15, $0x3E7;
	v16 =	vnsel vm1, $0x0, v16  }
0x74: {  	v15 =	vadd.s32 v0, v15;
	v16 =	vmin.u32 v16, $0x3E7  }
0x75: {  	v16 =	vadd.s32 v0, v16;
	[tilespmem:$0x280] =	vst v15  }
0x76: {  	v17 =	vbroadcast v3, $0x0;
	v18 =	vbroadcast v4, $0x0;
	[tilespmem:$0x300] =	vst v16  }
0x77: {  	v19 =	vld [tilespmem:s6+$0x70]  }
0x78: {  	vm4 =	veq.s32 v3, v17;
	vm5 =	veq.s32 v4, v18;
	v61 =	vld [tilespmem:s6+$0xF8]  }
0x79: {  	vm4 =	vmand vm4, vm5;
	vm3 =	veq.s32 v7, v17;
	vm6 =	veq.s32 v8, v18  }
0x7a: {  	vm2 =	veq.s32 v6, v18;
	vm3 =	vmand vm3, vm6;
	vm14 =	veq.s32 v10, v18  }
0x7b: {  	vm15 =	veq.s32 v11, v17;
	vm9 =	veq.s32 v12, v18;
	vm1 =	veq.s32 v5, v17  }
0x7c: {  	vm10 =	veq.s32 v14, v18;
	vm1 =	vmand vm1, vm2;
	vm2 =	veq.s32 v9, v17  }
0x7d: {  	vm1 =	vmand vm4, vm1;
	v62 =	vtrunc.f32 v19;
	v5 =	vtrunc.f32 v61  }
0x7e: {  	vm2 =	vmand vm2, vm14;
	v6 =	vcvt.f32.s32 v62;
	v5 =	vcvt.f32.s32 v5  }
0x7f: {  	vm13 =	veq.s32 v15, v17;
	vm1 =	vmand vm1, vm3;
	vm3 =	veq.s32 v13, v17  }
0x80: {  	vm14 =	veq.s32 v16, v18;
	vm11 =	vgt.s32 v6, $0x0;
	vm12 =	vgt.s32 v5, $0x0  }
0x81: {  	vm1 =	vmand vm1, vm2;
	v6 =	vnsel vm11, $0x0, v6;
	v5 =	vnsel vm12, $0x0, v5  }
0x82: {  	vm2 =	vmand vm15, vm9;
	v6 =	vmin.u32 v6, $0x3E7;
	v5 =	vmin.u32 v5, $0x3E7  }
0x83: {  	vm1 =	vmand vm1, vm2;
	v6 =	vadd.s32 v0, v6;
	v5 =	vadd.s32 v0, v5  }
0x84: {  	vm2 =	vmand vm3, vm10;
	vm3 =	veq.s32 v6, v17;
	vm15 =	veq.s32 v5, v18  }
0x85: {  	vm1 =	vmand vm1, vm2;
	vm2 =	vmand vm13, vm14;
	vm3 =	vmand vm3, vm15  }
0x86: {  	vm1 =	vmand vm1, vm2;
	vm2 =	vmor vm3, vm0  }
0x87: {  	vm1 =	vmand vm1, vm2  }
0x88: {  	v63 =	vsel vm1, $0x3F800000, v2  }
0x89: {  	(xrf0) =	vmin.scan.msk.f32 $0xffff, v63;
	_ =	sdelay $0x5  }
0x8a: {  	v7, _, _ =	vpop (xrf0)  }
0x8b: {  	(v2sf) =	vpush v7, $0xF;
	_ =	sdelay $0xe  }
0x8c: {  	s30 =	spop (v2sf)  }
0x8d: {  	p0 =	sgt.f32 s30, $0.0e+00;
	_ =	sdelay $0x1  }
0x8e: {  	(v2sf) =	vpush @p0 v4, $0x0  }
0x8f: {  	(v2sf) =	vpush @p0 v3, $0x0;
	_ =	sdelay $0x8  }
0x90: {  	[tilespmem:$0x290] =	vst v6  }
0x91: {  	[tilespmem:$0x310] =	vst v5;
	s0 =	simm.s32 @!p0 $0x80;
	s2 =	simm.s32 @!p0 $0x220;
	s10 =	simm.s32 @!p0 $0x420  }
0x92: {  	[tilespmem:s10], [sflag:$0x3] =	stream.indirect.gather @!p0 [hbm4b:s1+s0], $0x80, s2, s0, $0xb8;
	[tilespmem:$0x10420] =	vst v63  }
0x93: {  	s11 =	simm.s32 @!p0 $0x8420;
	s10 =	simm.s32 @!p0 $0x2A0  }
0x94: {  	[tilespmem:s11], [sflag:$0x5] =	stream.indirect.gather @!p0 [hbm4b:s1+s0], $0x80, s10, s0, $0xb8;
	[tilespmem:$0x10420] =	vst v63  }
0x95: {  	s2 =	spop @p0 (v2sf)  }
0x96: {  	s0 =	spop @p0 (v2sf)  }
0x97: {  	s10 =	simm.s32 @p0 $0x0;
	s0 =	sshll.u32 @p0 s0, $0x4  }
.Ltmp2:
0x98: {  	s11 =	simm.s32 @p0 $0x420;
	s0 =	sadd.s32 @p0 s1, s0;
	(pc) =	sbr.rel .LBB2_2-.Ltmp2, $4  }
0x99: {  	[tilespmem:s11], [sflag:$0x3] =	stream.linear.gather @p0 [hbm4b:s0+s10], $0x80, $0x38;
	[tilespmem:$0x10420] =	vst v63  }
0x9a: {  	s0 =	sshll.u32 @p0 s2, $0x4  }
0x9b: {  	s31 =	simm.s32 $0x0;
	s2 =	simm.s32 @p0 $0x8420;
	s0 =	sadd.s32 @p0 s1, s0  }
0x9c: {  	[tilespmem:s2], [sflag:$0x5] =	stream.linear.gather @p0 [hbm4b:s0+s10], $0x80, $0x38;
	[tilespmem:$0x10420] =	vst v63  }
.LBB2_12:
0x9d: {  	[tilespmem:s0+$0xFFFFFF10] =	vst v10  }
0x9e: {  	[tilespmem:$0x8220] =	vst v5  }
0x9f: {  	[tilespmem:$0x8230] =	vst v10  }
0xa0: {  	[tilespmem:$0x8240] =	vst v9  }
0xa1: {  	[tilespmem:$0x8250] =	vst v8  }
0xa2: {  	[tilespmem:$0x8260] =	vst v7  }
0xa3: {  	[tilespmem:$0x8270] =	vst v6  }
0xa4: {  	[tilespmem:$0x8280] =	vst v4  }
.LBB2_16:
0xa5: {  	p1 =	sne.s32 s31, $0x1F  }
.Ltmp3:
0xa6: {  	_ = 	snop;
	(pc) =	sbr.rel @!p1 .LBB2_17-.Ltmp3, $4  }
0xa7: {  	s0 =	sshll.u32 s30, $0x4  }
0xa8: {  	s0 =	sand.u32 $0x1FFFFFF0, s0  }
0xa9: {  	[tilespmem:$0x8290] =	vst v3;
	s0 =	sadd.s32 s7, s0  }
0xaa: {  	[hbm4b:s0+s5] =	stream.linear.scatter [tilespmem:s26], [sflag:$0x8], $0x3E80, $0x38;
	[tilespmem:$0x10420] =	vst v63  }
.LBB2_2:
0xab: {  	s0 =	sor.u32 s8, s31  }
0xac: {  	s0 =	smul.u32 $0x3E8, s0;
	_ =	sdelay $0x1  }
0xad: {  	_ =	swait.ge [sflag:s19], $0x110;
	s2 =	sadd.s32 s4, s0  }
0xae: {  	[sflag:s19] =	ssyncset.done $0x0;
	s30 =	sadd.s32 $0x7D, s2  }
0xaf: {  	[sflag:s19] =	ssyncadd.s32 $0xFFFFFEF0;
	s10 =	sand.u32 $0x7, s30  }
0xb0: {  	v3 =	vld [tilespmem:s10+$0x110]  }
0xb1: {  	v4 =	vld [tilespmem:s10+$0x198];
	_ =	sdelay $0x3  }
0xb2: {  	v3 =	vtrunc.f32 v3  }
0xb3: {  	v4 =	vtrunc.f32 v4;
	v3 =	vcvt.f32.s32 v3  }
0xb4: {  	v4 =	vcvt.f32.s32 v4  }
0xb5: {  	vm1 =	vgt.s32 v3, $0x0  }
0xb6: {  	v3 =	vnsel vm1, $0x0, v3;
	vm1 =	vgt.s32 v4, $0x0  }
0xb7: {  	v3 =	vmin.u32 v3, $0x3E7;
	v4 =	vnsel vm1, $0x0, v4  }
0xb8: {  	v3 =	vadd.s32 s0, v3;
	v4 =	vmin.u32 v4, $0x3E7  }
0xb9: {  	v4 =	vadd.s32 s0, v4;
	[tilespmem:$0x320] =	vst v3  }
0xba: {  	[tilespmem:$0x3A0] =	vst v4  }
0xbb: {  	v5 =	vld [tilespmem:s10+$0x120]  }
0xbc: {  	v6 =	vld [tilespmem:s10+$0x1A8];
	_ =	sdelay $0x3  }
0xbd: {  	v5 =	vtrunc.f32 v5  }
0xbe: {  	v6 =	vtrunc.f32 v6;
	v5 =	vcvt.f32.s32 v5  }
0xbf: {  	v6 =	vcvt.f32.s32 v6  }
0xc0: {  	vm1 =	vgt.s32 v5, $0x0  }
0xc1: {  	v5 =	vnsel vm1, $0x0, v5;
	vm1 =	vgt.s32 v6, $0x0  }
0xc2: {  	v5 =	vmin.u32 v5, $0x3E7;
	v6 =	vnsel vm1, $0x0, v6  }
0xc3: {  	v5 =	vadd.s32 s0, v5;
	v6 =	vmin.u32 v6, $0x3E7  }
0xc4: {  	v6 =	vadd.s32 s0, v6;
	[tilespmem:$0x330] =	vst v5  }
0xc5: {  	[tilespmem:$0x3B0] =	vst v6  }
0xc6: {  	v7 =	vld [tilespmem:s10+$0x130]  }
0xc7: {  	v8 =	vld [tilespmem:s10+$0x1B8];
	_ =	sdelay $0x3  }
0xc8: {  	v7 =	vtrunc.f32 v7  }
0xc9: {  	v8 =	vtrunc.f32 v8;
	v7 =	vcvt.f32.s32 v7  }
0xca: {  	v8 =	vcvt.f32.s32 v8  }
0xcb: {  	vm1 =	vgt.s32 v7, $0x0  }
0xcc: {  	v7 =	vnsel vm1, $0x0, v7;
	vm1 =	vgt.s32 v8, $0x0  }
0xcd: {  	v7 =	vmin.u32 v7, $0x3E7;
	v8 =	vnsel vm1, $0x0, v8  }
0xce: {  	v7 =	vadd.s32 s0, v7;
	v8 =	vmin.u32 v8, $0x3E7  }
0xcf: {  	v8 =	vadd.s32 s0, v8;
	[tilespmem:$0x340] =	vst v7  }
0xd0: {  	[tilespmem:$0x3C0] =	vst v8  }
0xd1: {  	v9 =	vld [tilespmem:s10+$0x140]  }
0xd2: {  	v10 =	vld [tilespmem:s10+$0x1C8];
	_ =	sdelay $0x3  }
0xd3: {  	v9 =	vtrunc.f32 v9  }
0xd4: {  	v10 =	vtrunc.f32 v10;
	v9 =	vcvt.f32.s32 v9  }
0xd5: {  	v10 =	vcvt.f32.s32 v10  }
0xd6: {  	vm1 =	vgt.s32 v9, $0x0  }
0xd7: {  	v9 =	vnsel vm1, $0x0, v9;
	vm1 =	vgt.s32 v10, $0x0  }
0xd8: {  	v9 =	vmin.u32 v9, $0x3E7;
	v10 =	vnsel vm1, $0x0, v10  }
0xd9: {  	v9 =	vadd.s32 s0, v9;
	v10 =	vmin.u32 v10, $0x3E7  }
0xda: {  	v10 =	vadd.s32 s0, v10;
	[tilespmem:$0x350] =	vst v9  }
0xdb: {  	[tilespmem:$0x3D0] =	vst v10  }
0xdc: {  	v11 =	vld [tilespmem:s10+$0x150]  }
0xdd: {  	v12 =	vld [tilespmem:s10+$0x1D8];
	_ =	sdelay $0x3  }
0xde: {  	v11 =	vtrunc.f32 v11  }
0xdf: {  	v12 =	vtrunc.f32 v12;
	v11 =	vcvt.f32.s32 v11  }
0xe0: {  	v12 =	vcvt.f32.s32 v12  }
0xe1: {  	vm1 =	vgt.s32 v11, $0x0  }
0xe2: {  	v11 =	vnsel vm1, $0x0, v11;
	vm1 =	vgt.s32 v12, $0x0  }
0xe3: {  	v11 =	vmin.u32 v11, $0x3E7;
	v12 =	vnsel vm1, $0x0, v12  }
0xe4: {  	v11 =	vadd.s32 s0, v11;
	v12 =	vmin.u32 v12, $0x3E7  }
0xe5: {  	v12 =	vadd.s32 s0, v12;
	[tilespmem:$0x360] =	vst v11  }
0xe6: {  	[tilespmem:$0x3E0] =	vst v12  }
0xe7: {  	v13 =	vld [tilespmem:s10+$0x160]  }
0xe8: {  	v14 =	vld [tilespmem:s10+$0x1E8];
	_ =	sdelay $0x3  }
0xe9: {  	v13 =	vtrunc.f32 v13  }
0xea: {  	v14 =	vtrunc.f32 v14;
	v13 =	vcvt.f32.s32 v13  }
0xeb: {  	v14 =	vcvt.f32.s32 v14  }
0xec: {  	vm1 =	vgt.s32 v13, $0x0  }
0xed: {  	v13 =	vnsel vm1, $0x0, v13;
	vm1 =	vgt.s32 v14, $0x0  }
0xee: {  	v13 =	vmin.u32 v13, $0x3E7;
	v14 =	vnsel vm1, $0x0, v14  }
0xef: {  	v13 =	vadd.s32 s0, v13;
	v14 =	vmin.u32 v14, $0x3E7  }
0xf0: {  	v14 =	vadd.s32 s0, v14;
	[tilespmem:$0x370] =	vst v13  }
0xf1: {  	[tilespmem:$0x3F0] =	vst v14  }
0xf2: {  	v15 =	vld [tilespmem:s10+$0x170]  }
0xf3: {  	v16 =	vld [tilespmem:s10+$0x1F8];
	_ =	sdelay $0x3  }
0xf4: {  	v15 =	vtrunc.f32 v15  }
0xf5: {  	v16 =	vtrunc.f32 v16;
	v15 =	vcvt.f32.s32 v15  }
0xf6: {  	v16 =	vcvt.f32.s32 v16  }
0xf7: {  	vm1 =	vgt.s32 v15, $0x0  }
0xf8: {  	v15 =	vnsel vm1, $0x0, v15;
	vm1 =	vgt.s32 v16, $0x0  }
0xf9: {  	v15 =	vmin.u32 v15, $0x3E7;
	v16 =	vnsel vm1, $0x0, v16  }
0xfa: {  	v15 =	vadd.s32 s0, v15;
	v16 =	vmin.u32 v16, $0x3E7  }
0xfb: {  	v16 =	vadd.s32 s0, v16;
	[tilespmem:$0x380] =	vst v15  }
0xfc: {  	v17 =	vbroadcast v3, $0x0;
	v18 =	vbroadcast v4, $0x0;
	[tilespmem:$0x400] =	vst v16  }
0xfd: {  	v19 =	vld [tilespmem:s10+$0x180]  }
0xfe: {  	vm4 =	veq.s32 v3, v17;
	vm5 =	veq.s32 v4, v18;
	v61 =	vld [tilespmem:s10+$0x208]  }
0xff: {  	vm4 =	vmand vm4, vm5;
	vm3 =	veq.s32 v7, v17;
	vm6 =	veq.s32 v8, v18  }
0x100: {  	vm2 =	veq.s32 v6, v18;
	vm3 =	vmand vm3, vm6;
	vm14 =	veq.s32 v10, v18  }
0x101: {  	vm15 =	veq.s32 v11, v17;
	vm9 =	veq.s32 v12, v18;
	vm1 =	veq.s32 v5, v17  }
0x102: {  	vm10 =	veq.s32 v14, v18;
	vm1 =	vmand vm1, vm2;
	vm2 =	veq.s32 v9, v17  }
0x103: {  	vm1 =	vmand vm4, vm1;
	v62 =	vtrunc.f32 v19;
	v5 =	vtrunc.f32 v61  }
0x104: {  	vm2 =	vmand vm2, vm14;
	v6 =	vcvt.f32.s32 v62;
	v5 =	vcvt.f32.s32 v5  }
0x105: {  	vm13 =	veq.s32 v15, v17;
	vm1 =	vmand vm1, vm3;
	vm3 =	veq.s32 v13, v17  }
0x106: {  	vm14 =	veq.s32 v16, v18;
	vm11 =	vgt.s32 v6, $0x0;
	vm12 =	vgt.s32 v5, $0x0  }
0x107: {  	vm1 =	vmand vm1, vm2;
	v6 =	vnsel vm11, $0x0, v6;
	v5 =	vnsel vm12, $0x0, v5  }
0x108: {  	vm2 =	vmand vm15, vm9;
	v6 =	vmin.u32 v6, $0x3E7;
	v5 =	vmin.u32 v5, $0x3E7  }
0x109: {  	vm3 =	vmand vm3, vm10;
	v6 =	vadd.s32 s0, v6;
	v5 =	vadd.s32 s0, v5  }
0x10a: {  	vm1 =	vmand vm1, vm2;
	vm2 =	veq.s32 v6, v17;
	vm15 =	veq.s32 v5, v18  }
0x10b: {  	vm1 =	vmand vm1, vm3;
	vm3 =	vmand vm13, vm14;
	vm2 =	vmand vm2, vm15  }
0x10c: {  	vm1 =	vmand vm1, vm3;
	vm2 =	vmor vm2, vm0  }
0x10d: {  	vm1 =	vmand vm1, vm2  }
0x10e: {  	v63 =	vsel vm1, $0x3F800000, v2  }
0x10f: {  	(xrf0) =	vmin.scan.msk.f32 $0xffff, v63;
	_ =	sdelay $0x3  }
0x110: {  	(v2sf) =	vpush v3, $0x0;
	_ =	sdelay $0x1  }
0x111: {  	(v2sf) =	vpush v4, $0x0;
	v3, _, _ =	vpop (xrf0)  }
0x112: {  	(v2sf) =	vpush v3, $0xF;
	_ =	sdelay $0x5  }
0x113: {  	s11 =	smov.u32 s31;
	s31 =	sadd.s32 $0x1, s31  }
0x114: {  	s15 =	sadd.s32 s8, s31  }
0x115: {  	s10 =	smul.u32 $0x3E8, s15;
	_ =	sdelay $0x1  }
0x116: {  	s0 =	sadd.s32 s4, s10  }
0x117: {  	[tilespmem:$0x390] =	vst v6;
	s13 =	sshrl.u32 s0, $0x3  }
0x118: {  	s14 =	spop (v2sf);
	[tilespmem:$0x410] =	vst v5;
	s13 =	sadd.s32 s3, s13  }
0x119: {  	[tilespmem:s5], [sflag:$0x1] =	stream.strided.gather [hbm4b:s13+s16], $0x110, s17, s16, $0x38;
	[tilespmem:$0x10420] =	vst v63  }
0x11a: {  	p2 =	seq.s32 s11, $0x0;
	s13 =	spop (v2sf)  }
0x11b: {  	s15 =	simm.s32 @!p2 $0x8;
	s28 =	spop (v2sf)  }
0x11c: {  	_ =	swait.ge @!p2 [sflag:s15], $0x3E80  }
0x11d: {  	p1 =	sgt.f32 s28, $0.0e+00;
	[sflag:s15] =	ssyncset.done @!p2 $0x0  }
0x11e: {  	[sflag:s15] =	ssyncadd.s32 @!p2 $0xFFFFC180  }
0x11f: {  	s11 =	simm.s32 @!p1 $0x80;
	s15 =	simm.s32 @!p1 $0x320;
	s28 =	simm.s32 @!p1 $0x4420  }
0x120: {  	[tilespmem:s28], [sflag:$0x4] =	stream.indirect.gather @!p1 [hbm4b:s1+s11], $0x80, s15, s11, $0xb8;
	[tilespmem:$0x10420] =	vst v63  }
0x121: {  	s15 =	simm.s32 @!p1 $0x3A0;
	s28 =	simm.s32 @!p1 $0xC420  }
0x122: {  	[tilespmem:s28], [sflag:$0x6] =	stream.indirect.gather @!p1 [hbm4b:s1+s11], $0x80, s15, s11, $0xb8;
	[tilespmem:$0x10420] =	vst v63  }
0x123: {  	s11 =	sshll.u32 @p1 s14, $0x4  }
0x124: {  	s11 =	sand.u32 @p1 $0x1FFFFFF0, s11  }
0x125: {  	s14 =	simm.s32 @p1 $0x0;
	s15 =	simm.s32 @p1 $0x4420;
	s11 =	sadd.s32 @p1 s1, s11  }
0x126: {  	[tilespmem:s15], [sflag:$0x4] =	stream.linear.gather @p1 [hbm4b:s11+s14], $0x80, $0x38;
	[tilespmem:$0x10420] =	vst v63  }
.Ltmp4:
0x127: {  	_ = 	snop;
	(pc) =	sbr.rel @!p0 .LBB2_6-.Ltmp4, $4  }
0x128: {  	s11 =	sshll.u32 @p1 s13, $0x4  }
0x129: {  	s11 =	sand.u32 @p1 $0x1FFFFFF0, s11  }
0x12a: {  	s13 =	simm.s32 @p1 $0xC420;
	s11 =	sadd.s32 @p1 s1, s11  }
0x12b: {  	[tilespmem:s13], [sflag:$0x6] =	stream.linear.gather @p1 [hbm4b:s11+s14], $0x80, $0x38;
	[tilespmem:$0x10420] =	vst v63  }
0x12c: {  	_ =	swait.ge [sflag:s20], $0x80  }
0x12d: {  	[sflag:s20] =	ssyncset.done $0x0  }
0x12e: {  	[sflag:s20] =	ssyncadd.s32 $0xFFFFFF80  }
0x12f: {  	_ =	swait.ge [sflag:s21], $0x80  }
0x130: {  	[sflag:s21] =	ssyncset.done $0x0  }
0x131: {  	[sflag:s21] =	ssyncadd.s32 $0xFFFFFF80  }
0x132: {  	v3 =	vld [tilespmem:$0x420]  }
0x133: {  	v4 =	vld [tilespmem:$0x8420]  }
0x134: {  	v10 =	vld [tilespmem:$0x430]  }
0x135: {  	v9 =	vld [tilespmem:$0x440]  }
0x136: {  	v8 =	vld [tilespmem:$0x450]  }
0x137: {  	v7 =	vld [tilespmem:$0x460]  }
0x138: {  	v6 =	vld [tilespmem:$0x470]  }
0x139: {  	v12 =	vld [tilespmem:$0x480]  }
0x13a: {  	v13 =	vld [tilespmem:$0x490]  }
0x13b: {  	v14 =	vld [tilespmem:$0x8490]  }
0x13c: {  	v15 =	vld [tilespmem:$0x8480]  }
0x13d: {  	v16 =	vld [tilespmem:$0x8470]  }
0x13e: {  	v17 =	vld [tilespmem:$0x8460]  }
0x13f: {  	v18 =	vld [tilespmem:$0x8450];
	v5 =	vadd.f32 v4, v3  }
0x140: {  	s11 =	simm.s32 $0x520;
	v63 =	vld [tilespmem:$0x8440];
	v3 =	vadd.f32 v14, v13  }
0x141: {  	v11 =	vld [tilespmem:$0x8430];
	v4 =	vadd.f32 v15, v12;
	[tilespmem:s11+$0xFFFFFF00] =	vst v5  }
0x142: {  	v6 =	vadd.f32 v16, v6;
	[tilespmem:s11+$0xF0] =	vst v3  }
0x143: {  	v7 =	vadd.f32 v17, v7;
	[tilespmem:s11+$0xE0] =	vst v4  }
0x144: {  	v8 =	vadd.f32 v18, v8;
	[tilespmem:s11+$0xD0] =	vst v6  }
0x145: {  	v9 =	vadd.f32 v63, v9;
	[tilespmem:s11+$0xC0] =	vst v7  }
0x146: {  	v10 =	vadd.f32 v11, v10;
	[tilespmem:s11+$0xB0] =	vst v8  }
0x147: {  	[tilespmem:s11+$0xA0] =	vst v9  }
0x148: {  	[tilespmem:s11+$0x90] =	vst v10  }
0x149: {  	[tilespmem:s11+$0x80] =	vst v5  }
0x14a: {  	[tilespmem:s11+$0x70] =	vst v3  }
0x14b: {  	[tilespmem:s11+$0x60] =	vst v4  }
0x14c: {  	[tilespmem:s11+$0x50] =	vst v6  }
0x14d: {  	[tilespmem:s11+$0x40] =	vst v7  }
0x14e: {  	[tilespmem:s11+$0x30] =	vst v8  }
0x14f: {  	[tilespmem:s11+$0x20] =	vst v9  }
0x150: {  	[tilespmem:s11+$0x10] =	vst v10  }
0x151: {  	[tilespmem:s11+$0x0] =	vst v5  }
0x152: {  	[tilespmem:s11+$0xFFFFFFF0] =	vst v3  }
0x153: {  	[tilespmem:s11+$0xFFFFFFE0] =	vst v4  }
0x154: {  	[tilespmem:s11+$0xFFFFFFD0] =	vst v6  }
0x155: {  	[tilespmem:s11+$0xFFFFFFC0] =	vst v7  }
0x156: {  	[tilespmem:s11+$0xFFFFFFB0] =	vst v8  }
0x157: {  	[tilespmem:s11+$0xFFFFFFA0] =	vst v9  }
0x158: {  	[tilespmem:s11+$0xFFFFFF90] =	vst v10  }
0x159: {  	[tilespmem:s11+$0xFFFFFF80] =	vst v5  }
0x15a: {  	[tilespmem:s11+$0xFFFFFF70] =	vst v3  }
0x15b: {  	[tilespmem:s11+$0xFFFFFF60] =	vst v4  }
0x15c: {  	[tilespmem:s11+$0xFFFFFF50] =	vst v6  }
0x15d: {  	[tilespmem:s11+$0xFFFFFF40] =	vst v7  }
0x15e: {  	[tilespmem:s11+$0xFFFFFF30] =	vst v8  }
0x15f: {  	s13 =	simm.s32 $0x0;
	[tilespmem:s11+$0xFFFFFF20] =	vst v9  }
.LBB2_4:
0x160: {  	s13 =	sadd.s32 $0x4, s13;
	[tilespmem:s11+$0xFFFFFF10] =	vst v10;
	s11 =	sadd.s32 $0x200, s11  }
0x161: {  	[tilespmem:s11+$0xFFFFFF00] =	vst v5;
	p0 =	slt.u32 s13, $0x78  }
0x162: {  	[tilespmem:s11+$0xF0] =	vst v3  }
0x163: {  	[tilespmem:s11+$0xE0] =	vst v4  }
0x164: {  	[tilespmem:s11+$0xD0] =	vst v6  }
0x165: {  	[tilespmem:s11+$0xC0] =	vst v7  }
0x166: {  	[tilespmem:s11+$0xB0] =	vst v8  }
0x167: {  	[tilespmem:s11+$0xA0] =	vst v9  }
0x168: {  	[tilespmem:s11+$0x90] =	vst v10  }
0x169: {  	[tilespmem:s11+$0x80] =	vst v5  }
0x16a: {  	[tilespmem:s11+$0x70] =	vst v3  }
0x16b: {  	[tilespmem:s11+$0x60] =	vst v4  }
0x16c: {  	[tilespmem:s11+$0x50] =	vst v6  }
0x16d: {  	[tilespmem:s11+$0x40] =	vst v7  }
0x16e: {  	[tilespmem:s11+$0x30] =	vst v8  }
0x16f: {  	[tilespmem:s11+$0x20] =	vst v9  }
0x170: {  	[tilespmem:s11+$0x10] =	vst v10  }
0x171: {  	[tilespmem:s11+$0x0] =	vst v5  }
0x172: {  	[tilespmem:s11+$0xFFFFFFF0] =	vst v3  }
0x173: {  	[tilespmem:s11+$0xFFFFFFE0] =	vst v4  }
0x174: {  	[tilespmem:s11+$0xFFFFFFD0] =	vst v6  }
0x175: {  	[tilespmem:s11+$0xFFFFFFC0] =	vst v7  }
0x176: {  	[tilespmem:s11+$0xFFFFFFB0] =	vst v8  }
0x177: {  	[tilespmem:s11+$0xFFFFFFA0] =	vst v9  }
0x178: {  	[tilespmem:s11+$0xFFFFFF90] =	vst v10  }
0x179: {  	[tilespmem:s11+$0xFFFFFF80] =	vst v5  }
0x17a: {  	[tilespmem:s11+$0xFFFFFF70] =	vst v3  }
.Ltmp5:
0x17b: {  	[tilespmem:s11+$0xFFFFFF60] =	vst v4;
	(pc) =	sbr.rel @p0 .LBB2_4-.Ltmp5, $4  }
0x17c: {  	[tilespmem:s11+$0xFFFFFF50] =	vst v6  }
0x17d: {  	[tilespmem:s11+$0xFFFFFF40] =	vst v7  }
0x17e: {  	[tilespmem:s11+$0xFFFFFF30] =	vst v8  }
0x17f: {  	[tilespmem:s11+$0xFFFFFF20] =	vst v9  }
0x180: {  	[tilespmem:s11+$0xFFFFFF10] =	vst v10  }
0x181: {  	[tilespmem:$0x4220] =	vst v5  }
0x182: {  	[tilespmem:$0x4230] =	vst v10  }
.Ltmp6:
0x183: {  	[tilespmem:$0x4240] =	vst v9;
	(pc) =	sbr.rel .LBB2_9-.Ltmp6, $4  }
0x184: {  	[tilespmem:$0x4250] =	vst v8  }
0x185: {  	[tilespmem:$0x4260] =	vst v7  }
0x186: {  	[tilespmem:$0x4270] =	vst v6  }
0x187: {  	[tilespmem:$0x4280] =	vst v4  }
.LBB2_6:
0x188: {  	_ =	swait.ge [sflag:s20], $0x4000  }
0x189: {  	[sflag:s20] =	ssyncset.done $0x0  }
0x18a: {  	[sflag:s20] =	ssyncadd.s32 $0xFFFFC000  }
0x18b: {  	_ =	swait.ge [sflag:s21], $0x4000  }
0x18c: {  	[sflag:s21] =	ssyncset.done $0x0  }
0x18d: {  	s11 =	simm.s32 $0x520;
	[sflag:s21] =	ssyncadd.s32 $0xFFFFC000  }
0x18e: {  	s13 =	simm.s32 $0x8520;
	v3 =	vld [tilespmem:s11+$0x80]  }
0x18f: {  	v4 =	vld [tilespmem:s13+$0x80]  }
0x190: {  	v5 =	vld [tilespmem:s11+$0xFFFFFF80]  }
0x191: {  	v6 =	vld [tilespmem:s13+$0xFFFFFF80]  }
0x192: {  	v7 =	vld [tilespmem:s11+$0x0]  }
0x193: {  	v8 =	vld [tilespmem:s13+$0x0]  }
0x194: {  	v9 =	vld [tilespmem:s11+$0xFFFFFF00];
	v3 =	vadd.f32 v4, v3  }
0x195: {  	v4 =	vld [tilespmem:s13+$0xFFFFFF00]  }
0x196: {  	[tilespmem:s11+$0x80] =	vst v3;
	v3 =	vld [tilespmem:s11+$0x90]  }
0x197: {  	v5 =	vadd.f32 v6, v5;
	v6 =	vld [tilespmem:s13+$0x90]  }
0x198: {  	v10 =	vld [tilespmem:s11+$0xFFFFFF10]  }
0x199: {  	[tilespmem:s11+$0xFFFFFF80] =	vst v5;
	v5 =	vadd.f32 v8, v7;
	v7 =	vld [tilespmem:s11+$0xFFFFFF90]  }
0x19a: {  	v8 =	vld [tilespmem:s13+$0xFFFFFF90];
	v4 =	vadd.f32 v4, v9  }
0x19b: {  	[tilespmem:s11+$0x0] =	vst v5;
	v5 =	vld [tilespmem:s11+$0x10]  }
0x19c: {  	v9 =	vld [tilespmem:s13+$0x10];
	[tilespmem:s11+$0xFFFFFF00] =	vst v4;
	v3 =	vadd.f32 v6, v3  }
0x19d: {  	v4 =	vld [tilespmem:s13+$0xFFFFFF10]  }
0x19e: {  	[tilespmem:s11+$0x90] =	vst v3;
	v3 =	vld [tilespmem:s11+$0xA0]  }
0x19f: {  	v6 =	vadd.f32 v8, v7;
	v7 =	vld [tilespmem:s13+$0xA0]  }
0x1a0: {  	v8 =	vld [tilespmem:s11+$0xFFFFFF20]  }
0x1a1: {  	[tilespmem:s11+$0xFFFFFF90] =	vst v6;
	v5 =	vadd.f32 v9, v5;
	v6 =	vld [tilespmem:s11+$0xFFFFFFA0]  }
0x1a2: {  	v9 =	vld [tilespmem:s13+$0xFFFFFFA0];
	v4 =	vadd.f32 v4, v10  }
0x1a3: {  	[tilespmem:s11+$0x10] =	vst v5;
	v5 =	vld [tilespmem:s11+$0x20]  }
0x1a4: {  	v10 =	vld [tilespmem:s13+$0x20];
	[tilespmem:s11+$0xFFFFFF10] =	vst v4;
	v3 =	vadd.f32 v7, v3  }
0x1a5: {  	v4 =	vld [tilespmem:s13+$0xFFFFFF20]  }
0x1a6: {  	[tilespmem:s11+$0xA0] =	vst v3;
	v3 =	vld [tilespmem:s11+$0xB0]  }
0x1a7: {  	v6 =	vadd.f32 v9, v6;
	v7 =	vld [tilespmem:s13+$0xB0]  }
0x1a8: {  	v9 =	vld [tilespmem:s11+$0xFFFFFF30]  }
0x1a9: {  	[tilespmem:s11+$0xFFFFFFA0] =	vst v6;
	v5 =	vadd.f32 v10, v5;
	v6 =	vld [tilespmem:s11+$0xFFFFFFB0]  }
0x1aa: {  	v10 =	vld [tilespmem:s13+$0xFFFFFFB0];
	v4 =	vadd.f32 v4, v8  }
0x1ab: {  	[tilespmem:s11+$0x20] =	vst v5;
	v5 =	vld [tilespmem:s11+$0x30]  }
0x1ac: {  	v8 =	vld [tilespmem:s13+$0x30];
	[tilespmem:s11+$0xFFFFFF20] =	vst v4;
	v3 =	vadd.f32 v7, v3  }
0x1ad: {  	v4 =	vld [tilespmem:s13+$0xFFFFFF30]  }
0x1ae: {  	[tilespmem:s11+$0xB0] =	vst v3;
	v3 =	vld [tilespmem:s11+$0xC0]  }
0x1af: {  	v6 =	vadd.f32 v10, v6;
	v7 =	vld [tilespmem:s13+$0xC0]  }
0x1b0: {  	v10 =	vld [tilespmem:s11+$0xFFFFFF40]  }
0x1b1: {  	[tilespmem:s11+$0xFFFFFFB0] =	vst v6;
	v5 =	vadd.f32 v8, v5;
	v6 =	vld [tilespmem:s11+$0xFFFFFFC0]  }
0x1b2: {  	v8 =	vld [tilespmem:s13+$0xFFFFFFC0];
	v4 =	vadd.f32 v4, v9  }
0x1b3: {  	[tilespmem:s11+$0x30] =	vst v5;
	v5 =	vld [tilespmem:s11+$0x40]  }
0x1b4: {  	v9 =	vld [tilespmem:s13+$0x40];
	[tilespmem:s11+$0xFFFFFF30] =	vst v4;
	v3 =	vadd.f32 v7, v3  }
0x1b5: {  	v4 =	vld [tilespmem:s13+$0xFFFFFF40]  }
0x1b6: {  	[tilespmem:s11+$0xC0] =	vst v3;
	v3 =	vld [tilespmem:s11+$0xD0]  }
0x1b7: {  	v6 =	vadd.f32 v8, v6;
	v7 =	vld [tilespmem:s13+$0xD0]  }
0x1b8: {  	v8 =	vld [tilespmem:s11+$0xFFFFFF50]  }
0x1b9: {  	[tilespmem:s11+$0xFFFFFFC0] =	vst v6;
	v5 =	vadd.f32 v9, v5;
	v6 =	vld [tilespmem:s11+$0xFFFFFFD0]  }
0x1ba: {  	v9 =	vld [tilespmem:s13+$0xFFFFFFD0];
	v4 =	vadd.f32 v4, v10  }
0x1bb: {  	[tilespmem:s11+$0x40] =	vst v5;
	v5 =	vld [tilespmem:s11+$0x50]  }
0x1bc: {  	v10 =	vld [tilespmem:s13+$0x50];
	[tilespmem:s11+$0xFFFFFF40] =	vst v4;
	v3 =	vadd.f32 v7, v3  }
0x1bd: {  	v4 =	vld [tilespmem:s13+$0xFFFFFF50]  }
0x1be: {  	[tilespmem:s11+$0xD0] =	vst v3;
	v3 =	vld [tilespmem:s11+$0xE0]  }
0x1bf: {  	v6 =	vadd.f32 v9, v6;
	v7 =	vld [tilespmem:s13+$0xE0]  }
0x1c0: {  	v9 =	vld [tilespmem:s11+$0xFFFFFF60]  }
0x1c1: {  	[tilespmem:s11+$0xFFFFFFD0] =	vst v6;
	v5 =	vadd.f32 v10, v5;
	v6 =	vld [tilespmem:s11+$0xFFFFFFE0]  }
0x1c2: {  	v10 =	vld [tilespmem:s13+$0xFFFFFFE0];
	v4 =	vadd.f32 v4, v8  }
0x1c3: {  	[tilespmem:s11+$0x50] =	vst v5;
	v5 =	vld [tilespmem:s11+$0x60]  }
0x1c4: {  	v8 =	vld [tilespmem:s13+$0x60];
	[tilespmem:s11+$0xFFFFFF50] =	vst v4;
	v3 =	vadd.f32 v7, v3  }
0x1c5: {  	v7 =	vld [tilespmem:s13+$0xFFFFFF60]  }
0x1c6: {  	v11 =	vld [tilespmem:s11+$0xF0];
	[tilespmem:s11+$0xE0] =	vst v3  }
0x1c7: {  	v4 =	vadd.f32 v10, v6;
	v10 =	vld [tilespmem:s13+$0xF0]  }
0x1c8: {  	v3 =	vld [tilespmem:s11+$0xFFFFFF70]  }
0x1c9: {  	[tilespmem:s11+$0xFFFFFFE0] =	vst v4;
	v5 =	vadd.f32 v8, v5;
	v4 =	vld [tilespmem:s11+$0xFFFFFFF0]  }
0x1ca: {  	v6 =	vld [tilespmem:s13+$0xFFFFFFF0];
	v7 =	vadd.f32 v7, v9  }
0x1cb: {  	[tilespmem:s11+$0x60] =	vst v5;
	v5 =	vld [tilespmem:s11+$0x70]  }
0x1cc: {  	[tilespmem:s11+$0xFFFFFF60] =	vst v7;
	v7 =	vld [tilespmem:s13+$0x70];
	v9 =	vadd.f32 v10, v11  }
0x1cd: {  	s14 =	simm.s32 $0x0;
	s15 =	simm.s32 $0x720;
	v8 =	vld [tilespmem:s13+$0xFFFFFF70]  }
.LBB2_7:
0x1ce: {  	v10 =	vld [tilespmem:s15+$0x80];
	[tilespmem:s11+$0xF0] =	vst v9;
	s13 =	sadd.s32 $0x200, s13  }
0x1cf: {  	s14 =	sadd.s32 $0x4, s14;
	v9 =	vld [tilespmem:s13+$0x80];
	v4 =	vadd.f32 v6, v4  }
0x1d0: {  	p0 =	slt.u32 s14, $0x78;
	v6 =	vld [tilespmem:s13+$0xFFFFFF00]  }
0x1d1: {  	v11 =	vld [tilespmem:s15+$0xFFFFFF80];
	[tilespmem:s11+$0xFFFFFFF0] =	vst v4;
	v4 =	vadd.f32 v7, v5  }
0x1d2: {  	v5 =	vld [tilespmem:s13+$0xFFFFFF80];
	v3 =	vadd.f32 v8, v3  }
0x1d3: {  	v7 =	vld [tilespmem:s15+$0x0];
	[tilespmem:s11+$0x70] =	vst v4  }
0x1d4: {  	v4 =	vld [tilespmem:s13+$0x0];
	v8 =	vadd.f32 v9, v10;
	[tilespmem:s11+$0xFFFFFF70] =	vst v3;
	s11 =	smov.u32 s15  }
0x1d5: {  	v3 =	vld [tilespmem:s15+$0xFFFFFF00]  }
0x1d6: {  	[tilespmem:s15+$0x80] =	vst v8;
	v8 =	vld [tilespmem:s15+$0x90]  }
0x1d7: {  	v5 =	vadd.f32 v5, v11;
	v9 =	vld [tilespmem:s13+$0x90]  }
0x1d8: {  	v10 =	vld [tilespmem:s15+$0xFFFFFF10]  }
0x1d9: {  	[tilespmem:s15+$0xFFFFFF80] =	vst v5;
	v5 =	vld [tilespmem:s15+$0xFFFFFF90];
	v4 =	vadd.f32 v4, v7  }
0x1da: {  	v3 =	vadd.f32 v6, v3;
	v6 =	vld [tilespmem:s13+$0xFFFFFF90]  }
0x1db: {  	[tilespmem:s15+$0x0] =	vst v4;
	v4 =	vld [tilespmem:s15+$0x10]  }
0x1dc: {  	[tilespmem:s15+$0xFFFFFF00] =	vst v3;
	v3 =	vld [tilespmem:s13+$0x10];
	v7 =	vadd.f32 v9, v8  }
0x1dd: {  	v8 =	vld [tilespmem:s13+$0xFFFFFF10]  }
0x1de: {  	[tilespmem:s15+$0x90] =	vst v7;
	v7 =	vld [tilespmem:s15+$0xA0]  }
0x1df: {  	v5 =	vadd.f32 v6, v5;
	v6 =	vld [tilespmem:s13+$0xA0]  }
0x1e0: {  	v9 =	vld [tilespmem:s15+$0xFFFFFF20]  }
0x1e1: {  	[tilespmem:s15+$0xFFFFFF90] =	vst v5;
	v5 =	vld [tilespmem:s15+$0xFFFFFFA0];
	v3 =	vadd.f32 v3, v4  }
0x1e2: {  	v4 =	vadd.f32 v8, v10;
	v8 =	vld [tilespmem:s13+$0xFFFFFFA0]  }
0x1e3: {  	[tilespmem:s15+$0x10] =	vst v3;
	v3 =	vld [tilespmem:s15+$0x20]  }
0x1e4: {  	[tilespmem:s15+$0xFFFFFF10] =	vst v4;
	v4 =	vld [tilespmem:s13+$0x20];
	v6 =	vadd.f32 v6, v7  }
0x1e5: {  	v7 =	vld [tilespmem:s13+$0xFFFFFF20]  }
0x1e6: {  	[tilespmem:s15+$0xA0] =	vst v6;
	v6 =	vld [tilespmem:s15+$0xB0]  }
0x1e7: {  	v5 =	vadd.f32 v8, v5;
	v8 =	vld [tilespmem:s13+$0xB0]  }
0x1e8: {  	v10 =	vld [tilespmem:s15+$0xFFFFFF30]  }
0x1e9: {  	[tilespmem:s15+$0xFFFFFFA0] =	vst v5;
	v5 =	vld [tilespmem:s15+$0xFFFFFFB0];
	v3 =	vadd.f32 v4, v3  }
0x1ea: {  	v4 =	vadd.f32 v7, v9;
	v7 =	vld [tilespmem:s13+$0xFFFFFFB0]  }
0x1eb: {  	[tilespmem:s15+$0x20] =	vst v3;
	v3 =	vld [tilespmem:s15+$0x30]  }
0x1ec: {  	[tilespmem:s15+$0xFFFFFF20] =	vst v4;
	v4 =	vld [tilespmem:s13+$0x30];
	v6 =	vadd.f32 v8, v6  }
0x1ed: {  	v8 =	vld [tilespmem:s13+$0xFFFFFF30]  }
0x1ee: {  	[tilespmem:s15+$0xB0] =	vst v6;
	v6 =	vld [tilespmem:s15+$0xC0]  }
0x1ef: {  	v5 =	vadd.f32 v7, v5;
	v7 =	vld [tilespmem:s13+$0xC0]  }
0x1f0: {  	v9 =	vld [tilespmem:s15+$0xFFFFFF40]  }
0x1f1: {  	[tilespmem:s15+$0xFFFFFFB0] =	vst v5;
	v5 =	vld [tilespmem:s15+$0xFFFFFFC0];
	v3 =	vadd.f32 v4, v3  }
0x1f2: {  	v4 =	vadd.f32 v8, v10;
	v8 =	vld [tilespmem:s13+$0xFFFFFFC0]  }
0x1f3: {  	[tilespmem:s15+$0x30] =	vst v3;
	v3 =	vld [tilespmem:s15+$0x40]  }
0x1f4: {  	[tilespmem:s15+$0xFFFFFF30] =	vst v4;
	v4 =	vld [tilespmem:s13+$0x40];
	v6 =	vadd.f32 v7, v6  }
0x1f5: {  	v7 =	vld [tilespmem:s13+$0xFFFFFF40]  }
0x1f6: {  	[tilespmem:s15+$0xC0] =	vst v6;
	v6 =	vld [tilespmem:s15+$0xD0]  }
0x1f7: {  	v5 =	vadd.f32 v8, v5;
	v8 =	vld [tilespmem:s13+$0xD0]  }
0x1f8: {  	v10 =	vld [tilespmem:s15+$0xFFFFFF50]  }
0x1f9: {  	[tilespmem:s15+$0xFFFFFFC0] =	vst v5;
	v5 =	vld [tilespmem:s15+$0xFFFFFFD0];
	v3 =	vadd.f32 v4, v3  }
0x1fa: {  	v4 =	vadd.f32 v7, v9;
	v7 =	vld [tilespmem:s13+$0xFFFFFFD0]  }
0x1fb: {  	[tilespmem:s15+$0x40] =	vst v3;
	v3 =	vld [tilespmem:s15+$0x50]  }
0x1fc: {  	[tilespmem:s15+$0xFFFFFF40] =	vst v4;
	v4 =	vld [tilespmem:s13+$0x50];
	v6 =	vadd.f32 v8, v6  }
0x1fd: {  	v8 =	vld [tilespmem:s13+$0xFFFFFF50]  }
0x1fe: {  	[tilespmem:s15+$0xD0] =	vst v6;
	v6 =	vld [tilespmem:s15+$0xE0]  }
0x1ff: {  	v5 =	vadd.f32 v7, v5;
	v7 =	vld [tilespmem:s13+$0xE0]  }
0x200: {  	v9 =	vld [tilespmem:s15+$0xFFFFFF60]  }
0x201: {  	[tilespmem:s15+$0xFFFFFFD0] =	vst v5;
	v5 =	vld [tilespmem:s15+$0xFFFFFFE0];
	v3 =	vadd.f32 v4, v3  }
0x202: {  	v4 =	vadd.f32 v8, v10;
	v8 =	vld [tilespmem:s13+$0xFFFFFFE0]  }
0x203: {  	[tilespmem:s15+$0x50] =	vst v3;
	v10 =	vld [tilespmem:s15+$0x60]  }
0x204: {  	[tilespmem:s15+$0xFFFFFF50] =	vst v4;
	v11 =	vld [tilespmem:s13+$0x60];
	v3 =	vadd.f32 v7, v6  }
0x205: {  	v6 =	vld [tilespmem:s13+$0xFFFFFF60]  }
0x206: {  	[tilespmem:s15+$0xE0] =	vst v3;
	v12 =	vld [tilespmem:s15+$0xF0]  }
0x207: {  	v4 =	vadd.f32 v8, v5;
	v8 =	vld [tilespmem:s13+$0xF0]  }
0x208: {  	v3 =	vld [tilespmem:s15+$0xFFFFFF70]  }
.Ltmp7:
0x209: {  	[tilespmem:s15+$0xFFFFFFE0] =	vst v4;
	v4 =	vld [tilespmem:s15+$0xFFFFFFF0];
	v5 =	vadd.f32 v11, v10;
	(pc) =	sbr.rel @p0 .LBB2_7-.Ltmp7, $4  }
0x20a: {  	v7 =	vadd.f32 v6, v9;
	v6 =	vld [tilespmem:s13+$0xFFFFFFF0]  }
0x20b: {  	[tilespmem:s15+$0x60] =	vst v5;
	v5 =	vld [tilespmem:s15+$0x70]  }
0x20c: {  	[tilespmem:s15+$0xFFFFFF60] =	vst v7;
	v7 =	vld [tilespmem:s13+$0x70];
	v9 =	vadd.f32 v8, v12  }
0x20d: {  	s15 =	sadd.s32 $0x200, s15;
	v8 =	vld [tilespmem:s13+$0xFFFFFF70]  }
0x20e: {  	_ =	sdelay $0x1  }
0x20f: {  	v4 =	vadd.f32 v6, v4  }
0x210: {  	[tilespmem:s11+$0xF0] =	vst v9;
	v5 =	vadd.f32 v7, v5  }
0x211: {  	[tilespmem:s11+$0xFFFFFFF0] =	vst v4;
	v3 =	vadd.f32 v8, v3  }
0x212: {  	[tilespmem:s11+$0x70] =	vst v5  }
0x213: {  	[tilespmem:s11+$0xFFFFFF70] =	vst v3  }
0x214: {  	v3 =	vld [tilespmem:$0x4220]  }
0x215: {  	v4 =	vld [tilespmem:$0xC220]  }
0x216: {  	v5 =	vld [tilespmem:$0x4230]  }
0x217: {  	v58 =	vld [tilespmem:$0xC230]  }
0x218: {  	v59 =	vld [tilespmem:$0x4240]  }
0x219: {  	v60 =	vld [tilespmem:$0xC240]  }
0x21a: {  	v9 =	vld [tilespmem:$0x4250]  }
0x21b: {  	v10 =	vld [tilespmem:$0xC250]  }
0x21c: {  	v11 =	vld [tilespmem:$0x4260]  }
0x21d: {  	v12 =	vld [tilespmem:$0xC260]  }
0x21e: {  	v13 =	vld [tilespmem:$0x4270]  }
0x21f: {  	v14 =	vld [tilespmem:$0xC270]  }
0x220: {  	v61 =	vld [tilespmem:$0xC280];
	v3 =	vadd.f32 v4, v3  }
0x221: {  	v4 =	vld [tilespmem:$0x4280];
	v5 =	vadd.f32 v58, v5  }
0x222: {  	v62 =	vld [tilespmem:$0x4290];
	[tilespmem:$0x4220] =	vst v3;
	v3 =	vadd.f32 v60, v59  }
0x223: {  	v63 =	vld [tilespmem:$0xC290];
	[tilespmem:$0x4230] =	vst v5;
	v5 =	vadd.f32 v10, v9  }
0x224: {  	[tilespmem:$0x4240] =	vst v3;
	v3 =	vadd.f32 v12, v11  }
0x225: {  	[tilespmem:$0x4250] =	vst v5;
	v5 =	vadd.f32 v14, v13  }
0x226: {  	[tilespmem:$0x4260] =	vst v3;
	v3 =	vadd.f32 v61, v4  }
0x227: {  	[tilespmem:$0x4270] =	vst v5  }
0x228: {  	[tilespmem:$0x4280] =	vst v3;
	v3 =	vadd.f32 v63, v62  }
.LBB2_9:
0x229: {  	s2 =	sshll.u32 s2, $0x4  }
0x22a: {  	s2 =	sand.u32 $0x1FFFFFE0, s2  }
0x22b: {  	[tilespmem:$0x4290] =	vst v3;
	s2 =	sadd.s32 s7, s2  }
0x22c: {  	[hbm4b:s2+s5] =	stream.linear.scatter [tilespmem:s22], [sflag:$0x7], $0x3E80, $0x38;
	[tilespmem:$0x10420] =	vst v63  }
0x22d: {  	_ =	swait.ge [sflag:s9], $0x110  }
0x22e: {  	[sflag:s9] =	ssyncset.done $0x0  }
0x22f: {  	[sflag:s9] =	ssyncadd.s32 $0xFFFFFEF0  }
0x230: {  	v3 =	vld [tilespmem:s6+$0x0]  }
0x231: {  	v4 =	vld [tilespmem:s6+$0x88];
	_ =	sdelay $0x3  }
0x232: {  	v3 =	vtrunc.f32 v3  }
0x233: {  	v4 =	vtrunc.f32 v4;
	v3 =	vcvt.f32.s32 v3  }
0x234: {  	v4 =	vcvt.f32.s32 v4  }
0x235: {  	vm1 =	vgt.s32 v3, $0x0  }
0x236: {  	v3 =	vnsel vm1, $0x0, v3;
	vm1 =	vgt.s32 v4, $0x0  }
0x237: {  	v3 =	vmin.u32 v3, $0x3E7;
	v4 =	vnsel vm1, $0x0, v4  }
0x238: {  	v3 =	vadd.s32 s10, v3;
	v4 =	vmin.u32 v4, $0x3E7  }
0x239: {  	v4 =	vadd.s32 s10, v4;
	[tilespmem:$0x220] =	vst v3  }
0x23a: {  	[tilespmem:$0x2A0] =	vst v4  }
0x23b: {  	v5 =	vld [tilespmem:s6+$0x10]  }
0x23c: {  	v6 =	vld [tilespmem:s6+$0x98];
	_ =	sdelay $0x3  }
0x23d: {  	v5 =	vtrunc.f32 v5  }
0x23e: {  	v6 =	vtrunc.f32 v6;
	v5 =	vcvt.f32.s32 v5  }
0x23f: {  	v6 =	vcvt.f32.s32 v6  }
0x240: {  	vm1 =	vgt.s32 v5, $0x0  }
0x241: {  	v5 =	vnsel vm1, $0x0, v5;
	vm1 =	vgt.s32 v6, $0x0  }
0x242: {  	v5 =	vmin.u32 v5, $0x3E7;
	v6 =	vnsel vm1, $0x0, v6  }
0x243: {  	v5 =	vadd.s32 s10, v5;
	v6 =	vmin.u32 v6, $0x3E7  }
0x244: {  	v6 =	vadd.s32 s10, v6;
	[tilespmem:$0x230] =	vst v5  }
0x245: {  	[tilespmem:$0x2B0] =	vst v6  }
0x246: {  	v7 =	vld [tilespmem:s6+$0x20]  }
0x247: {  	v8 =	vld [tilespmem:s6+$0xA8];
	_ =	sdelay $0x3  }
0x248: {  	v7 =	vtrunc.f32 v7  }
0x249: {  	v8 =	vtrunc.f32 v8;
	v7 =	vcvt.f32.s32 v7  }
0x24a: {  	v8 =	vcvt.f32.s32 v8  }
0x24b: {  	vm1 =	vgt.s32 v7, $0x0  }
0x24c: {  	v7 =	vnsel vm1, $0x0, v7;
	vm1 =	vgt.s32 v8, $0x0  }
0x24d: {  	v7 =	vmin.u32 v7, $0x3E7;
	v8 =	vnsel vm1, $0x0, v8  }
0x24e: {  	v7 =	vadd.s32 s10, v7;
	v8 =	vmin.u32 v8, $0x3E7  }
0x24f: {  	v8 =	vadd.s32 s10, v8;
	[tilespmem:$0x240] =	vst v7  }
0x250: {  	[tilespmem:$0x2C0] =	vst v8  }
0x251: {  	v9 =	vld [tilespmem:s6+$0x30]  }
0x252: {  	v10 =	vld [tilespmem:s6+$0xB8];
	_ =	sdelay $0x3  }
0x253: {  	v9 =	vtrunc.f32 v9  }
0x254: {  	v10 =	vtrunc.f32 v10;
	v9 =	vcvt.f32.s32 v9  }
0x255: {  	v10 =	vcvt.f32.s32 v10  }
0x256: {  	vm1 =	vgt.s32 v9, $0x0  }
0x257: {  	v9 =	vnsel vm1, $0x0, v9;
	vm1 =	vgt.s32 v10, $0x0  }
0x258: {  	v9 =	vmin.u32 v9, $0x3E7;
	v10 =	vnsel vm1, $0x0, v10  }
0x259: {  	v9 =	vadd.s32 s10, v9;
	v10 =	vmin.u32 v10, $0x3E7  }
0x25a: {  	v10 =	vadd.s32 s10, v10;
	[tilespmem:$0x250] =	vst v9  }
0x25b: {  	[tilespmem:$0x2D0] =	vst v10  }
0x25c: {  	v11 =	vld [tilespmem:s6+$0x40]  }
0x25d: {  	v12 =	vld [tilespmem:s6+$0xC8];
	_ =	sdelay $0x3  }
0x25e: {  	v11 =	vtrunc.f32 v11  }
0x25f: {  	v12 =	vtrunc.f32 v12;
	v11 =	vcvt.f32.s32 v11  }
0x260: {  	v12 =	vcvt.f32.s32 v12  }
0x261: {  	vm1 =	vgt.s32 v11, $0x0  }
0x262: {  	v11 =	vnsel vm1, $0x0, v11;
	vm1 =	vgt.s32 v12, $0x0  }
0x263: {  	v11 =	vmin.u32 v11, $0x3E7;
	v12 =	vnsel vm1, $0x0, v12  }
0x264: {  	v11 =	vadd.s32 s10, v11;
	v12 =	vmin.u32 v12, $0x3E7  }
0x265: {  	v12 =	vadd.s32 s10, v12;
	[tilespmem:$0x260] =	vst v11  }
0x266: {  	[tilespmem:$0x2E0] =	vst v12  }
0x267: {  	v13 =	vld [tilespmem:s6+$0x50]  }
0x268: {  	v14 =	vld [tilespmem:s6+$0xD8];
	_ =	sdelay $0x3  }
0x269: {  	v13 =	vtrunc.f32 v13  }
0x26a: {  	v14 =	vtrunc.f32 v14;
	v13 =	vcvt.f32.s32 v13  }
0x26b: {  	v14 =	vcvt.f32.s32 v14  }
0x26c: {  	vm1 =	vgt.s32 v13, $0x0  }
0x26d: {  	v13 =	vnsel vm1, $0x0, v13;
	vm1 =	vgt.s32 v14, $0x0  }
0x26e: {  	v13 =	vmin.u32 v13, $0x3E7;
	v14 =	vnsel vm1, $0x0, v14  }
0x26f: {  	v13 =	vadd.s32 s10, v13;
	v14 =	vmin.u32 v14, $0x3E7  }
0x270: {  	v14 =	vadd.s32 s10, v14;
	[tilespmem:$0x270] =	vst v13  }
0x271: {  	[tilespmem:$0x2F0] =	vst v14  }
0x272: {  	v15 =	vld [tilespmem:s6+$0x60]  }
0x273: {  	v16 =	vld [tilespmem:s6+$0xE8];
	_ =	sdelay $0x3  }
0x274: {  	v15 =	vtrunc.f32 v15  }
0x275: {  	v16 =	vtrunc.f32 v16;
	v15 =	vcvt.f32.s32 v15  }
0x276: {  	v16 =	vcvt.f32.s32 v16  }
0x277: {  	vm1 =	vgt.s32 v15, $0x0  }
0x278: {  	v15 =	vnsel vm1, $0x0, v15;
	vm1 =	vgt.s32 v16, $0x0  }
0x279: {  	v15 =	vmin.u32 v15, $0x3E7;
	v16 =	vnsel vm1, $0x0, v16  }
0x27a: {  	v15 =	vadd.s32 s10, v15;
	v16 =	vmin.u32 v16, $0x3E7  }
0x27b: {  	v16 =	vadd.s32 s10, v16;
	[tilespmem:$0x280] =	vst v15  }
0x27c: {  	v17 =	vbroadcast v3, $0x0;
	v18 =	vbroadcast v4, $0x0;
	[tilespmem:$0x300] =	vst v16  }
0x27d: {  	v19 =	vld [tilespmem:s6+$0x70]  }
0x27e: {  	vm4 =	veq.s32 v3, v17;
	vm5 =	veq.s32 v4, v18;
	v61 =	vld [tilespmem:s6+$0xF8]  }
0x27f: {  	vm4 =	vmand vm4, vm5;
	vm3 =	veq.s32 v7, v17;
	vm6 =	veq.s32 v8, v18  }
0x280: {  	vm2 =	veq.s32 v6, v18;
	vm3 =	vmand vm3, vm6;
	vm14 =	veq.s32 v10, v18  }
0x281: {  	vm15 =	veq.s32 v11, v17;
	vm9 =	veq.s32 v12, v18;
	vm1 =	veq.s32 v5, v17  }
0x282: {  	vm10 =	veq.s32 v14, v18;
	vm1 =	vmand vm1, vm2;
	vm2 =	veq.s32 v9, v17  }
0x283: {  	vm1 =	vmand vm4, vm1;
	v62 =	vtrunc.f32 v19;
	v5 =	vtrunc.f32 v61  }
0x284: {  	vm2 =	vmand vm2, vm14;
	v6 =	vcvt.f32.s32 v62;
	v5 =	vcvt.f32.s32 v5  }
0x285: {  	vm13 =	veq.s32 v15, v17;
	vm1 =	vmand vm1, vm3;
	vm3 =	veq.s32 v13, v17  }
0x286: {  	vm14 =	veq.s32 v16, v18;
	vm11 =	vgt.s32 v6, $0x0;
	vm12 =	vgt.s32 v5, $0x0  }
0x287: {  	vm1 =	vmand vm1, vm2;
	v6 =	vnsel vm11, $0x0, v6;
	v5 =	vnsel vm12, $0x0, v5  }
0x288: {  	vm2 =	vmand vm15, vm9;
	v6 =	vmin.u32 v6, $0x3E7;
	v5 =	vmin.u32 v5, $0x3E7  }
0x289: {  	vm1 =	vmand vm1, vm2;
	v6 =	vadd.s32 s10, v6;
	v5 =	vadd.s32 s10, v5  }
0x28a: {  	vm2 =	vmand vm3, vm10;
	vm3 =	veq.s32 v6, v17;
	vm15 =	veq.s32 v5, v18  }
0x28b: {  	vm1 =	vmand vm1, vm2;
	vm2 =	vmand vm13, vm14;
	vm3 =	vmand vm3, vm15  }
0x28c: {  	vm1 =	vmand vm1, vm2;
	vm2 =	vmor vm3, vm0  }
0x28d: {  	vm1 =	vmand vm1, vm2  }
0x28e: {  	v63 =	vsel vm1, $0x3F800000, v2  }
0x28f: {  	(xrf0) =	vmin.scan.msk.f32 $0xffff, v63;
	_ =	sdelay $0x5  }
0x290: {  	v7, _, _ =	vpop (xrf0)  }
0x291: {  	(v2sf) =	vpush v7, $0xF;
	_ =	sdelay $0xa  }
0x292: {  	s0 =	sadd.s32 $0x7C, s0  }
0x293: {  	s0 =	sshrl.u32 s0, $0x3;
	[tilespmem:$0x290] =	vst v6  }
0x294: {  	s0 =	sadd.s32 s3, s0;
	[tilespmem:$0x310] =	vst v5  }
0x295: {  	[tilespmem:s18], [sflag:$0x2] =	stream.strided.gather [hbm4b:s0+s16], $0x110, s17, s16, $0x38;
	[tilespmem:$0x10420] =	vst v63  }
0x296: {  	s2 =	spop (v2sf)  }
0x297: {  	p0 =	sgt.f32 s2, $0.0e+00  }
0x298: {  	_ =	swait.ge [sflag:s23], $0x3E80  }
0x299: {  	(v2sf) =	vpush @p0 v4, $0x0  }
0x29a: {  	(v2sf) =	vpush @p0 v3, $0x0;
	_ =	sdelay $0x7  }
0x29b: {  	[sflag:s23] =	ssyncset.done $0x0  }
0x29c: {  	[sflag:s23] =	ssyncadd.s32 $0xFFFFC180  }
0x29d: {  	s0 =	simm.s32 @!p0 $0x80;
	s10 =	simm.s32 @!p0 $0x220;
	s11 =	simm.s32 @!p0 $0x420  }
0x29e: {  	[tilespmem:s11], [sflag:$0x3] =	stream.indirect.gather @!p0 [hbm4b:s1+s0], $0x80, s10, s0, $0xb8;
	[tilespmem:$0x10420] =	vst v63  }
0x29f: {  	s13 =	simm.s32 @!p0 $0x8420;
	s11 =	simm.s32 @!p0 $0x2A0  }
0x2a0: {  	[tilespmem:s13], [sflag:$0x5] =	stream.indirect.gather @!p0 [hbm4b:s1+s0], $0x80, s11, s0, $0xb8;
	[tilespmem:$0x10420] =	vst v63  }
0x2a1: {  	s10 =	spop @p0 (v2sf)  }
0x2a2: {  	s0 =	spop @p0 (v2sf)  }
0x2a3: {  	s0 =	sshll.u32 @p0 s0, $0x4  }
0x2a4: {  	s0 =	sand.u32 @p0 $0x1FFFFFF0, s0  }
0x2a5: {  	s11 =	simm.s32 @p0 $0x0;
	s13 =	simm.s32 @p0 $0x420;
	s0 =	sadd.s32 @p0 s1, s0  }
0x2a6: {  	[tilespmem:s13], [sflag:$0x3] =	stream.linear.gather @p0 [hbm4b:s0+s11], $0x80, $0x38;
	[tilespmem:$0x10420] =	vst v63  }
.Ltmp8:
0x2a7: {  	_ = 	snop;
	(pc) =	sbr.rel @p1 .LBB2_10-.Ltmp8, $4  }
0x2a8: {  	s0 =	sshll.u32 @p0 s10, $0x4  }
0x2a9: {  	s0 =	sand.u32 @p0 $0x1FFFFFF0, s0  }
0x2aa: {  	s10 =	simm.s32 @p0 $0x8420;
	s0 =	sadd.s32 @p0 s1, s0  }
0x2ab: {  	[tilespmem:s10], [sflag:$0x5] =	stream.linear.gather @p0 [hbm4b:s0+s11], $0x80, $0x38;
	[tilespmem:$0x10420] =	vst v63  }
0x2ac: {  	_ =	swait.ge [sflag:s24], $0x4000  }
0x2ad: {  	[sflag:s24] =	ssyncset.done $0x0  }
0x2ae: {  	[sflag:s24] =	ssyncadd.s32 $0xFFFFC000  }
0x2af: {  	_ =	swait.ge [sflag:s25], $0x4000  }
0x2b0: {  	[sflag:s25] =	ssyncset.done $0x0  }
0x2b1: {  	s0 =	simm.s32 $0x4520;
	[sflag:s25] =	ssyncadd.s32 $0xFFFFC000  }
0x2b2: {  	s10 =	simm.s32 $0xC520;
	v3 =	vld [tilespmem:s0+$0x80]  }
0x2b3: {  	v4 =	vld [tilespmem:s10+$0x80]  }
0x2b4: {  	v5 =	vld [tilespmem:s0+$0xFFFFFF80]  }
0x2b5: {  	v6 =	vld [tilespmem:s10+$0xFFFFFF80]  }
0x2b6: {  	v7 =	vld [tilespmem:s0+$0x0]  }
0x2b7: {  	v8 =	vld [tilespmem:s10+$0x0]  }
0x2b8: {  	v9 =	vld [tilespmem:s0+$0xFFFFFF00];
	v3 =	vadd.f32 v4, v3  }
0x2b9: {  	v4 =	vld [tilespmem:s10+$0xFFFFFF00]  }
0x2ba: {  	[tilespmem:s0+$0x80] =	vst v3;
	v3 =	vld [tilespmem:s0+$0x90]  }
0x2bb: {  	v5 =	vadd.f32 v6, v5;
	v6 =	vld [tilespmem:s10+$0x90]  }
0x2bc: {  	v10 =	vld [tilespmem:s0+$0xFFFFFF10]  }
0x2bd: {  	[tilespmem:s0+$0xFFFFFF80] =	vst v5;
	v5 =	vadd.f32 v8, v7;
	v7 =	vld [tilespmem:s0+$0xFFFFFF90]  }
0x2be: {  	v8 =	vld [tilespmem:s10+$0xFFFFFF90];
	v4 =	vadd.f32 v4, v9  }
0x2bf: {  	[tilespmem:s0+$0x0] =	vst v5;
	v5 =	vld [tilespmem:s0+$0x10]  }
0x2c0: {  	v9 =	vld [tilespmem:s10+$0x10];
	[tilespmem:s0+$0xFFFFFF00] =	vst v4;
	v3 =	vadd.f32 v6, v3  }
0x2c1: {  	v4 =	vld [tilespmem:s10+$0xFFFFFF10]  }
0x2c2: {  	[tilespmem:s0+$0x90] =	vst v3;
	v3 =	vld [tilespmem:s0+$0xA0]  }
0x2c3: {  	v6 =	vadd.f32 v8, v7;
	v7 =	vld [tilespmem:s10+$0xA0]  }
0x2c4: {  	v8 =	vld [tilespmem:s0+$0xFFFFFF20]  }
0x2c5: {  	[tilespmem:s0+$0xFFFFFF90] =	vst v6;
	v5 =	vadd.f32 v9, v5;
	v6 =	vld [tilespmem:s0+$0xFFFFFFA0]  }
0x2c6: {  	v9 =	vld [tilespmem:s10+$0xFFFFFFA0];
	v4 =	vadd.f32 v4, v10  }
0x2c7: {  	[tilespmem:s0+$0x10] =	vst v5;
	v5 =	vld [tilespmem:s0+$0x20]  }
0x2c8: {  	v10 =	vld [tilespmem:s10+$0x20];
	[tilespmem:s0+$0xFFFFFF10] =	vst v4;
	v3 =	vadd.f32 v7, v3  }
0x2c9: {  	v4 =	vld [tilespmem:s10+$0xFFFFFF20]  }
0x2ca: {  	[tilespmem:s0+$0xA0] =	vst v3;
	v3 =	vld [tilespmem:s0+$0xB0]  }
0x2cb: {  	v6 =	vadd.f32 v9, v6;
	v7 =	vld [tilespmem:s10+$0xB0]  }
0x2cc: {  	v9 =	vld [tilespmem:s0+$0xFFFFFF30]  }
0x2cd: {  	[tilespmem:s0+$0xFFFFFFA0] =	vst v6;
	v5 =	vadd.f32 v10, v5;
	v6 =	vld [tilespmem:s0+$0xFFFFFFB0]  }
0x2ce: {  	v10 =	vld [tilespmem:s10+$0xFFFFFFB0];
	v4 =	vadd.f32 v4, v8  }
0x2cf: {  	[tilespmem:s0+$0x20] =	vst v5;
	v5 =	vld [tilespmem:s0+$0x30]  }
0x2d0: {  	v8 =	vld [tilespmem:s10+$0x30];
	[tilespmem:s0+$0xFFFFFF20] =	vst v4;
	v3 =	vadd.f32 v7, v3  }
0x2d1: {  	v4 =	vld [tilespmem:s10+$0xFFFFFF30]  }
0x2d2: {  	[tilespmem:s0+$0xB0] =	vst v3;
	v3 =	vld [tilespmem:s0+$0xC0]  }
0x2d3: {  	v6 =	vadd.f32 v10, v6;
	v7 =	vld [tilespmem:s10+$0xC0]  }
0x2d4: {  	v10 =	vld [tilespmem:s0+$0xFFFFFF40]  }
0x2d5: {  	[tilespmem:s0+$0xFFFFFFB0] =	vst v6;
	v5 =	vadd.f32 v8, v5;
	v6 =	vld [tilespmem:s0+$0xFFFFFFC0]  }
0x2d6: {  	v8 =	vld [tilespmem:s10+$0xFFFFFFC0];
	v4 =	vadd.f32 v4, v9  }
0x2d7: {  	[tilespmem:s0+$0x30] =	vst v5;
	v5 =	vld [tilespmem:s0+$0x40]  }
0x2d8: {  	v9 =	vld [tilespmem:s10+$0x40];
	[tilespmem:s0+$0xFFFFFF30] =	vst v4;
	v3 =	vadd.f32 v7, v3  }
0x2d9: {  	v4 =	vld [tilespmem:s10+$0xFFFFFF40]  }
0x2da: {  	[tilespmem:s0+$0xC0] =	vst v3;
	v3 =	vld [tilespmem:s0+$0xD0]  }
0x2db: {  	v6 =	vadd.f32 v8, v6;
	v7 =	vld [tilespmem:s10+$0xD0]  }
0x2dc: {  	v8 =	vld [tilespmem:s0+$0xFFFFFF50]  }
0x2dd: {  	[tilespmem:s0+$0xFFFFFFC0] =	vst v6;
	v5 =	vadd.f32 v9, v5;
	v6 =	vld [tilespmem:s0+$0xFFFFFFD0]  }
0x2de: {  	v9 =	vld [tilespmem:s10+$0xFFFFFFD0];
	v4 =	vadd.f32 v4, v10  }
0x2df: {  	[tilespmem:s0+$0x40] =	vst v5;
	v5 =	vld [tilespmem:s0+$0x50]  }
0x2e0: {  	v10 =	vld [tilespmem:s10+$0x50];
	[tilespmem:s0+$0xFFFFFF40] =	vst v4;
	v3 =	vadd.f32 v7, v3  }
0x2e1: {  	v4 =	vld [tilespmem:s10+$0xFFFFFF50]  }
0x2e2: {  	[tilespmem:s0+$0xD0] =	vst v3;
	v3 =	vld [tilespmem:s0+$0xE0]  }
0x2e3: {  	v6 =	vadd.f32 v9, v6;
	v7 =	vld [tilespmem:s10+$0xE0]  }
0x2e4: {  	v9 =	vld [tilespmem:s0+$0xFFFFFF60]  }
0x2e5: {  	[tilespmem:s0+$0xFFFFFFD0] =	vst v6;
	v5 =	vadd.f32 v10, v5;
	v6 =	vld [tilespmem:s0+$0xFFFFFFE0]  }
0x2e6: {  	v10 =	vld [tilespmem:s10+$0xFFFFFFE0];
	v4 =	vadd.f32 v4, v8  }
0x2e7: {  	[tilespmem:s0+$0x50] =	vst v5;
	v5 =	vld [tilespmem:s0+$0x60]  }
0x2e8: {  	v8 =	vld [tilespmem:s10+$0x60];
	[tilespmem:s0+$0xFFFFFF50] =	vst v4;
	v3 =	vadd.f32 v7, v3  }
0x2e9: {  	v7 =	vld [tilespmem:s10+$0xFFFFFF60]  }
0x2ea: {  	v11 =	vld [tilespmem:s0+$0xF0];
	[tilespmem:s0+$0xE0] =	vst v3  }
0x2eb: {  	v4 =	vadd.f32 v10, v6;
	v10 =	vld [tilespmem:s10+$0xF0]  }
0x2ec: {  	v3 =	vld [tilespmem:s0+$0xFFFFFF70]  }
0x2ed: {  	[tilespmem:s0+$0xFFFFFFE0] =	vst v4;
	v5 =	vadd.f32 v8, v5;
	v4 =	vld [tilespmem:s0+$0xFFFFFFF0]  }
0x2ee: {  	v6 =	vld [tilespmem:s10+$0xFFFFFFF0];
	v7 =	vadd.f32 v7, v9  }
0x2ef: {  	[tilespmem:s0+$0x60] =	vst v5;
	v5 =	vld [tilespmem:s0+$0x70]  }
0x2f0: {  	[tilespmem:s0+$0xFFFFFF60] =	vst v7;
	v7 =	vld [tilespmem:s10+$0x70];
	v9 =	vadd.f32 v10, v11  }
0x2f1: {  	s11 =	simm.s32 $0x0;
	s13 =	simm.s32 $0x4720;
	v8 =	vld [tilespmem:s10+$0xFFFFFF70]  }
.LBB2_14:
0x2f2: {  	v10 =	vld [tilespmem:s13+$0x80];
	[tilespmem:s0+$0xF0] =	vst v9;
	s10 =	sadd.s32 $0x200, s10  }
0x2f3: {  	s11 =	sadd.s32 $0x4, s11;
	v9 =	vld [tilespmem:s10+$0x80];
	v4 =	vadd.f32 v6, v4  }
0x2f4: {  	p1 =	slt.u32 s11, $0x78;
	v6 =	vld [tilespmem:s10+$0xFFFFFF00]  }
0x2f5: {  	v11 =	vld [tilespmem:s13+$0xFFFFFF80];
	[tilespmem:s0+$0xFFFFFFF0] =	vst v4;
	v4 =	vadd.f32 v7, v5  }
0x2f6: {  	v5 =	vld [tilespmem:s10+$0xFFFFFF80];
	v3 =	vadd.f32 v8, v3  }
0x2f7: {  	v7 =	vld [tilespmem:s13+$0x0];
	[tilespmem:s0+$0x70] =	vst v4  }
0x2f8: {  	v4 =	vld [tilespmem:s10+$0x0];
	v8 =	vadd.f32 v9, v10;
	[tilespmem:s0+$0xFFFFFF70] =	vst v3;
	s0 =	smov.u32 s13  }
0x2f9: {  	v3 =	vld [tilespmem:s13+$0xFFFFFF00]  }
0x2fa: {  	[tilespmem:s13+$0x80] =	vst v8;
	v8 =	vld [tilespmem:s13+$0x90]  }
0x2fb: {  	v5 =	vadd.f32 v5, v11;
	v9 =	vld [tilespmem:s10+$0x90]  }
0x2fc: {  	v10 =	vld [tilespmem:s13+$0xFFFFFF10]  }
0x2fd: {  	[tilespmem:s13+$0xFFFFFF80] =	vst v5;
	v5 =	vld [tilespmem:s13+$0xFFFFFF90];
	v4 =	vadd.f32 v4, v7  }
0x2fe: {  	v3 =	vadd.f32 v6, v3;
	v6 =	vld [tilespmem:s10+$0xFFFFFF90]  }
0x2ff: {  	[tilespmem:s13+$0x0] =	vst v4;
	v4 =	vld [tilespmem:s13+$0x10]  }
0x300: {  	[tilespmem:s13+$0xFFFFFF00] =	vst v3;
	v3 =	vld [tilespmem:s10+$0x10];
	v7 =	vadd.f32 v9, v8  }
0x301: {  	v8 =	vld [tilespmem:s10+$0xFFFFFF10]  }
0x302: {  	[tilespmem:s13+$0x90] =	vst v7;
	v7 =	vld [tilespmem:s13+$0xA0]  }
0x303: {  	v5 =	vadd.f32 v6, v5;
	v6 =	vld [tilespmem:s10+$0xA0]  }
0x304: {  	v9 =	vld [tilespmem:s13+$0xFFFFFF20]  }
0x305: {  	[tilespmem:s13+$0xFFFFFF90] =	vst v5;
	v5 =	vld [tilespmem:s13+$0xFFFFFFA0];
	v3 =	vadd.f32 v3, v4  }
0x306: {  	v4 =	vadd.f32 v8, v10;
	v8 =	vld [tilespmem:s10+$0xFFFFFFA0]  }
0x307: {  	[tilespmem:s13+$0x10] =	vst v3;
	v3 =	vld [tilespmem:s13+$0x20]  }
0x308: {  	[tilespmem:s13+$0xFFFFFF10] =	vst v4;
	v4 =	vld [tilespmem:s10+$0x20];
	v6 =	vadd.f32 v6, v7  }
0x309: {  	v7 =	vld [tilespmem:s10+$0xFFFFFF20]  }
0x30a: {  	[tilespmem:s13+$0xA0] =	vst v6;
	v6 =	vld [tilespmem:s13+$0xB0]  }
0x30b: {  	v5 =	vadd.f32 v8, v5;
	v8 =	vld [tilespmem:s10+$0xB0]  }
0x30c: {  	v10 =	vld [tilespmem:s13+$0xFFFFFF30]  }
0x30d: {  	[tilespmem:s13+$0xFFFFFFA0] =	vst v5;
	v5 =	vld [tilespmem:s13+$0xFFFFFFB0];
	v3 =	vadd.f32 v4, v3  }
0x30e: {  	v4 =	vadd.f32 v7, v9;
	v7 =	vld [tilespmem:s10+$0xFFFFFFB0]  }
0x30f: {  	[tilespmem:s13+$0x20] =	vst v3;
	v3 =	vld [tilespmem:s13+$0x30]  }
0x310: {  	[tilespmem:s13+$0xFFFFFF20] =	vst v4;
	v4 =	vld [tilespmem:s10+$0x30];
	v6 =	vadd.f32 v8, v6  }
0x311: {  	v8 =	vld [tilespmem:s10+$0xFFFFFF30]  }
0x312: {  	[tilespmem:s13+$0xB0] =	vst v6;
	v6 =	vld [tilespmem:s13+$0xC0]  }
0x313: {  	v5 =	vadd.f32 v7, v5;
	v7 =	vld [tilespmem:s10+$0xC0]  }
0x314: {  	v9 =	vld [tilespmem:s13+$0xFFFFFF40]  }
0x315: {  	[tilespmem:s13+$0xFFFFFFB0] =	vst v5;
	v5 =	vld [tilespmem:s13+$0xFFFFFFC0];
	v3 =	vadd.f32 v4, v3  }
0x316: {  	v4 =	vadd.f32 v8, v10;
	v8 =	vld [tilespmem:s10+$0xFFFFFFC0]  }
0x317: {  	[tilespmem:s13+$0x30] =	vst v3;
	v3 =	vld [tilespmem:s13+$0x40]  }
0x318: {  	[tilespmem:s13+$0xFFFFFF30] =	vst v4;
	v4 =	vld [tilespmem:s10+$0x40];
	v6 =	vadd.f32 v7, v6  }
0x319: {  	v7 =	vld [tilespmem:s10+$0xFFFFFF40]  }
0x31a: {  	[tilespmem:s13+$0xC0] =	vst v6;
	v6 =	vld [tilespmem:s13+$0xD0]  }
0x31b: {  	v5 =	vadd.f32 v8, v5;
	v8 =	vld [tilespmem:s10+$0xD0]  }
0x31c: {  	v10 =	vld [tilespmem:s13+$0xFFFFFF50]  }
0x31d: {  	[tilespmem:s13+$0xFFFFFFC0] =	vst v5;
	v5 =	vld [tilespmem:s13+$0xFFFFFFD0];
	v3 =	vadd.f32 v4, v3  }
0x31e: {  	v4 =	vadd.f32 v7, v9;
	v7 =	vld [tilespmem:s10+$0xFFFFFFD0]  }
0x31f: {  	[tilespmem:s13+$0x40] =	vst v3;
	v3 =	vld [tilespmem:s13+$0x50]  }
0x320: {  	[tilespmem:s13+$0xFFFFFF40] =	vst v4;
	v4 =	vld [tilespmem:s10+$0x50];
	v6 =	vadd.f32 v8, v6  }
0x321: {  	v8 =	vld [tilespmem:s10+$0xFFFFFF50]  }
0x322: {  	[tilespmem:s13+$0xD0] =	vst v6;
	v6 =	vld [tilespmem:s13+$0xE0]  }
0x323: {  	v5 =	vadd.f32 v7, v5;
	v7 =	vld [tilespmem:s10+$0xE0]  }
0x324: {  	v9 =	vld [tilespmem:s13+$0xFFFFFF60]  }
0x325: {  	[tilespmem:s13+$0xFFFFFFD0] =	vst v5;
	v5 =	vld [tilespmem:s13+$0xFFFFFFE0];
	v3 =	vadd.f32 v4, v3  }
0x326: {  	v4 =	vadd.f32 v8, v10;
	v8 =	vld [tilespmem:s10+$0xFFFFFFE0]  }
0x327: {  	[tilespmem:s13+$0x50] =	vst v3;
	v10 =	vld [tilespmem:s13+$0x60]  }
0x328: {  	[tilespmem:s13+$0xFFFFFF50] =	vst v4;
	v11 =	vld [tilespmem:s10+$0x60];
	v3 =	vadd.f32 v7, v6  }
0x329: {  	v6 =	vld [tilespmem:s10+$0xFFFFFF60]  }
0x32a: {  	[tilespmem:s13+$0xE0] =	vst v3;
	v12 =	vld [tilespmem:s13+$0xF0]  }
0x32b: {  	v4 =	vadd.f32 v8, v5;
	v8 =	vld [tilespmem:s10+$0xF0]  }
0x32c: {  	v3 =	vld [tilespmem:s13+$0xFFFFFF70]  }
.Ltmp9:
0x32d: {  	[tilespmem:s13+$0xFFFFFFE0] =	vst v4;
	v4 =	vld [tilespmem:s13+$0xFFFFFFF0];
	v5 =	vadd.f32 v11, v10;
	(pc) =	sbr.rel @p1 .LBB2_14-.Ltmp9, $4  }
0x32e: {  	v7 =	vadd.f32 v6, v9;
	v6 =	vld [tilespmem:s10+$0xFFFFFFF0]  }
0x32f: {  	[tilespmem:s13+$0x60] =	vst v5;
	v5 =	vld [tilespmem:s13+$0x70]  }
0x330: {  	[tilespmem:s13+$0xFFFFFF60] =	vst v7;
	v7 =	vld [tilespmem:s10+$0x70];
	v9 =	vadd.f32 v8, v12  }
0x331: {  	s13 =	sadd.s32 $0x200, s13;
	v8 =	vld [tilespmem:s10+$0xFFFFFF70]  }
0x332: {  	_ =	sdelay $0x1  }
0x333: {  	v4 =	vadd.f32 v6, v4  }
0x334: {  	[tilespmem:s0+$0xF0] =	vst v9;
	v5 =	vadd.f32 v7, v5  }
0x335: {  	[tilespmem:s0+$0xFFFFFFF0] =	vst v4;
	v3 =	vadd.f32 v8, v3  }
0x336: {  	[tilespmem:s0+$0x70] =	vst v5  }
0x337: {  	[tilespmem:s0+$0xFFFFFF70] =	vst v3  }
0x338: {  	v3 =	vld [tilespmem:$0x8220]  }
0x339: {  	v4 =	vld [tilespmem:$0x10220]  }
0x33a: {  	v5 =	vld [tilespmem:$0x8230]  }
0x33b: {  	v58 =	vld [tilespmem:$0x10230]  }
0x33c: {  	v59 =	vld [tilespmem:$0x8240]  }
0x33d: {  	v60 =	vld [tilespmem:$0x10240]  }
0x33e: {  	v9 =	vld [tilespmem:$0x8250]  }
0x33f: {  	v10 =	vld [tilespmem:$0x10250]  }
0x340: {  	v11 =	vld [tilespmem:$0x8260]  }
0x341: {  	v12 =	vld [tilespmem:$0x10260]  }
0x342: {  	v13 =	vld [tilespmem:$0x8270]  }
0x343: {  	v14 =	vld [tilespmem:$0x10270]  }
0x344: {  	v61 =	vld [tilespmem:$0x10280];
	v3 =	vadd.f32 v4, v3  }
0x345: {  	v4 =	vld [tilespmem:$0x8280];
	v5 =	vadd.f32 v58, v5  }
0x346: {  	v62 =	vld [tilespmem:$0x8290];
	[tilespmem:$0x8220] =	vst v3;
	v3 =	vadd.f32 v60, v59  }
0x347: {  	v63 =	vld [tilespmem:$0x10290];
	[tilespmem:$0x8230] =	vst v5;
	v5 =	vadd.f32 v10, v9  }
.Ltmp10:
0x348: {  	[tilespmem:$0x8240] =	vst v3;
	v3 =	vadd.f32 v12, v11;
	(pc) =	sbr.rel .LBB2_16-.Ltmp10, $4  }
0x349: {  	[tilespmem:$0x8250] =	vst v5;
	v5 =	vadd.f32 v14, v13  }
0x34a: {  	[tilespmem:$0x8260] =	vst v3;
	v3 =	vadd.f32 v61, v4  }
0x34b: {  	[tilespmem:$0x8270] =	vst v5  }
0x34c: {  	[tilespmem:$0x8280] =	vst v3;
	v3 =	vadd.f32 v63, v62  }
.LBB2_10:
0x34d: {  	_ =	swait.ge [sflag:s24], $0x80  }
0x34e: {  	[sflag:s24] =	ssyncset.done $0x0  }
0x34f: {  	[sflag:s24] =	ssyncadd.s32 $0xFFFFFF80  }
0x350: {  	_ =	swait.ge [sflag:s25], $0x80  }
0x351: {  	[sflag:s25] =	ssyncset.done $0x0  }
0x352: {  	[sflag:s25] =	ssyncadd.s32 $0xFFFFFF80  }
0x353: {  	v3 =	vld [tilespmem:$0x4420]  }
0x354: {  	v4 =	vld [tilespmem:$0xC420]  }
0x355: {  	v10 =	vld [tilespmem:$0x4430]  }
0x356: {  	v9 =	vld [tilespmem:$0x4440]  }
0x357: {  	v8 =	vld [tilespmem:$0x4450]  }
0x358: {  	v7 =	vld [tilespmem:$0x4460]  }
0x359: {  	v6 =	vld [tilespmem:$0x4470]  }
0x35a: {  	v12 =	vld [tilespmem:$0x4480]  }
0x35b: {  	v13 =	vld [tilespmem:$0x4490]  }
0x35c: {  	v14 =	vld [tilespmem:$0xC490]  }
0x35d: {  	v15 =	vld [tilespmem:$0xC480]  }
0x35e: {  	v16 =	vld [tilespmem:$0xC470]  }
0x35f: {  	v17 =	vld [tilespmem:$0xC460]  }
0x360: {  	v18 =	vld [tilespmem:$0xC450];
	v5 =	vadd.f32 v4, v3  }
0x361: {  	s0 =	simm.s32 $0x4520;
	v63 =	vld [tilespmem:$0xC440];
	v3 =	vadd.f32 v14, v13  }
0x362: {  	v11 =	vld [tilespmem:$0xC430];
	v4 =	vadd.f32 v15, v12;
	[tilespmem:s0+$0xFFFFFF00] =	vst v5  }
0x363: {  	v6 =	vadd.f32 v16, v6;
	[tilespmem:s0+$0xF0] =	vst v3  }
0x364: {  	v7 =	vadd.f32 v17, v7;
	[tilespmem:s0+$0xE0] =	vst v4  }
0x365: {  	v8 =	vadd.f32 v18, v8;
	[tilespmem:s0+$0xD0] =	vst v6  }
0x366: {  	v9 =	vadd.f32 v63, v9;
	[tilespmem:s0+$0xC0] =	vst v7  }
0x367: {  	v10 =	vadd.f32 v11, v10;
	[tilespmem:s0+$0xB0] =	vst v8  }
0x368: {  	[tilespmem:s0+$0xA0] =	vst v9  }
0x369: {  	[tilespmem:s0+$0x90] =	vst v10  }
0x36a: {  	[tilespmem:s0+$0x80] =	vst v5  }
0x36b: {  	[tilespmem:s0+$0x70] =	vst v3  }
0x36c: {  	[tilespmem:s0+$0x60] =	vst v4  }
0x36d: {  	[tilespmem:s0+$0x50] =	vst v6  }
0x36e: {  	[tilespmem:s0+$0x40] =	vst v7  }
0x36f: {  	[tilespmem:s0+$0x30] =	vst v8  }
0x370: {  	[tilespmem:s0+$0x20] =	vst v9  }
0x371: {  	[tilespmem:s0+$0x10] =	vst v10  }
0x372: {  	[tilespmem:s0+$0x0] =	vst v5  }
0x373: {  	[tilespmem:s0+$0xFFFFFFF0] =	vst v3  }
0x374: {  	[tilespmem:s0+$0xFFFFFFE0] =	vst v4  }
0x375: {  	[tilespmem:s0+$0xFFFFFFD0] =	vst v6  }
0x376: {  	[tilespmem:s0+$0xFFFFFFC0] =	vst v7  }
0x377: {  	[tilespmem:s0+$0xFFFFFFB0] =	vst v8  }
0x378: {  	[tilespmem:s0+$0xFFFFFFA0] =	vst v9  }
0x379: {  	[tilespmem:s0+$0xFFFFFF90] =	vst v10  }
0x37a: {  	[tilespmem:s0+$0xFFFFFF80] =	vst v5  }
0x37b: {  	[tilespmem:s0+$0xFFFFFF70] =	vst v3  }
0x37c: {  	[tilespmem:s0+$0xFFFFFF60] =	vst v4  }
0x37d: {  	[tilespmem:s0+$0xFFFFFF50] =	vst v6  }
0x37e: {  	[tilespmem:s0+$0xFFFFFF40] =	vst v7  }
0x37f: {  	[tilespmem:s0+$0xFFFFFF30] =	vst v8  }
0x380: {  	s10 =	simm.s32 $0x0;
	[tilespmem:s0+$0xFFFFFF20] =	vst v9  }
.LBB2_11:
0x381: {  	s10 =	sadd.s32 $0x4, s10;
	[tilespmem:s0+$0xFFFFFF10] =	vst v10;
	s0 =	sadd.s32 $0x200, s0  }
0x382: {  	[tilespmem:s0+$0xFFFFFF00] =	vst v5;
	p1 =	slt.u32 s10, $0x78  }
0x383: {  	[tilespmem:s0+$0xF0] =	vst v3  }
0x384: {  	[tilespmem:s0+$0xE0] =	vst v4  }
0x385: {  	[tilespmem:s0+$0xD0] =	vst v6  }
0x386: {  	[tilespmem:s0+$0xC0] =	vst v7  }
0x387: {  	[tilespmem:s0+$0xB0] =	vst v8  }
0x388: {  	[tilespmem:s0+$0xA0] =	vst v9  }
0x389: {  	[tilespmem:s0+$0x90] =	vst v10  }
0x38a: {  	[tilespmem:s0+$0x80] =	vst v5  }
0x38b: {  	[tilespmem:s0+$0x70] =	vst v3  }
0x38c: {  	[tilespmem:s0+$0x60] =	vst v4  }
0x38d: {  	[tilespmem:s0+$0x50] =	vst v6  }
0x38e: {  	[tilespmem:s0+$0x40] =	vst v7  }
0x38f: {  	[tilespmem:s0+$0x30] =	vst v8  }
0x390: {  	[tilespmem:s0+$0x20] =	vst v9  }
0x391: {  	[tilespmem:s0+$0x10] =	vst v10  }
0x392: {  	[tilespmem:s0+$0x0] =	vst v5  }
0x393: {  	[tilespmem:s0+$0xFFFFFFF0] =	vst v3  }
0x394: {  	[tilespmem:s0+$0xFFFFFFE0] =	vst v4  }
0x395: {  	[tilespmem:s0+$0xFFFFFFD0] =	vst v6  }
0x396: {  	[tilespmem:s0+$0xFFFFFFC0] =	vst v7  }
0x397: {  	[tilespmem:s0+$0xFFFFFFB0] =	vst v8  }
0x398: {  	[tilespmem:s0+$0xFFFFFFA0] =	vst v9  }
0x399: {  	[tilespmem:s0+$0xFFFFFF90] =	vst v10  }
0x39a: {  	[tilespmem:s0+$0xFFFFFF80] =	vst v5  }
0x39b: {  	[tilespmem:s0+$0xFFFFFF70] =	vst v3  }
.Ltmp11:
0x39c: {  	[tilespmem:s0+$0xFFFFFF60] =	vst v4;
	(pc) =	sbr.rel @p1 .LBB2_11-.Ltmp11, $4  }
0x39d: {  	[tilespmem:s0+$0xFFFFFF50] =	vst v6  }
0x39e: {  	[tilespmem:s0+$0xFFFFFF40] =	vst v7  }
0x39f: {  	[tilespmem:s0+$0xFFFFFF30] =	vst v8  }
0x3a0: {  	[tilespmem:s0+$0xFFFFFF20] =	vst v9  }
.Ltmp12:
0x3a1: {  	_ = 	snop;
	(pc) =	sbr.rel .LBB2_12-.Ltmp12, $1  }
0x3a2: {  	_ =	sdelay $0x3  }
.LBB2_17:
0x3a3: {  	_ =	swait.ge [sflag:s19], $0x110  }
0x3a4: {  	[sflag:s19] =	ssyncset.done $0x0  }
0x3a5: {  	[sflag:s19] =	ssyncadd.s32 $0xFFFFFEF0  }
0x3a6: {  	v3 =	vld [tilespmem:s12+$0x110]  }
0x3a7: {  	v4 =	vld [tilespmem:s12+$0x198];
	_ =	sdelay $0x3  }
0x3a8: {  	v3 =	vtrunc.f32 v3  }
0x3a9: {  	v4 =	vtrunc.f32 v4;
	v3 =	vcvt.f32.s32 v3  }
0x3aa: {  	v4 =	vcvt.f32.s32 v4  }
0x3ab: {  	vm1 =	vgt.s32 v3, $0x0  }
0x3ac: {  	v3 =	vnsel vm1, $0x0, v3;
	vm1 =	vgt.s32 v4, $0x0  }
0x3ad: {  	v3 =	vmin.u32 v3, $0x3E7;
	v4 =	vnsel vm1, $0x0, v4  }
0x3ae: {  	v3 =	vadd.s32 v1, v3;
	v4 =	vmin.u32 v4, $0x3E7  }
0x3af: {  	v4 =	vadd.s32 v1, v4;
	[tilespmem:$0x320] =	vst v3  }
0x3b0: {  	[tilespmem:$0x3A0] =	vst v4  }
0x3b1: {  	v5 =	vld [tilespmem:s12+$0x120]  }
0x3b2: {  	v6 =	vld [tilespmem:s12+$0x1A8];
	_ =	sdelay $0x3  }
0x3b3: {  	v5 =	vtrunc.f32 v5  }
0x3b4: {  	v6 =	vtrunc.f32 v6;
	v5 =	vcvt.f32.s32 v5  }
0x3b5: {  	v6 =	vcvt.f32.s32 v6  }
0x3b6: {  	vm1 =	vgt.s32 v5, $0x0  }
0x3b7: {  	v5 =	vnsel vm1, $0x0, v5;
	vm1 =	vgt.s32 v6, $0x0  }
0x3b8: {  	v5 =	vmin.u32 v5, $0x3E7;
	v6 =	vnsel vm1, $0x0, v6  }
0x3b9: {  	v5 =	vadd.s32 v1, v5;
	v6 =	vmin.u32 v6, $0x3E7  }
0x3ba: {  	v6 =	vadd.s32 v1, v6;
	[tilespmem:$0x330] =	vst v5  }
0x3bb: {  	[tilespmem:$0x3B0] =	vst v6  }
0x3bc: {  	v7 =	vld [tilespmem:s12+$0x130]  }
0x3bd: {  	v8 =	vld [tilespmem:s12+$0x1B8];
	_ =	sdelay $0x3  }
0x3be: {  	v7 =	vtrunc.f32 v7  }
0x3bf: {  	v8 =	vtrunc.f32 v8;
	v7 =	vcvt.f32.s32 v7  }
0x3c0: {  	v8 =	vcvt.f32.s32 v8  }
0x3c1: {  	vm1 =	vgt.s32 v7, $0x0  }
0x3c2: {  	v7 =	vnsel vm1, $0x0, v7;
	vm1 =	vgt.s32 v8, $0x0  }
0x3c3: {  	v7 =	vmin.u32 v7, $0x3E7;
	v8 =	vnsel vm1, $0x0, v8  }
0x3c4: {  	v7 =	vadd.s32 v1, v7;
	v8 =	vmin.u32 v8, $0x3E7  }
0x3c5: {  	v8 =	vadd.s32 v1, v8;
	[tilespmem:$0x340] =	vst v7  }
0x3c6: {  	[tilespmem:$0x3C0] =	vst v8  }
0x3c7: {  	v9 =	vld [tilespmem:s12+$0x140]  }
0x3c8: {  	v10 =	vld [tilespmem:s12+$0x1C8];
	_ =	sdelay $0x3  }
0x3c9: {  	v9 =	vtrunc.f32 v9  }
0x3ca: {  	v10 =	vtrunc.f32 v10;
	v9 =	vcvt.f32.s32 v9  }
0x3cb: {  	v10 =	vcvt.f32.s32 v10  }
0x3cc: {  	vm1 =	vgt.s32 v9, $0x0  }
0x3cd: {  	v9 =	vnsel vm1, $0x0, v9;
	vm1 =	vgt.s32 v10, $0x0  }
0x3ce: {  	v9 =	vmin.u32 v9, $0x3E7;
	v10 =	vnsel vm1, $0x0, v10  }
0x3cf: {  	v9 =	vadd.s32 v1, v9;
	v10 =	vmin.u32 v10, $0x3E7  }
0x3d0: {  	v10 =	vadd.s32 v1, v10;
	[tilespmem:$0x350] =	vst v9  }
0x3d1: {  	[tilespmem:$0x3D0] =	vst v10  }
0x3d2: {  	v11 =	vld [tilespmem:s12+$0x150]  }
0x3d3: {  	v12 =	vld [tilespmem:s12+$0x1D8];
	_ =	sdelay $0x3  }
0x3d4: {  	v11 =	vtrunc.f32 v11  }
0x3d5: {  	v12 =	vtrunc.f32 v12;
	v11 =	vcvt.f32.s32 v11  }
0x3d6: {  	v12 =	vcvt.f32.s32 v12  }
0x3d7: {  	vm1 =	vgt.s32 v11, $0x0  }
0x3d8: {  	v11 =	vnsel vm1, $0x0, v11;
	vm1 =	vgt.s32 v12, $0x0  }
0x3d9: {  	v11 =	vmin.u32 v11, $0x3E7;
	v12 =	vnsel vm1, $0x0, v12  }
0x3da: {  	v11 =	vadd.s32 v1, v11;
	v12 =	vmin.u32 v12, $0x3E7  }
0x3db: {  	v12 =	vadd.s32 v1, v12;
	[tilespmem:$0x360] =	vst v11  }
0x3dc: {  	[tilespmem:$0x3E0] =	vst v12  }
0x3dd: {  	v13 =	vld [tilespmem:s12+$0x160]  }
0x3de: {  	v14 =	vld [tilespmem:s12+$0x1E8];
	_ =	sdelay $0x3  }
0x3df: {  	v13 =	vtrunc.f32 v13  }
0x3e0: {  	v14 =	vtrunc.f32 v14;
	v13 =	vcvt.f32.s32 v13  }
0x3e1: {  	v14 =	vcvt.f32.s32 v14  }
0x3e2: {  	vm1 =	vgt.s32 v13, $0x0  }
0x3e3: {  	v13 =	vnsel vm1, $0x0, v13;
	vm1 =	vgt.s32 v14, $0x0  }
0x3e4: {  	v13 =	vmin.u32 v13, $0x3E7;
	v14 =	vnsel vm1, $0x0, v14  }
0x3e5: {  	v13 =	vadd.s32 v1, v13;
	v14 =	vmin.u32 v14, $0x3E7  }
0x3e6: {  	v14 =	vadd.s32 v1, v14;
	[tilespmem:$0x370] =	vst v13  }
0x3e7: {  	[tilespmem:$0x3F0] =	vst v14  }
0x3e8: {  	v15 =	vld [tilespmem:s12+$0x170]  }
0x3e9: {  	v16 =	vld [tilespmem:s12+$0x1F8];
	_ =	sdelay $0x3  }
0x3ea: {  	v15 =	vtrunc.f32 v15  }
0x3eb: {  	v16 =	vtrunc.f32 v16;
	v15 =	vcvt.f32.s32 v15  }
0x3ec: {  	v16 =	vcvt.f32.s32 v16  }
0x3ed: {  	vm1 =	vgt.s32 v15, $0x0  }
0x3ee: {  	v15 =	vnsel vm1, $0x0, v15;
	vm1 =	vgt.s32 v16, $0x0  }
0x3ef: {  	v15 =	vmin.u32 v15, $0x3E7;
	v16 =	vnsel vm1, $0x0, v16  }
0x3f0: {  	v15 =	vadd.s32 v1, v15;
	v16 =	vmin.u32 v16, $0x3E7  }
0x3f1: {  	v16 =	vadd.s32 v1, v16;
	[tilespmem:$0x380] =	vst v15  }
0x3f2: {  	v17 =	vbroadcast v3, $0x0;
	v18 =	vbroadcast v4, $0x0;
	[tilespmem:$0x400] =	vst v16  }
0x3f3: {  	v19 =	vld [tilespmem:s12+$0x180]  }
0x3f4: {  	vm4 =	veq.s32 v3, v17;
	vm5 =	veq.s32 v4, v18;
	v61 =	vld [tilespmem:s12+$0x208]  }
0x3f5: {  	vm4 =	vmand vm4, vm5;
	vm3 =	veq.s32 v7, v17;
	vm6 =	veq.s32 v8, v18  }
0x3f6: {  	vm2 =	veq.s32 v6, v18;
	vm3 =	vmand vm3, vm6;
	vm14 =	veq.s32 v10, v18  }
0x3f7: {  	vm15 =	veq.s32 v11, v17;
	vm9 =	veq.s32 v12, v18;
	vm1 =	veq.s32 v5, v17  }
0x3f8: {  	vm10 =	veq.s32 v14, v18;
	vm1 =	vmand vm1, vm2;
	vm2 =	veq.s32 v9, v17  }
0x3f9: {  	vm1 =	vmand vm4, vm1;
	v62 =	vtrunc.f32 v19;
	v5 =	vtrunc.f32 v61  }
0x3fa: {  	vm2 =	vmand vm2, vm14;
	v6 =	vcvt.f32.s32 v62;
	v5 =	vcvt.f32.s32 v5  }
0x3fb: {  	vm13 =	veq.s32 v15, v17;
	vm1 =	vmand vm1, vm3;
	vm3 =	veq.s32 v13, v17  }
0x3fc: {  	vm14 =	veq.s32 v16, v18;
	vm11 =	vgt.s32 v6, $0x0;
	vm12 =	vgt.s32 v5, $0x0  }
0x3fd: {  	vm1 =	vmand vm1, vm2;
	v6 =	vnsel vm11, $0x0, v6;
	v5 =	vnsel vm12, $0x0, v5  }
0x3fe: {  	vm2 =	vmand vm15, vm9;
	v6 =	vmin.u32 v6, $0x3E7;
	v5 =	vmin.u32 v5, $0x3E7  }
0x3ff: {  	vm1 =	vmand vm1, vm2;
	v6 =	vadd.s32 v1, v6;
	v5 =	vadd.s32 v1, v5  }
0x400: {  	vm2 =	vmand vm3, vm10;
	vm3 =	veq.s32 v6, v17;
	vm15 =	veq.s32 v5, v18  }
0x401: {  	vm1 =	vmand vm1, vm2;
	vm2 =	vmand vm13, vm14;
	vm3 =	vmand vm3, vm15  }
0x402: {  	vm1 =	vmand vm1, vm2;
	vm2 =	vmor vm3, vm0  }
0x403: {  	vm1 =	vmand vm1, vm2  }
0x404: {  	v63 =	vsel vm1, $0x3F800000, v2  }
0x405: {  	(xrf0) =	vmin.scan.msk.f32 $0xffff, v63;
	_ =	sdelay $0x5  }
0x406: {  	v7, _, _ =	vpop (xrf0)  }
0x407: {  	(v2sf) =	vpush v7, $0xF;
	_ =	sdelay $0xe  }
0x408: {  	[tilespmem:$0x390] =	vst v6;
	s0 =	spop (v2sf)  }
0x409: {  	s14 =	simm.s32 $0x8;
	[tilespmem:$0x410] =	vst v5;
	p0 =	sgt.f32 s0, $0.0e+00  }
0x40a: {  	_ =	swait.ge [sflag:s14], $0x3E80  }
0x40b: {  	(v2sf) =	vpush @p0 v4, $0x0  }
0x40c: {  	(v2sf) =	vpush @p0 v3, $0x0;
	_ =	sdelay $0x7  }
0x40d: {  	[sflag:s14] =	ssyncset.done $0x0  }
0x40e: {  	[sflag:s14] =	ssyncadd.s32 $0xFFFFC180  }
0x40f: {  	s0 =	simm.s32 @!p0 $0x80;
	s10 =	simm.s32 @!p0 $0x320;
	s11 =	simm.s32 @!p0 $0x4420  }
0x410: {  	[tilespmem:s11], [sflag:$0x4] =	stream.indirect.gather @!p0 [hbm4b:s1+s0], $0x80, s10, s0, $0xb8;
	[tilespmem:$0x10420] =	vst v63  }
0x411: {  	s13 =	simm.s32 @!p0 $0xC420;
	s11 =	simm.s32 @!p0 $0x3A0  }
0x412: {  	[tilespmem:s13], [sflag:$0x6] =	stream.indirect.gather @!p0 [hbm4b:s1+s0], $0x80, s11, s0, $0xb8;
	[tilespmem:$0x10420] =	vst v63  }
0x413: {  	s10 =	spop @p0 (v2sf)  }
0x414: {  	s0 =	spop @p0 (v2sf)  }
0x415: {  	p1 =	sgt.f32 s2, $0.0e+00;
	s11 =	simm.s32 @p0 $0x0;
	s0 =	sshll.u32 @p0 s0, $0x4  }
.Ltmp13:
0x416: {  	s13 =	simm.s32 @p0 $0x4420;
	s0 =	sadd.s32 @p0 s1, s0;
	(pc) =	sbr.rel @!p1 .LBB2_21-.Ltmp13, $4  }
0x417: {  	[tilespmem:s13], [sflag:$0x4] =	stream.linear.gather @p0 [hbm4b:s0+s11], $0x80, $0x38;
	[tilespmem:$0x10420] =	vst v63  }
0x418: {  	s0 =	sshll.u32 @p0 s10, $0x4  }
0x419: {  	s10 =	simm.s32 @p0 $0xC420;
	s0 =	sadd.s32 @p0 s1, s0  }
0x41a: {  	[tilespmem:s10], [sflag:$0x6] =	stream.linear.gather @p0 [hbm4b:s0+s11], $0x80, $0x38;
	[tilespmem:$0x10420] =	vst v63  }
0x41b: {  	_ =	swait.ge [sflag:s20], $0x80  }
0x41c: {  	[sflag:s20] =	ssyncset.done $0x0  }
0x41d: {  	[sflag:s20] =	ssyncadd.s32 $0xFFFFFF80  }
0x41e: {  	_ =	swait.ge [sflag:s21], $0x80  }
0x41f: {  	[sflag:s21] =	ssyncset.done $0x0  }
0x420: {  	[sflag:s21] =	ssyncadd.s32 $0xFFFFFF80  }
0x421: {  	v3 =	vld [tilespmem:$0x420]  }
0x422: {  	v4 =	vld [tilespmem:$0x8420]  }
0x423: {  	v10 =	vld [tilespmem:$0x430]  }
0x424: {  	v9 =	vld [tilespmem:$0x440]  }
0x425: {  	v8 =	vld [tilespmem:$0x450]  }
0x426: {  	v7 =	vld [tilespmem:$0x460]  }
0x427: {  	v6 =	vld [tilespmem:$0x470]  }
0x428: {  	v12 =	vld [tilespmem:$0x480]  }
0x429: {  	v13 =	vld [tilespmem:$0x490]  }
0x42a: {  	v14 =	vld [tilespmem:$0x8490]  }
0x42b: {  	v15 =	vld [tilespmem:$0x8480]  }
0x42c: {  	v16 =	vld [tilespmem:$0x8470]  }
0x42d: {  	v17 =	vld [tilespmem:$0x8460]  }
0x42e: {  	v18 =	vld [tilespmem:$0x8450];
	v5 =	vadd.f32 v4, v3  }
0x42f: {  	s0 =	simm.s32 $0x520;
	v63 =	vld [tilespmem:$0x8440];
	v3 =	vadd.f32 v14, v13  }
0x430: {  	v11 =	vld [tilespmem:$0x8430];
	v4 =	vadd.f32 v15, v12;
	[tilespmem:s0+$0xFFFFFF00] =	vst v5  }
0x431: {  	v6 =	vadd.f32 v16, v6;
	[tilespmem:s0+$0xF0] =	vst v3  }
0x432: {  	v7 =	vadd.f32 v17, v7;
	[tilespmem:s0+$0xE0] =	vst v4  }
0x433: {  	v8 =	vadd.f32 v18, v8;
	[tilespmem:s0+$0xD0] =	vst v6  }
0x434: {  	v9 =	vadd.f32 v63, v9;
	[tilespmem:s0+$0xC0] =	vst v7  }
0x435: {  	v10 =	vadd.f32 v11, v10;
	[tilespmem:s0+$0xB0] =	vst v8  }
0x436: {  	[tilespmem:s0+$0xA0] =	vst v9  }
0x437: {  	[tilespmem:s0+$0x90] =	vst v10  }
0x438: {  	[tilespmem:s0+$0x80] =	vst v5  }
0x439: {  	[tilespmem:s0+$0x70] =	vst v3  }
0x43a: {  	[tilespmem:s0+$0x60] =	vst v4  }
0x43b: {  	[tilespmem:s0+$0x50] =	vst v6  }
0x43c: {  	[tilespmem:s0+$0x40] =	vst v7  }
0x43d: {  	[tilespmem:s0+$0x30] =	vst v8  }
0x43e: {  	[tilespmem:s0+$0x20] =	vst v9  }
0x43f: {  	[tilespmem:s0+$0x10] =	vst v10  }
0x440: {  	[tilespmem:s0+$0x0] =	vst v5  }
0x441: {  	[tilespmem:s0+$0xFFFFFFF0] =	vst v3  }
0x442: {  	[tilespmem:s0+$0xFFFFFFE0] =	vst v4  }
0x443: {  	[tilespmem:s0+$0xFFFFFFD0] =	vst v6  }
0x444: {  	[tilespmem:s0+$0xFFFFFFC0] =	vst v7  }
0x445: {  	[tilespmem:s0+$0xFFFFFFB0] =	vst v8  }
0x446: {  	[tilespmem:s0+$0xFFFFFFA0] =	vst v9  }
0x447: {  	[tilespmem:s0+$0xFFFFFF90] =	vst v10  }
0x448: {  	[tilespmem:s0+$0xFFFFFF80] =	vst v5  }
0x449: {  	[tilespmem:s0+$0xFFFFFF70] =	vst v3  }
0x44a: {  	[tilespmem:s0+$0xFFFFFF60] =	vst v4  }
0x44b: {  	[tilespmem:s0+$0xFFFFFF50] =	vst v6  }
0x44c: {  	[tilespmem:s0+$0xFFFFFF40] =	vst v7  }
0x44d: {  	[tilespmem:s0+$0xFFFFFF30] =	vst v8  }
0x44e: {  	s2 =	simm.s32 $0x0;
	[tilespmem:s0+$0xFFFFFF20] =	vst v9  }
.LBB2_19:
0x44f: {  	s2 =	sadd.s32 $0x4, s2;
	[tilespmem:s0+$0xFFFFFF10] =	vst v10;
	s0 =	sadd.s32 $0x200, s0  }
0x450: {  	[tilespmem:s0+$0xFFFFFF00] =	vst v5;
	p1 =	slt.u32 s2, $0x78  }
0x451: {  	[tilespmem:s0+$0xF0] =	vst v3  }
0x452: {  	[tilespmem:s0+$0xE0] =	vst v4  }
0x453: {  	[tilespmem:s0+$0xD0] =	vst v6  }
0x454: {  	[tilespmem:s0+$0xC0] =	vst v7  }
0x455: {  	[tilespmem:s0+$0xB0] =	vst v8  }
0x456: {  	[tilespmem:s0+$0xA0] =	vst v9  }
0x457: {  	[tilespmem:s0+$0x90] =	vst v10  }
0x458: {  	[tilespmem:s0+$0x80] =	vst v5  }
0x459: {  	[tilespmem:s0+$0x70] =	vst v3  }
0x45a: {  	[tilespmem:s0+$0x60] =	vst v4  }
0x45b: {  	[tilespmem:s0+$0x50] =	vst v6  }
0x45c: {  	[tilespmem:s0+$0x40] =	vst v7  }
0x45d: {  	[tilespmem:s0+$0x30] =	vst v8  }
0x45e: {  	[tilespmem:s0+$0x20] =	vst v9  }
0x45f: {  	[tilespmem:s0+$0x10] =	vst v10  }
0x460: {  	[tilespmem:s0+$0x0] =	vst v5  }
0x461: {  	[tilespmem:s0+$0xFFFFFFF0] =	vst v3  }
0x462: {  	[tilespmem:s0+$0xFFFFFFE0] =	vst v4  }
0x463: {  	[tilespmem:s0+$0xFFFFFFD0] =	vst v6  }
0x464: {  	[tilespmem:s0+$0xFFFFFFC0] =	vst v7  }
0x465: {  	[tilespmem:s0+$0xFFFFFFB0] =	vst v8  }
0x466: {  	[tilespmem:s0+$0xFFFFFFA0] =	vst v9  }
0x467: {  	[tilespmem:s0+$0xFFFFFF90] =	vst v10  }
0x468: {  	[tilespmem:s0+$0xFFFFFF80] =	vst v5  }
0x469: {  	[tilespmem:s0+$0xFFFFFF70] =	vst v3  }
.Ltmp14:
0x46a: {  	[tilespmem:s0+$0xFFFFFF60] =	vst v4;
	(pc) =	sbr.rel @p1 .LBB2_19-.Ltmp14, $4  }
0x46b: {  	[tilespmem:s0+$0xFFFFFF50] =	vst v6  }
0x46c: {  	[tilespmem:s0+$0xFFFFFF40] =	vst v7  }
0x46d: {  	[tilespmem:s0+$0xFFFFFF30] =	vst v8  }
0x46e: {  	[tilespmem:s0+$0xFFFFFF20] =	vst v9  }
0x46f: {  	[tilespmem:s0+$0xFFFFFF10] =	vst v10  }
0x470: {  	[tilespmem:$0x4220] =	vst v5  }
0x471: {  	[tilespmem:$0x4230] =	vst v10  }
.Ltmp15:
0x472: {  	[tilespmem:$0x4240] =	vst v9;
	(pc) =	sbr.rel .LBB2_24-.Ltmp15, $4  }
0x473: {  	[tilespmem:$0x4250] =	vst v8  }
0x474: {  	[tilespmem:$0x4260] =	vst v7  }
0x475: {  	[tilespmem:$0x4270] =	vst v6  }
0x476: {  	[tilespmem:$0x4280] =	vst v4  }
.LBB2_21:
0x477: {  	_ =	swait.ge [sflag:s20], $0x4000  }
0x478: {  	[sflag:s20] =	ssyncset.done $0x0  }
0x479: {  	[sflag:s20] =	ssyncadd.s32 $0xFFFFC000  }
0x47a: {  	_ =	swait.ge [sflag:s21], $0x4000  }
0x47b: {  	[sflag:s21] =	ssyncset.done $0x0  }
0x47c: {  	s0 =	simm.s32 $0x520;
	[sflag:s21] =	ssyncadd.s32 $0xFFFFC000  }
0x47d: {  	s2 =	simm.s32 $0x8520;
	v3 =	vld [tilespmem:s0+$0x80]  }
0x47e: {  	v4 =	vld [tilespmem:s2+$0x80]  }
0x47f: {  	v5 =	vld [tilespmem:s0+$0xFFFFFF80]  }
0x480: {  	v6 =	vld [tilespmem:s2+$0xFFFFFF80]  }
0x481: {  	v7 =	vld [tilespmem:s0+$0x0]  }
0x482: {  	v8 =	vld [tilespmem:s2+$0x0]  }
0x483: {  	v9 =	vld [tilespmem:s0+$0xFFFFFF00];
	v3 =	vadd.f32 v4, v3  }
0x484: {  	v4 =	vld [tilespmem:s2+$0xFFFFFF00]  }
0x485: {  	[tilespmem:s0+$0x80] =	vst v3;
	v3 =	vld [tilespmem:s0+$0x90]  }
0x486: {  	v5 =	vadd.f32 v6, v5;
	v6 =	vld [tilespmem:s2+$0x90]  }
0x487: {  	v10 =	vld [tilespmem:s0+$0xFFFFFF10]  }
0x488: {  	[tilespmem:s0+$0xFFFFFF80] =	vst v5;
	v5 =	vadd.f32 v8, v7;
	v7 =	vld [tilespmem:s0+$0xFFFFFF90]  }
0x489: {  	v8 =	vld [tilespmem:s2+$0xFFFFFF90];
	v4 =	vadd.f32 v4, v9  }
0x48a: {  	[tilespmem:s0+$0x0] =	vst v5;
	v5 =	vld [tilespmem:s0+$0x10]  }
0x48b: {  	v9 =	vld [tilespmem:s2+$0x10];
	[tilespmem:s0+$0xFFFFFF00] =	vst v4;
	v3 =	vadd.f32 v6, v3  }
0x48c: {  	v4 =	vld [tilespmem:s2+$0xFFFFFF10]  }
0x48d: {  	[tilespmem:s0+$0x90] =	vst v3;
	v3 =	vld [tilespmem:s0+$0xA0]  }
0x48e: {  	v6 =	vadd.f32 v8, v7;
	v7 =	vld [tilespmem:s2+$0xA0]  }
0x48f: {  	v8 =	vld [tilespmem:s0+$0xFFFFFF20]  }
0x490: {  	[tilespmem:s0+$0xFFFFFF90] =	vst v6;
	v5 =	vadd.f32 v9, v5;
	v6 =	vld [tilespmem:s0+$0xFFFFFFA0]  }
0x491: {  	v9 =	vld [tilespmem:s2+$0xFFFFFFA0];
	v4 =	vadd.f32 v4, v10  }
0x492: {  	[tilespmem:s0+$0x10] =	vst v5;
	v5 =	vld [tilespmem:s0+$0x20]  }
0x493: {  	v10 =	vld [tilespmem:s2+$0x20];
	[tilespmem:s0+$0xFFFFFF10] =	vst v4;
	v3 =	vadd.f32 v7, v3  }
0x494: {  	v4 =	vld [tilespmem:s2+$0xFFFFFF20]  }
0x495: {  	[tilespmem:s0+$0xA0] =	vst v3;
	v3 =	vld [tilespmem:s0+$0xB0]  }
0x496: {  	v6 =	vadd.f32 v9, v6;
	v7 =	vld [tilespmem:s2+$0xB0]  }
0x497: {  	v9 =	vld [tilespmem:s0+$0xFFFFFF30]  }
0x498: {  	[tilespmem:s0+$0xFFFFFFA0] =	vst v6;
	v5 =	vadd.f32 v10, v5;
	v6 =	vld [tilespmem:s0+$0xFFFFFFB0]  }
0x499: {  	v10 =	vld [tilespmem:s2+$0xFFFFFFB0];
	v4 =	vadd.f32 v4, v8  }
0x49a: {  	[tilespmem:s0+$0x20] =	vst v5;
	v5 =	vld [tilespmem:s0+$0x30]  }
0x49b: {  	v8 =	vld [tilespmem:s2+$0x30];
	[tilespmem:s0+$0xFFFFFF20] =	vst v4;
	v3 =	vadd.f32 v7, v3  }
0x49c: {  	v4 =	vld [tilespmem:s2+$0xFFFFFF30]  }
0x49d: {  	[tilespmem:s0+$0xB0] =	vst v3;
	v3 =	vld [tilespmem:s0+$0xC0]  }
0x49e: {  	v6 =	vadd.f32 v10, v6;
	v7 =	vld [tilespmem:s2+$0xC0]  }
0x49f: {  	v10 =	vld [tilespmem:s0+$0xFFFFFF40]  }
0x4a0: {  	[tilespmem:s0+$0xFFFFFFB0] =	vst v6;
	v5 =	vadd.f32 v8, v5;
	v6 =	vld [tilespmem:s0+$0xFFFFFFC0]  }
0x4a1: {  	v8 =	vld [tilespmem:s2+$0xFFFFFFC0];
	v4 =	vadd.f32 v4, v9  }
0x4a2: {  	[tilespmem:s0+$0x30] =	vst v5;
	v5 =	vld [tilespmem:s0+$0x40]  }
0x4a3: {  	v9 =	vld [tilespmem:s2+$0x40];
	[tilespmem:s0+$0xFFFFFF30] =	vst v4;
	v3 =	vadd.f32 v7, v3  }
0x4a4: {  	v4 =	vld [tilespmem:s2+$0xFFFFFF40]  }
0x4a5: {  	[tilespmem:s0+$0xC0] =	vst v3;
	v3 =	vld [tilespmem:s0+$0xD0]  }
0x4a6: {  	v6 =	vadd.f32 v8, v6;
	v7 =	vld [tilespmem:s2+$0xD0]  }
0x4a7: {  	v8 =	vld [tilespmem:s0+$0xFFFFFF50]  }
0x4a8: {  	[tilespmem:s0+$0xFFFFFFC0] =	vst v6;
	v5 =	vadd.f32 v9, v5;
	v6 =	vld [tilespmem:s0+$0xFFFFFFD0]  }
0x4a9: {  	v9 =	vld [tilespmem:s2+$0xFFFFFFD0];
	v4 =	vadd.f32 v4, v10  }
0x4aa: {  	[tilespmem:s0+$0x40] =	vst v5;
	v5 =	vld [tilespmem:s0+$0x50]  }
0x4ab: {  	v10 =	vld [tilespmem:s2+$0x50];
	[tilespmem:s0+$0xFFFFFF40] =	vst v4;
	v3 =	vadd.f32 v7, v3  }
0x4ac: {  	v4 =	vld [tilespmem:s2+$0xFFFFFF50]  }
0x4ad: {  	[tilespmem:s0+$0xD0] =	vst v3;
	v3 =	vld [tilespmem:s0+$0xE0]  }
0x4ae: {  	v6 =	vadd.f32 v9, v6;
	v7 =	vld [tilespmem:s2+$0xE0]  }
0x4af: {  	v9 =	vld [tilespmem:s0+$0xFFFFFF60]  }
0x4b0: {  	[tilespmem:s0+$0xFFFFFFD0] =	vst v6;
	v5 =	vadd.f32 v10, v5;
	v6 =	vld [tilespmem:s0+$0xFFFFFFE0]  }
0x4b1: {  	v10 =	vld [tilespmem:s2+$0xFFFFFFE0];
	v4 =	vadd.f32 v4, v8  }
0x4b2: {  	[tilespmem:s0+$0x50] =	vst v5;
	v5 =	vld [tilespmem:s0+$0x60]  }
0x4b3: {  	v8 =	vld [tilespmem:s2+$0x60];
	[tilespmem:s0+$0xFFFFFF50] =	vst v4;
	v3 =	vadd.f32 v7, v3  }
0x4b4: {  	v7 =	vld [tilespmem:s2+$0xFFFFFF60]  }
0x4b5: {  	v11 =	vld [tilespmem:s0+$0xF0];
	[tilespmem:s0+$0xE0] =	vst v3  }
0x4b6: {  	v4 =	vadd.f32 v10, v6;
	v10 =	vld [tilespmem:s2+$0xF0]  }
0x4b7: {  	v3 =	vld [tilespmem:s0+$0xFFFFFF70]  }
0x4b8: {  	[tilespmem:s0+$0xFFFFFFE0] =	vst v4;
	v5 =	vadd.f32 v8, v5;
	v4 =	vld [tilespmem:s0+$0xFFFFFFF0]  }
0x4b9: {  	v6 =	vld [tilespmem:s2+$0xFFFFFFF0];
	v7 =	vadd.f32 v7, v9  }
0x4ba: {  	[tilespmem:s0+$0x60] =	vst v5;
	v5 =	vld [tilespmem:s0+$0x70]  }
0x4bb: {  	[tilespmem:s0+$0xFFFFFF60] =	vst v7;
	v7 =	vld [tilespmem:s2+$0x70];
	v9 =	vadd.f32 v10, v11  }
0x4bc: {  	s10 =	simm.s32 $0x0;
	s11 =	simm.s32 $0x720;
	v8 =	vld [tilespmem:s2+$0xFFFFFF70]  }
.LBB2_22:
0x4bd: {  	v10 =	vld [tilespmem:s11+$0x80];
	[tilespmem:s0+$0xF0] =	vst v9;
	s2 =	sadd.s32 $0x200, s2  }
0x4be: {  	s10 =	sadd.s32 $0x4, s10;
	v9 =	vld [tilespmem:s2+$0x80];
	v4 =	vadd.f32 v6, v4  }
0x4bf: {  	p1 =	slt.u32 s10, $0x78;
	v6 =	vld [tilespmem:s2+$0xFFFFFF00]  }
0x4c0: {  	v11 =	vld [tilespmem:s11+$0xFFFFFF80];
	[tilespmem:s0+$0xFFFFFFF0] =	vst v4;
	v4 =	vadd.f32 v7, v5  }
0x4c1: {  	v5 =	vld [tilespmem:s2+$0xFFFFFF80];
	v3 =	vadd.f32 v8, v3  }
0x4c2: {  	v7 =	vld [tilespmem:s11+$0x0];
	[tilespmem:s0+$0x70] =	vst v4  }
0x4c3: {  	v4 =	vld [tilespmem:s2+$0x0];
	v8 =	vadd.f32 v9, v10;
	[tilespmem:s0+$0xFFFFFF70] =	vst v3;
	s0 =	smov.u32 s11  }
0x4c4: {  	v3 =	vld [tilespmem:s11+$0xFFFFFF00]  }
0x4c5: {  	[tilespmem:s11+$0x80] =	vst v8;
	v8 =	vld [tilespmem:s11+$0x90]  }
0x4c6: {  	v5 =	vadd.f32 v5, v11;
	v9 =	vld [tilespmem:s2+$0x90]  }
0x4c7: {  	v10 =	vld [tilespmem:s11+$0xFFFFFF10]  }
0x4c8: {  	[tilespmem:s11+$0xFFFFFF80] =	vst v5;
	v5 =	vld [tilespmem:s11+$0xFFFFFF90];
	v4 =	vadd.f32 v4, v7  }
0x4c9: {  	v3 =	vadd.f32 v6, v3;
	v6 =	vld [tilespmem:s2+$0xFFFFFF90]  }
0x4ca: {  	[tilespmem:s11+$0x0] =	vst v4;
	v4 =	vld [tilespmem:s11+$0x10]  }
0x4cb: {  	[tilespmem:s11+$0xFFFFFF00] =	vst v3;
	v3 =	vld [tilespmem:s2+$0x10];
	v7 =	vadd.f32 v9, v8  }
0x4cc: {  	v8 =	vld [tilespmem:s2+$0xFFFFFF10]  }
0x4cd: {  	[tilespmem:s11+$0x90] =	vst v7;
	v7 =	vld [tilespmem:s11+$0xA0]  }
0x4ce: {  	v5 =	vadd.f32 v6, v5;
	v6 =	vld [tilespmem:s2+$0xA0]  }
0x4cf: {  	v9 =	vld [tilespmem:s11+$0xFFFFFF20]  }
0x4d0: {  	[tilespmem:s11+$0xFFFFFF90] =	vst v5;
	v5 =	vld [tilespmem:s11+$0xFFFFFFA0];
	v3 =	vadd.f32 v3, v4  }
0x4d1: {  	v4 =	vadd.f32 v8, v10;
	v8 =	vld [tilespmem:s2+$0xFFFFFFA0]  }
0x4d2: {  	[tilespmem:s11+$0x10] =	vst v3;
	v3 =	vld [tilespmem:s11+$0x20]  }
0x4d3: {  	[tilespmem:s11+$0xFFFFFF10] =	vst v4;
	v4 =	vld [tilespmem:s2+$0x20];
	v6 =	vadd.f32 v6, v7  }
0x4d4: {  	v7 =	vld [tilespmem:s2+$0xFFFFFF20]  }
0x4d5: {  	[tilespmem:s11+$0xA0] =	vst v6;
	v6 =	vld [tilespmem:s11+$0xB0]  }
0x4d6: {  	v5 =	vadd.f32 v8, v5;
	v8 =	vld [tilespmem:s2+$0xB0]  }
0x4d7: {  	v10 =	vld [tilespmem:s11+$0xFFFFFF30]  }
0x4d8: {  	[tilespmem:s11+$0xFFFFFFA0] =	vst v5;
	v5 =	vld [tilespmem:s11+$0xFFFFFFB0];
	v3 =	vadd.f32 v4, v3  }
0x4d9: {  	v4 =	vadd.f32 v7, v9;
	v7 =	vld [tilespmem:s2+$0xFFFFFFB0]  }
0x4da: {  	[tilespmem:s11+$0x20] =	vst v3;
	v3 =	vld [tilespmem:s11+$0x30]  }
0x4db: {  	[tilespmem:s11+$0xFFFFFF20] =	vst v4;
	v4 =	vld [tilespmem:s2+$0x30];
	v6 =	vadd.f32 v8, v6  }
0x4dc: {  	v8 =	vld [tilespmem:s2+$0xFFFFFF30]  }
0x4dd: {  	[tilespmem:s11+$0xB0] =	vst v6;
	v6 =	vld [tilespmem:s11+$0xC0]  }
0x4de: {  	v5 =	vadd.f32 v7, v5;
	v7 =	vld [tilespmem:s2+$0xC0]  }
0x4df: {  	v9 =	vld [tilespmem:s11+$0xFFFFFF40]  }
0x4e0: {  	[tilespmem:s11+$0xFFFFFFB0] =	vst v5;
	v5 =	vld [tilespmem:s11+$0xFFFFFFC0];
	v3 =	vadd.f32 v4, v3  }
0x4e1: {  	v4 =	vadd.f32 v8, v10;
	v8 =	vld [tilespmem:s2+$0xFFFFFFC0]  }
0x4e2: {  	[tilespmem:s11+$0x30] =	vst v3;
	v3 =	vld [tilespmem:s11+$0x40]  }
0x4e3: {  	[tilespmem:s11+$0xFFFFFF30] =	vst v4;
	v4 =	vld [tilespmem:s2+$0x40];
	v6 =	vadd.f32 v7, v6  }
0x4e4: {  	v7 =	vld [tilespmem:s2+$0xFFFFFF40]  }
0x4e5: {  	[tilespmem:s11+$0xC0] =	vst v6;
	v6 =	vld [tilespmem:s11+$0xD0]  }
0x4e6: {  	v5 =	vadd.f32 v8, v5;
	v8 =	vld [tilespmem:s2+$0xD0]  }
0x4e7: {  	v10 =	vld [tilespmem:s11+$0xFFFFFF50]  }
0x4e8: {  	[tilespmem:s11+$0xFFFFFFC0] =	vst v5;
	v5 =	vld [tilespmem:s11+$0xFFFFFFD0];
	v3 =	vadd.f32 v4, v3  }
0x4e9: {  	v4 =	vadd.f32 v7, v9;
	v7 =	vld [tilespmem:s2+$0xFFFFFFD0]  }
0x4ea: {  	[tilespmem:s11+$0x40] =	vst v3;
	v3 =	vld [tilespmem:s11+$0x50]  }
0x4eb: {  	[tilespmem:s11+$0xFFFFFF40] =	vst v4;
	v4 =	vld [tilespmem:s2+$0x50];
	v6 =	vadd.f32 v8, v6  }
0x4ec: {  	v8 =	vld [tilespmem:s2+$0xFFFFFF50]  }
0x4ed: {  	[tilespmem:s11+$0xD0] =	vst v6;
	v6 =	vld [tilespmem:s11+$0xE0]  }
0x4ee: {  	v5 =	vadd.f32 v7, v5;
	v7 =	vld [tilespmem:s2+$0xE0]  }
0x4ef: {  	v9 =	vld [tilespmem:s11+$0xFFFFFF60]  }
0x4f0: {  	[tilespmem:s11+$0xFFFFFFD0] =	vst v5;
	v5 =	vld [tilespmem:s11+$0xFFFFFFE0];
	v3 =	vadd.f32 v4, v3  }
0x4f1: {  	v4 =	vadd.f32 v8, v10;
	v8 =	vld [tilespmem:s2+$0xFFFFFFE0]  }
0x4f2: {  	[tilespmem:s11+$0x50] =	vst v3;
	v10 =	vld [tilespmem:s11+$0x60]  }
0x4f3: {  	[tilespmem:s11+$0xFFFFFF50] =	vst v4;
	v11 =	vld [tilespmem:s2+$0x60];
	v3 =	vadd.f32 v7, v6  }
0x4f4: {  	v6 =	vld [tilespmem:s2+$0xFFFFFF60]  }
0x4f5: {  	[tilespmem:s11+$0xE0] =	vst v3;
	v12 =	vld [tilespmem:s11+$0xF0]  }
0x4f6: {  	v4 =	vadd.f32 v8, v5;
	v8 =	vld [tilespmem:s2+$0xF0]  }
0x4f7: {  	v3 =	vld [tilespmem:s11+$0xFFFFFF70]  }
.Ltmp16:
0x4f8: {  	[tilespmem:s11+$0xFFFFFFE0] =	vst v4;
	v4 =	vld [tilespmem:s11+$0xFFFFFFF0];
	v5 =	vadd.f32 v11, v10;
	(pc) =	sbr.rel @p1 .LBB2_22-.Ltmp16, $4  }
0x4f9: {  	v7 =	vadd.f32 v6, v9;
	v6 =	vld [tilespmem:s2+$0xFFFFFFF0]  }
0x4fa: {  	[tilespmem:s11+$0x60] =	vst v5;
	v5 =	vld [tilespmem:s11+$0x70]  }
0x4fb: {  	[tilespmem:s11+$0xFFFFFF60] =	vst v7;
	v7 =	vld [tilespmem:s2+$0x70];
	v9 =	vadd.f32 v8, v12  }
0x4fc: {  	s11 =	sadd.s32 $0x200, s11;
	v8 =	vld [tilespmem:s2+$0xFFFFFF70]  }
0x4fd: {  	_ =	sdelay $0x1  }
0x4fe: {  	v4 =	vadd.f32 v6, v4  }
0x4ff: {  	[tilespmem:s0+$0xF0] =	vst v9;
	v5 =	vadd.f32 v7, v5  }
0x500: {  	[tilespmem:s0+$0xFFFFFFF0] =	vst v4;
	v3 =	vadd.f32 v8, v3  }
0x501: {  	[tilespmem:s0+$0x70] =	vst v5  }
0x502: {  	[tilespmem:s0+$0xFFFFFF70] =	vst v3  }
0x503: {  	v3 =	vld [tilespmem:$0x4220]  }
0x504: {  	v4 =	vld [tilespmem:$0xC220]  }
0x505: {  	v5 =	vld [tilespmem:$0x4230]  }
0x506: {  	v58 =	vld [tilespmem:$0xC230]  }
0x507: {  	v59 =	vld [tilespmem:$0x4240]  }
0x508: {  	v60 =	vld [tilespmem:$0xC240]  }
0x509: {  	v9 =	vld [tilespmem:$0x4250]  }
0x50a: {  	v10 =	vld [tilespmem:$0xC250]  }
0x50b: {  	v11 =	vld [tilespmem:$0x4260]  }
0x50c: {  	v12 =	vld [tilespmem:$0xC260]  }
0x50d: {  	v13 =	vld [tilespmem:$0x4270]  }
0x50e: {  	v14 =	vld [tilespmem:$0xC270]  }
0x50f: {  	v61 =	vld [tilespmem:$0xC280];
	v3 =	vadd.f32 v4, v3  }
0x510: {  	v4 =	vld [tilespmem:$0x4280];
	v5 =	vadd.f32 v58, v5  }
0x511: {  	v62 =	vld [tilespmem:$0x4290];
	[tilespmem:$0x4220] =	vst v3;
	v3 =	vadd.f32 v60, v59  }
0x512: {  	v63 =	vld [tilespmem:$0xC290];
	[tilespmem:$0x4230] =	vst v5;
	v5 =	vadd.f32 v10, v9  }
0x513: {  	[tilespmem:$0x4240] =	vst v3;
	v3 =	vadd.f32 v12, v11  }
0x514: {  	[tilespmem:$0x4250] =	vst v5;
	v5 =	vadd.f32 v14, v13  }
0x515: {  	[tilespmem:$0x4260] =	vst v3;
	v3 =	vadd.f32 v61, v4  }
0x516: {  	[tilespmem:$0x4270] =	vst v5  }
0x517: {  	[tilespmem:$0x4280] =	vst v3;
	v3 =	vadd.f32 v63, v62  }
.LBB2_24:
.Ltmp17:
0x518: {  	(pc) =	sbr.rel @p0 .LBB2_25-.Ltmp17, $3  }
0x519: {  	_ =	sdelay $0x1  }
0x51a: {  	s0 =	rddreg [dreg:$0x6];
	[tilespmem:$0x4290] =	vst v3  }
0x51b: {  	[hbm4b:s0+s5] =	stream.linear.scatter [tilespmem:s22], [sflag:$0x7], $0x3E80, $0x38;
	[tilespmem:$0x10420] =	vst v63  }
0x51c: {  	_ =	swait.ge [sflag:s24], $0x4000  }
0x51d: {  	[sflag:s24] =	ssyncset.done $0x0  }
0x51e: {  	[sflag:s24] =	ssyncadd.s32 $0xFFFFC000  }
0x51f: {  	_ =	swait.ge [sflag:s25], $0x4000  }
0x520: {  	[sflag:s25] =	ssyncset.done $0x0  }
0x521: {  	s0 =	simm.s32 $0x4520;
	[sflag:s25] =	ssyncadd.s32 $0xFFFFC000  }
0x522: {  	s2 =	simm.s32 $0xC520;
	v3 =	vld [tilespmem:s0+$0x80]  }
0x523: {  	v4 =	vld [tilespmem:s2+$0x80]  }
0x524: {  	v5 =	vld [tilespmem:s0+$0xFFFFFF80]  }
0x525: {  	v6 =	vld [tilespmem:s2+$0xFFFFFF80]  }
0x526: {  	v7 =	vld [tilespmem:s0+$0x0]  }
0x527: {  	v8 =	vld [tilespmem:s2+$0x0]  }
0x528: {  	v9 =	vld [tilespmem:s0+$0xFFFFFF00];
	v3 =	vadd.f32 v4, v3  }
0x529: {  	v4 =	vld [tilespmem:s2+$0xFFFFFF00]  }
0x52a: {  	[tilespmem:s0+$0x80] =	vst v3;
	v3 =	vld [tilespmem:s0+$0x90]  }
0x52b: {  	v5 =	vadd.f32 v6, v5;
	v6 =	vld [tilespmem:s2+$0x90]  }
0x52c: {  	v10 =	vld [tilespmem:s0+$0xFFFFFF10]  }
0x52d: {  	[tilespmem:s0+$0xFFFFFF80] =	vst v5;
	v5 =	vadd.f32 v8, v7;
	v7 =	vld [tilespmem:s0+$0xFFFFFF90]  }
0x52e: {  	v8 =	vld [tilespmem:s2+$0xFFFFFF90];
	v4 =	vadd.f32 v4, v9  }
0x52f: {  	[tilespmem:s0+$0x0] =	vst v5;
	v5 =	vld [tilespmem:s0+$0x10]  }
0x530: {  	v9 =	vld [tilespmem:s2+$0x10];
	[tilespmem:s0+$0xFFFFFF00] =	vst v4;
	v3 =	vadd.f32 v6, v3  }
0x531: {  	v4 =	vld [tilespmem:s2+$0xFFFFFF10]  }
0x532: {  	[tilespmem:s0+$0x90] =	vst v3;
	v3 =	vld [tilespmem:s0+$0xA0]  }
0x533: {  	v6 =	vadd.f32 v8, v7;
	v7 =	vld [tilespmem:s2+$0xA0]  }
0x534: {  	v8 =	vld [tilespmem:s0+$0xFFFFFF20]  }
0x535: {  	[tilespmem:s0+$0xFFFFFF90] =	vst v6;
	v5 =	vadd.f32 v9, v5;
	v6 =	vld [tilespmem:s0+$0xFFFFFFA0]  }
0x536: {  	v9 =	vld [tilespmem:s2+$0xFFFFFFA0];
	v4 =	vadd.f32 v4, v10  }
0x537: {  	[tilespmem:s0+$0x10] =	vst v5;
	v5 =	vld [tilespmem:s0+$0x20]  }
0x538: {  	v10 =	vld [tilespmem:s2+$0x20];
	[tilespmem:s0+$0xFFFFFF10] =	vst v4;
	v3 =	vadd.f32 v7, v3  }
0x539: {  	v4 =	vld [tilespmem:s2+$0xFFFFFF20]  }
0x53a: {  	[tilespmem:s0+$0xA0] =	vst v3;
	v3 =	vld [tilespmem:s0+$0xB0]  }
0x53b: {  	v6 =	vadd.f32 v9, v6;
	v7 =	vld [tilespmem:s2+$0xB0]  }
0x53c: {  	v9 =	vld [tilespmem:s0+$0xFFFFFF30]  }
0x53d: {  	[tilespmem:s0+$0xFFFFFFA0] =	vst v6;
	v5 =	vadd.f32 v10, v5;
	v6 =	vld [tilespmem:s0+$0xFFFFFFB0]  }
0x53e: {  	v10 =	vld [tilespmem:s2+$0xFFFFFFB0];
	v4 =	vadd.f32 v4, v8  }
0x53f: {  	[tilespmem:s0+$0x20] =	vst v5;
	v5 =	vld [tilespmem:s0+$0x30]  }
0x540: {  	v8 =	vld [tilespmem:s2+$0x30];
	[tilespmem:s0+$0xFFFFFF20] =	vst v4;
	v3 =	vadd.f32 v7, v3  }
0x541: {  	v4 =	vld [tilespmem:s2+$0xFFFFFF30]  }
0x542: {  	[tilespmem:s0+$0xB0] =	vst v3;
	v3 =	vld [tilespmem:s0+$0xC0]  }
0x543: {  	v6 =	vadd.f32 v10, v6;
	v7 =	vld [tilespmem:s2+$0xC0]  }
0x544: {  	v10 =	vld [tilespmem:s0+$0xFFFFFF40]  }
0x545: {  	[tilespmem:s0+$0xFFFFFFB0] =	vst v6;
	v5 =	vadd.f32 v8, v5;
	v6 =	vld [tilespmem:s0+$0xFFFFFFC0]  }
0x546: {  	v8 =	vld [tilespmem:s2+$0xFFFFFFC0];
	v4 =	vadd.f32 v4, v9  }
0x547: {  	[tilespmem:s0+$0x30] =	vst v5;
	v5 =	vld [tilespmem:s0+$0x40]  }
0x548: {  	v9 =	vld [tilespmem:s2+$0x40];
	[tilespmem:s0+$0xFFFFFF30] =	vst v4;
	v3 =	vadd.f32 v7, v3  }
0x549: {  	v4 =	vld [tilespmem:s2+$0xFFFFFF40]  }
0x54a: {  	[tilespmem:s0+$0xC0] =	vst v3;
	v3 =	vld [tilespmem:s0+$0xD0]  }
0x54b: {  	v6 =	vadd.f32 v8, v6;
	v7 =	vld [tilespmem:s2+$0xD0]  }
0x54c: {  	v8 =	vld [tilespmem:s0+$0xFFFFFF50]  }
0x54d: {  	[tilespmem:s0+$0xFFFFFFC0] =	vst v6;
	v5 =	vadd.f32 v9, v5;
	v6 =	vld [tilespmem:s0+$0xFFFFFFD0]  }
0x54e: {  	v9 =	vld [tilespmem:s2+$0xFFFFFFD0];
	v4 =	vadd.f32 v4, v10  }
0x54f: {  	[tilespmem:s0+$0x40] =	vst v5;
	v5 =	vld [tilespmem:s0+$0x50]  }
0x550: {  	v10 =	vld [tilespmem:s2+$0x50];
	[tilespmem:s0+$0xFFFFFF40] =	vst v4;
	v3 =	vadd.f32 v7, v3  }
0x551: {  	v4 =	vld [tilespmem:s2+$0xFFFFFF50]  }
0x552: {  	[tilespmem:s0+$0xD0] =	vst v3;
	v3 =	vld [tilespmem:s0+$0xE0]  }
0x553: {  	v6 =	vadd.f32 v9, v6;
	v7 =	vld [tilespmem:s2+$0xE0]  }
0x554: {  	v9 =	vld [tilespmem:s0+$0xFFFFFF60]  }
0x555: {  	[tilespmem:s0+$0xFFFFFFD0] =	vst v6;
	v5 =	vadd.f32 v10, v5;
	v6 =	vld [tilespmem:s0+$0xFFFFFFE0]  }
0x556: {  	v10 =	vld [tilespmem:s2+$0xFFFFFFE0];
	v4 =	vadd.f32 v4, v8  }
0x557: {  	[tilespmem:s0+$0x50] =	vst v5;
	v5 =	vld [tilespmem:s0+$0x60]  }
0x558: {  	v8 =	vld [tilespmem:s2+$0x60];
	[tilespmem:s0+$0xFFFFFF50] =	vst v4;
	v3 =	vadd.f32 v7, v3  }
0x559: {  	v7 =	vld [tilespmem:s2+$0xFFFFFF60]  }
0x55a: {  	v11 =	vld [tilespmem:s0+$0xF0];
	[tilespmem:s0+$0xE0] =	vst v3  }
0x55b: {  	v4 =	vadd.f32 v10, v6;
	v10 =	vld [tilespmem:s2+$0xF0]  }
0x55c: {  	v3 =	vld [tilespmem:s0+$0xFFFFFF70]  }
0x55d: {  	[tilespmem:s0+$0xFFFFFFE0] =	vst v4;
	v5 =	vadd.f32 v8, v5;
	v4 =	vld [tilespmem:s0+$0xFFFFFFF0]  }
0x55e: {  	v6 =	vld [tilespmem:s2+$0xFFFFFFF0];
	v7 =	vadd.f32 v7, v9  }
0x55f: {  	[tilespmem:s0+$0x60] =	vst v5;
	v5 =	vld [tilespmem:s0+$0x70]  }
0x560: {  	[tilespmem:s0+$0xFFFFFF60] =	vst v7;
	v7 =	vld [tilespmem:s2+$0x70];
	v9 =	vadd.f32 v10, v11  }
0x561: {  	s10 =	simm.s32 $0x0;
	s11 =	simm.s32 $0x4720;
	v8 =	vld [tilespmem:s2+$0xFFFFFF70]  }
.LBB2_29:
0x562: {  	v10 =	vld [tilespmem:s11+$0x80];
	[tilespmem:s0+$0xF0] =	vst v9;
	s2 =	sadd.s32 $0x200, s2  }
0x563: {  	s10 =	sadd.s32 $0x4, s10;
	v9 =	vld [tilespmem:s2+$0x80];
	v4 =	vadd.f32 v6, v4  }
0x564: {  	p0 =	slt.u32 s10, $0x78;
	v6 =	vld [tilespmem:s2+$0xFFFFFF00]  }
0x565: {  	v11 =	vld [tilespmem:s11+$0xFFFFFF80];
	[tilespmem:s0+$0xFFFFFFF0] =	vst v4;
	v4 =	vadd.f32 v7, v5  }
0x566: {  	v5 =	vld [tilespmem:s2+$0xFFFFFF80];
	v3 =	vadd.f32 v8, v3  }
0x567: {  	v7 =	vld [tilespmem:s11+$0x0];
	[tilespmem:s0+$0x70] =	vst v4  }
0x568: {  	v4 =	vld [tilespmem:s2+$0x0];
	v8 =	vadd.f32 v9, v10;
	[tilespmem:s0+$0xFFFFFF70] =	vst v3;
	s0 =	smov.u32 s11  }
0x569: {  	v3 =	vld [tilespmem:s11+$0xFFFFFF00]  }
0x56a: {  	[tilespmem:s11+$0x80] =	vst v8;
	v8 =	vld [tilespmem:s11+$0x90]  }
0x56b: {  	v5 =	vadd.f32 v5, v11;
	v9 =	vld [tilespmem:s2+$0x90]  }
0x56c: {  	v10 =	vld [tilespmem:s11+$0xFFFFFF10]  }
0x56d: {  	[tilespmem:s11+$0xFFFFFF80] =	vst v5;
	v5 =	vld [tilespmem:s11+$0xFFFFFF90];
	v4 =	vadd.f32 v4, v7  }
0x56e: {  	v3 =	vadd.f32 v6, v3;
	v6 =	vld [tilespmem:s2+$0xFFFFFF90]  }
0x56f: {  	[tilespmem:s11+$0x0] =	vst v4;
	v4 =	vld [tilespmem:s11+$0x10]  }
0x570: {  	[tilespmem:s11+$0xFFFFFF00] =	vst v3;
	v3 =	vld [tilespmem:s2+$0x10];
	v7 =	vadd.f32 v9, v8  }
0x571: {  	v8 =	vld [tilespmem:s2+$0xFFFFFF10]  }
0x572: {  	[tilespmem:s11+$0x90] =	vst v7;
	v7 =	vld [tilespmem:s11+$0xA0]  }
0x573: {  	v5 =	vadd.f32 v6, v5;
	v6 =	vld [tilespmem:s2+$0xA0]  }
0x574: {  	v9 =	vld [tilespmem:s11+$0xFFFFFF20]  }
0x575: {  	[tilespmem:s11+$0xFFFFFF90] =	vst v5;
	v5 =	vld [tilespmem:s11+$0xFFFFFFA0];
	v3 =	vadd.f32 v3, v4  }
0x576: {  	v4 =	vadd.f32 v8, v10;
	v8 =	vld [tilespmem:s2+$0xFFFFFFA0]  }
0x577: {  	[tilespmem:s11+$0x10] =	vst v3;
	v3 =	vld [tilespmem:s11+$0x20]  }
0x578: {  	[tilespmem:s11+$0xFFFFFF10] =	vst v4;
	v4 =	vld [tilespmem:s2+$0x20];
	v6 =	vadd.f32 v6, v7  }
0x579: {  	v7 =	vld [tilespmem:s2+$0xFFFFFF20]  }
0x57a: {  	[tilespmem:s11+$0xA0] =	vst v6;
	v6 =	vld [tilespmem:s11+$0xB0]  }
0x57b: {  	v5 =	vadd.f32 v8, v5;
	v8 =	vld [tilespmem:s2+$0xB0]  }
0x57c: {  	v10 =	vld [tilespmem:s11+$0xFFFFFF30]  }
0x57d: {  	[tilespmem:s11+$0xFFFFFFA0] =	vst v5;
	v5 =	vld [tilespmem:s11+$0xFFFFFFB0];
	v3 =	vadd.f32 v4, v3  }
0x57e: {  	v4 =	vadd.f32 v7, v9;
	v7 =	vld [tilespmem:s2+$0xFFFFFFB0]  }
0x57f: {  	[tilespmem:s11+$0x20] =	vst v3;
	v3 =	vld [tilespmem:s11+$0x30]  }
0x580: {  	[tilespmem:s11+$0xFFFFFF20] =	vst v4;
	v4 =	vld [tilespmem:s2+$0x30];
	v6 =	vadd.f32 v8, v6  }
0x581: {  	v8 =	vld [tilespmem:s2+$0xFFFFFF30]  }
0x582: {  	[tilespmem:s11+$0xB0] =	vst v6;
	v6 =	vld [tilespmem:s11+$0xC0]  }
0x583: {  	v5 =	vadd.f32 v7, v5;
	v7 =	vld [tilespmem:s2+$0xC0]  }
0x584: {  	v9 =	vld [tilespmem:s11+$0xFFFFFF40]  }
0x585: {  	[tilespmem:s11+$0xFFFFFFB0] =	vst v5;
	v5 =	vld [tilespmem:s11+$0xFFFFFFC0];
	v3 =	vadd.f32 v4, v3  }
0x586: {  	v4 =	vadd.f32 v8, v10;
	v8 =	vld [tilespmem:s2+$0xFFFFFFC0]  }
0x587: {  	[tilespmem:s11+$0x30] =	vst v3;
	v3 =	vld [tilespmem:s11+$0x40]  }
0x588: {  	[tilespmem:s11+$0xFFFFFF30] =	vst v4;
	v4 =	vld [tilespmem:s2+$0x40];
	v6 =	vadd.f32 v7, v6  }
0x589: {  	v7 =	vld [tilespmem:s2+$0xFFFFFF40]  }
0x58a: {  	[tilespmem:s11+$0xC0] =	vst v6;
	v6 =	vld [tilespmem:s11+$0xD0]  }
0x58b: {  	v5 =	vadd.f32 v8, v5;
	v8 =	vld [tilespmem:s2+$0xD0]  }
0x58c: {  	v10 =	vld [tilespmem:s11+$0xFFFFFF50]  }
0x58d: {  	[tilespmem:s11+$0xFFFFFFC0] =	vst v5;
	v5 =	vld [tilespmem:s11+$0xFFFFFFD0];
	v3 =	vadd.f32 v4, v3  }
0x58e: {  	v4 =	vadd.f32 v7, v9;
	v7 =	vld [tilespmem:s2+$0xFFFFFFD0]  }
0x58f: {  	[tilespmem:s11+$0x40] =	vst v3;
	v3 =	vld [tilespmem:s11+$0x50]  }
0x590: {  	[tilespmem:s11+$0xFFFFFF40] =	vst v4;
	v4 =	vld [tilespmem:s2+$0x50];
	v6 =	vadd.f32 v8, v6  }
0x591: {  	v8 =	vld [tilespmem:s2+$0xFFFFFF50]  }
0x592: {  	[tilespmem:s11+$0xD0] =	vst v6;
	v6 =	vld [tilespmem:s11+$0xE0]  }
0x593: {  	v5 =	vadd.f32 v7, v5;
	v7 =	vld [tilespmem:s2+$0xE0]  }
0x594: {  	v9 =	vld [tilespmem:s11+$0xFFFFFF60]  }
0x595: {  	[tilespmem:s11+$0xFFFFFFD0] =	vst v5;
	v5 =	vld [tilespmem:s11+$0xFFFFFFE0];
	v3 =	vadd.f32 v4, v3  }
0x596: {  	v4 =	vadd.f32 v8, v10;
	v8 =	vld [tilespmem:s2+$0xFFFFFFE0]  }
0x597: {  	[tilespmem:s11+$0x50] =	vst v3;
	v10 =	vld [tilespmem:s11+$0x60]  }
0x598: {  	[tilespmem:s11+$0xFFFFFF50] =	vst v4;
	v11 =	vld [tilespmem:s2+$0x60];
	v3 =	vadd.f32 v7, v6  }
0x599: {  	v6 =	vld [tilespmem:s2+$0xFFFFFF60]  }
0x59a: {  	[tilespmem:s11+$0xE0] =	vst v3;
	v12 =	vld [tilespmem:s11+$0xF0]  }
0x59b: {  	v4 =	vadd.f32 v8, v5;
	v8 =	vld [tilespmem:s2+$0xF0]  }
0x59c: {  	v3 =	vld [tilespmem:s11+$0xFFFFFF70]  }
.Ltmp18:
0x59d: {  	[tilespmem:s11+$0xFFFFFFE0] =	vst v4;
	v4 =	vld [tilespmem:s11+$0xFFFFFFF0];
	v5 =	vadd.f32 v11, v10;
	(pc) =	sbr.rel @p0 .LBB2_29-.Ltmp18, $4  }
0x59e: {  	v7 =	vadd.f32 v6, v9;
	v6 =	vld [tilespmem:s2+$0xFFFFFFF0]  }
0x59f: {  	[tilespmem:s11+$0x60] =	vst v5;
	v5 =	vld [tilespmem:s11+$0x70]  }
0x5a0: {  	[tilespmem:s11+$0xFFFFFF60] =	vst v7;
	v7 =	vld [tilespmem:s2+$0x70];
	v9 =	vadd.f32 v8, v12  }
0x5a1: {  	s11 =	sadd.s32 $0x200, s11;
	v8 =	vld [tilespmem:s2+$0xFFFFFF70]  }
0x5a2: {  	_ =	sdelay $0x1  }
0x5a3: {  	v4 =	vadd.f32 v6, v4  }
0x5a4: {  	[tilespmem:s0+$0xF0] =	vst v9;
	v5 =	vadd.f32 v7, v5  }
0x5a5: {  	[tilespmem:s0+$0xFFFFFFF0] =	vst v4;
	v3 =	vadd.f32 v8, v3  }
0x5a6: {  	[tilespmem:s0+$0x70] =	vst v5  }
0x5a7: {  	[tilespmem:s0+$0xFFFFFF70] =	vst v3  }
0x5a8: {  	v3 =	vld [tilespmem:$0x8220]  }
0x5a9: {  	v4 =	vld [tilespmem:$0x10220]  }
0x5aa: {  	v5 =	vld [tilespmem:$0x8230]  }
0x5ab: {  	v58 =	vld [tilespmem:$0x10230]  }
0x5ac: {  	v59 =	vld [tilespmem:$0x8240]  }
0x5ad: {  	v60 =	vld [tilespmem:$0x10240]  }
0x5ae: {  	v9 =	vld [tilespmem:$0x8250]  }
0x5af: {  	v10 =	vld [tilespmem:$0x10250]  }
0x5b0: {  	v11 =	vld [tilespmem:$0x8260]  }
0x5b1: {  	v12 =	vld [tilespmem:$0x10260]  }
0x5b2: {  	v13 =	vld [tilespmem:$0x8270]  }
0x5b3: {  	v14 =	vld [tilespmem:$0x10270]  }
0x5b4: {  	v61 =	vld [tilespmem:$0x10280];
	v3 =	vadd.f32 v4, v3  }
0x5b5: {  	v4 =	vld [tilespmem:$0x8280]  }
0x5b6: {  	v62 =	vld [tilespmem:$0x8290];
	[tilespmem:$0x8220] =	vst v3;
	v3 =	vadd.f32 v60, v59  }
0x5b7: {  	v63 =	vld [tilespmem:$0x10290];
	v5 =	vadd.f32 v58, v5  }
0x5b8: {  	[tilespmem:$0x8240] =	vst v3;
	v3 =	vadd.f32 v12, v11  }
.Ltmp19:
0x5b9: {  	[tilespmem:$0x8230] =	vst v5;
	v5 =	vadd.f32 v10, v9;
	(pc) =	sbr.rel .LBB2_31-.Ltmp19, $4  }
0x5ba: {  	[tilespmem:$0x8260] =	vst v3;
	v3 =	vadd.f32 v61, v4  }
0x5bb: {  	[tilespmem:$0x8250] =	vst v5;
	v5 =	vadd.f32 v14, v13  }
0x5bc: {  	[tilespmem:$0x8280] =	vst v3;
	v3 =	vadd.f32 v63, v62  }
0x5bd: {  	[tilespmem:$0x8270] =	vst v5  }
.LBB2_25:
0x5be: {  	_ =	swait.ge [sflag:s24], $0x80  }
0x5bf: {  	[sflag:s24] =	ssyncset.done $0x0  }
0x5c0: {  	[sflag:s24] =	ssyncadd.s32 $0xFFFFFF80  }
0x5c1: {  	_ =	swait.ge [sflag:s25], $0x80  }
0x5c2: {  	[sflag:s25] =	ssyncset.done $0x0  }
0x5c3: {  	[sflag:s25] =	ssyncadd.s32 $0xFFFFFF80  }
0x5c4: {  	v3 =	vld [tilespmem:$0x4420]  }
0x5c5: {  	v4 =	vld [tilespmem:$0xC420]  }
0x5c6: {  	v10 =	vld [tilespmem:$0x4430]  }
0x5c7: {  	v9 =	vld [tilespmem:$0x4440]  }
0x5c8: {  	v8 =	vld [tilespmem:$0x4450]  }
0x5c9: {  	v7 =	vld [tilespmem:$0x4460]  }
0x5ca: {  	v6 =	vld [tilespmem:$0x4470]  }
0x5cb: {  	v12 =	vld [tilespmem:$0x4480]  }
0x5cc: {  	v13 =	vld [tilespmem:$0x4490]  }
0x5cd: {  	v14 =	vld [tilespmem:$0xC490]  }
0x5ce: {  	v15 =	vld [tilespmem:$0xC480]  }
0x5cf: {  	v16 =	vld [tilespmem:$0xC470]  }
0x5d0: {  	v17 =	vld [tilespmem:$0xC460]  }
0x5d1: {  	v18 =	vld [tilespmem:$0xC450];
	v5 =	vadd.f32 v4, v3  }
0x5d2: {  	s0 =	simm.s32 $0x4520;
	v63 =	vld [tilespmem:$0xC440];
	v3 =	vadd.f32 v14, v13  }
0x5d3: {  	v11 =	vld [tilespmem:$0xC430];
	v4 =	vadd.f32 v15, v12;
	[tilespmem:s0+$0xFFFFFF00] =	vst v5  }
0x5d4: {  	v6 =	vadd.f32 v16, v6;
	[tilespmem:s0+$0xF0] =	vst v3  }
0x5d5: {  	v7 =	vadd.f32 v17, v7;
	[tilespmem:s0+$0xE0] =	vst v4  }
0x5d6: {  	v8 =	vadd.f32 v18, v8;
	[tilespmem:s0+$0xD0] =	vst v6  }
0x5d7: {  	v9 =	vadd.f32 v63, v9;
	[tilespmem:s0+$0xC0] =	vst v7  }
0x5d8: {  	v10 =	vadd.f32 v11, v10;
	[tilespmem:s0+$0xB0] =	vst v8  }
0x5d9: {  	[tilespmem:s0+$0xA0] =	vst v9  }
0x5da: {  	[tilespmem:s0+$0x90] =	vst v10  }
0x5db: {  	[tilespmem:s0+$0x80] =	vst v5  }
0x5dc: {  	[tilespmem:s0+$0x70] =	vst v3  }
0x5dd: {  	[tilespmem:s0+$0x60] =	vst v4  }
0x5de: {  	[tilespmem:s0+$0x50] =	vst v6  }
0x5df: {  	[tilespmem:s0+$0x40] =	vst v7  }
0x5e0: {  	[tilespmem:s0+$0x30] =	vst v8  }
0x5e1: {  	[tilespmem:s0+$0x20] =	vst v9  }
0x5e2: {  	[tilespmem:s0+$0x10] =	vst v10  }
0x5e3: {  	[tilespmem:s0+$0x0] =	vst v5  }
0x5e4: {  	[tilespmem:s0+$0xFFFFFFF0] =	vst v3  }
0x5e5: {  	[tilespmem:s0+$0xFFFFFFE0] =	vst v4  }
0x5e6: {  	[tilespmem:s0+$0xFFFFFFD0] =	vst v6  }
0x5e7: {  	[tilespmem:s0+$0xFFFFFFC0] =	vst v7  }
0x5e8: {  	[tilespmem:s0+$0xFFFFFFB0] =	vst v8  }
0x5e9: {  	[tilespmem:s0+$0xFFFFFFA0] =	vst v9  }
0x5ea: {  	[tilespmem:s0+$0xFFFFFF90] =	vst v10  }
0x5eb: {  	[tilespmem:s0+$0xFFFFFF80] =	vst v5  }
0x5ec: {  	[tilespmem:s0+$0xFFFFFF70] =	vst v3  }
0x5ed: {  	[tilespmem:s0+$0xFFFFFF60] =	vst v4  }
0x5ee: {  	[tilespmem:s0+$0xFFFFFF50] =	vst v6  }
0x5ef: {  	[tilespmem:s0+$0xFFFFFF40] =	vst v7  }
0x5f0: {  	[tilespmem:s0+$0xFFFFFF30] =	vst v8  }
0x5f1: {  	s2 =	simm.s32 $0x0;
	[tilespmem:s0+$0xFFFFFF20] =	vst v9  }
.LBB2_26:
0x5f2: {  	s2 =	sadd.s32 $0x4, s2;
	[tilespmem:s0+$0xFFFFFF10] =	vst v10;
	s0 =	sadd.s32 $0x200, s0  }
0x5f3: {  	[tilespmem:s0+$0xFFFFFF00] =	vst v5;
	p0 =	slt.u32 s2, $0x78  }
0x5f4: {  	[tilespmem:s0+$0xF0] =	vst v3  }
0x5f5: {  	[tilespmem:s0+$0xE0] =	vst v4  }
0x5f6: {  	[tilespmem:s0+$0xD0] =	vst v6  }
0x5f7: {  	[tilespmem:s0+$0xC0] =	vst v7  }
0x5f8: {  	[tilespmem:s0+$0xB0] =	vst v8  }
0x5f9: {  	[tilespmem:s0+$0xA0] =	vst v9  }
0x5fa: {  	[tilespmem:s0+$0x90] =	vst v10  }
0x5fb: {  	[tilespmem:s0+$0x80] =	vst v5  }
0x5fc: {  	[tilespmem:s0+$0x70] =	vst v3  }
0x5fd: {  	[tilespmem:s0+$0x60] =	vst v4  }
0x5fe: {  	[tilespmem:s0+$0x50] =	vst v6  }
0x5ff: {  	[tilespmem:s0+$0x40] =	vst v7  }
0x600: {  	[tilespmem:s0+$0x30] =	vst v8  }
0x601: {  	[tilespmem:s0+$0x20] =	vst v9  }
0x602: {  	[tilespmem:s0+$0x10] =	vst v10  }
0x603: {  	[tilespmem:s0+$0x0] =	vst v5  }
0x604: {  	[tilespmem:s0+$0xFFFFFFF0] =	vst v3  }
0x605: {  	[tilespmem:s0+$0xFFFFFFE0] =	vst v4  }
0x606: {  	[tilespmem:s0+$0xFFFFFFD0] =	vst v6  }
0x607: {  	[tilespmem:s0+$0xFFFFFFC0] =	vst v7  }
0x608: {  	[tilespmem:s0+$0xFFFFFFB0] =	vst v8  }
0x609: {  	[tilespmem:s0+$0xFFFFFFA0] =	vst v9  }
0x60a: {  	[tilespmem:s0+$0xFFFFFF90] =	vst v10  }
0x60b: {  	[tilespmem:s0+$0xFFFFFF80] =	vst v5  }
0x60c: {  	[tilespmem:s0+$0xFFFFFF70] =	vst v3  }
.Ltmp20:
0x60d: {  	[tilespmem:s0+$0xFFFFFF60] =	vst v4;
	(pc) =	sbr.rel @p0 .LBB2_26-.Ltmp20, $4  }
0x60e: {  	[tilespmem:s0+$0xFFFFFF50] =	vst v6  }
0x60f: {  	[tilespmem:s0+$0xFFFFFF40] =	vst v7  }
0x610: {  	[tilespmem:s0+$0xFFFFFF30] =	vst v8  }
0x611: {  	[tilespmem:s0+$0xFFFFFF20] =	vst v9  }
0x612: {  	[tilespmem:s0+$0xFFFFFF10] =	vst v10  }
0x613: {  	[tilespmem:$0x8220] =	vst v5  }
0x614: {  	[tilespmem:$0x8230] =	vst v10  }
.Ltmp21:
0x615: {  	[tilespmem:$0x8240] =	vst v9;
	(pc) =	sbr.rel .LBB2_31-.Ltmp21, $4  }
0x616: {  	[tilespmem:$0x8250] =	vst v8  }
0x617: {  	[tilespmem:$0x8260] =	vst v7  }
0x618: {  	[tilespmem:$0x8270] =	vst v6  }
0x619: {  	[tilespmem:$0x8280] =	vst v4  }
.LBB2_32:
0x61a: {  	_ =	sfence.sel $0x180000  }
0x61b: {  	[bflag:$0x0] =	sbarrier.arrive $0xFFFF  }
0x61c: {  	_ =	strace $0x90000047  }
0x61d: {  	s0 =	stileid.u32;
	[bflag:$0x2] =	sbarrier.arrive $0xFFFF  }
0x61e: {  	p0 =	sne.s32 s0, $0x0;
	s0 =	rddreg [dreg:$0x3]  }
0x61f: {  	s0 =	sadd.s32 @!p0 $0x100000, s0  }
0x620: {  	[sflag:s0] =	ssyncadd.tile.s32 @!p0 $0x1;
	_ =	shalt  }
.Lfunc_end2:
_tile_overlayer_lowered:
.L_overlay_start_2:
0x621: {  	(tag) =	ssettag $0x2  }
0x622: {  	s0 =	rddreg [dreg:$0x0];
	s2 =	stileid.u32  }
0x623: {  	s1 =	rddreg [dreg:$0x1];
	p0 =	sne.s32 s2, $0x0  }
0x624: {  	s3 =	rddreg [dreg:$0x2];
	[bflag:$0x3] =	sbarrier.arrive $0xFFFF;
	s2 =	simm.s32 @!p0 $0x1C09  }
0x625: {  	[timem:s3], [sflag:s2] =	dma.local @!p0 [hbm:s0], s1  }
0x626: {  	s0 =	simm.s32 @!p0 $0x9  }
0x627: {  	_ =	swait.ge @!p0 [sflag:s0], s1  }
0x628: {  	s1 =	ssub.s32 @!p0 $0x0, s1;
	[sflag:s0] =	ssyncset.done @!p0 $0x0  }
0x629: {  	[sflag:s0] =	ssyncadd.s32 @!p0 s1  }
0x62a: {  	[bflag:$0x3] =	sbarrier.arrive $0xFFFF  }
0x62b: {  	_ =	shalt  }

</sc_bundles>
